<compile_context>
chip_gen: v7x
topology: tpu7x:2x2x1
jax: 0.10.2.dev20260603
libtpu: 0.0.44.dev20260713+nightly
codegen_flags: <defaults>
</compile_context>

<pallas_src>
import functools

import jax
import jax.numpy as jnp
import numpy as np
from jax import lax
from jax.experimental import pallas as pl
from jax.experimental.pallas import tpu as pltpu
from jax.experimental.pallas import tpu_sc as plsc

N = 320000
D = 128
NSEG = 10000
GAMMA = 0.01
INVG = float(np.float32(1.0) / np.float32(GAMMA))

NC = 2
NS = 16
NW = NC * NS
RPW = N // NW

C = 256
SCAP = 64
WIN = 2048
NVEC = 8

B64LN2 = 44.3614195558365
EPSU = 5.421010862427522e-32


def _sc_body(v_hbm, seg_hbm, u_hbm, rowb, idb, rowb2, idb2, idwin,
             id8, ustage, bounds, semr0, semi0, semr1, semi1):
    wid = lax.axis_index("c") * NS + lax.axis_index("s")

    zerov = jnp.zeros((16,), jnp.float32)

    def scan_window(p, b):
        p = pl.multiple_of(p, 8)
        pltpu.sync_copy(seg_hbm.at[pl.ds(p, WIN)], idwin)
        big = jnp.int32(10**9)

        def group(off, found):
            va = idwin[pl.ds(off, 16)]
            vb = idwin[pl.ds(off + 1, 16)]
            neq = va != vb
            io = lax.iota(jnp.int32, 16)
            cand = jnp.min(jnp.where(neq, io, big))
            pos = p + off + cand + 1
            ok = (cand < big) & (pos >= b)
            return jnp.where(ok, jnp.minimum(found, pos), found)

        def grp_k(k, found):
            return group(k * 16, found)

        found = lax.fori_loop(0, (WIN - 17) // 16 + 1, grp_k, jnp.int32(N))
        return group(jnp.int32(WIN - 17), found)

    def find_change(b):
        p0 = jnp.minimum(b - 8, N - WIN)
        f0 = scan_window(p0, b)

        def cond(st):
            return (st[1] == N) & (st[0] < N - WIN)

        def step(st):
            pn = jnp.minimum(st[0] + (WIN - 8), N - WIN)
            return (pn, scan_window(pn, b))

        return lax.while_loop(cond, step, (p0, f0))[1]

    b_lo = jnp.where(wid == 0, 8, wid * RPW)
    b_hi = jnp.where(wid == NW - 1, 8, (wid + 1) * RPW)
    a_start = jnp.where(wid == 0, 0, find_change(b_lo))
    a_end = jnp.where(wid == NW - 1, N, find_change(b_hi))

    def seg_at(r):
        r = jnp.minimum(r, N - 1)
        r8 = pl.multiple_of(jnp.minimum((r // 8) * 8, N - 16), 8)
        pltpu.sync_copy(seg_hbm.at[pl.ds(r8, 16)], id8.at[pl.ds(0, 16)])
        return id8[pl.ds(r - r8, 16)][0]

    own_lo = jnp.where(wid == 0, 0,
                       jnp.where(a_start >= N, NSEG, seg_at(a_start)))
    own_hi = jnp.where((wid == NW - 1) | (a_end >= N), NSEG, seg_at(a_end))

    def flush_full(base):
        o = pl.multiple_of(base * D, 8)
        pltpu.sync_copy(ustage, u_hbm.at[pl.ds(o, SCAP * D)])

    def maybe_flush(cnt, base):
        def f(st):
            flush_full(st[1])
            return (jnp.int32(0), st[1] + SCAP)

        return lax.cond(cnt == SCAP, f, lambda st: st, (cnt, base))

    def write_identity(cnt):
        for j in range(NVEC):
            ustage[pl.ds(cnt * D + j * 16, 16)] = zerov

    def fill_to(tid, cnt, base):
        def gcond(st):
            return st[0] + st[1] < tid

        def gbody(st):
            write_identity(st[0])
            return maybe_flush(st[0] + 1, st[1])

        return lax.while_loop(gcond, gbody, (cnt, base))

    def stage_put(sid, us, cnt, base):
        cnt, base = fill_to(sid, cnt, base)
        for j in range(NVEC):
            ustage[pl.ds(cnt * D + j * 16, 16)] = us[j]
        return maybe_flush(cnt + 1, base)

    A0 = (a_start // 8) * 8
    nchunks = (a_end - A0 + C - 1) // C

    def chunk_base(k):
        return pl.multiple_of(jnp.minimum(A0 + k * C, N - C), 8)

    def issue(k, rb, ib, semr, semi):
        r0c = chunk_base(k)
        pltpu.async_copy(v_hbm.at[pl.ds(r0c, C)], rb, semr)
        pltpu.async_copy(seg_hbm.at[pl.ds(r0c, C)], ib.at[pl.ds(0, C)], semi)

    def wait_dma(k, rb, ib, semr, semi):
        r0c = chunk_base(k)
        pltpu.make_async_copy(v_hbm.at[pl.ds(r0c, C)], rb, semr).wait()
        pltpu.make_async_copy(seg_hbm.at[pl.ds(r0c, C)], ib.at[pl.ds(0, C)],
                              semi).wait()

    def process_chunk(k, rb, ib, carry):
        r0 = A0 + k * C
        r0c = chunk_base(k)
        lo = jnp.maximum(a_start - r0c, r0 - r0c)
        hi = jnp.minimum(a_end - r0c, jnp.int32(C))

        def grp(g, nb):
            va = ib[pl.ds(g * 16, 16)]
            vb = ib[pl.ds(g * 16 + 1, 16)]
            msk = va != vb
            pos = lax.iota(jnp.int32, 16) + (g * 16 + 1)
            plsc.store_compressed(bounds.at[pl.ds(nb, 16)], pos, mask=msk)
            return nb + plsc.all_reduce_population_count(msk)[0]

        nb = lax.fori_loop(0, C // 16, grp, jnp.int32(0))

        def piece_body(q, cy):
            prev = cy[-1]
            b_q = jnp.where(q < nb, bounds[pl.ds(q, 16)][0], hi)
            s0 = jnp.maximum(prev, lo)
            e0 = jnp.minimum(b_q, hi)

            def do_piece(op):
                us = op[0:NVEC]
                cur, cnt, base = op[NVEC], op[NVEC + 1], op[NVEC + 2]
                pid = ib[pl.ds(s0, 16)][0]

                def fast1(i, acc):
                    return tuple(
                        acc[j] + jnp.exp(rb[i, pl.ds(j * 16, 16)] * INVG
                                         - B64LN2)
                        for j in range(NVEC))

                ul = lax.fori_loop(s0, e0, fast1, (zerov,) * NVEC)

                def merge(st):
                    return tuple(us[j] + ul[j] for j in range(NVEC)) + st

                def flush_rep(st):
                    cnt2, base2 = lax.cond(
                        cur >= 0,
                        lambda st2: stage_put(cur, us, st2[0], st2[1]),
                        lambda st2: st2,
                        st,
                    )
                    return tuple(ul) + (cnt2, base2)

                out = lax.cond(pid == cur, merge, flush_rep, (cnt, base))
                return out[:NVEC] + (pid,) + out[NVEC:]

            core = lax.cond(e0 > s0, do_piece, lambda op: op, cy[:-1])
            return core + (b_q,)

        cy = lax.fori_loop(0, nb + 1, piece_body, carry + (jnp.int32(0),))
        return cy[:-1]

    carry0 = (zerov,) * NVEC + (jnp.int32(-1), jnp.int32(0), own_lo)

    npairs = (nchunks + 1) // 2
    issue(jnp.int32(0), rowb, idb, semr0, semi0)

    def pair_body(g, carry):
        k0 = 2 * g
        issue(k0 + 1, rowb2, idb2, semr1, semi1)
        wait_dma(k0, rowb, idb, semr0, semi0)
        carry = process_chunk(k0, rowb, idb, carry)
        issue(k0 + 2, rowb, idb, semr0, semi0)
        wait_dma(k0 + 1, rowb2, idb2, semr1, semi1)
        carry = process_chunk(k0 + 1, rowb2, idb2, carry)
        return carry

    carry = lax.fori_loop(0, npairs, pair_body, carry0)
    wait_dma(2 * npairs, rowb, idb, semr0, semi0)

    us = carry[0:NVEC]
    cur, cnt, base = carry[NVEC], carry[NVEC + 1], carry[NVEC + 2]

    cnt, base = lax.cond(
        cur >= 0,
        lambda st: stage_put(cur, us, st[0], st[1]),
        lambda st: st,
        (cnt, base),
    )
    cnt, base = fill_to(own_hi, cnt, base)

    def blk_cond(off):
        return off + 8 <= cnt

    def blk_body(off):
        so = pl.multiple_of(off * D, 8)
        do = pl.multiple_of((base + off) * D, 8)
        pltpu.sync_copy(ustage.at[pl.ds(so, 8 * D)], u_hbm.at[pl.ds(do, 8 * D)])
        return off + 8

    off = lax.while_loop(blk_cond, blk_body, jnp.int32(0))

    def one_cond(off):
        return off < cnt

    def one_body(off):
        so = pl.multiple_of(off * D, 8)
        do = pl.multiple_of((base + off) * D, 8)
        pltpu.sync_copy(ustage.at[pl.ds(so, D)], u_hbm.at[pl.ds(do, D)])
        return off + 1

    lax.while_loop(one_cond, one_body, off)


_sc_call = functools.partial(
    pl.kernel,
    out_type=[
        jax.ShapeDtypeStruct((NSEG * D,), jnp.float32),
    ],
    mesh=plsc.VectorSubcoreMesh(
        core_axis_name="c", subcore_axis_name="s", num_cores=NC,
        num_subcores=NS),
    compiler_params=pltpu.CompilerParams(needs_layout_passes=False),
    scratch_types=[
        pltpu.VMEM((C, D), jnp.float32),
        pltpu.VMEM((C + 16,), jnp.int32),
        pltpu.VMEM((C, D), jnp.float32),
        pltpu.VMEM((C + 16,), jnp.int32),
        pltpu.VMEM((WIN,), jnp.int32),
        pltpu.VMEM((32,), jnp.int32),
        pltpu.VMEM((SCAP * D,), jnp.float32),
        pltpu.VMEM((C + 32,), jnp.int32),
        pltpu.SemaphoreType.DMA,
        pltpu.SemaphoreType.DMA,
        pltpu.SemaphoreType.DMA,
        pltpu.SemaphoreType.DMA,
    ],
)(_sc_body)


def _fin_body(u_ref, o_ref):
    u = u_ref[...]
    o_ref[...] = jnp.float32(GAMMA) * (
        jnp.float32(B64LN2) + jnp.log(u + jnp.float32(EPSU)))


_finalize = pl.pallas_call(
    _fin_body,
    grid=(10,),
    in_specs=[
        pl.BlockSpec((NSEG // 10, D), lambda i: (i, 0)),
    ],
    out_specs=pl.BlockSpec((NSEG // 10, D), lambda i: (i, 0)),
    out_shape=jax.ShapeDtypeStruct((NSEG, D), jnp.float32),
)


def kernel(v, segment_ids):
    seg = segment_ids.astype(jnp.int32)
    (u,) = _sc_call(v, seg)
    return _finalize(u.reshape(NSEG, D))

# --- scband reference (transcript-rebuilt; emitter-appended) ---
"""Pipeline reference for scband-meta-nsfreasoner-57458072486116 (READ-ONLY COPY).

The authoritative reference and input builder live on the scoring server;
editing this copy changes nothing except your own understanding.
"""

import jax, jax.numpy as jnp
import numpy as np

NUM_SEGMENTS = 10000
GAMMA = 0.01
N_ATOMS = 320000
D = 128

def setup_inputs(seed: int = 0) -> dict:
    key = jax.random.key(seed)
    k1, k2 = jax.random.split(key)
    # valuation tensor: one row per ground atom, D columns (batch of valuations in [0,1])
    v = jax.random.uniform(k1, (N_ATOMS, D), dtype=jnp.float32)
    # each atom belongs to a predicate group (segment); sorted like atoms grouped by predname
    segment_ids = jnp.sort(jax.random.randint(k2, (N_ATOMS,), 0, NUM_SEGMENTS))
    return {"v": v, "segment_ids": segment_ids}

def reference(v, segment_ids):
    # Distilled MetaNSFReasoner.predict_multi: for each predicate group, softor over
    # all ground-atom valuations of that predicate:
    #   softor(x, gamma) = gamma * logsumexp(x / gamma)
    # implemented as a numerically-stable segment reduce (segment_max + segment_sum).
    s = v / GAMMA
    seg_max = jax.ops.segment_max(s, segment_ids, num_segments=NUM_SEGMENTS)
    # empty segments produce -inf / dtype-min identity; neutralize them
    seg_max = jnp.where(jnp.isfinite(seg_max), seg_max, 0.0)
    shifted = jnp.exp(s - seg_max[segment_ids])
    seg_sum = jax.ops.segment_sum(shifted, segment_ids, num_segments=NUM_SEGMENTS)
    prob = GAMMA * (seg_max + jnp.log(seg_sum + 1e-12))
    # prob: [NUM_SEGMENTS, D] = per-predicate soft-OR'd valuations
    return prob

if __name__ == "__main__":
    import jax
    _d = setup_inputs()
    print(jax.jit(kernel)(*tuple(_d.values())))

</pallas_src>

<mosaic_0001>
#map = affine_map<(d0, d1) -> (0, 0)>
#map1 = affine_map<(d0, d1) -> (0)>
module attributes {stable_mosaic.version = 14 : i64} {
  func.func @_sc_body(%arg0: i32, %arg1: i32, %arg2: memref<320000x128xf32, #tpu.memory_space<hbm>>, %arg3: memref<320000xi32, #tpu.memory_space<hbm>>, %arg4: memref<1280000xf32, #tpu.memory_space<hbm>>, %arg5: memref<256x128xf32, #tpu.memory_space<vmem>>, %arg6: memref<272xi32, #tpu.memory_space<vmem>>, %arg7: memref<256x128xf32, #tpu.memory_space<vmem>>, %arg8: memref<272xi32, #tpu.memory_space<vmem>>, %arg9: memref<2048xi32, #tpu.memory_space<vmem>>, %arg10: memref<32xi32, #tpu.memory_space<vmem>>, %arg11: memref<8192xf32, #tpu.memory_space<vmem>>, %arg12: memref<288xi32, #tpu.memory_space<vmem>>, %arg13: memref<!tpu.dma_semaphore, #tpu.memory_space<semaphore_mem>>, %arg14: memref<!tpu.dma_semaphore, #tpu.memory_space<semaphore_mem>>, %arg15: memref<!tpu.dma_semaphore, #tpu.memory_space<semaphore_mem>>, %arg16: memref<!tpu.dma_semaphore, #tpu.memory_space<semaphore_mem>>) attributes {dimension_semantics = [#tpu.dimension_semantics<core_parallel>, #tpu.dimension_semantics<subcore_parallel>], iteration_bounds = array<i64: 2, 16>, scalar_prefetch = 0 : i64, scratch_operands = 12 : i64, tpu.core_type = #tpu.core_type<sc_vector_subcore>, window_params = [{transform_indices = #map}, {transform_indices = #map1}, {transform_indices = #map1}]} {
    %mul3A = arith.constant 16 : i32
    %mul3A_0 = arith.muli %arg0, %mul3A : i32
    %add3A = arith.addi %mul3A_0, %arg1 : i32
    %broadcast_in_dim3A = arith.constant 0.000000e+00 : f32
    %broadcast_in_dim3A_1 = vector.broadcast %broadcast_in_dim3A : f32 to vector<16xf32>
    %eq3A = arith.constant 0 : i32
    %eq3A_2 = arith.cmpi eq, %add3A, %eq3A : i32
    %mul3A_3 = arith.constant 10000 : i32
    %mul3A_4 = arith.muli %add3A, %mul3A_3 : i32
    %jit3A = arith.constant 8 : i32
    %select_n3A = arith.select %eq3A_2, %jit3A, %mul3A_4 : i32
    %eq3A_5 = arith.constant 31 : i32
    %eq3A_6 = arith.cmpi eq, %add3A, %eq3A_5 : i32
    %add3A_7 = arith.constant 1 : i32
    %add3A_8 = arith.addi %add3A, %add3A_7 : i32
    %mul3A_9 = arith.constant 10000 : i32
    %mul3A_10 = arith.muli %add3A_8, %mul3A_9 : i32
    %jit3A_11 = arith.constant 8 : i32
    %select_n3A_12 = arith.select %eq3A_6, %jit3A_11, %mul3A_10 : i32
    %eq3A_13 = arith.constant 0 : i32
    %eq3A_14 = arith.cmpi eq, %add3A, %eq3A_13 : i32
    %sub3A = arith.constant 8 : i32
    %sub3A_15 = arith.subi %select_n3A, %sub3A : i32
    %min3A = arith.constant 317952 : i32
    %min3A_16 = arith.minsi %sub3A_15, %min3A : i32
    %multiple_of3A = tpu.assume_multiple %min3A_16, 8 : i32
    "tpu.region"() ({
      %run_scoped3A = tpu.sem_alloc : memref<!tpu.dma_semaphore, #tpu.memory_space<semaphore_mem>>
      %dma_start3A_317 = tpu.memref_slice %arg3[%multiple_of3A] : memref<320000xi32, #tpu.memory_space<hbm>> -> memref<2048xi32, #tpu.memory_space<hbm>>
      %dma_start3A_318 = tpu.memref_slice %arg3[%multiple_of3A] : memref<320000xi32, #tpu.memory_space<hbm>> -> memref<2048xi32, #tpu.memory_space<hbm>>
      tpu.enqueue_dma source(%dma_start3A_318 : memref<2048xi32, #tpu.memory_space<hbm>>) target(%arg9 : memref<2048xi32, #tpu.memory_space<vmem>>) target_semaphore(%run_scoped3A : memref<!tpu.dma_semaphore, #tpu.memory_space<semaphore_mem>>)
      %dma_wait3A_319 = tpu.memref_slice %arg3[%multiple_of3A] : memref<320000xi32, #tpu.memory_space<hbm>> -> memref<2048xi32, #tpu.memory_space<hbm>>
      %dma_wait3A_320 = tpu.memref_slice %arg3[%multiple_of3A] : memref<320000xi32, #tpu.memory_space<hbm>> -> memref<2048xi32, #tpu.memory_space<hbm>>
      tpu.wait_dma2 semaphore(%run_scoped3A : memref<!tpu.dma_semaphore, #tpu.memory_space<semaphore_mem>>) src(%dma_wait3A_320 : memref<2048xi32, #tpu.memory_space<hbm>>) dst(%arg9 : memref<2048xi32, #tpu.memory_space<vmem>>)
      tpu.yield
    }) : () -> ()
    %scan3A = arith.constant 1000000000 : i32
    %scan3A_17 = arith.constant 320000 : i32
    %scan3A_18 = arith.constant 0 : i32
    %scan3A_19 = arith.constant 127 : i32
    %scan3A_20 = arith.addi %scan3A_18, %scan3A_19 : i32
    %scan3A_21 = arith.constant 1 : i32
    %scan3A_22 = scf.for %scan3A_317 = %scan3A_18 to %scan3A_20 step %scan3A_21 iter_args(%scan3A_318 = %scan3A_17) -> (i32)  : i32 {
      %mul3A_319 = arith.constant 16 : i32
      %mul3A_320 = arith.muli %scan3A_317, %mul3A_319 : i32
      %get3A_321 = arith.index_cast %mul3A_320 : i32 to index
      %get3A_322 = tpu.vector_load %arg9[%get3A_321] {strides = array<i32>} : memref<2048xi32, #tpu.memory_space<vmem>>, vector<16xi32>,
      %add3A_323 = arith.constant 1 : i32
      %add3A_324 = arith.addi %mul3A_320, %add3A_323 : i32
      %get3A_325 = arith.index_cast %add3A_324 : i32 to index
      %get3A_326 = tpu.vector_load %arg9[%get3A_325] {strides = array<i32>} : memref<2048xi32, #tpu.memory_space<vmem>>, vector<16xi32>,
      %ne3A_327 = arith.cmpi ne, %get3A_322, %get3A_326 : vector<16xi32>
      %iota3A_328 = tpu.iota {dimensions = array<i32: 0>} : vector<16xi32>
      %broadcast_in_dim3A_329 = vector.broadcast %scan3A : i32 to vector<16xi32>
      %select_n3A_330 = arith.select %ne3A_327, %iota3A_328, %broadcast_in_dim3A_329 : vector<16xi1>, vector<16xi32>
      %reduce_min3A_331 = arith.constant true
      %reduce_min3A_332 = vector.broadcast %reduce_min3A_331 : i1 to vector<16xi1>
      %reduce_min3A_333 = arith.constant -2147483648 : i32
      %reduce_min3A_334 = vector.broadcast %reduce_min3A_333 : i32 to vector<16xi32>
      %reduce_min3A_335 = arith.xori %select_n3A_330, %reduce_min3A_334 : vector<16xi32>
      %reduce_min3A_336 = tpu.scan <min>, %reduce_min3A_335 masked %reduce_min3A_332 : vector<16xi32>, vector<16xi1> -> vector<16xi32>
      %reduce_min3A_337 = arith.xori %reduce_min3A_336, %reduce_min3A_334 : vector<16xi32>
      %reduce_min3A_338 = vector.extract %reduce_min3A_337[15] : i32 from vector<16xi32>
      %add3A_339 = arith.addi %multiple_of3A, %mul3A_320 : i32
      %add3A_340 = arith.addi %add3A_339, %reduce_min3A_338 : i32
      %add3A_341 = arith.constant 1 : i32
      %add3A_342 = arith.addi %add3A_340, %add3A_341 : i32
      %lt3A_343 = arith.cmpi slt, %reduce_min3A_338, %scan3A : i32
      %ge3A_344 = arith.cmpi sge, %add3A_342, %select_n3A : i32
      %and3A_345 = arith.andi %lt3A_343, %ge3A_344 : i1
      %min3A_346 = arith.minsi %scan3A_318, %add3A_342 : i32
      %select_n3A_347 = arith.select %and3A_345, %min3A_346, %scan3A_318 : i32
      scf.yield %select_n3A_347 : i32
    }
    %scan3A_23 = arith.constant 127 : i32
    %get3A = arith.constant 2031 : i32
    %get3A_24 = arith.index_cast %get3A : i32 to index
    %get3A_25 = tpu.vector_load %arg9[%get3A_24] {strides = array<i32>} : memref<2048xi32, #tpu.memory_space<vmem>>, vector<16xi32>,
    %add3A_26 = arith.constant 2031 : i32
    %add3A_27 = arith.constant 1 : i32
    %add3A_28 = arith.addi %add3A_26, %add3A_27 : i32
    %get3A_29 = arith.index_cast %add3A_28 : i32 to index
    %get3A_30 = tpu.vector_load %arg9[%get3A_29] {strides = array<i32>} : memref<2048xi32, #tpu.memory_space<vmem>>, vector<16xi32>,
    %ne3A = arith.cmpi ne, %get3A_25, %get3A_30 : vector<16xi32>
    %iota3A = tpu.iota {dimensions = array<i32: 0>} : vector<16xi32>
    %jit3A_31 = arith.constant 1000000000 : i32
    %broadcast_in_dim3A_32 = vector.broadcast %jit3A_31 : i32 to vector<16xi32>
    %select_n3A_33 = arith.select %ne3A, %iota3A, %broadcast_in_dim3A_32 : vector<16xi1>, vector<16xi32>
    %reduce_min3A = arith.constant true
    %reduce_min3A_34 = vector.broadcast %reduce_min3A : i1 to vector<16xi1>
    %reduce_min3A_35 = arith.constant -2147483648 : i32
    %reduce_min3A_36 = vector.broadcast %reduce_min3A_35 : i32 to vector<16xi32>
    %reduce_min3A_37 = arith.xori %select_n3A_33, %reduce_min3A_36 : vector<16xi32>
    %reduce_min3A_38 = tpu.scan <min>, %reduce_min3A_37 masked %reduce_min3A_34 : vector<16xi32>, vector<16xi1> -> vector<16xi32>
    %reduce_min3A_39 = arith.xori %reduce_min3A_38, %reduce_min3A_36 : vector<16xi32>
    %reduce_min3A_40 = vector.extract %reduce_min3A_39[15] : i32 from vector<16xi32>
    %add3A_41 = arith.constant 2031 : i32
    %add3A_42 = arith.addi %multiple_of3A, %add3A_41 : i32
    %add3A_43 = arith.addi %add3A_42, %reduce_min3A_40 : i32
    %add3A_44 = arith.constant 1 : i32
    %add3A_45 = arith.addi %add3A_43, %add3A_44 : i32
    %lt3A = arith.constant 1000000000 : i32
    %lt3A_46 = arith.cmpi slt, %reduce_min3A_40, %lt3A : i32
    %ge3A = arith.cmpi sge, %add3A_45, %select_n3A : i32
    %and3A = arith.andi %lt3A_46, %ge3A : i1
    %min3A_47 = arith.minsi %scan3A_22, %add3A_45 : i32
    %select_n3A_48 = arith.select %and3A, %min3A_47, %scan3A_22 : i32
    %while3A:2 = scf.while (%while3A_317 = %min3A_16, %while3A_318 = %select_n3A_48) : (i32, i32) -> (i32, i32) {
      %eq3A_319 = arith.constant 320000 : i32
      %eq3A_320 = arith.cmpi eq, %while3A_318, %eq3A_319 : i32
      %lt3A_321 = arith.constant 317952 : i32
      %lt3A_322 = arith.cmpi slt, %while3A_317, %lt3A_321 : i32
      %and3A_323 = arith.andi %eq3A_320, %lt3A_322 : i1
      scf.condition(%and3A_323) %while3A_317, %while3A_318 : i32, i32
    } do {
    ^bb0(%while3A_317: i32, %while3A_318: i32):
      %add3A_319 = arith.constant 2040 : i32
      %add3A_320 = arith.addi %while3A_317, %add3A_319 : i32
      %min3A_321 = arith.constant 317952 : i32
      %min3A_322 = arith.minsi %add3A_320, %min3A_321 : i32
      %multiple_of3A_323 = tpu.assume_multiple %min3A_322, 8 : i32
      "tpu.region"() ({
        %run_scoped3A = tpu.sem_alloc : memref<!tpu.dma_semaphore, #tpu.memory_space<semaphore_mem>>
        %dma_start3A_364 = tpu.memref_slice %arg3[%multiple_of3A_323] : memref<320000xi32, #tpu.memory_space<hbm>> -> memref<2048xi32, #tpu.memory_space<hbm>>
        %dma_start3A_365 = tpu.memref_slice %arg3[%multiple_of3A_323] : memref<320000xi32, #tpu.memory_space<hbm>> -> memref<2048xi32, #tpu.memory_space<hbm>>
        tpu.enqueue_dma source(%dma_start3A_365 : memref<2048xi32, #tpu.memory_space<hbm>>) target(%arg9 : memref<2048xi32, #tpu.memory_space<vmem>>) target_semaphore(%run_scoped3A : memref<!tpu.dma_semaphore, #tpu.memory_space<semaphore_mem>>)
        %dma_wait3A_366 = tpu.memref_slice %arg3[%multiple_of3A_323] : memref<320000xi32, #tpu.memory_space<hbm>> -> memref<2048xi32, #tpu.memory_space<hbm>>
        %dma_wait3A_367 = tpu.memref_slice %arg3[%multiple_of3A_323] : memref<320000xi32, #tpu.memory_space<hbm>> -> memref<2048xi32, #tpu.memory_space<hbm>>
        tpu.wait_dma2 semaphore(%run_scoped3A : memref<!tpu.dma_semaphore, #tpu.memory_space<semaphore_mem>>) src(%dma_wait3A_367 : memref<2048xi32, #tpu.memory_space<hbm>>) dst(%arg9 : memref<2048xi32, #tpu.memory_space<vmem>>)
        tpu.yield
      }) : () -> ()
      %scan3A_324 = arith.constant 1000000000 : i32
      %scan3A_325 = arith.constant 320000 : i32
      %scan3A_326 = arith.constant 0 : i32
      %scan3A_327 = arith.constant 127 : i32
      %scan3A_328 = arith.addi %scan3A_326, %scan3A_327 : i32
      %scan3A_329 = arith.constant 1 : i32
      %scan3A_330 = scf.for %scan3A_364 = %scan3A_326 to %scan3A_328 step %scan3A_329 iter_args(%scan3A_365 = %scan3A_325) -> (i32)  : i32 {
        %mul3A_366 = arith.constant 16 : i32
        %mul3A_367 = arith.muli %scan3A_364, %mul3A_366 : i32
        %get3A_368 = arith.index_cast %mul3A_367 : i32 to index
        %get3A_369 = tpu.vector_load %arg9[%get3A_368] {strides = array<i32>} : memref<2048xi32, #tpu.memory_space<vmem>>, vector<16xi32>,
        %add3A_370 = arith.constant 1 : i32
        %add3A_371 = arith.addi %mul3A_367, %add3A_370 : i32
        %get3A_372 = arith.index_cast %add3A_371 : i32 to index
        %get3A_373 = tpu.vector_load %arg9[%get3A_372] {strides = array<i32>} : memref<2048xi32, #tpu.memory_space<vmem>>, vector<16xi32>,
        %ne3A_374 = arith.cmpi ne, %get3A_369, %get3A_373 : vector<16xi32>
        %iota3A_375 = tpu.iota {dimensions = array<i32: 0>} : vector<16xi32>
        %broadcast_in_dim3A_376 = vector.broadcast %scan3A_324 : i32 to vector<16xi32>
        %select_n3A_377 = arith.select %ne3A_374, %iota3A_375, %broadcast_in_dim3A_376 : vector<16xi1>, vector<16xi32>
        %reduce_min3A_378 = arith.constant true
        %reduce_min3A_379 = vector.broadcast %reduce_min3A_378 : i1 to vector<16xi1>
        %reduce_min3A_380 = arith.constant -2147483648 : i32
        %reduce_min3A_381 = vector.broadcast %reduce_min3A_380 : i32 to vector<16xi32>
        %reduce_min3A_382 = arith.xori %select_n3A_377, %reduce_min3A_381 : vector<16xi32>
        %reduce_min3A_383 = tpu.scan <min>, %reduce_min3A_382 masked %reduce_min3A_379 : vector<16xi32>, vector<16xi1> -> vector<16xi32>
        %reduce_min3A_384 = arith.xori %reduce_min3A_383, %reduce_min3A_381 : vector<16xi32>
        %reduce_min3A_385 = vector.extract %reduce_min3A_384[15] : i32 from vector<16xi32>
        %add3A_386 = arith.addi %multiple_of3A_323, %mul3A_367 : i32
        %add3A_387 = arith.addi %add3A_386, %reduce_min3A_385 : i32
        %add3A_388 = arith.constant 1 : i32
        %add3A_389 = arith.addi %add3A_387, %add3A_388 : i32
        %lt3A_390 = arith.cmpi slt, %reduce_min3A_385, %scan3A_324 : i32
        %ge3A_391 = arith.cmpi sge, %add3A_389, %select_n3A : i32
        %and3A_392 = arith.andi %lt3A_390, %ge3A_391 : i1
        %min3A_393 = arith.minsi %scan3A_365, %add3A_389 : i32
        %select_n3A_394 = arith.select %and3A_392, %min3A_393, %scan3A_365 : i32
        scf.yield %select_n3A_394 : i32
      }
      %scan3A_331 = arith.constant 127 : i32
      %get3A_332 = arith.constant 2031 : i32
      %get3A_333 = arith.index_cast %get3A_332 : i32 to index
      %get3A_334 = tpu.vector_load %arg9[%get3A_333] {strides = array<i32>} : memref<2048xi32, #tpu.memory_space<vmem>>, vector<16xi32>,
      %add3A_335 = arith.constant 2031 : i32
      %add3A_336 = arith.constant 1 : i32
      %add3A_337 = arith.addi %add3A_335, %add3A_336 : i32
      %get3A_338 = arith.index_cast %add3A_337 : i32 to index
      %get3A_339 = tpu.vector_load %arg9[%get3A_338] {strides = array<i32>} : memref<2048xi32, #tpu.memory_space<vmem>>, vector<16xi32>,
      %ne3A_340 = arith.cmpi ne, %get3A_334, %get3A_339 : vector<16xi32>
      %iota3A_341 = tpu.iota {dimensions = array<i32: 0>} : vector<16xi32>
      %jit3A_342 = arith.constant 1000000000 : i32
      %broadcast_in_dim3A_343 = vector.broadcast %jit3A_342 : i32 to vector<16xi32>
      %select_n3A_344 = arith.select %ne3A_340, %iota3A_341, %broadcast_in_dim3A_343 : vector<16xi1>, vector<16xi32>
      %reduce_min3A_345 = arith.constant true
      %reduce_min3A_346 = vector.broadcast %reduce_min3A_345 : i1 to vector<16xi1>
      %reduce_min3A_347 = arith.constant -2147483648 : i32
      %reduce_min3A_348 = vector.broadcast %reduce_min3A_347 : i32 to vector<16xi32>
      %reduce_min3A_349 = arith.xori %select_n3A_344, %reduce_min3A_348 : vector<16xi32>
      %reduce_min3A_350 = tpu.scan <min>, %reduce_min3A_349 masked %reduce_min3A_346 : vector<16xi32>, vector<16xi1> -> vector<16xi32>
      %reduce_min3A_351 = arith.xori %reduce_min3A_350, %reduce_min3A_348 : vector<16xi32>
      %reduce_min3A_352 = vector.extract %reduce_min3A_351[15] : i32 from vector<16xi32>
      %add3A_353 = arith.constant 2031 : i32
      %add3A_354 = arith.addi %multiple_of3A_323, %add3A_353 : i32
      %add3A_355 = arith.addi %add3A_354, %reduce_min3A_352 : i32
      %add3A_356 = arith.constant 1 : i32
      %add3A_357 = arith.addi %add3A_355, %add3A_356 : i32
      %lt3A_358 = arith.constant 1000000000 : i32
      %lt3A_359 = arith.cmpi slt, %reduce_min3A_352, %lt3A_358 : i32
      %ge3A_360 = arith.cmpi sge, %add3A_357, %select_n3A : i32
      %and3A_361 = arith.andi %lt3A_359, %ge3A_360 : i1
      %min3A_362 = arith.minsi %scan3A_330, %add3A_357 : i32
      %select_n3A_363 = arith.select %and3A_361, %min3A_362, %scan3A_330 : i32
      scf.yield %min3A_322, %select_n3A_363 : i32, i32
    }
    %jit3A_49 = arith.constant 0 : i32
    %select_n3A_50 = arith.select %eq3A_14, %jit3A_49, %while3A#1 : i32
    %eq3A_51 = arith.constant 31 : i32
    %eq3A_52 = arith.cmpi eq, %add3A, %eq3A_51 : i32
    %sub3A_53 = arith.constant 8 : i32
    %sub3A_54 = arith.subi %select_n3A_12, %sub3A_53 : i32
    %min3A_55 = arith.constant 317952 : i32
    %min3A_56 = arith.minsi %sub3A_54, %min3A_55 : i32
    %multiple_of3A_57 = tpu.assume_multiple %min3A_56, 8 : i32
    "tpu.region"() ({
      %run_scoped3A = tpu.sem_alloc : memref<!tpu.dma_semaphore, #tpu.memory_space<semaphore_mem>>
      %dma_start3A_317 = tpu.memref_slice %arg3[%multiple_of3A_57] : memref<320000xi32, #tpu.memory_space<hbm>> -> memref<2048xi32, #tpu.memory_space<hbm>>
      %dma_start3A_318 = tpu.memref_slice %arg3[%multiple_of3A_57] : memref<320000xi32, #tpu.memory_space<hbm>> -> memref<2048xi32, #tpu.memory_space<hbm>>
      tpu.enqueue_dma source(%dma_start3A_318 : memref<2048xi32, #tpu.memory_space<hbm>>) target(%arg9 : memref<2048xi32, #tpu.memory_space<vmem>>) target_semaphore(%run_scoped3A : memref<!tpu.dma_semaphore, #tpu.memory_space<semaphore_mem>>)
      %dma_wait3A_319 = tpu.memref_slice %arg3[%multiple_of3A_57] : memref<320000xi32, #tpu.memory_space<hbm>> -> memref<2048xi32, #tpu.memory_space<hbm>>
      %dma_wait3A_320 = tpu.memref_slice %arg3[%multiple_of3A_57] : memref<320000xi32, #tpu.memory_space<hbm>> -> memref<2048xi32, #tpu.memory_space<hbm>>
      tpu.wait_dma2 semaphore(%run_scoped3A : memref<!tpu.dma_semaphore, #tpu.memory_space<semaphore_mem>>) src(%dma_wait3A_320 : memref<2048xi32, #tpu.memory_space<hbm>>) dst(%arg9 : memref<2048xi32, #tpu.memory_space<vmem>>)
      tpu.yield
    }) : () -> ()
    %scan3A_58 = arith.constant 1000000000 : i32
    %scan3A_59 = arith.constant 320000 : i32
    %scan3A_60 = arith.constant 0 : i32
    %scan3A_61 = arith.constant 127 : i32
    %scan3A_62 = arith.addi %scan3A_60, %scan3A_61 : i32
    %scan3A_63 = arith.constant 1 : i32
    %scan3A_64 = scf.for %scan3A_317 = %scan3A_60 to %scan3A_62 step %scan3A_63 iter_args(%scan3A_318 = %scan3A_59) -> (i32)  : i32 {
      %mul3A_319 = arith.constant 16 : i32
      %mul3A_320 = arith.muli %scan3A_317, %mul3A_319 : i32
      %get3A_321 = arith.index_cast %mul3A_320 : i32 to index
      %get3A_322 = tpu.vector_load %arg9[%get3A_321] {strides = array<i32>} : memref<2048xi32, #tpu.memory_space<vmem>>, vector<16xi32>,
      %add3A_323 = arith.constant 1 : i32
      %add3A_324 = arith.addi %mul3A_320, %add3A_323 : i32
      %get3A_325 = arith.index_cast %add3A_324 : i32 to index
      %get3A_326 = tpu.vector_load %arg9[%get3A_325] {strides = array<i32>} : memref<2048xi32, #tpu.memory_space<vmem>>, vector<16xi32>,
      %ne3A_327 = arith.cmpi ne, %get3A_322, %get3A_326 : vector<16xi32>
      %iota3A_328 = tpu.iota {dimensions = array<i32: 0>} : vector<16xi32>
      %broadcast_in_dim3A_329 = vector.broadcast %scan3A_58 : i32 to vector<16xi32>
      %select_n3A_330 = arith.select %ne3A_327, %iota3A_328, %broadcast_in_dim3A_329 : vector<16xi1>, vector<16xi32>
      %reduce_min3A_331 = arith.constant true
      %reduce_min3A_332 = vector.broadcast %reduce_min3A_331 : i1 to vector<16xi1>
      %reduce_min3A_333 = arith.constant -2147483648 : i32
      %reduce_min3A_334 = vector.broadcast %reduce_min3A_333 : i32 to vector<16xi32>
      %reduce_min3A_335 = arith.xori %select_n3A_330, %reduce_min3A_334 : vector<16xi32>
      %reduce_min3A_336 = tpu.scan <min>, %reduce_min3A_335 masked %reduce_min3A_332 : vector<16xi32>, vector<16xi1> -> vector<16xi32>
      %reduce_min3A_337 = arith.xori %reduce_min3A_336, %reduce_min3A_334 : vector<16xi32>
      %reduce_min3A_338 = vector.extract %reduce_min3A_337[15] : i32 from vector<16xi32>
      %add3A_339 = arith.addi %multiple_of3A_57, %mul3A_320 : i32
      %add3A_340 = arith.addi %add3A_339, %reduce_min3A_338 : i32
      %add3A_341 = arith.constant 1 : i32
      %add3A_342 = arith.addi %add3A_340, %add3A_341 : i32
      %lt3A_343 = arith.cmpi slt, %reduce_min3A_338, %scan3A_58 : i32
      %ge3A_344 = arith.cmpi sge, %add3A_342, %select_n3A_12 : i32
      %and3A_345 = arith.andi %lt3A_343, %ge3A_344 : i1
      %min3A_346 = arith.minsi %scan3A_318, %add3A_342 : i32
      %select_n3A_347 = arith.select %and3A_345, %min3A_346, %scan3A_318 : i32
      scf.yield %select_n3A_347 : i32
    }
    %scan3A_65 = arith.constant 127 : i32
    %get3A_66 = arith.constant 2031 : i32
    %get3A_67 = arith.index_cast %get3A_66 : i32 to index
    %get3A_68 = tpu.vector_load %arg9[%get3A_67] {strides = array<i32>} : memref<2048xi32, #tpu.memory_space<vmem>>, vector<16xi32>,
    %add3A_69 = arith.constant 2031 : i32
    %add3A_70 = arith.constant 1 : i32
    %add3A_71 = arith.addi %add3A_69, %add3A_70 : i32
    %get3A_72 = arith.index_cast %add3A_71 : i32 to index
    %get3A_73 = tpu.vector_load %arg9[%get3A_72] {strides = array<i32>} : memref<2048xi32, #tpu.memory_space<vmem>>, vector<16xi32>,
    %ne3A_74 = arith.cmpi ne, %get3A_68, %get3A_73 : vector<16xi32>
    %iota3A_75 = tpu.iota {dimensions = array<i32: 0>} : vector<16xi32>
    %jit3A_76 = arith.constant 1000000000 : i32
    %broadcast_in_dim3A_77 = vector.broadcast %jit3A_76 : i32 to vector<16xi32>
    %select_n3A_78 = arith.select %ne3A_74, %iota3A_75, %broadcast_in_dim3A_77 : vector<16xi1>, vector<16xi32>
    %reduce_min3A_79 = arith.constant true
    %reduce_min3A_80 = vector.broadcast %reduce_min3A_79 : i1 to vector<16xi1>
    %reduce_min3A_81 = arith.constant -2147483648 : i32
    %reduce_min3A_82 = vector.broadcast %reduce_min3A_81 : i32 to vector<16xi32>
    %reduce_min3A_83 = arith.xori %select_n3A_78, %reduce_min3A_82 : vector<16xi32>
    %reduce_min3A_84 = tpu.scan <min>, %reduce_min3A_83 masked %reduce_min3A_80 : vector<16xi32>, vector<16xi1> -> vector<16xi32>
    %reduce_min3A_85 = arith.xori %reduce_min3A_84, %reduce_min3A_82 : vector<16xi32>
    %reduce_min3A_86 = vector.extract %reduce_min3A_85[15] : i32 from vector<16xi32>
    %add3A_87 = arith.constant 2031 : i32
    %add3A_88 = arith.addi %multiple_of3A_57, %add3A_87 : i32
    %add3A_89 = arith.addi %add3A_88, %reduce_min3A_86 : i32
    %add3A_90 = arith.constant 1 : i32
    %add3A_91 = arith.addi %add3A_89, %add3A_90 : i32
    %lt3A_92 = arith.constant 1000000000 : i32
    %lt3A_93 = arith.cmpi slt, %reduce_min3A_86, %lt3A_92 : i32
    %ge3A_94 = arith.cmpi sge, %add3A_91, %select_n3A_12 : i32
    %and3A_95 = arith.andi %lt3A_93, %ge3A_94 : i1
    %min3A_96 = arith.minsi %scan3A_64, %add3A_91 : i32
    %select_n3A_97 = arith.select %and3A_95, %min3A_96, %scan3A_64 : i32
    %while3A_98:2 = scf.while (%while3A_317 = %min3A_56, %while3A_318 = %select_n3A_97) : (i32, i32) -> (i32, i32) {
      %eq3A_319 = arith.constant 320000 : i32
      %eq3A_320 = arith.cmpi eq, %while3A_318, %eq3A_319 : i32
      %lt3A_321 = arith.constant 317952 : i32
      %lt3A_322 = arith.cmpi slt, %while3A_317, %lt3A_321 : i32
      %and3A_323 = arith.andi %eq3A_320, %lt3A_322 : i1
      scf.condition(%and3A_323) %while3A_317, %while3A_318 : i32, i32
    } do {
    ^bb0(%while3A_317: i32, %while3A_318: i32):
      %add3A_319 = arith.constant 2040 : i32
      %add3A_320 = arith.addi %while3A_317, %add3A_319 : i32
      %min3A_321 = arith.constant 317952 : i32
      %min3A_322 = arith.minsi %add3A_320, %min3A_321 : i32
      %multiple_of3A_323 = tpu.assume_multiple %min3A_322, 8 : i32
      "tpu.region"() ({
        %run_scoped3A = tpu.sem_alloc : memref<!tpu.dma_semaphore, #tpu.memory_space<semaphore_mem>>
        %dma_start3A_364 = tpu.memref_slice %arg3[%multiple_of3A_323] : memref<320000xi32, #tpu.memory_space<hbm>> -> memref<2048xi32, #tpu.memory_space<hbm>>
        %dma_start3A_365 = tpu.memref_slice %arg3[%multiple_of3A_323] : memref<320000xi32, #tpu.memory_space<hbm>> -> memref<2048xi32, #tpu.memory_space<hbm>>
        tpu.enqueue_dma source(%dma_start3A_365 : memref<2048xi32, #tpu.memory_space<hbm>>) target(%arg9 : memref<2048xi32, #tpu.memory_space<vmem>>) target_semaphore(%run_scoped3A : memref<!tpu.dma_semaphore, #tpu.memory_space<semaphore_mem>>)
        %dma_wait3A_366 = tpu.memref_slice %arg3[%multiple_of3A_323] : memref<320000xi32, #tpu.memory_space<hbm>> -> memref<2048xi32, #tpu.memory_space<hbm>>
        %dma_wait3A_367 = tpu.memref_slice %arg3[%multiple_of3A_323] : memref<320000xi32, #tpu.memory_space<hbm>> -> memref<2048xi32, #tpu.memory_space<hbm>>
        tpu.wait_dma2 semaphore(%run_scoped3A : memref<!tpu.dma_semaphore, #tpu.memory_space<semaphore_mem>>) src(%dma_wait3A_367 : memref<2048xi32, #tpu.memory_space<hbm>>) dst(%arg9 : memref<2048xi32, #tpu.memory_space<vmem>>)
        tpu.yield
      }) : () -> ()
      %scan3A_324 = arith.constant 1000000000 : i32
      %scan3A_325 = arith.constant 320000 : i32
      %scan3A_326 = arith.constant 0 : i32
      %scan3A_327 = arith.constant 127 : i32
      %scan3A_328 = arith.addi %scan3A_326, %scan3A_327 : i32
      %scan3A_329 = arith.constant 1 : i32
      %scan3A_330 = scf.for %scan3A_364 = %scan3A_326 to %scan3A_328 step %scan3A_329 iter_args(%scan3A_365 = %scan3A_325) -> (i32)  : i32 {
        %mul3A_366 = arith.constant 16 : i32
        %mul3A_367 = arith.muli %scan3A_364, %mul3A_366 : i32
        %get3A_368 = arith.index_cast %mul3A_367 : i32 to index
        %get3A_369 = tpu.vector_load %arg9[%get3A_368] {strides = array<i32>} : memref<2048xi32, #tpu.memory_space<vmem>>, vector<16xi32>,
        %add3A_370 = arith.constant 1 : i32
        %add3A_371 = arith.addi %mul3A_367, %add3A_370 : i32
        %get3A_372 = arith.index_cast %add3A_371 : i32 to index
        %get3A_373 = tpu.vector_load %arg9[%get3A_372] {strides = array<i32>} : memref<2048xi32, #tpu.memory_space<vmem>>, vector<16xi32>,
        %ne3A_374 = arith.cmpi ne, %get3A_369, %get3A_373 : vector<16xi32>
        %iota3A_375 = tpu.iota {dimensions = array<i32: 0>} : vector<16xi32>
        %broadcast_in_dim3A_376 = vector.broadcast %scan3A_324 : i32 to vector<16xi32>
        %select_n3A_377 = arith.select %ne3A_374, %iota3A_375, %broadcast_in_dim3A_376 : vector<16xi1>, vector<16xi32>
        %reduce_min3A_378 = arith.constant true
        %reduce_min3A_379 = vector.broadcast %reduce_min3A_378 : i1 to vector<16xi1>
        %reduce_min3A_380 = arith.constant -2147483648 : i32
        %reduce_min3A_381 = vector.broadcast %reduce_min3A_380 : i32 to vector<16xi32>
        %reduce_min3A_382 = arith.xori %select_n3A_377, %reduce_min3A_381 : vector<16xi32>
        %reduce_min3A_383 = tpu.scan <min>, %reduce_min3A_382 masked %reduce_min3A_379 : vector<16xi32>, vector<16xi1> -> vector<16xi32>
        %reduce_min3A_384 = arith.xori %reduce_min3A_383, %reduce_min3A_381 : vector<16xi32>
        %reduce_min3A_385 = vector.extract %reduce_min3A_384[15] : i32 from vector<16xi32>
        %add3A_386 = arith.addi %multiple_of3A_323, %mul3A_367 : i32
        %add3A_387 = arith.addi %add3A_386, %reduce_min3A_385 : i32
        %add3A_388 = arith.constant 1 : i32
        %add3A_389 = arith.addi %add3A_387, %add3A_388 : i32
        %lt3A_390 = arith.cmpi slt, %reduce_min3A_385, %scan3A_324 : i32
        %ge3A_391 = arith.cmpi sge, %add3A_389, %select_n3A_12 : i32
        %and3A_392 = arith.andi %lt3A_390, %ge3A_391 : i1
        %min3A_393 = arith.minsi %scan3A_365, %add3A_389 : i32
        %select_n3A_394 = arith.select %and3A_392, %min3A_393, %scan3A_365 : i32
        scf.yield %select_n3A_394 : i32
      }
      %scan3A_331 = arith.constant 127 : i32
      %get3A_332 = arith.constant 2031 : i32
      %get3A_333 = arith.index_cast %get3A_332 : i32 to index
      %get3A_334 = tpu.vector_load %arg9[%get3A_333] {strides = array<i32>} : memref<2048xi32, #tpu.memory_space<vmem>>, vector<16xi32>,
      %add3A_335 = arith.constant 2031 : i32
      %add3A_336 = arith.constant 1 : i32
      %add3A_337 = arith.addi %add3A_335, %add3A_336 : i32
      %get3A_338 = arith.index_cast %add3A_337 : i32 to index
      %get3A_339 = tpu.vector_load %arg9[%get3A_338] {strides = array<i32>} : memref<2048xi32, #tpu.memory_space<vmem>>, vector<16xi32>,
      %ne3A_340 = arith.cmpi ne, %get3A_334, %get3A_339 : vector<16xi32>
      %iota3A_341 = tpu.iota {dimensions = array<i32: 0>} : vector<16xi32>
      %jit3A_342 = arith.constant 1000000000 : i32
      %broadcast_in_dim3A_343 = vector.broadcast %jit3A_342 : i32 to vector<16xi32>
      %select_n3A_344 = arith.select %ne3A_340, %iota3A_341, %broadcast_in_dim3A_343 : vector<16xi1>, vector<16xi32>
      %reduce_min3A_345 = arith.constant true
      %reduce_min3A_346 = vector.broadcast %reduce_min3A_345 : i1 to vector<16xi1>
      %reduce_min3A_347 = arith.constant -2147483648 : i32
      %reduce_min3A_348 = vector.broadcast %reduce_min3A_347 : i32 to vector<16xi32>
      %reduce_min3A_349 = arith.xori %select_n3A_344, %reduce_min3A_348 : vector<16xi32>
      %reduce_min3A_350 = tpu.scan <min>, %reduce_min3A_349 masked %reduce_min3A_346 : vector<16xi32>, vector<16xi1> -> vector<16xi32>
      %reduce_min3A_351 = arith.xori %reduce_min3A_350, %reduce_min3A_348 : vector<16xi32>
      %reduce_min3A_352 = vector.extract %reduce_min3A_351[15] : i32 from vector<16xi32>
      %add3A_353 = arith.constant 2031 : i32
      %add3A_354 = arith.addi %multiple_of3A_323, %add3A_353 : i32
      %add3A_355 = arith.addi %add3A_354, %reduce_min3A_352 : i32
      %add3A_356 = arith.constant 1 : i32
      %add3A_357 = arith.addi %add3A_355, %add3A_356 : i32
      %lt3A_358 = arith.constant 1000000000 : i32
      %lt3A_359 = arith.cmpi slt, %reduce_min3A_352, %lt3A_358 : i32
      %ge3A_360 = arith.cmpi sge, %add3A_357, %select_n3A_12 : i32
      %and3A_361 = arith.andi %lt3A_359, %ge3A_360 : i1
      %min3A_362 = arith.minsi %scan3A_330, %add3A_357 : i32
      %select_n3A_363 = arith.select %and3A_361, %min3A_362, %scan3A_330 : i32
      scf.yield %min3A_322, %select_n3A_363 : i32, i32
    }
    %jit3A_99 = arith.constant 320000 : i32
    %select_n3A_100 = arith.select %eq3A_52, %jit3A_99, %while3A_98#1 : i32
    %eq3A_101 = arith.constant 0 : i32
    %eq3A_102 = arith.cmpi eq, %add3A, %eq3A_101 : i32
    %ge3A_103 = arith.constant 320000 : i32
    %ge3A_104 = arith.cmpi sge, %select_n3A_50, %ge3A_103 : i32
    %min3A_105 = arith.constant 319999 : i32
    %min3A_106 = arith.minsi %select_n3A_50, %min3A_105 : i32
    %jit3A_107 = arith.constant 8 : i32
    %div3A = arith.divsi %min3A_106, %jit3A_107 : i32
    %sign3A = arith.constant 0 : i32
    %sign3A_108 = arith.cmpi sgt, %min3A_106, %sign3A : i32
    %sign3A_109 = arith.extui %sign3A_108 : i1 to i32
    %sign3A_110 = arith.constant 0 : i32
    %sign3A_111 = arith.cmpi slt, %min3A_106, %sign3A_110 : i32
    %sign3A_112 = arith.extui %sign3A_111 : i1 to i32
    %sign3A_113 = arith.subi %sign3A_109, %sign3A_112 : i32
    %sign3A_114 = arith.constant 0 : i32
    %sign3A_115 = arith.cmpi sgt, %jit3A_107, %sign3A_114 : i32
    %sign3A_116 = arith.extui %sign3A_115 : i1 to i32
    %sign3A_117 = arith.constant 0 : i32
    %sign3A_118 = arith.cmpi slt, %jit3A_107, %sign3A_117 : i32
    %sign3A_119 = arith.extui %sign3A_118 : i1 to i32
    %sign3A_120 = arith.subi %sign3A_116, %sign3A_119 : i32
    %ne3A_121 = arith.cmpi ne, %sign3A_113, %sign3A_120 : i32
    %rem3A = arith.remsi %min3A_106, %jit3A_107 : i32
    %ne3A_122 = arith.constant 0 : i32
    %ne3A_123 = arith.cmpi ne, %rem3A, %ne3A_122 : i32
    %and3A_124 = arith.andi %ne3A_121, %ne3A_123 : i1
    %sub3A_125 = arith.constant 1 : i32
    %sub3A_126 = arith.subi %div3A, %sub3A_125 : i32
    %select_n3A_127 = arith.select %and3A_124, %sub3A_126, %div3A : i32
    %mul3A_128 = arith.constant 8 : i32
    %mul3A_129 = arith.muli %select_n3A_127, %mul3A_128 : i32
    %min3A_130 = arith.constant 319984 : i32
    %min3A_131 = arith.minsi %mul3A_129, %min3A_130 : i32
    %multiple_of3A_132 = tpu.assume_multiple %min3A_131, 8 : i32
    "tpu.region"() ({
      %run_scoped3A = tpu.sem_alloc : memref<!tpu.dma_semaphore, #tpu.memory_space<semaphore_mem>>
      %dma_start3A_317 = arith.constant 0 : i32
      %dma_start3A_318 = tpu.memref_slice %arg10[%dma_start3A_317] : memref<32xi32, #tpu.memory_space<vmem>> -> memref<16xi32, #tpu.memory_space<vmem>>
      %dma_start3A_319 = tpu.memref_slice %arg3[%multiple_of3A_132] : memref<320000xi32, #tpu.memory_space<hbm>> -> memref<16xi32, #tpu.memory_space<hbm>>
      %dma_start3A_320 = arith.constant 0 : i32
      %dma_start3A_321 = tpu.memref_slice %arg10[%dma_start3A_320] : memref<32xi32, #tpu.memory_space<vmem>> -> memref<16xi32, #tpu.memory_space<vmem>>
      %dma_start3A_322 = tpu.memref_slice %arg3[%multiple_of3A_132] : memref<320000xi32, #tpu.memory_space<hbm>> -> memref<16xi32, #tpu.memory_space<hbm>>
      tpu.enqueue_dma source(%dma_start3A_322 : memref<16xi32, #tpu.memory_space<hbm>>) target(%dma_start3A_321 : memref<16xi32, #tpu.memory_space<vmem>>) target_semaphore(%run_scoped3A : memref<!tpu.dma_semaphore, #tpu.memory_space<semaphore_mem>>)
      %dma_wait3A_323 = arith.constant 0 : i32
      %dma_wait3A_324 = tpu.memref_slice %arg10[%dma_wait3A_323] : memref<32xi32, #tpu.memory_space<vmem>> -> memref<16xi32, #tpu.memory_space<vmem>>
      %dma_wait3A_325 = tpu.memref_slice %arg3[%multiple_of3A_132] : memref<320000xi32, #tpu.memory_space<hbm>> -> memref<16xi32, #tpu.memory_space<hbm>>
      %dma_wait3A_326 = arith.constant 0 : i32
      %dma_wait3A_327 = tpu.memref_slice %arg10[%dma_wait3A_326] : memref<32xi32, #tpu.memory_space<vmem>> -> memref<16xi32, #tpu.memory_space<vmem>>
      %dma_wait3A_328 = tpu.memref_slice %arg3[%multiple_of3A_132] : memref<320000xi32, #tpu.memory_space<hbm>> -> memref<16xi32, #tpu.memory_space<hbm>>
      tpu.wait_dma2 semaphore(%run_scoped3A : memref<!tpu.dma_semaphore, #tpu.memory_space<semaphore_mem>>) src(%dma_wait3A_328 : memref<16xi32, #tpu.memory_space<hbm>>) dst(%dma_wait3A_327 : memref<16xi32, #tpu.memory_space<vmem>>)
      tpu.yield
    }) : () -> ()
    %sub3A_133 = arith.subi %min3A_106, %multiple_of3A_132 : i32
    %get3A_134 = arith.index_cast %sub3A_133 : i32 to index
    %get3A_135 = tpu.vector_load %arg10[%get3A_134] {strides = array<i32>} : memref<32xi32, #tpu.memory_space<vmem>>, vector<16xi32>,
    %slice3A = vector.extract_strided_slice %get3A_135 {offsets = [0], sizes = [1], strides = [1]} : vector<16xi32> to vector<1xi32>
    %squeeze3A = vector.extract %slice3A[0] : i32 from vector<1xi32>
    %jit3A_136 = arith.constant 10000 : i32
    %select_n3A_137 = arith.select %ge3A_104, %jit3A_136, %squeeze3A : i32
    %jit3A_138 = arith.constant 0 : i32
    %select_n3A_139 = arith.select %eq3A_102, %jit3A_138, %select_n3A_137 : i32
    %eq3A_140 = arith.constant 31 : i32
    %eq3A_141 = arith.cmpi eq, %add3A, %eq3A_140 : i32
    %ge3A_142 = arith.constant 320000 : i32
    %ge3A_143 = arith.cmpi sge, %select_n3A_100, %ge3A_142 : i32
    %or3A = arith.ori %eq3A_141, %ge3A_143 : i1
    %min3A_144 = arith.constant 319999 : i32
    %min3A_145 = arith.minsi %select_n3A_100, %min3A_144 : i32
    %jit3A_146 = arith.constant 8 : i32
    %div3A_147 = arith.divsi %min3A_145, %jit3A_146 : i32
    %sign3A_148 = arith.constant 0 : i32
    %sign3A_149 = arith.cmpi sgt, %min3A_145, %sign3A_148 : i32
    %sign3A_150 = arith.extui %sign3A_149 : i1 to i32
    %sign3A_151 = arith.constant 0 : i32
    %sign3A_152 = arith.cmpi slt, %min3A_145, %sign3A_151 : i32
    %sign3A_153 = arith.extui %sign3A_152 : i1 to i32
    %sign3A_154 = arith.subi %sign3A_150, %sign3A_153 : i32
    %sign3A_155 = arith.constant 0 : i32
    %sign3A_156 = arith.cmpi sgt, %jit3A_146, %sign3A_155 : i32
    %sign3A_157 = arith.extui %sign3A_156 : i1 to i32
    %sign3A_158 = arith.constant 0 : i32
    %sign3A_159 = arith.cmpi slt, %jit3A_146, %sign3A_158 : i32
    %sign3A_160 = arith.extui %sign3A_159 : i1 to i32
    %sign3A_161 = arith.subi %sign3A_157, %sign3A_160 : i32
    %ne3A_162 = arith.cmpi ne, %sign3A_154, %sign3A_161 : i32
    %rem3A_163 = arith.remsi %min3A_145, %jit3A_146 : i32
    %ne3A_164 = arith.constant 0 : i32
    %ne3A_165 = arith.cmpi ne, %rem3A_163, %ne3A_164 : i32
    %and3A_166 = arith.andi %ne3A_162, %ne3A_165 : i1
    %sub3A_167 = arith.constant 1 : i32
    %sub3A_168 = arith.subi %div3A_147, %sub3A_167 : i32
    %select_n3A_169 = arith.select %and3A_166, %sub3A_168, %div3A_147 : i32
    %mul3A_170 = arith.constant 8 : i32
    %mul3A_171 = arith.muli %select_n3A_169, %mul3A_170 : i32
    %min3A_172 = arith.constant 319984 : i32
    %min3A_173 = arith.minsi %mul3A_171, %min3A_172 : i32
    %multiple_of3A_174 = tpu.assume_multiple %min3A_173, 8 : i32
    "tpu.region"() ({
      %run_scoped3A = tpu.sem_alloc : memref<!tpu.dma_semaphore, #tpu.memory_space<semaphore_mem>>
      %dma_start3A_317 = arith.constant 0 : i32
      %dma_start3A_318 = tpu.memref_slice %arg10[%dma_start3A_317] : memref<32xi32, #tpu.memory_space<vmem>> -> memref<16xi32, #tpu.memory_space<vmem>>
      %dma_start3A_319 = tpu.memref_slice %arg3[%multiple_of3A_174] : memref<320000xi32, #tpu.memory_space<hbm>> -> memref<16xi32, #tpu.memory_space<hbm>>
      %dma_start3A_320 = arith.constant 0 : i32
      %dma_start3A_321 = tpu.memref_slice %arg10[%dma_start3A_320] : memref<32xi32, #tpu.memory_space<vmem>> -> memref<16xi32, #tpu.memory_space<vmem>>
      %dma_start3A_322 = tpu.memref_slice %arg3[%multiple_of3A_174] : memref<320000xi32, #tpu.memory_space<hbm>> -> memref<16xi32, #tpu.memory_space<hbm>>
      tpu.enqueue_dma source(%dma_start3A_322 : memref<16xi32, #tpu.memory_space<hbm>>) target(%dma_start3A_321 : memref<16xi32, #tpu.memory_space<vmem>>) target_semaphore(%run_scoped3A : memref<!tpu.dma_semaphore, #tpu.memory_space<semaphore_mem>>)
      %dma_wait3A_323 = arith.constant 0 : i32
      %dma_wait3A_324 = tpu.memref_slice %arg10[%dma_wait3A_323] : memref<32xi32, #tpu.memory_space<vmem>> -> memref<16xi32, #tpu.memory_space<vmem>>
      %dma_wait3A_325 = tpu.memref_slice %arg3[%multiple_of3A_174] : memref<320000xi32, #tpu.memory_space<hbm>> -> memref<16xi32, #tpu.memory_space<hbm>>
      %dma_wait3A_326 = arith.constant 0 : i32
      %dma_wait3A_327 = tpu.memref_slice %arg10[%dma_wait3A_326] : memref<32xi32, #tpu.memory_space<vmem>> -> memref<16xi32, #tpu.memory_space<vmem>>
      %dma_wait3A_328 = tpu.memref_slice %arg3[%multiple_of3A_174] : memref<320000xi32, #tpu.memory_space<hbm>> -> memref<16xi32, #tpu.memory_space<hbm>>
      tpu.wait_dma2 semaphore(%run_scoped3A : memref<!tpu.dma_semaphore, #tpu.memory_space<semaphore_mem>>) src(%dma_wait3A_328 : memref<16xi32, #tpu.memory_space<hbm>>) dst(%dma_wait3A_327 : memref<16xi32, #tpu.memory_space<vmem>>)
      tpu.yield
    }) : () -> ()
    %sub3A_175 = arith.subi %min3A_145, %multiple_of3A_174 : i32
    %get3A_176 = arith.index_cast %sub3A_175 : i32 to index
    %get3A_177 = tpu.vector_load %arg10[%get3A_176] {strides = array<i32>} : memref<32xi32, #tpu.memory_space<vmem>>, vector<16xi32>,
    %slice3A_178 = vector.extract_strided_slice %get3A_177 {offsets = [0], sizes = [1], strides = [1]} : vector<16xi32> to vector<1xi32>
    %squeeze3A_179 = vector.extract %slice3A_178[0] : i32 from vector<1xi32>
    %jit3A_180 = arith.constant 10000 : i32
    %select_n3A_181 = arith.select %or3A, %jit3A_180, %squeeze3A_179 : i32
    %jit3A_182 = arith.constant 8 : i32
    %div3A_183 = arith.divsi %select_n3A_50, %jit3A_182 : i32
    %sign3A_184 = arith.constant 0 : i32
    %sign3A_185 = arith.cmpi sgt, %select_n3A_50, %sign3A_184 : i32
    %sign3A_186 = arith.extui %sign3A_185 : i1 to i32
    %sign3A_187 = arith.constant 0 : i32
    %sign3A_188 = arith.cmpi slt, %select_n3A_50, %sign3A_187 : i32
    %sign3A_189 = arith.extui %sign3A_188 : i1 to i32
    %sign3A_190 = arith.subi %sign3A_186, %sign3A_189 : i32
    %sign3A_191 = arith.constant 0 : i32
    %sign3A_192 = arith.cmpi sgt, %jit3A_182, %sign3A_191 : i32
    %sign3A_193 = arith.extui %sign3A_192 : i1 to i32
    %sign3A_194 = arith.constant 0 : i32
    %sign3A_195 = arith.cmpi slt, %jit3A_182, %sign3A_194 : i32
    %sign3A_196 = arith.extui %sign3A_195 : i1 to i32
    %sign3A_197 = arith.subi %sign3A_193, %sign3A_196 : i32
    %ne3A_198 = arith.cmpi ne, %sign3A_190, %sign3A_197 : i32
    %rem3A_199 = arith.remsi %select_n3A_50, %jit3A_182 : i32
    %ne3A_200 = arith.constant 0 : i32
    %ne3A_201 = arith.cmpi ne, %rem3A_199, %ne3A_200 : i32
    %and3A_202 = arith.andi %ne3A_198, %ne3A_201 : i1
    %sub3A_203 = arith.constant 1 : i32
    %sub3A_204 = arith.subi %div3A_183, %sub3A_203 : i32
    %select_n3A_205 = arith.select %and3A_202, %sub3A_204, %div3A_183 : i32
    %mul3A_206 = arith.constant 8 : i32
    %mul3A_207 = arith.muli %select_n3A_205, %mul3A_206 : i32
    %sub3A_208 = arith.subi %select_n3A_100, %mul3A_207 : i32
    %add3A_209 = arith.constant 256 : i32
    %add3A_210 = arith.addi %sub3A_208, %add3A_209 : i32
    %sub3A_211 = arith.constant 1 : i32
    %sub3A_212 = arith.subi %add3A_210, %sub3A_211 : i32
    %jit3A_213 = arith.constant 256 : i32
    %div3A_214 = arith.divsi %sub3A_212, %jit3A_213 : i32
    %sign3A_215 = arith.constant 0 : i32
    %sign3A_216 = arith.cmpi sgt, %sub3A_212, %sign3A_215 : i32
    %sign3A_217 = arith.extui %sign3A_216 : i1 to i32
    %sign3A_218 = arith.constant 0 : i32
    %sign3A_219 = arith.cmpi slt, %sub3A_212, %sign3A_218 : i32
    %sign3A_220 = arith.extui %sign3A_219 : i1 to i32
    %sign3A_221 = arith.subi %sign3A_217, %sign3A_220 : i32
    %sign3A_222 = arith.constant 0 : i32
    %sign3A_223 = arith.cmpi sgt, %jit3A_213, %sign3A_222 : i32
    %sign3A_224 = arith.extui %sign3A_223 : i1 to i32
    %sign3A_225 = arith.constant 0 : i32
    %sign3A_226 = arith.cmpi slt, %jit3A_213, %sign3A_225 : i32
    %sign3A_227 = arith.extui %sign3A_226 : i1 to i32
    %sign3A_228 = arith.subi %sign3A_224, %sign3A_227 : i32
    %ne3A_229 = arith.cmpi ne, %sign3A_221, %sign3A_228 : i32
    %rem3A_230 = arith.remsi %sub3A_212, %jit3A_213 : i32
    %ne3A_231 = arith.constant 0 : i32
    %ne3A_232 = arith.cmpi ne, %rem3A_230, %ne3A_231 : i32
    %and3A_233 = arith.andi %ne3A_229, %ne3A_232 : i1
    %sub3A_234 = arith.constant 1 : i32
    %sub3A_235 = arith.subi %div3A_214, %sub3A_234 : i32
    %select_n3A_236 = arith.select %and3A_233, %sub3A_235, %div3A_214 : i32
    %add3A_237 = arith.constant 1 : i32
    %add3A_238 = arith.addi %select_n3A_236, %add3A_237 : i32
    %jit3A_239 = arith.constant 2 : i32
    %div3A_240 = arith.divsi %add3A_238, %jit3A_239 : i32
    %sign3A_241 = arith.constant 0 : i32
    %sign3A_242 = arith.cmpi sgt, %add3A_238, %sign3A_241 : i32
    %sign3A_243 = arith.extui %sign3A_242 : i1 to i32
    %sign3A_244 = arith.constant 0 : i32
    %sign3A_245 = arith.cmpi slt, %add3A_238, %sign3A_244 : i32
    %sign3A_246 = arith.extui %sign3A_245 : i1 to i32
    %sign3A_247 = arith.subi %sign3A_243, %sign3A_246 : i32
    %sign3A_248 = arith.constant 0 : i32
    %sign3A_249 = arith.cmpi sgt, %jit3A_239, %sign3A_248 : i32
    %sign3A_250 = arith.extui %sign3A_249 : i1 to i32
    %sign3A_251 = arith.constant 0 : i32
    %sign3A_252 = arith.cmpi slt, %jit3A_239, %sign3A_251 : i32
    %sign3A_253 = arith.extui %sign3A_252 : i1 to i32
    %sign3A_254 = arith.subi %sign3A_250, %sign3A_253 : i32
    %ne3A_255 = arith.cmpi ne, %sign3A_247, %sign3A_254 : i32
    %rem3A_256 = arith.remsi %add3A_238, %jit3A_239 : i32
    %ne3A_257 = arith.constant 0 : i32
    %ne3A_258 = arith.cmpi ne, %rem3A_256, %ne3A_257 : i32
    %and3A_259 = arith.andi %ne3A_255, %ne3A_258 : i1
    %sub3A_260 = arith.constant 1 : i32
    %sub3A_261 = arith.subi %div3A_240, %sub3A_260 : i32
    %select_n3A_262 = arith.select %and3A_259, %sub3A_261, %div3A_240 : i32
    %mul3A_263 = arith.constant 0 : i32
    %mul3A_264 = arith.constant 256 : i32
    %mul3A_265 = arith.muli %mul3A_263, %mul3A_264 : i32
    %add3A_266 = arith.addi %mul3A_207, %mul3A_265 : i32
    %min3A_267 = arith.constant 319744 : i32
    %min3A_268 = arith.minsi %add3A_266, %min3A_267 : i32
    %multiple_of3A_269 = tpu.assume_multiple %min3A_268, 8 : i32
    %dma_start3A = arith.constant 0 : i32
    %dma_start3A_270 = tpu.memref_slice %arg2[%multiple_of3A_269, %dma_start3A] : memref<320000x128xf32, #tpu.memory_space<hbm>> -> memref<256x128xf32, #tpu.memory_space<hbm>>
    %dma_start3A_271 = arith.constant 0 : i32
    %dma_start3A_272 = tpu.memref_slice %arg2[%multiple_of3A_269, %dma_start3A_271] : memref<320000x128xf32, #tpu.memory_space<hbm>> -> memref<256x128xf32, #tpu.memory_space<hbm>>
    tpu.enqueue_dma source(%dma_start3A_272 : memref<256x128xf32, #tpu.memory_space<hbm>>) target(%arg5 : memref<256x128xf32, #tpu.memory_space<vmem>>) target_semaphore(%arg13 : memref<!tpu.dma_semaphore, #tpu.memory_space<semaphore_mem>>)
    %dma_start3A_273 = arith.constant 0 : i32
    %dma_start3A_274 = tpu.memref_slice %arg6[%dma_start3A_273] : memref<272xi32, #tpu.memory_space<vmem>> -> memref<256xi32, #tpu.memory_space<vmem>>
    %dma_start3A_275 = tpu.memref_slice %arg3[%multiple_of3A_269] : memref<320000xi32, #tpu.memory_space<hbm>> -> memref<256xi32, #tpu.memory_space<hbm>>
    %dma_start3A_276 = arith.constant 0 : i32
    %dma_start3A_277 = tpu.memref_slice %arg6[%dma_start3A_276] : memref<272xi32, #tpu.memory_space<vmem>> -> memref<256xi32, #tpu.memory_space<vmem>>
    %dma_start3A_278 = tpu.memref_slice %arg3[%multiple_of3A_269] : memref<320000xi32, #tpu.memory_space<hbm>> -> memref<256xi32, #tpu.memory_space<hbm>>
    tpu.enqueue_dma source(%dma_start3A_278 : memref<256xi32, #tpu.memory_space<hbm>>) target(%dma_start3A_277 : memref<256xi32, #tpu.memory_space<vmem>>) target_semaphore(%arg14 : memref<!tpu.dma_semaphore, #tpu.memory_space<semaphore_mem>>)
    %while3A_279 = arith.constant 0 : i32
    %while3A_280 = arith.constant -1 : i32
    %while3A_281 = arith.constant 0 : i32
    %while3A_282 = arith.subi %select_n3A_262, %while3A_279 : i32
    %while3A_283 = arith.addi %while3A_279, %while3A_282 : i32
    %while3A_284 = arith.constant 1 : i32
    %while3A_285 = arith.divsi %while3A_282, %while3A_284 : i32
    %while3A_286 = arith.muli %while3A_285, %while3A_284 : i32
    %while3A_287 = arith.addi %while3A_279, %while3A_286 : i32
    %while3A_288 = arith.constant 1 : i32
    %while3A_289:11 = scf.for %while3A_317 = %while3A_279 to %while3A_287 step %while3A_288 iter_args(%while3A_318 = %broadcast_in_dim3A_1, %while3A_319 = %broadcast_in_dim3A_1, %while3A_320 = %broadcast_in_dim3A_1, %while3A_321 = %broadcast_in_dim3A_1, %while3A_322 = %broadcast_in_dim3A_1, %while3A_323 = %broadcast_in_dim3A_1, %while3A_324 = %broadcast_in_dim3A_1, %while3A_325 = %broadcast_in_dim3A_1, %while3A_326 = %while3A_280, %while3A_327 = %while3A_281, %while3A_328 = %select_n3A_139) -> (vector<16xf32>, vector<16xf32>, vector<16xf32>, vector<16xf32>, vector<16xf32>, vector<16xf32>, vector<16xf32>, vector<16xf32>, i32, i32, i32)  : i32 {
      %mul3A_329 = arith.constant 2 : i32
      %mul3A_330 = arith.muli %mul3A_329, %while3A_317 : i32
      %add3A_331 = arith.constant 1 : i32
      %add3A_332 = arith.addi %mul3A_330, %add3A_331 : i32
      %mul3A_333 = arith.constant 256 : i32
      %mul3A_334 = arith.muli %add3A_332, %mul3A_333 : i32
      %add3A_335 = arith.addi %mul3A_207, %mul3A_334 : i32
      %min3A_336 = arith.constant 319744 : i32
      %min3A_337 = arith.minsi %add3A_335, %min3A_336 : i32
      %multiple_of3A_338 = tpu.assume_multiple %min3A_337, 8 : i32
      %dma_start3A_339 = arith.constant 0 : i32
      %dma_start3A_340 = tpu.memref_slice %arg2[%multiple_of3A_338, %dma_start3A_339] : memref<320000x128xf32, #tpu.memory_space<hbm>> -> memref<256x128xf32, #tpu.memory_space<hbm>>
      %dma_start3A_341 = arith.constant 0 : i32
      %dma_start3A_342 = tpu.memref_slice %arg2[%multiple_of3A_338, %dma_start3A_341] : memref<320000x128xf32, #tpu.memory_space<hbm>> -> memref<256x128xf32, #tpu.memory_space<hbm>>
      tpu.enqueue_dma source(%dma_start3A_342 : memref<256x128xf32, #tpu.memory_space<hbm>>) target(%arg7 : memref<256x128xf32, #tpu.memory_space<vmem>>) target_semaphore(%arg15 : memref<!tpu.dma_semaphore, #tpu.memory_space<semaphore_mem>>)
      %dma_start3A_343 = arith.constant 0 : i32
      %dma_start3A_344 = tpu.memref_slice %arg8[%dma_start3A_343] : memref<272xi32, #tpu.memory_space<vmem>> -> memref<256xi32, #tpu.memory_space<vmem>>
      %dma_start3A_345 = tpu.memref_slice %arg3[%multiple_of3A_338] : memref<320000xi32, #tpu.memory_space<hbm>> -> memref<256xi32, #tpu.memory_space<hbm>>
      %dma_start3A_346 = arith.constant 0 : i32
      %dma_start3A_347 = tpu.memref_slice %arg8[%dma_start3A_346] : memref<272xi32, #tpu.memory_space<vmem>> -> memref<256xi32, #tpu.memory_space<vmem>>
      %dma_start3A_348 = tpu.memref_slice %arg3[%multiple_of3A_338] : memref<320000xi32, #tpu.memory_space<hbm>> -> memref<256xi32, #tpu.memory_space<hbm>>
      tpu.enqueue_dma source(%dma_start3A_348 : memref<256xi32, #tpu.memory_space<hbm>>) target(%dma_start3A_347 : memref<256xi32, #tpu.memory_space<vmem>>) target_semaphore(%arg16 : memref<!tpu.dma_semaphore, #tpu.memory_space<semaphore_mem>>)
      %mul3A_349 = arith.constant 256 : i32
      %mul3A_350 = arith.muli %mul3A_330, %mul3A_349 : i32
      %add3A_351 = arith.addi %mul3A_207, %mul3A_350 : i32
      %min3A_352 = arith.constant 319744 : i32
      %min3A_353 = arith.minsi %add3A_351, %min3A_352 : i32
      %multiple_of3A_354 = tpu.assume_multiple %min3A_353, 8 : i32
      %dma_wait3A_355 = arith.constant 0 : i32
      %dma_wait3A_356 = tpu.memref_slice %arg2[%multiple_of3A_354, %dma_wait3A_355] : memref<320000x128xf32, #tpu.memory_space<hbm>> -> memref<256x128xf32, #tpu.memory_space<hbm>>
      %dma_wait3A_357 = arith.constant 0 : i32
      %dma_wait3A_358 = tpu.memref_slice %arg2[%multiple_of3A_354, %dma_wait3A_357] : memref<320000x128xf32, #tpu.memory_space<hbm>> -> memref<256x128xf32, #tpu.memory_space<hbm>>
      tpu.wait_dma2 semaphore(%arg13 : memref<!tpu.dma_semaphore, #tpu.memory_space<semaphore_mem>>) src(%dma_wait3A_358 : memref<256x128xf32, #tpu.memory_space<hbm>>) dst(%arg5 : memref<256x128xf32, #tpu.memory_space<vmem>>)
      %dma_wait3A_359 = arith.constant 0 : i32
      %dma_wait3A_360 = tpu.memref_slice %arg6[%dma_wait3A_359] : memref<272xi32, #tpu.memory_space<vmem>> -> memref<256xi32, #tpu.memory_space<vmem>>
      %dma_wait3A_361 = tpu.memref_slice %arg3[%multiple_of3A_354] : memref<320000xi32, #tpu.memory_space<hbm>> -> memref<256xi32, #tpu.memory_space<hbm>>
      %dma_wait3A_362 = arith.constant 0 : i32
      %dma_wait3A_363 = tpu.memref_slice %arg6[%dma_wait3A_362] : memref<272xi32, #tpu.memory_space<vmem>> -> memref<256xi32, #tpu.memory_space<vmem>>
      %dma_wait3A_364 = tpu.memref_slice %arg3[%multiple_of3A_354] : memref<320000xi32, #tpu.memory_space<hbm>> -> memref<256xi32, #tpu.memory_space<hbm>>
      tpu.wait_dma2 semaphore(%arg14 : memref<!tpu.dma_semaphore, #tpu.memory_space<semaphore_mem>>) src(%dma_wait3A_364 : memref<256xi32, #tpu.memory_space<hbm>>) dst(%dma_wait3A_363 : memref<256xi32, #tpu.memory_space<vmem>>)
      %mul3A_365 = arith.constant 256 : i32
      %mul3A_366 = arith.muli %mul3A_330, %mul3A_365 : i32
      %add3A_367 = arith.addi %mul3A_207, %mul3A_366 : i32
      %mul3A_368 = arith.constant 256 : i32
      %mul3A_369 = arith.muli %mul3A_330, %mul3A_368 : i32
      %add3A_370 = arith.addi %mul3A_207, %mul3A_369 : i32
      %min3A_371 = arith.constant 319744 : i32
      %min3A_372 = arith.minsi %add3A_370, %min3A_371 : i32
      %multiple_of3A_373 = tpu.assume_multiple %min3A_372, 8 : i32
      %sub3A_374 = arith.subi %select_n3A_50, %multiple_of3A_373 : i32
      %sub3A_375 = arith.subi %add3A_367, %multiple_of3A_373 : i32
      %max3A = arith.maxsi %sub3A_374, %sub3A_375 : i32
      %sub3A_376 = arith.subi %select_n3A_100, %multiple_of3A_373 : i32
      %min3A_377 = arith.constant 256 : i32
      %min3A_378 = arith.minsi %sub3A_376, %min3A_377 : i32
      %scan3A_379 = arith.constant 0 : i32
      %scan3A_380 = arith.constant 0 : i32
      %scan3A_381 = arith.constant 16 : i32
      %scan3A_382 = arith.addi %scan3A_380, %scan3A_381 : i32
      %scan3A_383 = arith.constant 1 : i32
      %scan3A_384 = scf.for %scan3A_474 = %scan3A_380 to %scan3A_382 step %scan3A_383 iter_args(%scan3A_475 = %scan3A_379) -> (i32)  : i32 {
        %mul3A_476 = arith.constant 16 : i32
        %mul3A_477 = arith.muli %scan3A_474, %mul3A_476 : i32
        %get3A_478 = arith.index_cast %mul3A_477 : i32 to index
        %get3A_479 = tpu.vector_load %arg6[%get3A_478] {strides = array<i32>} : memref<272xi32, #tpu.memory_space<vmem>>, vector<16xi32>,
        %mul3A_480 = arith.constant 16 : i32
        %mul3A_481 = arith.muli %scan3A_474, %mul3A_480 : i32
        %add3A_482 = arith.constant 1 : i32
        %add3A_483 = arith.addi %mul3A_481, %add3A_482 : i32
        %get3A_484 = arith.index_cast %add3A_483 : i32 to index
        %get3A_485 = tpu.vector_load %arg6[%get3A_484] {strides = array<i32>} : memref<272xi32, #tpu.memory_space<vmem>>, vector<16xi32>,
        %ne3A_486 = arith.cmpi ne, %get3A_479, %get3A_485 : vector<16xi32>
        %iota3A_487 = tpu.iota {dimensions = array<i32: 0>} : vector<16xi32>
        %mul3A_488 = arith.constant 16 : i32
        %mul3A_489 = arith.muli %scan3A_474, %mul3A_488 : i32
        %add3A_490 = arith.constant 1 : i32
        %add3A_491 = arith.addi %mul3A_489, %add3A_490 : i32
        %add3A_492 = vector.broadcast %add3A_491 : i32 to vector<16xi32>
        %add3A_493 = arith.addi %iota3A_487, %add3A_492 : vector<16xi32>
        %swap3A = arith.index_cast %scan3A_475 : i32 to index
        %swap3A_494 = tpu.vector_load %arg12[%swap3A] masked %ne3A_486 {strides = array<i32>} : memref<288xi32, #tpu.memory_space<vmem>>, vector<16xi32>, vector<16xi1>
        tpu.vector_store %arg12[%swap3A], %add3A_493 masked %ne3A_486 {strides = array<i32>} : memref<288xi32, #tpu.memory_space<vmem>>, vector<16xi32>, vector<16xi1>
        %all_reduce_population_count3A = tpu.all_reduce %ne3A_486 {dim = 0 : i64, kind = #tpu.reduction_kind<sum>} : vector<16xi1> -> vector<16xi32>
        %slice3A_495 = vector.extract_strided_slice %all_reduce_population_count3A {offsets = [0], sizes = [1], strides = [1]} : vector<16xi32> to vector<1xi32>
        %squeeze3A_496 = vector.extract %slice3A_495[0] : i32 from vector<1xi32>
        %add3A_497 = arith.addi %scan3A_475, %squeeze3A_496 : i32
        scf.yield %add3A_497 : i32
      }
      %scan3A_385 = arith.constant 16 : i32
      %add3A_386 = arith.constant 1 : i32
      %add3A_387 = arith.addi %scan3A_384, %add3A_386 : i32
      %while3A_388 = arith.constant 0 : i32
      %while3A_389 = arith.constant 0 : i32
      %while3A_390 = arith.subi %add3A_387, %while3A_388 : i32
      %while3A_391 = arith.addi %while3A_388, %while3A_390 : i32
      %while3A_392 = arith.constant 1 : i32
      %while3A_393 = arith.divsi %while3A_390, %while3A_392 : i32
      %while3A_394 = arith.muli %while3A_393, %while3A_392 : i32
      %while3A_395 = arith.addi %while3A_388, %while3A_394 : i32
      %while3A_396 = arith.constant 1 : i32
      %while3A_397:12 = scf.for %while3A_474 = %while3A_388 to %while3A_395 step %while3A_396 iter_args(%while3A_475 = %while3A_318, %while3A_476 = %while3A_319, %while3A_477 = %while3A_320, %while3A_478 = %while3A_321, %while3A_479 = %while3A_322, %while3A_480 = %while3A_323, %while3A_481 = %while3A_324, %while3A_482 = %while3A_325, %while3A_483 = %while3A_326, %while3A_484 = %while3A_327, %while3A_485 = %while3A_328, %while3A_486 = %while3A_389) -> (vector<16xf32>, vector<16xf32>, vector<16xf32>, vector<16xf32>, vector<16xf32>, vector<16xf32>, vector<16xf32>, vector<16xf32>, i32, i32, i32, i32)  : i32 {
        %lt3A_487 = arith.cmpi slt, %while3A_474, %scan3A_384 : i32
        %get3A_488 = arith.index_cast %while3A_474 : i32 to index
        %get3A_489 = tpu.vector_load %arg12[%get3A_488] {strides = array<i32>} : memref<288xi32, #tpu.memory_space<vmem>>, vector<16xi32>,
        %slice3A_490 = vector.extract_strided_slice %get3A_489 {offsets = [0], sizes = [1], strides = [1]} : vector<16xi32> to vector<1xi32>
        %squeeze3A_491 = vector.extract %slice3A_490[0] : i32 from vector<1xi32>
        %select_n3A_492 = arith.select %lt3A_487, %squeeze3A_491, %min3A_378 : i32
        %max3A_493 = arith.maxsi %while3A_486, %max3A : i32
        %min3A_494 = arith.minsi %select_n3A_492, %min3A_378 : i32
        %gt3A = arith.cmpi sgt, %min3A_494, %max3A_493 : i32
        %convert_element_type3A_495 = arith.extui %gt3A : i1 to i32
        %cond3A_496 = arith.constant 0 : i32
        %cond3A_497 = arith.cmpi ne, %convert_element_type3A_495, %cond3A_496 : i32
        %cond3A_498:11 = scf.if %cond3A_497 -> (vector<16xf32>, vector<16xf32>, vector<16xf32>, vector<16xf32>, vector<16xf32>, vector<16xf32>, vector<16xf32>, vector<16xf32>, i32, i32, i32) {
          %get3A_499 = arith.index_cast %max3A_493 : i32 to index
          %get3A_500 = tpu.vector_load %arg6[%get3A_499] {strides = array<i32>} : memref<272xi32, #tpu.memory_space<vmem>>, vector<16xi32>,
          %slice3A_501 = vector.extract_strided_slice %get3A_500 {offsets = [0], sizes = [1], strides = [1]} : vector<16xi32> to vector<1xi32>
          %squeeze3A_502 = vector.extract %slice3A_501[0] : i32 from vector<1xi32>
          %while3A_503 = arith.subi %min3A_494, %max3A_493 : i32
          %while3A_504 = arith.addi %max3A_493, %while3A_503 : i32
          %while3A_505 = arith.constant 1 : i32
          %while3A_506 = arith.divsi %while3A_503, %while3A_505 : i32
          %while3A_507 = arith.muli %while3A_506, %while3A_505 : i32
          %while3A_508 = arith.addi %max3A_493, %while3A_507 : i32
          %while3A_509 = arith.constant 1 : i32
          %while3A_510:8 = scf.for %while3A_518 = %max3A_493 to %while3A_508 step %while3A_509 iter_args(%while3A_519 = %broadcast_in_dim3A_1, %while3A_520 = %broadcast_in_dim3A_1, %while3A_521 = %broadcast_in_dim3A_1, %while3A_522 = %broadcast_in_dim3A_1, %while3A_523 = %broadcast_in_dim3A_1, %while3A_524 = %broadcast_in_dim3A_1, %while3A_525 = %broadcast_in_dim3A_1, %while3A_526 = %broadcast_in_dim3A_1) -> (vector<16xf32>, vector<16xf32>, vector<16xf32>, vector<16xf32>, vector<16xf32>, vector<16xf32>, vector<16xf32>, vector<16xf32>)  : i32 {
            %get3A_527 = arith.index_cast %while3A_518 : i32 to index
            %get3A_528 = arith.constant 0 : index
            %get3A_529 = tpu.vector_load %arg5[%get3A_527, %get3A_528] {strides = array<i32>} : memref<256x128xf32, #tpu.memory_space<vmem>>, vector<16xf32>,
            %mul3A_530 = arith.constant 1.000000e+02 : f32
            %mul3A_531 = vector.broadcast %mul3A_530 : f32 to vector<16xf32>
            %mul3A_532 = arith.mulf %get3A_529, %mul3A_531 : vector<16xf32>
            %sub3A_533 = arith.constant 44.3614197 : f32
            %sub3A_534 = vector.broadcast %sub3A_533 : f32 to vector<16xf32>
            %sub3A_535 = arith.subf %mul3A_532, %sub3A_534 : vector<16xf32>
            %exp3A = math.exp %sub3A_535 : vector<16xf32>
            %add3A_536 = arith.addf %while3A_519, %exp3A : vector<16xf32>
            %get3A_537 = arith.index_cast %while3A_518 : i32 to index
            %get3A_538 = arith.constant 16 : index
            %get3A_539 = tpu.vector_load %arg5[%get3A_537, %get3A_538] {strides = array<i32>} : memref<256x128xf32, #tpu.memory_space<vmem>>, vector<16xf32>,
            %mul3A_540 = arith.constant 1.000000e+02 : f32
            %mul3A_541 = vector.broadcast %mul3A_540 : f32 to vector<16xf32>
            %mul3A_542 = arith.mulf %get3A_539, %mul3A_541 : vector<16xf32>
            %sub3A_543 = arith.constant 44.3614197 : f32
            %sub3A_544 = vector.broadcast %sub3A_543 : f32 to vector<16xf32>
            %sub3A_545 = arith.subf %mul3A_542, %sub3A_544 : vector<16xf32>
            %exp3A_546 = math.exp %sub3A_545 : vector<16xf32>
            %add3A_547 = arith.addf %while3A_520, %exp3A_546 : vector<16xf32>
            %get3A_548 = arith.index_cast %while3A_518 : i32 to index
            %get3A_549 = arith.constant 32 : index
            %get3A_550 = tpu.vector_load %arg5[%get3A_548, %get3A_549] {strides = array<i32>} : memref<256x128xf32, #tpu.memory_space<vmem>>, vector<16xf32>,
            %mul3A_551 = arith.constant 1.000000e+02 : f32
            %mul3A_552 = vector.broadcast %mul3A_551 : f32 to vector<16xf32>
            %mul3A_553 = arith.mulf %get3A_550, %mul3A_552 : vector<16xf32>
            %sub3A_554 = arith.constant 44.3614197 : f32
            %sub3A_555 = vector.broadcast %sub3A_554 : f32 to vector<16xf32>
            %sub3A_556 = arith.subf %mul3A_553, %sub3A_555 : vector<16xf32>
            %exp3A_557 = math.exp %sub3A_556 : vector<16xf32>
            %add3A_558 = arith.addf %while3A_521, %exp3A_557 : vector<16xf32>
            %get3A_559 = arith.index_cast %while3A_518 : i32 to index
            %get3A_560 = arith.constant 48 : index
            %get3A_561 = tpu.vector_load %arg5[%get3A_559, %get3A_560] {strides = array<i32>} : memref<256x128xf32, #tpu.memory_space<vmem>>, vector<16xf32>,
            %mul3A_562 = arith.constant 1.000000e+02 : f32
            %mul3A_563 = vector.broadcast %mul3A_562 : f32 to vector<16xf32>
            %mul3A_564 = arith.mulf %get3A_561, %mul3A_563 : vector<16xf32>
            %sub3A_565 = arith.constant 44.3614197 : f32
            %sub3A_566 = vector.broadcast %sub3A_565 : f32 to vector<16xf32>
            %sub3A_567 = arith.subf %mul3A_564, %sub3A_566 : vector<16xf32>
            %exp3A_568 = math.exp %sub3A_567 : vector<16xf32>
            %add3A_569 = arith.addf %while3A_522, %exp3A_568 : vector<16xf32>
            %get3A_570 = arith.index_cast %while3A_518 : i32 to index
            %get3A_571 = arith.constant 64 : index
            %get3A_572 = tpu.vector_load %arg5[%get3A_570, %get3A_571] {strides = array<i32>} : memref<256x128xf32, #tpu.memory_space<vmem>>, vector<16xf32>,
            %mul3A_573 = arith.constant 1.000000e+02 : f32
            %mul3A_574 = vector.broadcast %mul3A_573 : f32 to vector<16xf32>
            %mul3A_575 = arith.mulf %get3A_572, %mul3A_574 : vector<16xf32>
            %sub3A_576 = arith.constant 44.3614197 : f32
            %sub3A_577 = vector.broadcast %sub3A_576 : f32 to vector<16xf32>
            %sub3A_578 = arith.subf %mul3A_575, %sub3A_577 : vector<16xf32>
            %exp3A_579 = math.exp %sub3A_578 : vector<16xf32>
            %add3A_580 = arith.addf %while3A_523, %exp3A_579 : vector<16xf32>
            %get3A_581 = arith.index_cast %while3A_518 : i32 to index
            %get3A_582 = arith.constant 80 : index
            %get3A_583 = tpu.vector_load %arg5[%get3A_581, %get3A_582] {strides = array<i32>} : memref<256x128xf32, #tpu.memory_space<vmem>>, vector<16xf32>,
            %mul3A_584 = arith.constant 1.000000e+02 : f32
            %mul3A_585 = vector.broadcast %mul3A_584 : f32 to vector<16xf32>
            %mul3A_586 = arith.mulf %get3A_583, %mul3A_585 : vector<16xf32>
            %sub3A_587 = arith.constant 44.3614197 : f32
            %sub3A_588 = vector.broadcast %sub3A_587 : f32 to vector<16xf32>
            %sub3A_589 = arith.subf %mul3A_586, %sub3A_588 : vector<16xf32>
            %exp3A_590 = math.exp %sub3A_589 : vector<16xf32>
            %add3A_591 = arith.addf %while3A_524, %exp3A_590 : vector<16xf32>
            %get3A_592 = arith.index_cast %while3A_518 : i32 to index
            %get3A_593 = arith.constant 96 : index
            %get3A_594 = tpu.vector_load %arg5[%get3A_592, %get3A_593] {strides = array<i32>} : memref<256x128xf32, #tpu.memory_space<vmem>>, vector<16xf32>,
            %mul3A_595 = arith.constant 1.000000e+02 : f32
            %mul3A_596 = vector.broadcast %mul3A_595 : f32 to vector<16xf32>
            %mul3A_597 = arith.mulf %get3A_594, %mul3A_596 : vector<16xf32>
            %sub3A_598 = arith.constant 44.3614197 : f32
            %sub3A_599 = vector.broadcast %sub3A_598 : f32 to vector<16xf32>
            %sub3A_600 = arith.subf %mul3A_597, %sub3A_599 : vector<16xf32>
            %exp3A_601 = math.exp %sub3A_600 : vector<16xf32>
            %add3A_602 = arith.addf %while3A_525, %exp3A_601 : vector<16xf32>
            %get3A_603 = arith.index_cast %while3A_518 : i32 to index
            %get3A_604 = arith.constant 112 : index
            %get3A_605 = tpu.vector_load %arg5[%get3A_603, %get3A_604] {strides = array<i32>} : memref<256x128xf32, #tpu.memory_space<vmem>>, vector<16xf32>,
            %mul3A_606 = arith.constant 1.000000e+02 : f32
            %mul3A_607 = vector.broadcast %mul3A_606 : f32 to vector<16xf32>
            %mul3A_608 = arith.mulf %get3A_605, %mul3A_607 : vector<16xf32>
            %sub3A_609 = arith.constant 44.3614197 : f32
            %sub3A_610 = vector.broadcast %sub3A_609 : f32 to vector<16xf32>
            %sub3A_611 = arith.subf %mul3A_608, %sub3A_610 : vector<16xf32>
            %exp3A_612 = math.exp %sub3A_611 : vector<16xf32>
            %add3A_613 = arith.addf %while3A_526, %exp3A_612 : vector<16xf32>
            scf.yield %add3A_536, %add3A_547, %add3A_558, %add3A_569, %add3A_580, %add3A_591, %add3A_602, %add3A_613 : vector<16xf32>, vector<16xf32>, vector<16xf32>, vector<16xf32>, vector<16xf32>, vector<16xf32>, vector<16xf32>, vector<16xf32>
          }
          %while3A_511 = arith.constant 1 : i32
          %while3A_512:8 = scf.for %while3A_518 = %while3A_508 to %while3A_504 step %while3A_511 iter_args(%while3A_519 = %while3A_510#0, %while3A_520 = %while3A_510#1, %while3A_521 = %while3A_510#2, %while3A_522 = %while3A_510#3, %while3A_523 = %while3A_510#4, %while3A_524 = %while3A_510#5, %while3A_525 = %while3A_510#6, %while3A_526 = %while3A_510#7) -> (vector<16xf32>, vector<16xf32>, vector<16xf32>, vector<16xf32>, vector<16xf32>, vector<16xf32>, vector<16xf32>, vector<16xf32>)  : i32 {
            %get3A_527 = arith.index_cast %while3A_518 : i32 to index
            %get3A_528 = arith.constant 0 : index
            %get3A_529 = tpu.vector_load %arg5[%get3A_527, %get3A_528] {strides = array<i32>} : memref<256x128xf32, #tpu.memory_space<vmem>>, vector<16xf32>,
            %mul3A_530 = arith.constant 1.000000e+02 : f32
            %mul3A_531 = vector.broadcast %mul3A_530 : f32 to vector<16xf32>
            %mul3A_532 = arith.mulf %get3A_529, %mul3A_531 : vector<16xf32>
            %sub3A_533 = arith.constant 44.3614197 : f32
            %sub3A_534 = vector.broadcast %sub3A_533 : f32 to vector<16xf32>
            %sub3A_535 = arith.subf %mul3A_532, %sub3A_534 : vector<16xf32>
            %exp3A = math.exp %sub3A_535 : vector<16xf32>
            %add3A_536 = arith.addf %while3A_519, %exp3A : vector<16xf32>
            %get3A_537 = arith.index_cast %while3A_518 : i32 to index
            %get3A_538 = arith.constant 16 : index
            %get3A_539 = tpu.vector_load %arg5[%get3A_537, %get3A_538] {strides = array<i32>} : memref<256x128xf32, #tpu.memory_space<vmem>>, vector<16xf32>,
            %mul3A_540 = arith.constant 1.000000e+02 : f32
            %mul3A_541 = vector.broadcast %mul3A_540 : f32 to vector<16xf32>
            %mul3A_542 = arith.mulf %get3A_539, %mul3A_541 : vector<16xf32>
            %sub3A_543 = arith.constant 44.3614197 : f32
            %sub3A_544 = vector.broadcast %sub3A_543 : f32 to vector<16xf32>
            %sub3A_545 = arith.subf %mul3A_542, %sub3A_544 : vector<16xf32>
            %exp3A_546 = math.exp %sub3A_545 : vector<16xf32>
            %add3A_547 = arith.addf %while3A_520, %exp3A_546 : vector<16xf32>
            %get3A_548 = arith.index_cast %while3A_518 : i32 to index
            %get3A_549 = arith.constant 32 : index
            %get3A_550 = tpu.vector_load %arg5[%get3A_548, %get3A_549] {strides = array<i32>} : memref<256x128xf32, #tpu.memory_space<vmem>>, vector<16xf32>,
            %mul3A_551 = arith.constant 1.000000e+02 : f32
            %mul3A_552 = vector.broadcast %mul3A_551 : f32 to vector<16xf32>
            %mul3A_553 = arith.mulf %get3A_550, %mul3A_552 : vector<16xf32>
            %sub3A_554 = arith.constant 44.3614197 : f32
            %sub3A_555 = vector.broadcast %sub3A_554 : f32 to vector<16xf32>
            %sub3A_556 = arith.subf %mul3A_553, %sub3A_555 : vector<16xf32>
            %exp3A_557 = math.exp %sub3A_556 : vector<16xf32>
            %add3A_558 = arith.addf %while3A_521, %exp3A_557 : vector<16xf32>
            %get3A_559 = arith.index_cast %while3A_518 : i32 to index
            %get3A_560 = arith.constant 48 : index
            %get3A_561 = tpu.vector_load %arg5[%get3A_559, %get3A_560] {strides = array<i32>} : memref<256x128xf32, #tpu.memory_space<vmem>>, vector<16xf32>,
            %mul3A_562 = arith.constant 1.000000e+02 : f32
            %mul3A_563 = vector.broadcast %mul3A_562 : f32 to vector<16xf32>
            %mul3A_564 = arith.mulf %get3A_561, %mul3A_563 : vector<16xf32>
            %sub3A_565 = arith.constant 44.3614197 : f32
            %sub3A_566 = vector.broadcast %sub3A_565 : f32 to vector<16xf32>
            %sub3A_567 = arith.subf %mul3A_564, %sub3A_566 : vector<16xf32>
            %exp3A_568 = math.exp %sub3A_567 : vector<16xf32>
            %add3A_569 = arith.addf %while3A_522, %exp3A_568 : vector<16xf32>
            %get3A_570 = arith.index_cast %while3A_518 : i32 to index
            %get3A_571 = arith.constant 64 : index
            %get3A_572 = tpu.vector_load %arg5[%get3A_570, %get3A_571] {strides = array<i32>} : memref<256x128xf32, #tpu.memory_space<vmem>>, vector<16xf32>,
            %mul3A_573 = arith.constant 1.000000e+02 : f32
            %mul3A_574 = vector.broadcast %mul3A_573 : f32 to vector<16xf32>
            %mul3A_575 = arith.mulf %get3A_572, %mul3A_574 : vector<16xf32>
            %sub3A_576 = arith.constant 44.3614197 : f32
            %sub3A_577 = vector.broadcast %sub3A_576 : f32 to vector<16xf32>
            %sub3A_578 = arith.subf %mul3A_575, %sub3A_577 : vector<16xf32>
            %exp3A_579 = math.exp %sub3A_578 : vector<16xf32>
            %add3A_580 = arith.addf %while3A_523, %exp3A_579 : vector<16xf32>
            %get3A_581 = arith.index_cast %while3A_518 : i32 to index
            %get3A_582 = arith.constant 80 : index
            %get3A_583 = tpu.vector_load %arg5[%get3A_581, %get3A_582] {strides = array<i32>} : memref<256x128xf32, #tpu.memory_space<vmem>>, vector<16xf32>,
            %mul3A_584 = arith.constant 1.000000e+02 : f32
            %mul3A_585 = vector.broadcast %mul3A_584 : f32 to vector<16xf32>
            %mul3A_586 = arith.mulf %get3A_583, %mul3A_585 : vector<16xf32>
            %sub3A_587 = arith.constant 44.3614197 : f32
            %sub3A_588 = vector.broadcast %sub3A_587 : f32 to vector<16xf32>
            %sub3A_589 = arith.subf %mul3A_586, %sub3A_588 : vector<16xf32>
            %exp3A_590 = math.exp %sub3A_589 : vector<16xf32>
            %add3A_591 = arith.addf %while3A_524, %exp3A_590 : vector<16xf32>
            %get3A_592 = arith.index_cast %while3A_518 : i32 to index
            %get3A_593 = arith.constant 96 : index
            %get3A_594 = tpu.vector_load %arg5[%get3A_592, %get3A_593] {strides = array<i32>} : memref<256x128xf32, #tpu.memory_space<vmem>>, vector<16xf32>,
            %mul3A_595 = arith.constant 1.000000e+02 : f32
            %mul3A_596 = vector.broadcast %mul3A_595 : f32 to vector<16xf32>
            %mul3A_597 = arith.mulf %get3A_594, %mul3A_596 : vector<16xf32>
            %sub3A_598 = arith.constant 44.3614197 : f32
            %sub3A_599 = vector.broadcast %sub3A_598 : f32 to vector<16xf32>
            %sub3A_600 = arith.subf %mul3A_597, %sub3A_599 : vector<16xf32>
            %exp3A_601 = math.exp %sub3A_600 : vector<16xf32>
            %add3A_602 = arith.addf %while3A_525, %exp3A_601 : vector<16xf32>
            %get3A_603 = arith.index_cast %while3A_518 : i32 to index
            %get3A_604 = arith.constant 112 : index
            %get3A_605 = tpu.vector_load %arg5[%get3A_603, %get3A_604] {strides = array<i32>} : memref<256x128xf32, #tpu.memory_space<vmem>>, vector<16xf32>,
            %mul3A_606 = arith.constant 1.000000e+02 : f32
            %mul3A_607 = vector.broadcast %mul3A_606 : f32 to vector<16xf32>
            %mul3A_608 = arith.mulf %get3A_605, %mul3A_607 : vector<16xf32>
            %sub3A_609 = arith.constant 44.3614197 : f32
            %sub3A_610 = vector.broadcast %sub3A_609 : f32 to vector<16xf32>
            %sub3A_611 = arith.subf %mul3A_608, %sub3A_610 : vector<16xf32>
            %exp3A_612 = math.exp %sub3A_611 : vector<16xf32>
            %add3A_613 = arith.addf %while3A_526, %exp3A_612 : vector<16xf32>
            scf.yield %add3A_536, %add3A_547, %add3A_558, %add3A_569, %add3A_580, %add3A_591, %add3A_602, %add3A_613 : vector<16xf32>, vector<16xf32>, vector<16xf32>, vector<16xf32>, vector<16xf32>, vector<16xf32>, vector<16xf32>, vector<16xf32>
          }
          %eq3A_513 = arith.cmpi eq, %squeeze3A_502, %while3A_483 : i32
          %convert_element_type3A_514 = arith.extui %eq3A_513 : i1 to i32
          %cond3A_515 = arith.constant 0 : i32
          %cond3A_516 = arith.cmpi ne, %convert_element_type3A_514, %cond3A_515 : i32
          %cond3A_517:10 = scf.if %cond3A_516 -> (vector<16xf32>, vector<16xf32>, vector<16xf32>, vector<16xf32>, vector<16xf32>, vector<16xf32>, vector<16xf32>, vector<16xf32>, i32, i32) {
            %add3A_518 = arith.addf %while3A_475, %while3A_512#0 : vector<16xf32>
            %add3A_519 = arith.addf %while3A_476, %while3A_512#1 : vector<16xf32>
            %add3A_520 = arith.addf %while3A_477, %while3A_512#2 : vector<16xf32>
            %add3A_521 = arith.addf %while3A_478, %while3A_512#3 : vector<16xf32>
            %add3A_522 = arith.addf %while3A_479, %while3A_512#4 : vector<16xf32>
            %add3A_523 = arith.addf %while3A_480, %while3A_512#5 : vector<16xf32>
            %add3A_524 = arith.addf %while3A_481, %while3A_512#6 : vector<16xf32>
            %add3A_525 = arith.addf %while3A_482, %while3A_512#7 : vector<16xf32>
            scf.yield %add3A_518, %add3A_519, %add3A_520, %add3A_521, %add3A_522, %add3A_523, %add3A_524, %add3A_525, %while3A_484, %while3A_485 : vector<16xf32>, vector<16xf32>, vector<16xf32>, vector<16xf32>, vector<16xf32>, vector<16xf32>, vector<16xf32>, vector<16xf32>, i32, i32
          } else {
            %ge3A_518 = arith.constant 0 : i32
            %ge3A_519 = arith.cmpi sge, %while3A_483, %ge3A_518 : i32
            %convert_element_type3A_520 = arith.extui %ge3A_519 : i1 to i32
            %cond3A_521 = arith.constant 0 : i32
            %cond3A_522 = arith.cmpi ne, %convert_element_type3A_520, %cond3A_521 : i32
            %cond3A_523:2 = scf.if %cond3A_522 -> (i32, i32) {
              %while3A_524:2 = scf.while (%while3A_580 = %while3A_484, %while3A_581 = %while3A_485) : (i32, i32) -> (i32, i32) {
                %add3A_582 = arith.addi %while3A_580, %while3A_581 : i32
                %lt3A_583 = arith.cmpi slt, %add3A_582, %while3A_483 : i32
                scf.condition(%lt3A_583) %while3A_580, %while3A_581 : i32, i32
              } do {
              ^bb0(%while3A_580: i32, %while3A_581: i32):
                %mul3A_582 = arith.constant 128 : i32
                %mul3A_583 = arith.muli %while3A_580, %mul3A_582 : i32
                %add3A_584 = arith.constant 0 : i32
                %add3A_585 = arith.addi %mul3A_583, %add3A_584 : i32
                %swap3A_586 = arith.index_cast %add3A_585 : i32 to index
                %swap3A_587 = tpu.vector_load %arg11[%swap3A_586] {strides = array<i32>} : memref<8192xf32, #tpu.memory_space<vmem>>, vector<16xf32>,
                tpu.vector_store %arg11[%swap3A_586], %broadcast_in_dim3A_1 {strides = array<i32>} : memref<8192xf32, #tpu.memory_space<vmem>>, vector<16xf32>,
                %mul3A_588 = arith.constant 128 : i32
                %mul3A_589 = arith.muli %while3A_580, %mul3A_588 : i32
                %add3A_590 = arith.constant 16 : i32
                %add3A_591 = arith.addi %mul3A_589, %add3A_590 : i32
                %swap3A_592 = arith.index_cast %add3A_591 : i32 to index
                %swap3A_593 = tpu.vector_load %arg11[%swap3A_592] {strides = array<i32>} : memref<8192xf32, #tpu.memory_space<vmem>>, vector<16xf32>,
                tpu.vector_store %arg11[%swap3A_592], %broadcast_in_dim3A_1 {strides = array<i32>} : memref<8192xf32, #tpu.memory_space<vmem>>, vector<16xf32>,
                %mul3A_594 = arith.constant 128 : i32
                %mul3A_595 = arith.muli %while3A_580, %mul3A_594 : i32
                %add3A_596 = arith.constant 32 : i32
                %add3A_597 = arith.addi %mul3A_595, %add3A_596 : i32
                %swap3A_598 = arith.index_cast %add3A_597 : i32 to index
                %swap3A_599 = tpu.vector_load %arg11[%swap3A_598] {strides = array<i32>} : memref<8192xf32, #tpu.memory_space<vmem>>, vector<16xf32>,
                tpu.vector_store %arg11[%swap3A_598], %broadcast_in_dim3A_1 {strides = array<i32>} : memref<8192xf32, #tpu.memory_space<vmem>>, vector<16xf32>,
                %mul3A_600 = arith.constant 128 : i32
                %mul3A_601 = arith.muli %while3A_580, %mul3A_600 : i32
                %add3A_602 = arith.constant 48 : i32
                %add3A_603 = arith.addi %mul3A_601, %add3A_602 : i32
                %swap3A_604 = arith.index_cast %add3A_603 : i32 to index
                %swap3A_605 = tpu.vector_load %arg11[%swap3A_604] {strides = array<i32>} : memref<8192xf32, #tpu.memory_space<vmem>>, vector<16xf32>,
                tpu.vector_store %arg11[%swap3A_604], %broadcast_in_dim3A_1 {strides = array<i32>} : memref<8192xf32, #tpu.memory_space<vmem>>, vector<16xf32>,
                %mul3A_606 = arith.constant 128 : i32
                %mul3A_607 = arith.muli %while3A_580, %mul3A_606 : i32
                %add3A_608 = arith.constant 64 : i32
                %add3A_609 = arith.addi %mul3A_607, %add3A_608 : i32
                %swap3A_610 = arith.index_cast %add3A_609 : i32 to index
                %swap3A_611 = tpu.vector_load %arg11[%swap3A_610] {strides = array<i32>} : memref<8192xf32, #tpu.memory_space<vmem>>, vector<16xf32>,
                tpu.vector_store %arg11[%swap3A_610], %broadcast_in_dim3A_1 {strides = array<i32>} : memref<8192xf32, #tpu.memory_space<vmem>>, vector<16xf32>,
                %mul3A_612 = arith.constant 128 : i32
                %mul3A_613 = arith.muli %while3A_580, %mul3A_612 : i32
                %add3A_614 = arith.constant 80 : i32
                %add3A_615 = arith.addi %mul3A_613, %add3A_614 : i32
                %swap3A_616 = arith.index_cast %add3A_615 : i32 to index
                %swap3A_617 = tpu.vector_load %arg11[%swap3A_616] {strides = array<i32>} : memref<8192xf32, #tpu.memory_space<vmem>>, vector<16xf32>,
                tpu.vector_store %arg11[%swap3A_616], %broadcast_in_dim3A_1 {strides = array<i32>} : memref<8192xf32, #tpu.memory_space<vmem>>, vector<16xf32>,
                %mul3A_618 = arith.constant 128 : i32
                %mul3A_619 = arith.muli %while3A_580, %mul3A_618 : i32
                %add3A_620 = arith.constant 96 : i32
                %add3A_621 = arith.addi %mul3A_619, %add3A_620 : i32
                %swap3A_622 = arith.index_cast %add3A_621 : i32 to index
                %swap3A_623 = tpu.vector_load %arg11[%swap3A_622] {strides = array<i32>} : memref<8192xf32, #tpu.memory_space<vmem>>, vector<16xf32>,
                tpu.vector_store %arg11[%swap3A_622], %broadcast_in_dim3A_1 {strides = array<i32>} : memref<8192xf32, #tpu.memory_space<vmem>>, vector<16xf32>,
                %mul3A_624 = arith.constant 128 : i32
                %mul3A_625 = arith.muli %while3A_580, %mul3A_624 : i32
                %add3A_626 = arith.constant 112 : i32
                %add3A_627 = arith.addi %mul3A_625, %add3A_626 : i32
                %swap3A_628 = arith.index_cast %add3A_627 : i32 to index
                %swap3A_629 = tpu.vector_load %arg11[%swap3A_628] {strides = array<i32>} : memref<8192xf32, #tpu.memory_space<vmem>>, vector<16xf32>,
                tpu.vector_store %arg11[%swap3A_628], %broadcast_in_dim3A_1 {strides = array<i32>} : memref<8192xf32, #tpu.memory_space<vmem>>, vector<16xf32>,
                %add3A_630 = arith.constant 1 : i32
                %add3A_631 = arith.addi %while3A_580, %add3A_630 : i32
                %eq3A_632 = arith.constant 64 : i32
                %eq3A_633 = arith.cmpi eq, %add3A_631, %eq3A_632 : i32
                %convert_element_type3A_634 = arith.extui %eq3A_633 : i1 to i32
                %cond3A_635 = arith.constant 0 : i32
                %cond3A_636 = arith.cmpi ne, %convert_element_type3A_634, %cond3A_635 : i32
                %cond3A_637:2 = scf.if %cond3A_636 -> (i32, i32) {
                  %mul3A_638 = arith.constant 128 : i32
                  %mul3A_639 = arith.muli %while3A_581, %mul3A_638 : i32
                  %multiple_of3A_640 = tpu.assume_multiple %mul3A_639, 8 : i32
                  "tpu.region"() ({
                    %run_scoped3A = tpu.sem_alloc : memref<!tpu.dma_semaphore, #tpu.memory_space<semaphore_mem>>
                    %dma_start3A_644 = tpu.memref_slice %arg4[%multiple_of3A_640] : memref<1280000xf32, #tpu.memory_space<hbm>> -> memref<8192xf32, #tpu.memory_space<hbm>>
                    %dma_start3A_645 = tpu.memref_slice %arg4[%multiple_of3A_640] : memref<1280000xf32, #tpu.memory_space<hbm>> -> memref<8192xf32, #tpu.memory_space<hbm>>
                    tpu.enqueue_dma source(%arg11 : memref<8192xf32, #tpu.memory_space<vmem>>) target(%dma_start3A_645 : memref<8192xf32, #tpu.memory_space<hbm>>) target_semaphore(%run_scoped3A : memref<!tpu.dma_semaphore, #tpu.memory_space<semaphore_mem>>)
                    %dma_wait3A_646 = tpu.memref_slice %arg4[%multiple_of3A_640] : memref<1280000xf32, #tpu.memory_space<hbm>> -> memref<8192xf32, #tpu.memory_space<hbm>>
                    %dma_wait3A_647 = tpu.memref_slice %arg4[%multiple_of3A_640] : memref<1280000xf32, #tpu.memory_space<hbm>> -> memref<8192xf32, #tpu.memory_space<hbm>>
                    tpu.wait_dma2 semaphore(%run_scoped3A : memref<!tpu.dma_semaphore, #tpu.memory_space<semaphore_mem>>) src(%arg11 : memref<8192xf32, #tpu.memory_space<vmem>>) dst(%dma_wait3A_647 : memref<8192xf32, #tpu.memory_space<hbm>>)
                    tpu.yield
                  }) : () -> ()
                  %add3A_641 = arith.constant 64 : i32
                  %add3A_642 = arith.addi %while3A_581, %add3A_641 : i32
                  %cond3A_643 = arith.constant 0 : i32
                  scf.yield %cond3A_643, %add3A_642 : i32, i32
                } else {
                  scf.yield %add3A_631, %while3A_581 : i32, i32
                }
                scf.yield %cond3A_637#0, %cond3A_637#1 : i32, i32
              }
              %mul3A_525 = arith.constant 128 : i32
              %mul3A_526 = arith.muli %while3A_524#0, %mul3A_525 : i32
              %add3A_527 = arith.constant 0 : i32
              %add3A_528 = arith.addi %mul3A_526, %add3A_527 : i32
              %swap3A = arith.index_cast %add3A_528 : i32 to index
              %swap3A_529 = tpu.vector_load %arg11[%swap3A] {strides = array<i32>} : memref<8192xf32, #tpu.memory_space<vmem>>, vector<16xf32>,
              tpu.vector_store %arg11[%swap3A], %while3A_475 {strides = array<i32>} : memref<8192xf32, #tpu.memory_space<vmem>>, vector<16xf32>,
              %mul3A_530 = arith.constant 128 : i32
              %mul3A_531 = arith.muli %while3A_524#0, %mul3A_530 : i32
              %add3A_532 = arith.constant 16 : i32
              %add3A_533 = arith.addi %mul3A_531, %add3A_532 : i32
              %swap3A_534 = arith.index_cast %add3A_533 : i32 to index
              %swap3A_535 = tpu.vector_load %arg11[%swap3A_534] {strides = array<i32>} : memref<8192xf32, #tpu.memory_space<vmem>>, vector<16xf32>,
              tpu.vector_store %arg11[%swap3A_534], %while3A_476 {strides = array<i32>} : memref<8192xf32, #tpu.memory_space<vmem>>, vector<16xf32>,
              %mul3A_536 = arith.constant 128 : i32
              %mul3A_537 = arith.muli %while3A_524#0, %mul3A_536 : i32
              %add3A_538 = arith.constant 32 : i32
              %add3A_539 = arith.addi %mul3A_537, %add3A_538 : i32
              %swap3A_540 = arith.index_cast %add3A_539 : i32 to index
              %swap3A_541 = tpu.vector_load %arg11[%swap3A_540] {strides = array<i32>} : memref<8192xf32, #tpu.memory_space<vmem>>, vector<16xf32>,
              tpu.vector_store %arg11[%swap3A_540], %while3A_477 {strides = array<i32>} : memref<8192xf32, #tpu.memory_space<vmem>>, vector<16xf32>,
              %mul3A_542 = arith.constant 128 : i32
              %mul3A_543 = arith.muli %while3A_524#0, %mul3A_542 : i32
              %add3A_544 = arith.constant 48 : i32
              %add3A_545 = arith.addi %mul3A_543, %add3A_544 : i32
              %swap3A_546 = arith.index_cast %add3A_545 : i32 to index
              %swap3A_547 = tpu.vector_load %arg11[%swap3A_546] {strides = array<i32>} : memref<8192xf32, #tpu.memory_space<vmem>>, vector<16xf32>,
              tpu.vector_store %arg11[%swap3A_546], %while3A_478 {strides = array<i32>} : memref<8192xf32, #tpu.memory_space<vmem>>, vector<16xf32>,
              %mul3A_548 = arith.constant 128 : i32
              %mul3A_549 = arith.muli %while3A_524#0, %mul3A_548 : i32
              %add3A_550 = arith.constant 64 : i32
              %add3A_551 = arith.addi %mul3A_549, %add3A_550 : i32
              %swap3A_552 = arith.index_cast %add3A_551 : i32 to index
              %swap3A_553 = tpu.vector_load %arg11[%swap3A_552] {strides = array<i32>} : memref<8192xf32, #tpu.memory_space<vmem>>, vector<16xf32>,
              tpu.vector_store %arg11[%swap3A_552], %while3A_479 {strides = array<i32>} : memref<8192xf32, #tpu.memory_space<vmem>>, vector<16xf32>,
              %mul3A_554 = arith.constant 128 : i32
              %mul3A_555 = arith.muli %while3A_524#0, %mul3A_554 : i32
              %add3A_556 = arith.constant 80 : i32
              %add3A_557 = arith.addi %mul3A_555, %add3A_556 : i32
              %swap3A_558 = arith.index_cast %add3A_557 : i32 to index
              %swap3A_559 = tpu.vector_load %arg11[%swap3A_558] {strides = array<i32>} : memref<8192xf32, #tpu.memory_space<vmem>>, vector<16xf32>,
              tpu.vector_store %arg11[%swap3A_558], %while3A_480 {strides = array<i32>} : memref<8192xf32, #tpu.memory_space<vmem>>, vector<16xf32>,
              %mul3A_560 = arith.constant 128 : i32
              %mul3A_561 = arith.muli %while3A_524#0, %mul3A_560 : i32
              %add3A_562 = arith.constant 96 : i32
              %add3A_563 = arith.addi %mul3A_561, %add3A_562 : i32
              %swap3A_564 = arith.index_cast %add3A_563 : i32 to index
              %swap3A_565 = tpu.vector_load %arg11[%swap3A_564] {strides = array<i32>} : memref<8192xf32, #tpu.memory_space<vmem>>, vector<16xf32>,
              tpu.vector_store %arg11[%swap3A_564], %while3A_481 {strides = array<i32>} : memref<8192xf32, #tpu.memory_space<vmem>>, vector<16xf32>,
              %mul3A_566 = arith.constant 128 : i32
              %mul3A_567 = arith.muli %while3A_524#0, %mul3A_566 : i32
              %add3A_568 = arith.constant 112 : i32
              %add3A_569 = arith.addi %mul3A_567, %add3A_568 : i32
              %swap3A_570 = arith.index_cast %add3A_569 : i32 to index
              %swap3A_571 = tpu.vector_load %arg11[%swap3A_570] {strides = array<i32>} : memref<8192xf32, #tpu.memory_space<vmem>>, vector<16xf32>,
              tpu.vector_store %arg11[%swap3A_570], %while3A_482 {strides = array<i32>} : memref<8192xf32, #tpu.memory_space<vmem>>, vector<16xf32>,
              %add3A_572 = arith.constant 1 : i32
              %add3A_573 = arith.addi %while3A_524#0, %add3A_572 : i32
              %eq3A_574 = arith.constant 64 : i32
              %eq3A_575 = arith.cmpi eq, %add3A_573, %eq3A_574 : i32
              %convert_element_type3A_576 = arith.extui %eq3A_575 : i1 to i32
              %cond3A_577 = arith.constant 0 : i32
              %cond3A_578 = arith.cmpi ne, %convert_element_type3A_576, %cond3A_577 : i32
              %cond3A_579:2 = scf.if %cond3A_578 -> (i32, i32) {
                %mul3A_580 = arith.constant 128 : i32
                %mul3A_581 = arith.muli %while3A_524#1, %mul3A_580 : i32
                %multiple_of3A_582 = tpu.assume_multiple %mul3A_581, 8 : i32
                "tpu.region"() ({
                  %run_scoped3A = tpu.sem_alloc : memref<!tpu.dma_semaphore, #tpu.memory_space<semaphore_mem>>
                  %dma_start3A_586 = tpu.memref_slice %arg4[%multiple_of3A_582] : memref<1280000xf32, #tpu.memory_space<hbm>> -> memref<8192xf32, #tpu.memory_space<hbm>>
                  %dma_start3A_587 = tpu.memref_slice %arg4[%multiple_of3A_582] : memref<1280000xf32, #tpu.memory_space<hbm>> -> memref<8192xf32, #tpu.memory_space<hbm>>
                  tpu.enqueue_dma source(%arg11 : memref<8192xf32, #tpu.memory_space<vmem>>) target(%dma_start3A_587 : memref<8192xf32, #tpu.memory_space<hbm>>) target_semaphore(%run_scoped3A : memref<!tpu.dma_semaphore, #tpu.memory_space<semaphore_mem>>)
                  %dma_wait3A_588 = tpu.memref_slice %arg4[%multiple_of3A_582] : memref<1280000xf32, #tpu.memory_space<hbm>> -> memref<8192xf32, #tpu.memory_space<hbm>>
                  %dma_wait3A_589 = tpu.memref_slice %arg4[%multiple_of3A_582] : memref<1280000xf32, #tpu.memory_space<hbm>> -> memref<8192xf32, #tpu.memory_space<hbm>>
                  tpu.wait_dma2 semaphore(%run_scoped3A : memref<!tpu.dma_semaphore, #tpu.memory_space<semaphore_mem>>) src(%arg11 : memref<8192xf32, #tpu.memory_space<vmem>>) dst(%dma_wait3A_589 : memref<8192xf32, #tpu.memory_space<hbm>>)
                  tpu.yield
                }) : () -> ()
                %add3A_583 = arith.constant 64 : i32
                %add3A_584 = arith.addi %while3A_524#1, %add3A_583 : i32
                %cond3A_585 = arith.constant 0 : i32
                scf.yield %cond3A_585, %add3A_584 : i32, i32
              } else {
                scf.yield %add3A_573, %while3A_524#1 : i32, i32
              }
              scf.yield %cond3A_579#0, %cond3A_579#1 : i32, i32
            } else {
              scf.yield %while3A_484, %while3A_485 : i32, i32
            }
            scf.yield %while3A_512#0, %while3A_512#1, %while3A_512#2, %while3A_512#3, %while3A_512#4, %while3A_512#5, %while3A_512#6, %while3A_512#7, %cond3A_523#0, %cond3A_523#1 : vector<16xf32>, vector<16xf32>, vector<16xf32>, vector<16xf32>, vector<16xf32>, vector<16xf32>, vector<16xf32>, vector<16xf32>, i32, i32
          }
          scf.yield %cond3A_517#0, %cond3A_517#1, %cond3A_517#2, %cond3A_517#3, %cond3A_517#4, %cond3A_517#5, %cond3A_517#6, %cond3A_517#7, %squeeze3A_502, %cond3A_517#8, %cond3A_517#9 : vector<16xf32>, vector<16xf32>, vector<16xf32>, vector<16xf32>, vector<16xf32>, vector<16xf32>, vector<16xf32>, vector<16xf32>, i32, i32, i32
        } else {
          scf.yield %while3A_475, %while3A_476, %while3A_477, %while3A_478, %while3A_479, %while3A_480, %while3A_481, %while3A_482, %while3A_483, %while3A_484, %while3A_485 : vector<16xf32>, vector<16xf32>, vector<16xf32>, vector<16xf32>, vector<16xf32>, vector<16xf32>, vector<16xf32>, vector<16xf32>, i32, i32, i32
        }
        scf.yield %cond3A_498#0, %cond3A_498#1, %cond3A_498#2, %cond3A_498#3, %cond3A_498#4, %cond3A_498#5, %cond3A_498#6, %cond3A_498#7, %cond3A_498#8, %cond3A_498#9, %cond3A_498#10, %select_n3A_492 : vector<16xf32>, vector<16xf32>, vector<16xf32>, vector<16xf32>, vector<16xf32>, vector<16xf32>, vector<16xf32>, vector<16xf32>, i32, i32, i32, i32
      }
      %while3A_398 = arith.constant 1 : i32
      %while3A_399:12 = scf.for %while3A_474 = %while3A_395 to %while3A_391 step %while3A_398 iter_args(%while3A_475 = %while3A_397#0, %while3A_476 = %while3A_397#1, %while3A_477 = %while3A_397#2, %while3A_478 = %while3A_397#3, %while3A_479 = %while3A_397#4, %while3A_480 = %while3A_397#5, %while3A_481 = %while3A_397#6, %while3A_482 = %while3A_397#7, %while3A_483 = %while3A_397#8, %while3A_484 = %while3A_397#9, %while3A_485 = %while3A_397#10, %while3A_486 = %while3A_397#11) -> (vector<16xf32>, vector<16xf32>, vector<16xf32>, vector<16xf32>, vector<16xf32>, vector<16xf32>, vector<16xf32>, vector<16xf32>, i32, i32, i32, i32)  : i32 {
        %lt3A_487 = arith.cmpi slt, %while3A_474, %scan3A_384 : i32
        %get3A_488 = arith.index_cast %while3A_474 : i32 to index
        %get3A_489 = tpu.vector_load %arg12[%get3A_488] {strides = array<i32>} : memref<288xi32, #tpu.memory_space<vmem>>, vector<16xi32>,
        %slice3A_490 = vector.extract_strided_slice %get3A_489 {offsets = [0], sizes = [1], strides = [1]} : vector<16xi32> to vector<1xi32>
        %squeeze3A_491 = vector.extract %slice3A_490[0] : i32 from vector<1xi32>
        %select_n3A_492 = arith.select %lt3A_487, %squeeze3A_491, %min3A_378 : i32
        %max3A_493 = arith.maxsi %while3A_486, %max3A : i32
        %min3A_494 = arith.minsi %select_n3A_492, %min3A_378 : i32
        %gt3A = arith.cmpi sgt, %min3A_494, %max3A_493 : i32
        %convert_element_type3A_495 = arith.extui %gt3A : i1 to i32
        %cond3A_496 = arith.constant 0 : i32
        %cond3A_497 = arith.cmpi ne, %convert_element_type3A_495, %cond3A_496 : i32
        %cond3A_498:11 = scf.if %cond3A_497 -> (vector<16xf32>, vector<16xf32>, vector<16xf32>, vector<16xf32>, vector<16xf32>, vector<16xf32>, vector<16xf32>, vector<16xf32>, i32, i32, i32) {
          %get3A_499 = arith.index_cast %max3A_493 : i32 to index
          %get3A_500 = tpu.vector_load %arg6[%get3A_499] {strides = array<i32>} : memref<272xi32, #tpu.memory_space<vmem>>, vector<16xi32>,
          %slice3A_501 = vector.extract_strided_slice %get3A_500 {offsets = [0], sizes = [1], strides = [1]} : vector<16xi32> to vector<1xi32>
          %squeeze3A_502 = vector.extract %slice3A_501[0] : i32 from vector<1xi32>
          %while3A_503 = arith.subi %min3A_494, %max3A_493 : i32
          %while3A_504 = arith.addi %max3A_493, %while3A_503 : i32
          %while3A_505 = arith.constant 1 : i32
          %while3A_506 = arith.divsi %while3A_503, %while3A_505 : i32
          %while3A_507 = arith.muli %while3A_506, %while3A_505 : i32
          %while3A_508 = arith.addi %max3A_493, %while3A_507 : i32
          %while3A_509 = arith.constant 1 : i32
          %while3A_510:8 = scf.for %while3A_518 = %max3A_493 to %while3A_508 step %while3A_509 iter_args(%while3A_519 = %broadcast_in_dim3A_1, %while3A_520 = %broadcast_in_dim3A_1, %while3A_521 = %broadcast_in_dim3A_1, %while3A_522 = %broadcast_in_dim3A_1, %while3A_523 = %broadcast_in_dim3A_1, %while3A_524 = %broadcast_in_dim3A_1, %while3A_525 = %broadcast_in_dim3A_1, %while3A_526 = %broadcast_in_dim3A_1) -> (vector<16xf32>, vector<16xf32>, vector<16xf32>, vector<16xf32>, vector<16xf32>, vector<16xf32>, vector<16xf32>, vector<16xf32>)  : i32 {
            %get3A_527 = arith.index_cast %while3A_518 : i32 to index
            %get3A_528 = arith.constant 0 : index
            %get3A_529 = tpu.vector_load %arg5[%get3A_527, %get3A_528] {strides = array<i32>} : memref<256x128xf32, #tpu.memory_space<vmem>>, vector<16xf32>,
            %mul3A_530 = arith.constant 1.000000e+02 : f32
            %mul3A_531 = vector.broadcast %mul3A_530 : f32 to vector<16xf32>
            %mul3A_532 = arith.mulf %get3A_529, %mul3A_531 : vector<16xf32>
            %sub3A_533 = arith.constant 44.3614197 : f32
            %sub3A_534 = vector.broadcast %sub3A_533 : f32 to vector<16xf32>
            %sub3A_535 = arith.subf %mul3A_532, %sub3A_534 : vector<16xf32>
            %exp3A = math.exp %sub3A_535 : vector<16xf32>
            %add3A_536 = arith.addf %while3A_519, %exp3A : vector<16xf32>
            %get3A_537 = arith.index_cast %while3A_518 : i32 to index
            %get3A_538 = arith.constant 16 : index
            %get3A_539 = tpu.vector_load %arg5[%get3A_537, %get3A_538] {strides = array<i32>} : memref<256x128xf32, #tpu.memory_space<vmem>>, vector<16xf32>,
            %mul3A_540 = arith.constant 1.000000e+02 : f32
            %mul3A_541 = vector.broadcast %mul3A_540 : f32 to vector<16xf32>
            %mul3A_542 = arith.mulf %get3A_539, %mul3A_541 : vector<16xf32>
            %sub3A_543 = arith.constant 44.3614197 : f32
            %sub3A_544 = vector.broadcast %sub3A_543 : f32 to vector<16xf32>
            %sub3A_545 = arith.subf %mul3A_542, %sub3A_544 : vector<16xf32>
            %exp3A_546 = math.exp %sub3A_545 : vector<16xf32>
            %add3A_547 = arith.addf %while3A_520, %exp3A_546 : vector<16xf32>
            %get3A_548 = arith.index_cast %while3A_518 : i32 to index
            %get3A_549 = arith.constant 32 : index
            %get3A_550 = tpu.vector_load %arg5[%get3A_548, %get3A_549] {strides = array<i32>} : memref<256x128xf32, #tpu.memory_space<vmem>>, vector<16xf32>,
            %mul3A_551 = arith.constant 1.000000e+02 : f32
            %mul3A_552 = vector.broadcast %mul3A_551 : f32 to vector<16xf32>
            %mul3A_553 = arith.mulf %get3A_550, %mul3A_552 : vector<16xf32>
            %sub3A_554 = arith.constant 44.3614197 : f32
            %sub3A_555 = vector.broadcast %sub3A_554 : f32 to vector<16xf32>
            %sub3A_556 = arith.subf %mul3A_553, %sub3A_555 : vector<16xf32>
            %exp3A_557 = math.exp %sub3A_556 : vector<16xf32>
            %add3A_558 = arith.addf %while3A_521, %exp3A_557 : vector<16xf32>
            %get3A_559 = arith.index_cast %while3A_518 : i32 to index
            %get3A_560 = arith.constant 48 : index
            %get3A_561 = tpu.vector_load %arg5[%get3A_559, %get3A_560] {strides = array<i32>} : memref<256x128xf32, #tpu.memory_space<vmem>>, vector<16xf32>,
            %mul3A_562 = arith.constant 1.000000e+02 : f32
            %mul3A_563 = vector.broadcast %mul3A_562 : f32 to vector<16xf32>
            %mul3A_564 = arith.mulf %get3A_561, %mul3A_563 : vector<16xf32>
            %sub3A_565 = arith.constant 44.3614197 : f32
            %sub3A_566 = vector.broadcast %sub3A_565 : f32 to vector<16xf32>
            %sub3A_567 = arith.subf %mul3A_564, %sub3A_566 : vector<16xf32>
            %exp3A_568 = math.exp %sub3A_567 : vector<16xf32>
            %add3A_569 = arith.addf %while3A_522, %exp3A_568 : vector<16xf32>
            %get3A_570 = arith.index_cast %while3A_518 : i32 to index
            %get3A_571 = arith.constant 64 : index
            %get3A_572 = tpu.vector_load %arg5[%get3A_570, %get3A_571] {strides = array<i32>} : memref<256x128xf32, #tpu.memory_space<vmem>>, vector<16xf32>,
            %mul3A_573 = arith.constant 1.000000e+02 : f32
            %mul3A_574 = vector.broadcast %mul3A_573 : f32 to vector<16xf32>
            %mul3A_575 = arith.mulf %get3A_572, %mul3A_574 : vector<16xf32>
            %sub3A_576 = arith.constant 44.3614197 : f32
            %sub3A_577 = vector.broadcast %sub3A_576 : f32 to vector<16xf32>
            %sub3A_578 = arith.subf %mul3A_575, %sub3A_577 : vector<16xf32>
            %exp3A_579 = math.exp %sub3A_578 : vector<16xf32>
            %add3A_580 = arith.addf %while3A_523, %exp3A_579 : vector<16xf32>
            %get3A_581 = arith.index_cast %while3A_518 : i32 to index
            %get3A_582 = arith.constant 80 : index
            %get3A_583 = tpu.vector_load %arg5[%get3A_581, %get3A_582] {strides = array<i32>} : memref<256x128xf32, #tpu.memory_space<vmem>>, vector<16xf32>,
            %mul3A_584 = arith.constant 1.000000e+02 : f32
            %mul3A_585 = vector.broadcast %mul3A_584 : f32 to vector<16xf32>
            %mul3A_586 = arith.mulf %get3A_583, %mul3A_585 : vector<16xf32>
            %sub3A_587 = arith.constant 44.3614197 : f32
            %sub3A_588 = vector.broadcast %sub3A_587 : f32 to vector<16xf32>
            %sub3A_589 = arith.subf %mul3A_586, %sub3A_588 : vector<16xf32>
            %exp3A_590 = math.exp %sub3A_589 : vector<16xf32>
            %add3A_591 = arith.addf %while3A_524, %exp3A_590 : vector<16xf32>
            %get3A_592 = arith.index_cast %while3A_518 : i32 to index
            %get3A_593 = arith.constant 96 : index
            %get3A_594 = tpu.vector_load %arg5[%get3A_592, %get3A_593] {strides = array<i32>} : memref<256x128xf32, #tpu.memory_space<vmem>>, vector<16xf32>,
            %mul3A_595 = arith.constant 1.000000e+02 : f32
            %mul3A_596 = vector.broadcast %mul3A_595 : f32 to vector<16xf32>
            %mul3A_597 = arith.mulf %get3A_594, %mul3A_596 : vector<16xf32>
            %sub3A_598 = arith.constant 44.3614197 : f32
            %sub3A_599 = vector.broadcast %sub3A_598 : f32 to vector<16xf32>
            %sub3A_600 = arith.subf %mul3A_597, %sub3A_599 : vector<16xf32>
            %exp3A_601 = math.exp %sub3A_600 : vector<16xf32>
            %add3A_602 = arith.addf %while3A_525, %exp3A_601 : vector<16xf32>
            %get3A_603 = arith.index_cast %while3A_518 : i32 to index
            %get3A_604 = arith.constant 112 : index
            %get3A_605 = tpu.vector_load %arg5[%get3A_603, %get3A_604] {strides = array<i32>} : memref<256x128xf32, #tpu.memory_space<vmem>>, vector<16xf32>,
            %mul3A_606 = arith.constant 1.000000e+02 : f32
            %mul3A_607 = vector.broadcast %mul3A_606 : f32 to vector<16xf32>
            %mul3A_608 = arith.mulf %get3A_605, %mul3A_607 : vector<16xf32>
            %sub3A_609 = arith.constant 44.3614197 : f32
            %sub3A_610 = vector.broadcast %sub3A_609 : f32 to vector<16xf32>
            %sub3A_611 = arith.subf %mul3A_608, %sub3A_610 : vector<16xf32>
            %exp3A_612 = math.exp %sub3A_611 : vector<16xf32>
            %add3A_613 = arith.addf %while3A_526, %exp3A_612 : vector<16xf32>
            scf.yield %add3A_536, %add3A_547, %add3A_558, %add3A_569, %add3A_580, %add3A_591, %add3A_602, %add3A_613 : vector<16xf32>, vector<16xf32>, vector<16xf32>, vector<16xf32>, vector<16xf32>, vector<16xf32>, vector<16xf32>, vector<16xf32>
          }
          %while3A_511 = arith.constant 1 : i32
          %while3A_512:8 = scf.for %while3A_518 = %while3A_508 to %while3A_504 step %while3A_511 iter_args(%while3A_519 = %while3A_510#0, %while3A_520 = %while3A_510#1, %while3A_521 = %while3A_510#2, %while3A_522 = %while3A_510#3, %while3A_523 = %while3A_510#4, %while3A_524 = %while3A_510#5, %while3A_525 = %while3A_510#6, %while3A_526 = %while3A_510#7) -> (vector<16xf32>, vector<16xf32>, vector<16xf32>, vector<16xf32>, vector<16xf32>, vector<16xf32>, vector<16xf32>, vector<16xf32>)  : i32 {
            %get3A_527 = arith.index_cast %while3A_518 : i32 to index
            %get3A_528 = arith.constant 0 : index
            %get3A_529 = tpu.vector_load %arg5[%get3A_527, %get3A_528] {strides = array<i32>} : memref<256x128xf32, #tpu.memory_space<vmem>>, vector<16xf32>,
            %mul3A_530 = arith.constant 1.000000e+02 : f32
            %mul3A_531 = vector.broadcast %mul3A_530 : f32 to vector<16xf32>
            %mul3A_532 = arith.mulf %get3A_529, %mul3A_531 : vector<16xf32>
            %sub3A_533 = arith.constant 44.3614197 : f32
            %sub3A_534 = vector.broadcast %sub3A_533 : f32 to vector<16xf32>
            %sub3A_535 = arith.subf %mul3A_532, %sub3A_534 : vector<16xf32>
            %exp3A = math.exp %sub3A_535 : vector<16xf32>
            %add3A_536 = arith.addf %while3A_519, %exp3A : vector<16xf32>
            %get3A_537 = arith.index_cast %while3A_518 : i32 to index
            %get3A_538 = arith.constant 16 : index
            %get3A_539 = tpu.vector_load %arg5[%get3A_537, %get3A_538] {strides = array<i32>} : memref<256x128xf32, #tpu.memory_space<vmem>>, vector<16xf32>,
            %mul3A_540 = arith.constant 1.000000e+02 : f32
            %mul3A_541 = vector.broadcast %mul3A_540 : f32 to vector<16xf32>
            %mul3A_542 = arith.mulf %get3A_539, %mul3A_541 : vector<16xf32>
            %sub3A_543 = arith.constant 44.3614197 : f32
            %sub3A_544 = vector.broadcast %sub3A_543 : f32 to vector<16xf32>
            %sub3A_545 = arith.subf %mul3A_542, %sub3A_544 : vector<16xf32>
            %exp3A_546 = math.exp %sub3A_545 : vector<16xf32>
            %add3A_547 = arith.addf %while3A_520, %exp3A_546 : vector<16xf32>
            %get3A_548 = arith.index_cast %while3A_518 : i32 to index
            %get3A_549 = arith.constant 32 : index
            %get3A_550 = tpu.vector_load %arg5[%get3A_548, %get3A_549] {strides = array<i32>} : memref<256x128xf32, #tpu.memory_space<vmem>>, vector<16xf32>,
            %mul3A_551 = arith.constant 1.000000e+02 : f32
            %mul3A_552 = vector.broadcast %mul3A_551 : f32 to vector<16xf32>
            %mul3A_553 = arith.mulf %get3A_550, %mul3A_552 : vector<16xf32>
            %sub3A_554 = arith.constant 44.3614197 : f32
            %sub3A_555 = vector.broadcast %sub3A_554 : f32 to vector<16xf32>
            %sub3A_556 = arith.subf %mul3A_553, %sub3A_555 : vector<16xf32>
            %exp3A_557 = math.exp %sub3A_556 : vector<16xf32>
            %add3A_558 = arith.addf %while3A_521, %exp3A_557 : vector<16xf32>
            %get3A_559 = arith.index_cast %while3A_518 : i32 to index
            %get3A_560 = arith.constant 48 : index
            %get3A_561 = tpu.vector_load %arg5[%get3A_559, %get3A_560] {strides = array<i32>} : memref<256x128xf32, #tpu.memory_space<vmem>>, vector<16xf32>,
            %mul3A_562 = arith.constant 1.000000e+02 : f32
            %mul3A_563 = vector.broadcast %mul3A_562 : f32 to vector<16xf32>
            %mul3A_564 = arith.mulf %get3A_561, %mul3A_563 : vector<16xf32>
            %sub3A_565 = arith.constant 44.3614197 : f32
            %sub3A_566 = vector.broadcast %sub3A_565 : f32 to vector<16xf32>
            %sub3A_567 = arith.subf %mul3A_564, %sub3A_566 : vector<16xf32>
            %exp3A_568 = math.exp %sub3A_567 : vector<16xf32>
            %add3A_569 = arith.addf %while3A_522, %exp3A_568 : vector<16xf32>
            %get3A_570 = arith.index_cast %while3A_518 : i32 to index
            %get3A_571 = arith.constant 64 : index
            %get3A_572 = tpu.vector_load %arg5[%get3A_570, %get3A_571] {strides = array<i32>} : memref<256x128xf32, #tpu.memory_space<vmem>>, vector<16xf32>,
            %mul3A_573 = arith.constant 1.000000e+02 : f32
            %mul3A_574 = vector.broadcast %mul3A_573 : f32 to vector<16xf32>
            %mul3A_575 = arith.mulf %get3A_572, %mul3A_574 : vector<16xf32>
            %sub3A_576 = arith.constant 44.3614197 : f32
            %sub3A_577 = vector.broadcast %sub3A_576 : f32 to vector<16xf32>
            %sub3A_578 = arith.subf %mul3A_575, %sub3A_577 : vector<16xf32>
            %exp3A_579 = math.exp %sub3A_578 : vector<16xf32>
            %add3A_580 = arith.addf %while3A_523, %exp3A_579 : vector<16xf32>
            %get3A_581 = arith.index_cast %while3A_518 : i32 to index
            %get3A_582 = arith.constant 80 : index
            %get3A_583 = tpu.vector_load %arg5[%get3A_581, %get3A_582] {strides = array<i32>} : memref<256x128xf32, #tpu.memory_space<vmem>>, vector<16xf32>,
            %mul3A_584 = arith.constant 1.000000e+02 : f32
            %mul3A_585 = vector.broadcast %mul3A_584 : f32 to vector<16xf32>
            %mul3A_586 = arith.mulf %get3A_583, %mul3A_585 : vector<16xf32>
            %sub3A_587 = arith.constant 44.3614197 : f32
            %sub3A_588 = vector.broadcast %sub3A_587 : f32 to vector<16xf32>
            %sub3A_589 = arith.subf %mul3A_586, %sub3A_588 : vector<16xf32>
            %exp3A_590 = math.exp %sub3A_589 : vector<16xf32>
            %add3A_591 = arith.addf %while3A_524, %exp3A_590 : vector<16xf32>
            %get3A_592 = arith.index_cast %while3A_518 : i32 to index
            %get3A_593 = arith.constant 96 : index
            %get3A_594 = tpu.vector_load %arg5[%get3A_592, %get3A_593] {strides = array<i32>} : memref<256x128xf32, #tpu.memory_space<vmem>>, vector<16xf32>,
            %mul3A_595 = arith.constant 1.000000e+02 : f32
            %mul3A_596 = vector.broadcast %mul3A_595 : f32 to vector<16xf32>
            %mul3A_597 = arith.mulf %get3A_594, %mul3A_596 : vector<16xf32>
            %sub3A_598 = arith.constant 44.3614197 : f32
            %sub3A_599 = vector.broadcast %sub3A_598 : f32 to vector<16xf32>
            %sub3A_600 = arith.subf %mul3A_597, %sub3A_599 : vector<16xf32>
            %exp3A_601 = math.exp %sub3A_600 : vector<16xf32>
            %add3A_602 = arith.addf %while3A_525, %exp3A_601 : vector<16xf32>
            %get3A_603 = arith.index_cast %while3A_518 : i32 to index
            %get3A_604 = arith.constant 112 : index
            %get3A_605 = tpu.vector_load %arg5[%get3A_603, %get3A_604] {strides = array<i32>} : memref<256x128xf32, #tpu.memory_space<vmem>>, vector<16xf32>,
            %mul3A_606 = arith.constant 1.000000e+02 : f32
            %mul3A_607 = vector.broadcast %mul3A_606 : f32 to vector<16xf32>
            %mul3A_608 = arith.mulf %get3A_605, %mul3A_607 : vector<16xf32>
            %sub3A_609 = arith.constant 44.3614197 : f32
            %sub3A_610 = vector.broadcast %sub3A_609 : f32 to vector<16xf32>
            %sub3A_611 = arith.subf %mul3A_608, %sub3A_610 : vector<16xf32>
            %exp3A_612 = math.exp %sub3A_611 : vector<16xf32>
            %add3A_613 = arith.addf %while3A_526, %exp3A_612 : vector<16xf32>
            scf.yield %add3A_536, %add3A_547, %add3A_558, %add3A_569, %add3A_580, %add3A_591, %add3A_602, %add3A_613 : vector<16xf32>, vector<16xf32>, vector<16xf32>, vector<16xf32>, vector<16xf32>, vector<16xf32>, vector<16xf32>, vector<16xf32>
          }
          %eq3A_513 = arith.cmpi eq, %squeeze3A_502, %while3A_483 : i32
          %convert_element_type3A_514 = arith.extui %eq3A_513 : i1 to i32
          %cond3A_515 = arith.constant 0 : i32
          %cond3A_516 = arith.cmpi ne, %convert_element_type3A_514, %cond3A_515 : i32
          %cond3A_517:10 = scf.if %cond3A_516 -> (vector<16xf32>, vector<16xf32>, vector<16xf32>, vector<16xf32>, vector<16xf32>, vector<16xf32>, vector<16xf32>, vector<16xf32>, i32, i32) {
            %add3A_518 = arith.addf %while3A_475, %while3A_512#0 : vector<16xf32>
            %add3A_519 = arith.addf %while3A_476, %while3A_512#1 : vector<16xf32>
            %add3A_520 = arith.addf %while3A_477, %while3A_512#2 : vector<16xf32>
            %add3A_521 = arith.addf %while3A_478, %while3A_512#3 : vector<16xf32>
            %add3A_522 = arith.addf %while3A_479, %while3A_512#4 : vector<16xf32>
            %add3A_523 = arith.addf %while3A_480, %while3A_512#5 : vector<16xf32>
            %add3A_524 = arith.addf %while3A_481, %while3A_512#6 : vector<16xf32>
            %add3A_525 = arith.addf %while3A_482, %while3A_512#7 : vector<16xf32>
            scf.yield %add3A_518, %add3A_519, %add3A_520, %add3A_521, %add3A_522, %add3A_523, %add3A_524, %add3A_525, %while3A_484, %while3A_485 : vector<16xf32>, vector<16xf32>, vector<16xf32>, vector<16xf32>, vector<16xf32>, vector<16xf32>, vector<16xf32>, vector<16xf32>, i32, i32
          } else {
            %ge3A_518 = arith.constant 0 : i32
            %ge3A_519 = arith.cmpi sge, %while3A_483, %ge3A_518 : i32
            %convert_element_type3A_520 = arith.extui %ge3A_519 : i1 to i32
            %cond3A_521 = arith.constant 0 : i32
            %cond3A_522 = arith.cmpi ne, %convert_element_type3A_520, %cond3A_521 : i32
            %cond3A_523:2 = scf.if %cond3A_522 -> (i32, i32) {
              %while3A_524:2 = scf.while (%while3A_580 = %while3A_484, %while3A_581 = %while3A_485) : (i32, i32) -> (i32, i32) {
                %add3A_582 = arith.addi %while3A_580, %while3A_581 : i32
                %lt3A_583 = arith.cmpi slt, %add3A_582, %while3A_483 : i32
                scf.condition(%lt3A_583) %while3A_580, %while3A_581 : i32, i32
              } do {
              ^bb0(%while3A_580: i32, %while3A_581: i32):
                %mul3A_582 = arith.constant 128 : i32
                %mul3A_583 = arith.muli %while3A_580, %mul3A_582 : i32
                %add3A_584 = arith.constant 0 : i32
                %add3A_585 = arith.addi %mul3A_583, %add3A_584 : i32
                %swap3A_586 = arith.index_cast %add3A_585 : i32 to index
                %swap3A_587 = tpu.vector_load %arg11[%swap3A_586] {strides = array<i32>} : memref<8192xf32, #tpu.memory_space<vmem>>, vector<16xf32>,
                tpu.vector_store %arg11[%swap3A_586], %broadcast_in_dim3A_1 {strides = array<i32>} : memref<8192xf32, #tpu.memory_space<vmem>>, vector<16xf32>,
                %mul3A_588 = arith.constant 128 : i32
                %mul3A_589 = arith.muli %while3A_580, %mul3A_588 : i32
                %add3A_590 = arith.constant 16 : i32
                %add3A_591 = arith.addi %mul3A_589, %add3A_590 : i32
                %swap3A_592 = arith.index_cast %add3A_591 : i32 to index
                %swap3A_593 = tpu.vector_load %arg11[%swap3A_592] {strides = array<i32>} : memref<8192xf32, #tpu.memory_space<vmem>>, vector<16xf32>,
                tpu.vector_store %arg11[%swap3A_592], %broadcast_in_dim3A_1 {strides = array<i32>} : memref<8192xf32, #tpu.memory_space<vmem>>, vector<16xf32>,
                %mul3A_594 = arith.constant 128 : i32
                %mul3A_595 = arith.muli %while3A_580, %mul3A_594 : i32
                %add3A_596 = arith.constant 32 : i32
                %add3A_597 = arith.addi %mul3A_595, %add3A_596 : i32
                %swap3A_598 = arith.index_cast %add3A_597 : i32 to index
                %swap3A_599 = tpu.vector_load %arg11[%swap3A_598] {strides = array<i32>} : memref<8192xf32, #tpu.memory_space<vmem>>, vector<16xf32>,
                tpu.vector_store %arg11[%swap3A_598], %broadcast_in_dim3A_1 {strides = array<i32>} : memref<8192xf32, #tpu.memory_space<vmem>>, vector<16xf32>,
                %mul3A_600 = arith.constant 128 : i32
                %mul3A_601 = arith.muli %while3A_580, %mul3A_600 : i32
                %add3A_602 = arith.constant 48 : i32
                %add3A_603 = arith.addi %mul3A_601, %add3A_602 : i32
                %swap3A_604 = arith.index_cast %add3A_603 : i32 to index
                %swap3A_605 = tpu.vector_load %arg11[%swap3A_604] {strides = array<i32>} : memref<8192xf32, #tpu.memory_space<vmem>>, vector<16xf32>,
                tpu.vector_store %arg11[%swap3A_604], %broadcast_in_dim3A_1 {strides = array<i32>} : memref<8192xf32, #tpu.memory_space<vmem>>, vector<16xf32>,
                %mul3A_606 = arith.constant 128 : i32
                %mul3A_607 = arith.muli %while3A_580, %mul3A_606 : i32
                %add3A_608 = arith.constant 64 : i32
                %add3A_609 = arith.addi %mul3A_607, %add3A_608 : i32
                %swap3A_610 = arith.index_cast %add3A_609 : i32 to index
                %swap3A_611 = tpu.vector_load %arg11[%swap3A_610] {strides = array<i32>} : memref<8192xf32, #tpu.memory_space<vmem>>, vector<16xf32>,
                tpu.vector_store %arg11[%swap3A_610], %broadcast_in_dim3A_1 {strides = array<i32>} : memref<8192xf32, #tpu.memory_space<vmem>>, vector<16xf32>,
                %mul3A_612 = arith.constant 128 : i32
                %mul3A_613 = arith.muli %while3A_580, %mul3A_612 : i32
                %add3A_614 = arith.constant 80 : i32
                %add3A_615 = arith.addi %mul3A_613, %add3A_614 : i32
                %swap3A_616 = arith.index_cast %add3A_615 : i32 to index
                %swap3A_617 = tpu.vector_load %arg11[%swap3A_616] {strides = array<i32>} : memref<8192xf32, #tpu.memory_space<vmem>>, vector<16xf32>,
                tpu.vector_store %arg11[%swap3A_616], %broadcast_in_dim3A_1 {strides = array<i32>} : memref<8192xf32, #tpu.memory_space<vmem>>, vector<16xf32>,
                %mul3A_618 = arith.constant 128 : i32
                %mul3A_619 = arith.muli %while3A_580, %mul3A_618 : i32
                %add3A_620 = arith.constant 96 : i32
                %add3A_621 = arith.addi %mul3A_619, %add3A_620 : i32
                %swap3A_622 = arith.index_cast %add3A_621 : i32 to index
                %swap3A_623 = tpu.vector_load %arg11[%swap3A_622] {strides = array<i32>} : memref<8192xf32, #tpu.memory_space<vmem>>, vector<16xf32>,
                tpu.vector_store %arg11[%swap3A_622], %broadcast_in_dim3A_1 {strides = array<i32>} : memref<8192xf32, #tpu.memory_space<vmem>>, vector<16xf32>,
                %mul3A_624 = arith.constant 128 : i32
                %mul3A_625 = arith.muli %while3A_580, %mul3A_624 : i32
                %add3A_626 = arith.constant 112 : i32
                %add3A_627 = arith.addi %mul3A_625, %add3A_626 : i32
                %swap3A_628 = arith.index_cast %add3A_627 : i32 to index
                %swap3A_629 = tpu.vector_load %arg11[%swap3A_628] {strides = array<i32>} : memref<8192xf32, #tpu.memory_space<vmem>>, vector<16xf32>,
                tpu.vector_store %arg11[%swap3A_628], %broadcast_in_dim3A_1 {strides = array<i32>} : memref<8192xf32, #tpu.memory_space<vmem>>, vector<16xf32>,
                %add3A_630 = arith.constant 1 : i32
                %add3A_631 = arith.addi %while3A_580, %add3A_630 : i32
                %eq3A_632 = arith.constant 64 : i32
                %eq3A_633 = arith.cmpi eq, %add3A_631, %eq3A_632 : i32
                %convert_element_type3A_634 = arith.extui %eq3A_633 : i1 to i32
                %cond3A_635 = arith.constant 0 : i32
                %cond3A_636 = arith.cmpi ne, %convert_element_type3A_634, %cond3A_635 : i32
                %cond3A_637:2 = scf.if %cond3A_636 -> (i32, i32) {
                  %mul3A_638 = arith.constant 128 : i32
                  %mul3A_639 = arith.muli %while3A_581, %mul3A_638 : i32
                  %multiple_of3A_640 = tpu.assume_multiple %mul3A_639, 8 : i32
                  "tpu.region"() ({
                    %run_scoped3A = tpu.sem_alloc : memref<!tpu.dma_semaphore, #tpu.memory_space<semaphore_mem>>
                    %dma_start3A_644 = tpu.memref_slice %arg4[%multiple_of3A_640] : memref<1280000xf32, #tpu.memory_space<hbm>> -> memref<8192xf32, #tpu.memory_space<hbm>>
                    %dma_start3A_645 = tpu.memref_slice %arg4[%multiple_of3A_640] : memref<1280000xf32, #tpu.memory_space<hbm>> -> memref<8192xf32, #tpu.memory_space<hbm>>
                    tpu.enqueue_dma source(%arg11 : memref<8192xf32, #tpu.memory_space<vmem>>) target(%dma_start3A_645 : memref<8192xf32, #tpu.memory_space<hbm>>) target_semaphore(%run_scoped3A : memref<!tpu.dma_semaphore, #tpu.memory_space<semaphore_mem>>)
                    %dma_wait3A_646 = tpu.memref_slice %arg4[%multiple_of3A_640] : memref<1280000xf32, #tpu.memory_space<hbm>> -> memref<8192xf32, #tpu.memory_space<hbm>>
                    %dma_wait3A_647 = tpu.memref_slice %arg4[%multiple_of3A_640] : memref<1280000xf32, #tpu.memory_space<hbm>> -> memref<8192xf32, #tpu.memory_space<hbm>>
                    tpu.wait_dma2 semaphore(%run_scoped3A : memref<!tpu.dma_semaphore, #tpu.memory_space<semaphore_mem>>) src(%arg11 : memref<8192xf32, #tpu.memory_space<vmem>>) dst(%dma_wait3A_647 : memref<8192xf32, #tpu.memory_space<hbm>>)
                    tpu.yield
                  }) : () -> ()
                  %add3A_641 = arith.constant 64 : i32
                  %add3A_642 = arith.addi %while3A_581, %add3A_641 : i32
                  %cond3A_643 = arith.constant 0 : i32
                  scf.yield %cond3A_643, %add3A_642 : i32, i32
                } else {
                  scf.yield %add3A_631, %while3A_581 : i32, i32
                }
                scf.yield %cond3A_637#0, %cond3A_637#1 : i32, i32
              }
              %mul3A_525 = arith.constant 128 : i32
              %mul3A_526 = arith.muli %while3A_524#0, %mul3A_525 : i32
              %add3A_527 = arith.constant 0 : i32
              %add3A_528 = arith.addi %mul3A_526, %add3A_527 : i32
              %swap3A = arith.index_cast %add3A_528 : i32 to index
              %swap3A_529 = tpu.vector_load %arg11[%swap3A] {strides = array<i32>} : memref<8192xf32, #tpu.memory_space<vmem>>, vector<16xf32>,
              tpu.vector_store %arg11[%swap3A], %while3A_475 {strides = array<i32>} : memref<8192xf32, #tpu.memory_space<vmem>>, vector<16xf32>,
              %mul3A_530 = arith.constant 128 : i32
              %mul3A_531 = arith.muli %while3A_524#0, %mul3A_530 : i32
              %add3A_532 = arith.constant 16 : i32
              %add3A_533 = arith.addi %mul3A_531, %add3A_532 : i32
              %swap3A_534 = arith.index_cast %add3A_533 : i32 to index
              %swap3A_535 = tpu.vector_load %arg11[%swap3A_534] {strides = array<i32>} : memref<8192xf32, #tpu.memory_space<vmem>>, vector<16xf32>,
              tpu.vector_store %arg11[%swap3A_534], %while3A_476 {strides = array<i32>} : memref<8192xf32, #tpu.memory_space<vmem>>, vector<16xf32>,
              %mul3A_536 = arith.constant 128 : i32
              %mul3A_537 = arith.muli %while3A_524#0, %mul3A_536 : i32
              %add3A_538 = arith.constant 32 : i32
              %add3A_539 = arith.addi %mul3A_537, %add3A_538 : i32
              %swap3A_540 = arith.index_cast %add3A_539 : i32 to index
              %swap3A_541 = tpu.vector_load %arg11[%swap3A_540] {strides = array<i32>} : memref<8192xf32, #tpu.memory_space<vmem>>, vector<16xf32>,
              tpu.vector_store %arg11[%swap3A_540], %while3A_477 {strides = array<i32>} : memref<8192xf32, #tpu.memory_space<vmem>>, vector<16xf32>,
              %mul3A_542 = arith.constant 128 : i32
              %mul3A_543 = arith.muli %while3A_524#0, %mul3A_542 : i32
              %add3A_544 = arith.constant 48 : i32
              %add3A_545 = arith.addi %mul3A_543, %add3A_544 : i32
              %swap3A_546 = arith.index_cast %add3A_545 : i32 to index
              %swap3A_547 = tpu.vector_load %arg11[%swap3A_546] {strides = array<i32>} : memref<8192xf32, #tpu.memory_space<vmem>>, vector<16xf32>,
              tpu.vector_store %arg11[%swap3A_546], %while3A_478 {strides = array<i32>} : memref<8192xf32, #tpu.memory_space<vmem>>, vector<16xf32>,
              %mul3A_548 = arith.constant 128 : i32
              %mul3A_549 = arith.muli %while3A_524#0, %mul3A_548 : i32
              %add3A_550 = arith.constant 64 : i32
              %add3A_551 = arith.addi %mul3A_549, %add3A_550 : i32
              %swap3A_552 = arith.index_cast %add3A_551 : i32 to index
              %swap3A_553 = tpu.vector_load %arg11[%swap3A_552] {strides = array<i32>} : memref<8192xf32, #tpu.memory_space<vmem>>, vector<16xf32>,
              tpu.vector_store %arg11[%swap3A_552], %while3A_479 {strides = array<i32>} : memref<8192xf32, #tpu.memory_space<vmem>>, vector<16xf32>,
              %mul3A_554 = arith.constant 128 : i32
              %mul3A_555 = arith.muli %while3A_524#0, %mul3A_554 : i32
              %add3A_556 = arith.constant 80 : i32
              %add3A_557 = arith.addi %mul3A_555, %add3A_556 : i32
              %swap3A_558 = arith.index_cast %add3A_557 : i32 to index
              %swap3A_559 = tpu.vector_load %arg11[%swap3A_558] {strides = array<i32>} : memref<8192xf32, #tpu.memory_space<vmem>>, vector<16xf32>,
              tpu.vector_store %arg11[%swap3A_558], %while3A_480 {strides = array<i32>} : memref<8192xf32, #tpu.memory_space<vmem>>, vector<16xf32>,
              %mul3A_560 = arith.constant 128 : i32
              %mul3A_561 = arith.muli %while3A_524#0, %mul3A_560 : i32
              %add3A_562 = arith.constant 96 : i32
              %add3A_563 = arith.addi %mul3A_561, %add3A_562 : i32
              %swap3A_564 = arith.index_cast %add3A_563 : i32 to index
              %swap3A_565 = tpu.vector_load %arg11[%swap3A_564] {strides = array<i32>} : memref<8192xf32, #tpu.memory_space<vmem>>, vector<16xf32>,
              tpu.vector_store %arg11[%swap3A_564], %while3A_481 {strides = array<i32>} : memref<8192xf32, #tpu.memory_space<vmem>>, vector<16xf32>,
              %mul3A_566 = arith.constant 128 : i32
              %mul3A_567 = arith.muli %while3A_524#0, %mul3A_566 : i32
              %add3A_568 = arith.constant 112 : i32
              %add3A_569 = arith.addi %mul3A_567, %add3A_568 : i32
              %swap3A_570 = arith.index_cast %add3A_569 : i32 to index
              %swap3A_571 = tpu.vector_load %arg11[%swap3A_570] {strides = array<i32>} : memref<8192xf32, #tpu.memory_space<vmem>>, vector<16xf32>,
              tpu.vector_store %arg11[%swap3A_570], %while3A_482 {strides = array<i32>} : memref<8192xf32, #tpu.memory_space<vmem>>, vector<16xf32>,
              %add3A_572 = arith.constant 1 : i32
              %add3A_573 = arith.addi %while3A_524#0, %add3A_572 : i32
              %eq3A_574 = arith.constant 64 : i32
              %eq3A_575 = arith.cmpi eq, %add3A_573, %eq3A_574 : i32
              %convert_element_type3A_576 = arith.extui %eq3A_575 : i1 to i32
              %cond3A_577 = arith.constant 0 : i32
              %cond3A_578 = arith.cmpi ne, %convert_element_type3A_576, %cond3A_577 : i32
              %cond3A_579:2 = scf.if %cond3A_578 -> (i32, i32) {
                %mul3A_580 = arith.constant 128 : i32
                %mul3A_581 = arith.muli %while3A_524#1, %mul3A_580 : i32
                %multiple_of3A_582 = tpu.assume_multiple %mul3A_581, 8 : i32
                "tpu.region"() ({
                  %run_scoped3A = tpu.sem_alloc : memref<!tpu.dma_semaphore, #tpu.memory_space<semaphore_mem>>
                  %dma_start3A_586 = tpu.memref_slice %arg4[%multiple_of3A_582] : memref<1280000xf32, #tpu.memory_space<hbm>> -> memref<8192xf32, #tpu.memory_space<hbm>>
                  %dma_start3A_587 = tpu.memref_slice %arg4[%multiple_of3A_582] : memref<1280000xf32, #tpu.memory_space<hbm>> -> memref<8192xf32, #tpu.memory_space<hbm>>
                  tpu.enqueue_dma source(%arg11 : memref<8192xf32, #tpu.memory_space<vmem>>) target(%dma_start3A_587 : memref<8192xf32, #tpu.memory_space<hbm>>) target_semaphore(%run_scoped3A : memref<!tpu.dma_semaphore, #tpu.memory_space<semaphore_mem>>)
                  %dma_wait3A_588 = tpu.memref_slice %arg4[%multiple_of3A_582] : memref<1280000xf32, #tpu.memory_space<hbm>> -> memref<8192xf32, #tpu.memory_space<hbm>>
                  %dma_wait3A_589 = tpu.memref_slice %arg4[%multiple_of3A_582] : memref<1280000xf32, #tpu.memory_space<hbm>> -> memref<8192xf32, #tpu.memory_space<hbm>>
                  tpu.wait_dma2 semaphore(%run_scoped3A : memref<!tpu.dma_semaphore, #tpu.memory_space<semaphore_mem>>) src(%arg11 : memref<8192xf32, #tpu.memory_space<vmem>>) dst(%dma_wait3A_589 : memref<8192xf32, #tpu.memory_space<hbm>>)
                  tpu.yield
                }) : () -> ()
                %add3A_583 = arith.constant 64 : i32
                %add3A_584 = arith.addi %while3A_524#1, %add3A_583 : i32
                %cond3A_585 = arith.constant 0 : i32
                scf.yield %cond3A_585, %add3A_584 : i32, i32
              } else {
                scf.yield %add3A_573, %while3A_524#1 : i32, i32
              }
              scf.yield %cond3A_579#0, %cond3A_579#1 : i32, i32
            } else {
              scf.yield %while3A_484, %while3A_485 : i32, i32
            }
            scf.yield %while3A_512#0, %while3A_512#1, %while3A_512#2, %while3A_512#3, %while3A_512#4, %while3A_512#5, %while3A_512#6, %while3A_512#7, %cond3A_523#0, %cond3A_523#1 : vector<16xf32>, vector<16xf32>, vector<16xf32>, vector<16xf32>, vector<16xf32>, vector<16xf32>, vector<16xf32>, vector<16xf32>, i32, i32
          }
          scf.yield %cond3A_517#0, %cond3A_517#1, %cond3A_517#2, %cond3A_517#3, %cond3A_517#4, %cond3A_517#5, %cond3A_517#6, %cond3A_517#7, %squeeze3A_502, %cond3A_517#8, %cond3A_517#9 : vector<16xf32>, vector<16xf32>, vector<16xf32>, vector<16xf32>, vector<16xf32>, vector<16xf32>, vector<16xf32>, vector<16xf32>, i32, i32, i32
        } else {
          scf.yield %while3A_475, %while3A_476, %while3A_477, %while3A_478, %while3A_479, %while3A_480, %while3A_481, %while3A_482, %while3A_483, %while3A_484, %while3A_485 : vector<16xf32>, vector<16xf32>, vector<16xf32>, vector<16xf32>, vector<16xf32>, vector<16xf32>, vector<16xf32>, vector<16xf32>, i32, i32, i32
        }
        scf.yield %cond3A_498#0, %cond3A_498#1, %cond3A_498#2, %cond3A_498#3, %cond3A_498#4, %cond3A_498#5, %cond3A_498#6, %cond3A_498#7, %cond3A_498#8, %cond3A_498#9, %cond3A_498#10, %select_n3A_492 : vector<16xf32>, vector<16xf32>, vector<16xf32>, vector<16xf32>, vector<16xf32>, vector<16xf32>, vector<16xf32>, vector<16xf32>, i32, i32, i32, i32
      }
      %add3A_400 = arith.constant 2 : i32
      %add3A_401 = arith.addi %mul3A_330, %add3A_400 : i32
      %mul3A_402 = arith.constant 256 : i32
      %mul3A_403 = arith.muli %add3A_401, %mul3A_402 : i32
      %add3A_404 = arith.addi %mul3A_207, %mul3A_403 : i32
      %min3A_405 = arith.constant 319744 : i32
      %min3A_406 = arith.minsi %add3A_404, %min3A_405 : i32
      %multiple_of3A_407 = tpu.assume_multiple %min3A_406, 8 : i32
      %dma_start3A_408 = arith.constant 0 : i32
      %dma_start3A_409 = tpu.memref_slice %arg2[%multiple_of3A_407, %dma_start3A_408] : memref<320000x128xf32, #tpu.memory_space<hbm>> -> memref<256x128xf32, #tpu.memory_space<hbm>>
      %dma_start3A_410 = arith.constant 0 : i32
      %dma_start3A_411 = tpu.memref_slice %arg2[%multiple_of3A_407, %dma_start3A_410] : memref<320000x128xf32, #tpu.memory_space<hbm>> -> memref<256x128xf32, #tpu.memory_space<hbm>>
      tpu.enqueue_dma source(%dma_start3A_411 : memref<256x128xf32, #tpu.memory_space<hbm>>) target(%arg5 : memref<256x128xf32, #tpu.memory_space<vmem>>) target_semaphore(%arg13 : memref<!tpu.dma_semaphore, #tpu.memory_space<semaphore_mem>>)
      %dma_start3A_412 = arith.constant 0 : i32
      %dma_start3A_413 = tpu.memref_slice %arg6[%dma_start3A_412] : memref<272xi32, #tpu.memory_space<vmem>> -> memref<256xi32, #tpu.memory_space<vmem>>
      %dma_start3A_414 = tpu.memref_slice %arg3[%multiple_of3A_407] : memref<320000xi32, #tpu.memory_space<hbm>> -> memref<256xi32, #tpu.memory_space<hbm>>
      %dma_start3A_415 = arith.constant 0 : i32
      %dma_start3A_416 = tpu.memref_slice %arg6[%dma_start3A_415] : memref<272xi32, #tpu.memory_space<vmem>> -> memref<256xi32, #tpu.memory_space<vmem>>
      %dma_start3A_417 = tpu.memref_slice %arg3[%multiple_of3A_407] : memref<320000xi32, #tpu.memory_space<hbm>> -> memref<256xi32, #tpu.memory_space<hbm>>
      tpu.enqueue_dma source(%dma_start3A_417 : memref<256xi32, #tpu.memory_space<hbm>>) target(%dma_start3A_416 : memref<256xi32, #tpu.memory_space<vmem>>) target_semaphore(%arg14 : memref<!tpu.dma_semaphore, #tpu.memory_space<semaphore_mem>>)
      %add3A_418 = arith.constant 1 : i32
      %add3A_419 = arith.addi %mul3A_330, %add3A_418 : i32
      %mul3A_420 = arith.constant 256 : i32
      %mul3A_421 = arith.muli %add3A_419, %mul3A_420 : i32
      %add3A_422 = arith.addi %mul3A_207, %mul3A_421 : i32
      %min3A_423 = arith.constant 319744 : i32
      %min3A_424 = arith.minsi %add3A_422, %min3A_423 : i32
      %multiple_of3A_425 = tpu.assume_multiple %min3A_424, 8 : i32
      %dma_wait3A_426 = arith.constant 0 : i32
      %dma_wait3A_427 = tpu.memref_slice %arg2[%multiple_of3A_425, %dma_wait3A_426] : memref<320000x128xf32, #tpu.memory_space<hbm>> -> memref<256x128xf32, #tpu.memory_space<hbm>>
      %dma_wait3A_428 = arith.constant 0 : i32
      %dma_wait3A_429 = tpu.memref_slice %arg2[%multiple_of3A_425, %dma_wait3A_428] : memref<320000x128xf32, #tpu.memory_space<hbm>> -> memref<256x128xf32, #tpu.memory_space<hbm>>
      tpu.wait_dma2 semaphore(%arg15 : memref<!tpu.dma_semaphore, #tpu.memory_space<semaphore_mem>>) src(%dma_wait3A_429 : memref<256x128xf32, #tpu.memory_space<hbm>>) dst(%arg7 : memref<256x128xf32, #tpu.memory_space<vmem>>)
      %dma_wait3A_430 = arith.constant 0 : i32
      %dma_wait3A_431 = tpu.memref_slice %arg8[%dma_wait3A_430] : memref<272xi32, #tpu.memory_space<vmem>> -> memref<256xi32, #tpu.memory_space<vmem>>
      %dma_wait3A_432 = tpu.memref_slice %arg3[%multiple_of3A_425] : memref<320000xi32, #tpu.memory_space<hbm>> -> memref<256xi32, #tpu.memory_space<hbm>>
      %dma_wait3A_433 = arith.constant 0 : i32
      %dma_wait3A_434 = tpu.memref_slice %arg8[%dma_wait3A_433] : memref<272xi32, #tpu.memory_space<vmem>> -> memref<256xi32, #tpu.memory_space<vmem>>
      %dma_wait3A_435 = tpu.memref_slice %arg3[%multiple_of3A_425] : memref<320000xi32, #tpu.memory_space<hbm>> -> memref<256xi32, #tpu.memory_space<hbm>>
      tpu.wait_dma2 semaphore(%arg16 : memref<!tpu.dma_semaphore, #tpu.memory_space<semaphore_mem>>) src(%dma_wait3A_435 : memref<256xi32, #tpu.memory_space<hbm>>) dst(%dma_wait3A_434 : memref<256xi32, #tpu.memory_space<vmem>>)
      %add3A_436 = arith.constant 1 : i32
      %add3A_437 = arith.addi %mul3A_330, %add3A_436 : i32
      %mul3A_438 = arith.constant 256 : i32
      %mul3A_439 = arith.muli %add3A_437, %mul3A_438 : i32
      %add3A_440 = arith.addi %mul3A_207, %mul3A_439 : i32
      %mul3A_441 = arith.constant 256 : i32
      %mul3A_442 = arith.muli %add3A_437, %mul3A_441 : i32
      %add3A_443 = arith.addi %mul3A_207, %mul3A_442 : i32
      %min3A_444 = arith.constant 319744 : i32
      %min3A_445 = arith.minsi %add3A_443, %min3A_444 : i32
      %multiple_of3A_446 = tpu.assume_multiple %min3A_445, 8 : i32
      %sub3A_447 = arith.subi %select_n3A_50, %multiple_of3A_446 : i32
      %sub3A_448 = arith.subi %add3A_440, %multiple_of3A_446 : i32
      %max3A_449 = arith.maxsi %sub3A_447, %sub3A_448 : i32
      %sub3A_450 = arith.subi %select_n3A_100, %multiple_of3A_446 : i32
      %min3A_451 = arith.constant 256 : i32
      %min3A_452 = arith.minsi %sub3A_450, %min3A_451 : i32
      %scan3A_453 = arith.constant 0 : i32
      %scan3A_454 = arith.constant 0 : i32
      %scan3A_455 = arith.constant 16 : i32
      %scan3A_456 = arith.addi %scan3A_454, %scan3A_455 : i32
      %scan3A_457 = arith.constant 1 : i32
      %scan3A_458 = scf.for %scan3A_474 = %scan3A_454 to %scan3A_456 step %scan3A_457 iter_args(%scan3A_475 = %scan3A_453) -> (i32)  : i32 {
        %mul3A_476 = arith.constant 16 : i32
        %mul3A_477 = arith.muli %scan3A_474, %mul3A_476 : i32
        %get3A_478 = arith.index_cast %mul3A_477 : i32 to index
        %get3A_479 = tpu.vector_load %arg8[%get3A_478] {strides = array<i32>} : memref<272xi32, #tpu.memory_space<vmem>>, vector<16xi32>,
        %mul3A_480 = arith.constant 16 : i32
        %mul3A_481 = arith.muli %scan3A_474, %mul3A_480 : i32
        %add3A_482 = arith.constant 1 : i32
        %add3A_483 = arith.addi %mul3A_481, %add3A_482 : i32
        %get3A_484 = arith.index_cast %add3A_483 : i32 to index
        %get3A_485 = tpu.vector_load %arg8[%get3A_484] {strides = array<i32>} : memref<272xi32, #tpu.memory_space<vmem>>, vector<16xi32>,
        %ne3A_486 = arith.cmpi ne, %get3A_479, %get3A_485 : vector<16xi32>
        %iota3A_487 = tpu.iota {dimensions = array<i32: 0>} : vector<16xi32>
        %mul3A_488 = arith.constant 16 : i32
        %mul3A_489 = arith.muli %scan3A_474, %mul3A_488 : i32
        %add3A_490 = arith.constant 1 : i32
        %add3A_491 = arith.addi %mul3A_489, %add3A_490 : i32
        %add3A_492 = vector.broadcast %add3A_491 : i32 to vector<16xi32>
        %add3A_493 = arith.addi %iota3A_487, %add3A_492 : vector<16xi32>
        %swap3A = arith.index_cast %scan3A_475 : i32 to index
        %swap3A_494 = tpu.vector_load %arg12[%swap3A] masked %ne3A_486 {strides = array<i32>} : memref<288xi32, #tpu.memory_space<vmem>>, vector<16xi32>, vector<16xi1>
        tpu.vector_store %arg12[%swap3A], %add3A_493 masked %ne3A_486 {strides = array<i32>} : memref<288xi32, #tpu.memory_space<vmem>>, vector<16xi32>, vector<16xi1>
        %all_reduce_population_count3A = tpu.all_reduce %ne3A_486 {dim = 0 : i64, kind = #tpu.reduction_kind<sum>} : vector<16xi1> -> vector<16xi32>
        %slice3A_495 = vector.extract_strided_slice %all_reduce_population_count3A {offsets = [0], sizes = [1], strides = [1]} : vector<16xi32> to vector<1xi32>
        %squeeze3A_496 = vector.extract %slice3A_495[0] : i32 from vector<1xi32>
        %add3A_497 = arith.addi %scan3A_475, %squeeze3A_496 : i32
        scf.yield %add3A_497 : i32
      }
      %scan3A_459 = arith.constant 16 : i32
      %add3A_460 = arith.constant 1 : i32
      %add3A_461 = arith.addi %scan3A_458, %add3A_460 : i32
      %while3A_462 = arith.constant 0 : i32
      %while3A_463 = arith.constant 0 : i32
      %while3A_464 = arith.subi %add3A_461, %while3A_462 : i32
      %while3A_465 = arith.addi %while3A_462, %while3A_464 : i32
      %while3A_466 = arith.constant 1 : i32
      %while3A_467 = arith.divsi %while3A_464, %while3A_466 : i32
      %while3A_468 = arith.muli %while3A_467, %while3A_466 : i32
      %while3A_469 = arith.addi %while3A_462, %while3A_468 : i32
      %while3A_470 = arith.constant 1 : i32
      %while3A_471:12 = scf.for %while3A_474 = %while3A_462 to %while3A_469 step %while3A_470 iter_args(%while3A_475 = %while3A_399#0, %while3A_476 = %while3A_399#1, %while3A_477 = %while3A_399#2, %while3A_478 = %while3A_399#3, %while3A_479 = %while3A_399#4, %while3A_480 = %while3A_399#5, %while3A_481 = %while3A_399#6, %while3A_482 = %while3A_399#7, %while3A_483 = %while3A_399#8, %while3A_484 = %while3A_399#9, %while3A_485 = %while3A_399#10, %while3A_486 = %while3A_463) -> (vector<16xf32>, vector<16xf32>, vector<16xf32>, vector<16xf32>, vector<16xf32>, vector<16xf32>, vector<16xf32>, vector<16xf32>, i32, i32, i32, i32)  : i32 {
        %lt3A_487 = arith.cmpi slt, %while3A_474, %scan3A_458 : i32
        %get3A_488 = arith.index_cast %while3A_474 : i32 to index
        %get3A_489 = tpu.vector_load %arg12[%get3A_488] {strides = array<i32>} : memref<288xi32, #tpu.memory_space<vmem>>, vector<16xi32>,
        %slice3A_490 = vector.extract_strided_slice %get3A_489 {offsets = [0], sizes = [1], strides = [1]} : vector<16xi32> to vector<1xi32>
        %squeeze3A_491 = vector.extract %slice3A_490[0] : i32 from vector<1xi32>
        %select_n3A_492 = arith.select %lt3A_487, %squeeze3A_491, %min3A_452 : i32
        %max3A_493 = arith.maxsi %while3A_486, %max3A_449 : i32
        %min3A_494 = arith.minsi %select_n3A_492, %min3A_452 : i32
        %gt3A = arith.cmpi sgt, %min3A_494, %max3A_493 : i32
        %convert_element_type3A_495 = arith.extui %gt3A : i1 to i32
        %cond3A_496 = arith.constant 0 : i32
        %cond3A_497 = arith.cmpi ne, %convert_element_type3A_495, %cond3A_496 : i32
        %cond3A_498:11 = scf.if %cond3A_497 -> (vector<16xf32>, vector<16xf32>, vector<16xf32>, vector<16xf32>, vector<16xf32>, vector<16xf32>, vector<16xf32>, vector<16xf32>, i32, i32, i32) {
          %get3A_499 = arith.index_cast %max3A_493 : i32 to index
          %get3A_500 = tpu.vector_load %arg8[%get3A_499] {strides = array<i32>} : memref<272xi32, #tpu.memory_space<vmem>>, vector<16xi32>,
          %slice3A_501 = vector.extract_strided_slice %get3A_500 {offsets = [0], sizes = [1], strides = [1]} : vector<16xi32> to vector<1xi32>
          %squeeze3A_502 = vector.extract %slice3A_501[0] : i32 from vector<1xi32>
          %while3A_503 = arith.subi %min3A_494, %max3A_493 : i32
          %while3A_504 = arith.addi %max3A_493, %while3A_503 : i32
          %while3A_505 = arith.constant 1 : i32
          %while3A_506 = arith.divsi %while3A_503, %while3A_505 : i32
          %while3A_507 = arith.muli %while3A_506, %while3A_505 : i32
          %while3A_508 = arith.addi %max3A_493, %while3A_507 : i32
          %while3A_509 = arith.constant 1 : i32
          %while3A_510:8 = scf.for %while3A_518 = %max3A_493 to %while3A_508 step %while3A_509 iter_args(%while3A_519 = %broadcast_in_dim3A_1, %while3A_520 = %broadcast_in_dim3A_1, %while3A_521 = %broadcast_in_dim3A_1, %while3A_522 = %broadcast_in_dim3A_1, %while3A_523 = %broadcast_in_dim3A_1, %while3A_524 = %broadcast_in_dim3A_1, %while3A_525 = %broadcast_in_dim3A_1, %while3A_526 = %broadcast_in_dim3A_1) -> (vector<16xf32>, vector<16xf32>, vector<16xf32>, vector<16xf32>, vector<16xf32>, vector<16xf32>, vector<16xf32>, vector<16xf32>)  : i32 {
            %get3A_527 = arith.index_cast %while3A_518 : i32 to index
            %get3A_528 = arith.constant 0 : index
            %get3A_529 = tpu.vector_load %arg7[%get3A_527, %get3A_528] {strides = array<i32>} : memref<256x128xf32, #tpu.memory_space<vmem>>, vector<16xf32>,
            %mul3A_530 = arith.constant 1.000000e+02 : f32
            %mul3A_531 = vector.broadcast %mul3A_530 : f32 to vector<16xf32>
            %mul3A_532 = arith.mulf %get3A_529, %mul3A_531 : vector<16xf32>
            %sub3A_533 = arith.constant 44.3614197 : f32
            %sub3A_534 = vector.broadcast %sub3A_533 : f32 to vector<16xf32>
            %sub3A_535 = arith.subf %mul3A_532, %sub3A_534 : vector<16xf32>
            %exp3A = math.exp %sub3A_535 : vector<16xf32>
            %add3A_536 = arith.addf %while3A_519, %exp3A : vector<16xf32>
            %get3A_537 = arith.index_cast %while3A_518 : i32 to index
            %get3A_538 = arith.constant 16 : index
            %get3A_539 = tpu.vector_load %arg7[%get3A_537, %get3A_538] {strides = array<i32>} : memref<256x128xf32, #tpu.memory_space<vmem>>, vector<16xf32>,
            %mul3A_540 = arith.constant 1.000000e+02 : f32
            %mul3A_541 = vector.broadcast %mul3A_540 : f32 to vector<16xf32>
            %mul3A_542 = arith.mulf %get3A_539, %mul3A_541 : vector<16xf32>
            %sub3A_543 = arith.constant 44.3614197 : f32
            %sub3A_544 = vector.broadcast %sub3A_543 : f32 to vector<16xf32>
            %sub3A_545 = arith.subf %mul3A_542, %sub3A_544 : vector<16xf32>
            %exp3A_546 = math.exp %sub3A_545 : vector<16xf32>
            %add3A_547 = arith.addf %while3A_520, %exp3A_546 : vector<16xf32>
            %get3A_548 = arith.index_cast %while3A_518 : i32 to index
            %get3A_549 = arith.constant 32 : index
            %get3A_550 = tpu.vector_load %arg7[%get3A_548, %get3A_549] {strides = array<i32>} : memref<256x128xf32, #tpu.memory_space<vmem>>, vector<16xf32>,
            %mul3A_551 = arith.constant 1.000000e+02 : f32
            %mul3A_552 = vector.broadcast %mul3A_551 : f32 to vector<16xf32>
            %mul3A_553 = arith.mulf %get3A_550, %mul3A_552 : vector<16xf32>
            %sub3A_554 = arith.constant 44.3614197 : f32
            %sub3A_555 = vector.broadcast %sub3A_554 : f32 to vector<16xf32>
            %sub3A_556 = arith.subf %mul3A_553, %sub3A_555 : vector<16xf32>
            %exp3A_557 = math.exp %sub3A_556 : vector<16xf32>
            %add3A_558 = arith.addf %while3A_521, %exp3A_557 : vector<16xf32>
            %get3A_559 = arith.index_cast %while3A_518 : i32 to index
            %get3A_560 = arith.constant 48 : index
            %get3A_561 = tpu.vector_load %arg7[%get3A_559, %get3A_560] {strides = array<i32>} : memref<256x128xf32, #tpu.memory_space<vmem>>, vector<16xf32>,
            %mul3A_562 = arith.constant 1.000000e+02 : f32
            %mul3A_563 = vector.broadcast %mul3A_562 : f32 to vector<16xf32>
            %mul3A_564 = arith.mulf %get3A_561, %mul3A_563 : vector<16xf32>
            %sub3A_565 = arith.constant 44.3614197 : f32
            %sub3A_566 = vector.broadcast %sub3A_565 : f32 to vector<16xf32>
            %sub3A_567 = arith.subf %mul3A_564, %sub3A_566 : vector<16xf32>
            %exp3A_568 = math.exp %sub3A_567 : vector<16xf32>
            %add3A_569 = arith.addf %while3A_522, %exp3A_568 : vector<16xf32>
            %get3A_570 = arith.index_cast %while3A_518 : i32 to index
            %get3A_571 = arith.constant 64 : index
            %get3A_572 = tpu.vector_load %arg7[%get3A_570, %get3A_571] {strides = array<i32>} : memref<256x128xf32, #tpu.memory_space<vmem>>, vector<16xf32>,
            %mul3A_573 = arith.constant 1.000000e+02 : f32
            %mul3A_574 = vector.broadcast %mul3A_573 : f32 to vector<16xf32>
            %mul3A_575 = arith.mulf %get3A_572, %mul3A_574 : vector<16xf32>
            %sub3A_576 = arith.constant 44.3614197 : f32
            %sub3A_577 = vector.broadcast %sub3A_576 : f32 to vector<16xf32>
            %sub3A_578 = arith.subf %mul3A_575, %sub3A_577 : vector<16xf32>
            %exp3A_579 = math.exp %sub3A_578 : vector<16xf32>
            %add3A_580 = arith.addf %while3A_523, %exp3A_579 : vector<16xf32>
            %get3A_581 = arith.index_cast %while3A_518 : i32 to index
            %get3A_582 = arith.constant 80 : index
            %get3A_583 = tpu.vector_load %arg7[%get3A_581, %get3A_582] {strides = array<i32>} : memref<256x128xf32, #tpu.memory_space<vmem>>, vector<16xf32>,
            %mul3A_584 = arith.constant 1.000000e+02 : f32
            %mul3A_585 = vector.broadcast %mul3A_584 : f32 to vector<16xf32>
            %mul3A_586 = arith.mulf %get3A_583, %mul3A_585 : vector<16xf32>
            %sub3A_587 = arith.constant 44.3614197 : f32
            %sub3A_588 = vector.broadcast %sub3A_587 : f32 to vector<16xf32>
            %sub3A_589 = arith.subf %mul3A_586, %sub3A_588 : vector<16xf32>
            %exp3A_590 = math.exp %sub3A_589 : vector<16xf32>
            %add3A_591 = arith.addf %while3A_524, %exp3A_590 : vector<16xf32>
            %get3A_592 = arith.index_cast %while3A_518 : i32 to index
            %get3A_593 = arith.constant 96 : index
            %get3A_594 = tpu.vector_load %arg7[%get3A_592, %get3A_593] {strides = array<i32>} : memref<256x128xf32, #tpu.memory_space<vmem>>, vector<16xf32>,
            %mul3A_595 = arith.constant 1.000000e+02 : f32
            %mul3A_596 = vector.broadcast %mul3A_595 : f32 to vector<16xf32>
            %mul3A_597 = arith.mulf %get3A_594, %mul3A_596 : vector<16xf32>
            %sub3A_598 = arith.constant 44.3614197 : f32
            %sub3A_599 = vector.broadcast %sub3A_598 : f32 to vector<16xf32>
            %sub3A_600 = arith.subf %mul3A_597, %sub3A_599 : vector<16xf32>
            %exp3A_601 = math.exp %sub3A_600 : vector<16xf32>
            %add3A_602 = arith.addf %while3A_525, %exp3A_601 : vector<16xf32>
            %get3A_603 = arith.index_cast %while3A_518 : i32 to index
            %get3A_604 = arith.constant 112 : index
            %get3A_605 = tpu.vector_load %arg7[%get3A_603, %get3A_604] {strides = array<i32>} : memref<256x128xf32, #tpu.memory_space<vmem>>, vector<16xf32>,
            %mul3A_606 = arith.constant 1.000000e+02 : f32
            %mul3A_607 = vector.broadcast %mul3A_606 : f32 to vector<16xf32>
            %mul3A_608 = arith.mulf %get3A_605, %mul3A_607 : vector<16xf32>
            %sub3A_609 = arith.constant 44.3614197 : f32
            %sub3A_610 = vector.broadcast %sub3A_609 : f32 to vector<16xf32>
            %sub3A_611 = arith.subf %mul3A_608, %sub3A_610 : vector<16xf32>
            %exp3A_612 = math.exp %sub3A_611 : vector<16xf32>
            %add3A_613 = arith.addf %while3A_526, %exp3A_612 : vector<16xf32>
            scf.yield %add3A_536, %add3A_547, %add3A_558, %add3A_569, %add3A_580, %add3A_591, %add3A_602, %add3A_613 : vector<16xf32>, vector<16xf32>, vector<16xf32>, vector<16xf32>, vector<16xf32>, vector<16xf32>, vector<16xf32>, vector<16xf32>
          }
          %while3A_511 = arith.constant 1 : i32
          %while3A_512:8 = scf.for %while3A_518 = %while3A_508 to %while3A_504 step %while3A_511 iter_args(%while3A_519 = %while3A_510#0, %while3A_520 = %while3A_510#1, %while3A_521 = %while3A_510#2, %while3A_522 = %while3A_510#3, %while3A_523 = %while3A_510#4, %while3A_524 = %while3A_510#5, %while3A_525 = %while3A_510#6, %while3A_526 = %while3A_510#7) -> (vector<16xf32>, vector<16xf32>, vector<16xf32>, vector<16xf32>, vector<16xf32>, vector<16xf32>, vector<16xf32>, vector<16xf32>)  : i32 {
            %get3A_527 = arith.index_cast %while3A_518 : i32 to index
            %get3A_528 = arith.constant 0 : index
            %get3A_529 = tpu.vector_load %arg7[%get3A_527, %get3A_528] {strides = array<i32>} : memref<256x128xf32, #tpu.memory_space<vmem>>, vector<16xf32>,
            %mul3A_530 = arith.constant 1.000000e+02 : f32
            %mul3A_531 = vector.broadcast %mul3A_530 : f32 to vector<16xf32>
            %mul3A_532 = arith.mulf %get3A_529, %mul3A_531 : vector<16xf32>
            %sub3A_533 = arith.constant 44.3614197 : f32
            %sub3A_534 = vector.broadcast %sub3A_533 : f32 to vector<16xf32>
            %sub3A_535 = arith.subf %mul3A_532, %sub3A_534 : vector<16xf32>
            %exp3A = math.exp %sub3A_535 : vector<16xf32>
            %add3A_536 = arith.addf %while3A_519, %exp3A : vector<16xf32>
            %get3A_537 = arith.index_cast %while3A_518 : i32 to index
            %get3A_538 = arith.constant 16 : index
            %get3A_539 = tpu.vector_load %arg7[%get3A_537, %get3A_538] {strides = array<i32>} : memref<256x128xf32, #tpu.memory_space<vmem>>, vector<16xf32>,
            %mul3A_540 = arith.constant 1.000000e+02 : f32
            %mul3A_541 = vector.broadcast %mul3A_540 : f32 to vector<16xf32>
            %mul3A_542 = arith.mulf %get3A_539, %mul3A_541 : vector<16xf32>
            %sub3A_543 = arith.constant 44.3614197 : f32
            %sub3A_544 = vector.broadcast %sub3A_543 : f32 to vector<16xf32>
            %sub3A_545 = arith.subf %mul3A_542, %sub3A_544 : vector<16xf32>
            %exp3A_546 = math.exp %sub3A_545 : vector<16xf32>
            %add3A_547 = arith.addf %while3A_520, %exp3A_546 : vector<16xf32>
            %get3A_548 = arith.index_cast %while3A_518 : i32 to index
            %get3A_549 = arith.constant 32 : index
            %get3A_550 = tpu.vector_load %arg7[%get3A_548, %get3A_549] {strides = array<i32>} : memref<256x128xf32, #tpu.memory_space<vmem>>, vector<16xf32>,
            %mul3A_551 = arith.constant 1.000000e+02 : f32
            %mul3A_552 = vector.broadcast %mul3A_551 : f32 to vector<16xf32>
            %mul3A_553 = arith.mulf %get3A_550, %mul3A_552 : vector<16xf32>
            %sub3A_554 = arith.constant 44.3614197 : f32
            %sub3A_555 = vector.broadcast %sub3A_554 : f32 to vector<16xf32>
            %sub3A_556 = arith.subf %mul3A_553, %sub3A_555 : vector<16xf32>
            %exp3A_557 = math.exp %sub3A_556 : vector<16xf32>
            %add3A_558 = arith.addf %while3A_521, %exp3A_557 : vector<16xf32>
            %get3A_559 = arith.index_cast %while3A_518 : i32 to index
            %get3A_560 = arith.constant 48 : index
            %get3A_561 = tpu.vector_load %arg7[%get3A_559, %get3A_560] {strides = array<i32>} : memref<256x128xf32, #tpu.memory_space<vmem>>, vector<16xf32>,
            %mul3A_562 = arith.constant 1.000000e+02 : f32
            %mul3A_563 = vector.broadcast %mul3A_562 : f32 to vector<16xf32>
            %mul3A_564 = arith.mulf %get3A_561, %mul3A_563 : vector<16xf32>
            %sub3A_565 = arith.constant 44.3614197 : f32
            %sub3A_566 = vector.broadcast %sub3A_565 : f32 to vector<16xf32>
            %sub3A_567 = arith.subf %mul3A_564, %sub3A_566 : vector<16xf32>
            %exp3A_568 = math.exp %sub3A_567 : vector<16xf32>
            %add3A_569 = arith.addf %while3A_522, %exp3A_568 : vector<16xf32>
            %get3A_570 = arith.index_cast %while3A_518 : i32 to index
            %get3A_571 = arith.constant 64 : index
            %get3A_572 = tpu.vector_load %arg7[%get3A_570, %get3A_571] {strides = array<i32>} : memref<256x128xf32, #tpu.memory_space<vmem>>, vector<16xf32>,
            %mul3A_573 = arith.constant 1.000000e+02 : f32
            %mul3A_574 = vector.broadcast %mul3A_573 : f32 to vector<16xf32>
            %mul3A_575 = arith.mulf %get3A_572, %mul3A_574 : vector<16xf32>
            %sub3A_576 = arith.constant 44.3614197 : f32
            %sub3A_577 = vector.broadcast %sub3A_576 : f32 to vector<16xf32>
            %sub3A_578 = arith.subf %mul3A_575, %sub3A_577 : vector<16xf32>
            %exp3A_579 = math.exp %sub3A_578 : vector<16xf32>
            %add3A_580 = arith.addf %while3A_523, %exp3A_579 : vector<16xf32>
            %get3A_581 = arith.index_cast %while3A_518 : i32 to index
            %get3A_582 = arith.constant 80 : index
            %get3A_583 = tpu.vector_load %arg7[%get3A_581, %get3A_582] {strides = array<i32>} : memref<256x128xf32, #tpu.memory_space<vmem>>, vector<16xf32>,
            %mul3A_584 = arith.constant 1.000000e+02 : f32
            %mul3A_585 = vector.broadcast %mul3A_584 : f32 to vector<16xf32>
            %mul3A_586 = arith.mulf %get3A_583, %mul3A_585 : vector<16xf32>
            %sub3A_587 = arith.constant 44.3614197 : f32
            %sub3A_588 = vector.broadcast %sub3A_587 : f32 to vector<16xf32>
            %sub3A_589 = arith.subf %mul3A_586, %sub3A_588 : vector<16xf32>
            %exp3A_590 = math.exp %sub3A_589 : vector<16xf32>
            %add3A_591 = arith.addf %while3A_524, %exp3A_590 : vector<16xf32>
            %get3A_592 = arith.index_cast %while3A_518 : i32 to index
            %get3A_593 = arith.constant 96 : index
            %get3A_594 = tpu.vector_load %arg7[%get3A_592, %get3A_593] {strides = array<i32>} : memref<256x128xf32, #tpu.memory_space<vmem>>, vector<16xf32>,
            %mul3A_595 = arith.constant 1.000000e+02 : f32
            %mul3A_596 = vector.broadcast %mul3A_595 : f32 to vector<16xf32>
            %mul3A_597 = arith.mulf %get3A_594, %mul3A_596 : vector<16xf32>
            %sub3A_598 = arith.constant 44.3614197 : f32
            %sub3A_599 = vector.broadcast %sub3A_598 : f32 to vector<16xf32>
            %sub3A_600 = arith.subf %mul3A_597, %sub3A_599 : vector<16xf32>
            %exp3A_601 = math.exp %sub3A_600 : vector<16xf32>
            %add3A_602 = arith.addf %while3A_525, %exp3A_601 : vector<16xf32>
            %get3A_603 = arith.index_cast %while3A_518 : i32 to index
            %get3A_604 = arith.constant 112 : index
            %get3A_605 = tpu.vector_load %arg7[%get3A_603, %get3A_604] {strides = array<i32>} : memref<256x128xf32, #tpu.memory_space<vmem>>, vector<16xf32>,
            %mul3A_606 = arith.constant 1.000000e+02 : f32
            %mul3A_607 = vector.broadcast %mul3A_606 : f32 to vector<16xf32>
            %mul3A_608 = arith.mulf %get3A_605, %mul3A_607 : vector<16xf32>
            %sub3A_609 = arith.constant 44.3614197 : f32
            %sub3A_610 = vector.broadcast %sub3A_609 : f32 to vector<16xf32>
            %sub3A_611 = arith.subf %mul3A_608, %sub3A_610 : vector<16xf32>
            %exp3A_612 = math.exp %sub3A_611 : vector<16xf32>
            %add3A_613 = arith.addf %while3A_526, %exp3A_612 : vector<16xf32>
            scf.yield %add3A_536, %add3A_547, %add3A_558, %add3A_569, %add3A_580, %add3A_591, %add3A_602, %add3A_613 : vector<16xf32>, vector<16xf32>, vector<16xf32>, vector<16xf32>, vector<16xf32>, vector<16xf32>, vector<16xf32>, vector<16xf32>
          }
          %eq3A_513 = arith.cmpi eq, %squeeze3A_502, %while3A_483 : i32
          %convert_element_type3A_514 = arith.extui %eq3A_513 : i1 to i32
          %cond3A_515 = arith.constant 0 : i32
          %cond3A_516 = arith.cmpi ne, %convert_element_type3A_514, %cond3A_515 : i32
          %cond3A_517:10 = scf.if %cond3A_516 -> (vector<16xf32>, vector<16xf32>, vector<16xf32>, vector<16xf32>, vector<16xf32>, vector<16xf32>, vector<16xf32>, vector<16xf32>, i32, i32) {
            %add3A_518 = arith.addf %while3A_475, %while3A_512#0 : vector<16xf32>
            %add3A_519 = arith.addf %while3A_476, %while3A_512#1 : vector<16xf32>
            %add3A_520 = arith.addf %while3A_477, %while3A_512#2 : vector<16xf32>
            %add3A_521 = arith.addf %while3A_478, %while3A_512#3 : vector<16xf32>
            %add3A_522 = arith.addf %while3A_479, %while3A_512#4 : vector<16xf32>
            %add3A_523 = arith.addf %while3A_480, %while3A_512#5 : vector<16xf32>
            %add3A_524 = arith.addf %while3A_481, %while3A_512#6 : vector<16xf32>
            %add3A_525 = arith.addf %while3A_482, %while3A_512#7 : vector<16xf32>
            scf.yield %add3A_518, %add3A_519, %add3A_520, %add3A_521, %add3A_522, %add3A_523, %add3A_524, %add3A_525, %while3A_484, %while3A_485 : vector<16xf32>, vector<16xf32>, vector<16xf32>, vector<16xf32>, vector<16xf32>, vector<16xf32>, vector<16xf32>, vector<16xf32>, i32, i32
          } else {
            %ge3A_518 = arith.constant 0 : i32
            %ge3A_519 = arith.cmpi sge, %while3A_483, %ge3A_518 : i32
            %convert_element_type3A_520 = arith.extui %ge3A_519 : i1 to i32
            %cond3A_521 = arith.constant 0 : i32
            %cond3A_522 = arith.cmpi ne, %convert_element_type3A_520, %cond3A_521 : i32
            %cond3A_523:2 = scf.if %cond3A_522 -> (i32, i32) {
              %while3A_524:2 = scf.while (%while3A_580 = %while3A_484, %while3A_581 = %while3A_485) : (i32, i32) -> (i32, i32) {
                %add3A_582 = arith.addi %while3A_580, %while3A_581 : i32
                %lt3A_583 = arith.cmpi slt, %add3A_582, %while3A_483 : i32
                scf.condition(%lt3A_583) %while3A_580, %while3A_581 : i32, i32
              } do {
              ^bb0(%while3A_580: i32, %while3A_581: i32):
                %mul3A_582 = arith.constant 128 : i32
                %mul3A_583 = arith.muli %while3A_580, %mul3A_582 : i32
                %add3A_584 = arith.constant 0 : i32
                %add3A_585 = arith.addi %mul3A_583, %add3A_584 : i32
                %swap3A_586 = arith.index_cast %add3A_585 : i32 to index
                %swap3A_587 = tpu.vector_load %arg11[%swap3A_586] {strides = array<i32>} : memref<8192xf32, #tpu.memory_space<vmem>>, vector<16xf32>,
                tpu.vector_store %arg11[%swap3A_586], %broadcast_in_dim3A_1 {strides = array<i32>} : memref<8192xf32, #tpu.memory_space<vmem>>, vector<16xf32>,
                %mul3A_588 = arith.constant 128 : i32
                %mul3A_589 = arith.muli %while3A_580, %mul3A_588 : i32
                %add3A_590 = arith.constant 16 : i32
                %add3A_591 = arith.addi %mul3A_589, %add3A_590 : i32
                %swap3A_592 = arith.index_cast %add3A_591 : i32 to index
                %swap3A_593 = tpu.vector_load %arg11[%swap3A_592] {strides = array<i32>} : memref<8192xf32, #tpu.memory_space<vmem>>, vector<16xf32>,
                tpu.vector_store %arg11[%swap3A_592], %broadcast_in_dim3A_1 {strides = array<i32>} : memref<8192xf32, #tpu.memory_space<vmem>>, vector<16xf32>,
                %mul3A_594 = arith.constant 128 : i32
                %mul3A_595 = arith.muli %while3A_580, %mul3A_594 : i32
                %add3A_596 = arith.constant 32 : i32
                %add3A_597 = arith.addi %mul3A_595, %add3A_596 : i32
                %swap3A_598 = arith.index_cast %add3A_597 : i32 to index
                %swap3A_599 = tpu.vector_load %arg11[%swap3A_598] {strides = array<i32>} : memref<8192xf32, #tpu.memory_space<vmem>>, vector<16xf32>,
                tpu.vector_store %arg11[%swap3A_598], %broadcast_in_dim3A_1 {strides = array<i32>} : memref<8192xf32, #tpu.memory_space<vmem>>, vector<16xf32>,
                %mul3A_600 = arith.constant 128 : i32
                %mul3A_601 = arith.muli %while3A_580, %mul3A_600 : i32
                %add3A_602 = arith.constant 48 : i32
                %add3A_603 = arith.addi %mul3A_601, %add3A_602 : i32
                %swap3A_604 = arith.index_cast %add3A_603 : i32 to index
                %swap3A_605 = tpu.vector_load %arg11[%swap3A_604] {strides = array<i32>} : memref<8192xf32, #tpu.memory_space<vmem>>, vector<16xf32>,
                tpu.vector_store %arg11[%swap3A_604], %broadcast_in_dim3A_1 {strides = array<i32>} : memref<8192xf32, #tpu.memory_space<vmem>>, vector<16xf32>,
                %mul3A_606 = arith.constant 128 : i32
                %mul3A_607 = arith.muli %while3A_580, %mul3A_606 : i32
                %add3A_608 = arith.constant 64 : i32
                %add3A_609 = arith.addi %mul3A_607, %add3A_608 : i32
                %swap3A_610 = arith.index_cast %add3A_609 : i32 to index
                %swap3A_611 = tpu.vector_load %arg11[%swap3A_610] {strides = array<i32>} : memref<8192xf32, #tpu.memory_space<vmem>>, vector<16xf32>,
                tpu.vector_store %arg11[%swap3A_610], %broadcast_in_dim3A_1 {strides = array<i32>} : memref<8192xf32, #tpu.memory_space<vmem>>, vector<16xf32>,
                %mul3A_612 = arith.constant 128 : i32
                %mul3A_613 = arith.muli %while3A_580, %mul3A_612 : i32
                %add3A_614 = arith.constant 80 : i32
                %add3A_615 = arith.addi %mul3A_613, %add3A_614 : i32
                %swap3A_616 = arith.index_cast %add3A_615 : i32 to index
                %swap3A_617 = tpu.vector_load %arg11[%swap3A_616] {strides = array<i32>} : memref<8192xf32, #tpu.memory_space<vmem>>, vector<16xf32>,
                tpu.vector_store %arg11[%swap3A_616], %broadcast_in_dim3A_1 {strides = array<i32>} : memref<8192xf32, #tpu.memory_space<vmem>>, vector<16xf32>,
                %mul3A_618 = arith.constant 128 : i32
                %mul3A_619 = arith.muli %while3A_580, %mul3A_618 : i32
                %add3A_620 = arith.constant 96 : i32
                %add3A_621 = arith.addi %mul3A_619, %add3A_620 : i32
                %swap3A_622 = arith.index_cast %add3A_621 : i32 to index
                %swap3A_623 = tpu.vector_load %arg11[%swap3A_622] {strides = array<i32>} : memref<8192xf32, #tpu.memory_space<vmem>>, vector<16xf32>,
                tpu.vector_store %arg11[%swap3A_622], %broadcast_in_dim3A_1 {strides = array<i32>} : memref<8192xf32, #tpu.memory_space<vmem>>, vector<16xf32>,
                %mul3A_624 = arith.constant 128 : i32
                %mul3A_625 = arith.muli %while3A_580, %mul3A_624 : i32
                %add3A_626 = arith.constant 112 : i32
                %add3A_627 = arith.addi %mul3A_625, %add3A_626 : i32
                %swap3A_628 = arith.index_cast %add3A_627 : i32 to index
                %swap3A_629 = tpu.vector_load %arg11[%swap3A_628] {strides = array<i32>} : memref<8192xf32, #tpu.memory_space<vmem>>, vector<16xf32>,
                tpu.vector_store %arg11[%swap3A_628], %broadcast_in_dim3A_1 {strides = array<i32>} : memref<8192xf32, #tpu.memory_space<vmem>>, vector<16xf32>,
                %add3A_630 = arith.constant 1 : i32
                %add3A_631 = arith.addi %while3A_580, %add3A_630 : i32
                %eq3A_632 = arith.constant 64 : i32
                %eq3A_633 = arith.cmpi eq, %add3A_631, %eq3A_632 : i32
                %convert_element_type3A_634 = arith.extui %eq3A_633 : i1 to i32
                %cond3A_635 = arith.constant 0 : i32
                %cond3A_636 = arith.cmpi ne, %convert_element_type3A_634, %cond3A_635 : i32
                %cond3A_637:2 = scf.if %cond3A_636 -> (i32, i32) {
                  %mul3A_638 = arith.constant 128 : i32
                  %mul3A_639 = arith.muli %while3A_581, %mul3A_638 : i32
                  %multiple_of3A_640 = tpu.assume_multiple %mul3A_639, 8 : i32
                  "tpu.region"() ({
                    %run_scoped3A = tpu.sem_alloc : memref<!tpu.dma_semaphore, #tpu.memory_space<semaphore_mem>>
                    %dma_start3A_644 = tpu.memref_slice %arg4[%multiple_of3A_640] : memref<1280000xf32, #tpu.memory_space<hbm>> -> memref<8192xf32, #tpu.memory_space<hbm>>
                    %dma_start3A_645 = tpu.memref_slice %arg4[%multiple_of3A_640] : memref<1280000xf32, #tpu.memory_space<hbm>> -> memref<8192xf32, #tpu.memory_space<hbm>>
                    tpu.enqueue_dma source(%arg11 : memref<8192xf32, #tpu.memory_space<vmem>>) target(%dma_start3A_645 : memref<8192xf32, #tpu.memory_space<hbm>>) target_semaphore(%run_scoped3A : memref<!tpu.dma_semaphore, #tpu.memory_space<semaphore_mem>>)
                    %dma_wait3A_646 = tpu.memref_slice %arg4[%multiple_of3A_640] : memref<1280000xf32, #tpu.memory_space<hbm>> -> memref<8192xf32, #tpu.memory_space<hbm>>
                    %dma_wait3A_647 = tpu.memref_slice %arg4[%multiple_of3A_640] : memref<1280000xf32, #tpu.memory_space<hbm>> -> memref<8192xf32, #tpu.memory_space<hbm>>
                    tpu.wait_dma2 semaphore(%run_scoped3A : memref<!tpu.dma_semaphore, #tpu.memory_space<semaphore_mem>>) src(%arg11 : memref<8192xf32, #tpu.memory_space<vmem>>) dst(%dma_wait3A_647 : memref<8192xf32, #tpu.memory_space<hbm>>)
                    tpu.yield
                  }) : () -> ()
                  %add3A_641 = arith.constant 64 : i32
                  %add3A_642 = arith.addi %while3A_581, %add3A_641 : i32
                  %cond3A_643 = arith.constant 0 : i32
                  scf.yield %cond3A_643, %add3A_642 : i32, i32
                } else {
                  scf.yield %add3A_631, %while3A_581 : i32, i32
                }
                scf.yield %cond3A_637#0, %cond3A_637#1 : i32, i32
              }
              %mul3A_525 = arith.constant 128 : i32
              %mul3A_526 = arith.muli %while3A_524#0, %mul3A_525 : i32
              %add3A_527 = arith.constant 0 : i32
              %add3A_528 = arith.addi %mul3A_526, %add3A_527 : i32
              %swap3A = arith.index_cast %add3A_528 : i32 to index
              %swap3A_529 = tpu.vector_load %arg11[%swap3A] {strides = array<i32>} : memref<8192xf32, #tpu.memory_space<vmem>>, vector<16xf32>,
              tpu.vector_store %arg11[%swap3A], %while3A_475 {strides = array<i32>} : memref<8192xf32, #tpu.memory_space<vmem>>, vector<16xf32>,
              %mul3A_530 = arith.constant 128 : i32
              %mul3A_531 = arith.muli %while3A_524#0, %mul3A_530 : i32
              %add3A_532 = arith.constant 16 : i32
              %add3A_533 = arith.addi %mul3A_531, %add3A_532 : i32
              %swap3A_534 = arith.index_cast %add3A_533 : i32 to index
              %swap3A_535 = tpu.vector_load %arg11[%swap3A_534] {strides = array<i32>} : memref<8192xf32, #tpu.memory_space<vmem>>, vector<16xf32>,
              tpu.vector_store %arg11[%swap3A_534], %while3A_476 {strides = array<i32>} : memref<8192xf32, #tpu.memory_space<vmem>>, vector<16xf32>,
              %mul3A_536 = arith.constant 128 : i32
              %mul3A_537 = arith.muli %while3A_524#0, %mul3A_536 : i32
              %add3A_538 = arith.constant 32 : i32
              %add3A_539 = arith.addi %mul3A_537, %add3A_538 : i32
              %swap3A_540 = arith.index_cast %add3A_539 : i32 to index
              %swap3A_541 = tpu.vector_load %arg11[%swap3A_540] {strides = array<i32>} : memref<8192xf32, #tpu.memory_space<vmem>>, vector<16xf32>,
              tpu.vector_store %arg11[%swap3A_540], %while3A_477 {strides = array<i32>} : memref<8192xf32, #tpu.memory_space<vmem>>, vector<16xf32>,
              %mul3A_542 = arith.constant 128 : i32
              %mul3A_543 = arith.muli %while3A_524#0, %mul3A_542 : i32
              %add3A_544 = arith.constant 48 : i32
              %add3A_545 = arith.addi %mul3A_543, %add3A_544 : i32
              %swap3A_546 = arith.index_cast %add3A_545 : i32 to index
              %swap3A_547 = tpu.vector_load %arg11[%swap3A_546] {strides = array<i32>} : memref<8192xf32, #tpu.memory_space<vmem>>, vector<16xf32>,
              tpu.vector_store %arg11[%swap3A_546], %while3A_478 {strides = array<i32>} : memref<8192xf32, #tpu.memory_space<vmem>>, vector<16xf32>,
              %mul3A_548 = arith.constant 128 : i32
              %mul3A_549 = arith.muli %while3A_524#0, %mul3A_548 : i32
              %add3A_550 = arith.constant 64 : i32
              %add3A_551 = arith.addi %mul3A_549, %add3A_550 : i32
              %swap3A_552 = arith.index_cast %add3A_551 : i32 to index
              %swap3A_553 = tpu.vector_load %arg11[%swap3A_552] {strides = array<i32>} : memref<8192xf32, #tpu.memory_space<vmem>>, vector<16xf32>,
              tpu.vector_store %arg11[%swap3A_552], %while3A_479 {strides = array<i32>} : memref<8192xf32, #tpu.memory_space<vmem>>, vector<16xf32>,
              %mul3A_554 = arith.constant 128 : i32
              %mul3A_555 = arith.muli %while3A_524#0, %mul3A_554 : i32
              %add3A_556 = arith.constant 80 : i32
              %add3A_557 = arith.addi %mul3A_555, %add3A_556 : i32
              %swap3A_558 = arith.index_cast %add3A_557 : i32 to index
              %swap3A_559 = tpu.vector_load %arg11[%swap3A_558] {strides = array<i32>} : memref<8192xf32, #tpu.memory_space<vmem>>, vector<16xf32>,
              tpu.vector_store %arg11[%swap3A_558], %while3A_480 {strides = array<i32>} : memref<8192xf32, #tpu.memory_space<vmem>>, vector<16xf32>,
              %mul3A_560 = arith.constant 128 : i32
              %mul3A_561 = arith.muli %while3A_524#0, %mul3A_560 : i32
              %add3A_562 = arith.constant 96 : i32
              %add3A_563 = arith.addi %mul3A_561, %add3A_562 : i32
              %swap3A_564 = arith.index_cast %add3A_563 : i32 to index
              %swap3A_565 = tpu.vector_load %arg11[%swap3A_564] {strides = array<i32>} : memref<8192xf32, #tpu.memory_space<vmem>>, vector<16xf32>,
              tpu.vector_store %arg11[%swap3A_564], %while3A_481 {strides = array<i32>} : memref<8192xf32, #tpu.memory_space<vmem>>, vector<16xf32>,
              %mul3A_566 = arith.constant 128 : i32
              %mul3A_567 = arith.muli %while3A_524#0, %mul3A_566 : i32
              %add3A_568 = arith.constant 112 : i32
              %add3A_569 = arith.addi %mul3A_567, %add3A_568 : i32
              %swap3A_570 = arith.index_cast %add3A_569 : i32 to index
              %swap3A_571 = tpu.vector_load %arg11[%swap3A_570] {strides = array<i32>} : memref<8192xf32, #tpu.memory_space<vmem>>, vector<16xf32>,
              tpu.vector_store %arg11[%swap3A_570], %while3A_482 {strides = array<i32>} : memref<8192xf32, #tpu.memory_space<vmem>>, vector<16xf32>,
              %add3A_572 = arith.constant 1 : i32
              %add3A_573 = arith.addi %while3A_524#0, %add3A_572 : i32
              %eq3A_574 = arith.constant 64 : i32
              %eq3A_575 = arith.cmpi eq, %add3A_573, %eq3A_574 : i32
              %convert_element_type3A_576 = arith.extui %eq3A_575 : i1 to i32
              %cond3A_577 = arith.constant 0 : i32
              %cond3A_578 = arith.cmpi ne, %convert_element_type3A_576, %cond3A_577 : i32
              %cond3A_579:2 = scf.if %cond3A_578 -> (i32, i32) {
                %mul3A_580 = arith.constant 128 : i32
                %mul3A_581 = arith.muli %while3A_524#1, %mul3A_580 : i32
                %multiple_of3A_582 = tpu.assume_multiple %mul3A_581, 8 : i32
                "tpu.region"() ({
                  %run_scoped3A = tpu.sem_alloc : memref<!tpu.dma_semaphore, #tpu.memory_space<semaphore_mem>>
                  %dma_start3A_586 = tpu.memref_slice %arg4[%multiple_of3A_582] : memref<1280000xf32, #tpu.memory_space<hbm>> -> memref<8192xf32, #tpu.memory_space<hbm>>
                  %dma_start3A_587 = tpu.memref_slice %arg4[%multiple_of3A_582] : memref<1280000xf32, #tpu.memory_space<hbm>> -> memref<8192xf32, #tpu.memory_space<hbm>>
                  tpu.enqueue_dma source(%arg11 : memref<8192xf32, #tpu.memory_space<vmem>>) target(%dma_start3A_587 : memref<8192xf32, #tpu.memory_space<hbm>>) target_semaphore(%run_scoped3A : memref<!tpu.dma_semaphore, #tpu.memory_space<semaphore_mem>>)
                  %dma_wait3A_588 = tpu.memref_slice %arg4[%multiple_of3A_582] : memref<1280000xf32, #tpu.memory_space<hbm>> -> memref<8192xf32, #tpu.memory_space<hbm>>
                  %dma_wait3A_589 = tpu.memref_slice %arg4[%multiple_of3A_582] : memref<1280000xf32, #tpu.memory_space<hbm>> -> memref<8192xf32, #tpu.memory_space<hbm>>
                  tpu.wait_dma2 semaphore(%run_scoped3A : memref<!tpu.dma_semaphore, #tpu.memory_space<semaphore_mem>>) src(%arg11 : memref<8192xf32, #tpu.memory_space<vmem>>) dst(%dma_wait3A_589 : memref<8192xf32, #tpu.memory_space<hbm>>)
                  tpu.yield
                }) : () -> ()
                %add3A_583 = arith.constant 64 : i32
                %add3A_584 = arith.addi %while3A_524#1, %add3A_583 : i32
                %cond3A_585 = arith.constant 0 : i32
                scf.yield %cond3A_585, %add3A_584 : i32, i32
              } else {
                scf.yield %add3A_573, %while3A_524#1 : i32, i32
              }
              scf.yield %cond3A_579#0, %cond3A_579#1 : i32, i32
            } else {
              scf.yield %while3A_484, %while3A_485 : i32, i32
            }
            scf.yield %while3A_512#0, %while3A_512#1, %while3A_512#2, %while3A_512#3, %while3A_512#4, %while3A_512#5, %while3A_512#6, %while3A_512#7, %cond3A_523#0, %cond3A_523#1 : vector<16xf32>, vector<16xf32>, vector<16xf32>, vector<16xf32>, vector<16xf32>, vector<16xf32>, vector<16xf32>, vector<16xf32>, i32, i32
          }
          scf.yield %cond3A_517#0, %cond3A_517#1, %cond3A_517#2, %cond3A_517#3, %cond3A_517#4, %cond3A_517#5, %cond3A_517#6, %cond3A_517#7, %squeeze3A_502, %cond3A_517#8, %cond3A_517#9 : vector<16xf32>, vector<16xf32>, vector<16xf32>, vector<16xf32>, vector<16xf32>, vector<16xf32>, vector<16xf32>, vector<16xf32>, i32, i32, i32
        } else {
          scf.yield %while3A_475, %while3A_476, %while3A_477, %while3A_478, %while3A_479, %while3A_480, %while3A_481, %while3A_482, %while3A_483, %while3A_484, %while3A_485 : vector<16xf32>, vector<16xf32>, vector<16xf32>, vector<16xf32>, vector<16xf32>, vector<16xf32>, vector<16xf32>, vector<16xf32>, i32, i32, i32
        }
        scf.yield %cond3A_498#0, %cond3A_498#1, %cond3A_498#2, %cond3A_498#3, %cond3A_498#4, %cond3A_498#5, %cond3A_498#6, %cond3A_498#7, %cond3A_498#8, %cond3A_498#9, %cond3A_498#10, %select_n3A_492 : vector<16xf32>, vector<16xf32>, vector<16xf32>, vector<16xf32>, vector<16xf32>, vector<16xf32>, vector<16xf32>, vector<16xf32>, i32, i32, i32, i32
      }
      %while3A_472 = arith.constant 1 : i32
      %while3A_473:12 = scf.for %while3A_474 = %while3A_469 to %while3A_465 step %while3A_472 iter_args(%while3A_475 = %while3A_471#0, %while3A_476 = %while3A_471#1, %while3A_477 = %while3A_471#2, %while3A_478 = %while3A_471#3, %while3A_479 = %while3A_471#4, %while3A_480 = %while3A_471#5, %while3A_481 = %while3A_471#6, %while3A_482 = %while3A_471#7, %while3A_483 = %while3A_471#8, %while3A_484 = %while3A_471#9, %while3A_485 = %while3A_471#10, %while3A_486 = %while3A_471#11) -> (vector<16xf32>, vector<16xf32>, vector<16xf32>, vector<16xf32>, vector<16xf32>, vector<16xf32>, vector<16xf32>, vector<16xf32>, i32, i32, i32, i32)  : i32 {
        %lt3A_487 = arith.cmpi slt, %while3A_474, %scan3A_458 : i32
        %get3A_488 = arith.index_cast %while3A_474 : i32 to index
        %get3A_489 = tpu.vector_load %arg12[%get3A_488] {strides = array<i32>} : memref<288xi32, #tpu.memory_space<vmem>>, vector<16xi32>,
        %slice3A_490 = vector.extract_strided_slice %get3A_489 {offsets = [0], sizes = [1], strides = [1]} : vector<16xi32> to vector<1xi32>
        %squeeze3A_491 = vector.extract %slice3A_490[0] : i32 from vector<1xi32>
        %select_n3A_492 = arith.select %lt3A_487, %squeeze3A_491, %min3A_452 : i32
        %max3A_493 = arith.maxsi %while3A_486, %max3A_449 : i32
        %min3A_494 = arith.minsi %select_n3A_492, %min3A_452 : i32
        %gt3A = arith.cmpi sgt, %min3A_494, %max3A_493 : i32
        %convert_element_type3A_495 = arith.extui %gt3A : i1 to i32
        %cond3A_496 = arith.constant 0 : i32
        %cond3A_497 = arith.cmpi ne, %convert_element_type3A_495, %cond3A_496 : i32
        %cond3A_498:11 = scf.if %cond3A_497 -> (vector<16xf32>, vector<16xf32>, vector<16xf32>, vector<16xf32>, vector<16xf32>, vector<16xf32>, vector<16xf32>, vector<16xf32>, i32, i32, i32) {
          %get3A_499 = arith.index_cast %max3A_493 : i32 to index
          %get3A_500 = tpu.vector_load %arg8[%get3A_499] {strides = array<i32>} : memref<272xi32, #tpu.memory_space<vmem>>, vector<16xi32>,
          %slice3A_501 = vector.extract_strided_slice %get3A_500 {offsets = [0], sizes = [1], strides = [1]} : vector<16xi32> to vector<1xi32>
          %squeeze3A_502 = vector.extract %slice3A_501[0] : i32 from vector<1xi32>
          %while3A_503 = arith.subi %min3A_494, %max3A_493 : i32
          %while3A_504 = arith.addi %max3A_493, %while3A_503 : i32
          %while3A_505 = arith.constant 1 : i32
          %while3A_506 = arith.divsi %while3A_503, %while3A_505 : i32
          %while3A_507 = arith.muli %while3A_506, %while3A_505 : i32
          %while3A_508 = arith.addi %max3A_493, %while3A_507 : i32
          %while3A_509 = arith.constant 1 : i32
          %while3A_510:8 = scf.for %while3A_518 = %max3A_493 to %while3A_508 step %while3A_509 iter_args(%while3A_519 = %broadcast_in_dim3A_1, %while3A_520 = %broadcast_in_dim3A_1, %while3A_521 = %broadcast_in_dim3A_1, %while3A_522 = %broadcast_in_dim3A_1, %while3A_523 = %broadcast_in_dim3A_1, %while3A_524 = %broadcast_in_dim3A_1, %while3A_525 = %broadcast_in_dim3A_1, %while3A_526 = %broadcast_in_dim3A_1) -> (vector<16xf32>, vector<16xf32>, vector<16xf32>, vector<16xf32>, vector<16xf32>, vector<16xf32>, vector<16xf32>, vector<16xf32>)  : i32 {
            %get3A_527 = arith.index_cast %while3A_518 : i32 to index
            %get3A_528 = arith.constant 0 : index
            %get3A_529 = tpu.vector_load %arg7[%get3A_527, %get3A_528] {strides = array<i32>} : memref<256x128xf32, #tpu.memory_space<vmem>>, vector<16xf32>,
            %mul3A_530 = arith.constant 1.000000e+02 : f32
            %mul3A_531 = vector.broadcast %mul3A_530 : f32 to vector<16xf32>
            %mul3A_532 = arith.mulf %get3A_529, %mul3A_531 : vector<16xf32>
            %sub3A_533 = arith.constant 44.3614197 : f32
            %sub3A_534 = vector.broadcast %sub3A_533 : f32 to vector<16xf32>
            %sub3A_535 = arith.subf %mul3A_532, %sub3A_534 : vector<16xf32>
            %exp3A = math.exp %sub3A_535 : vector<16xf32>
            %add3A_536 = arith.addf %while3A_519, %exp3A : vector<16xf32>
            %get3A_537 = arith.index_cast %while3A_518 : i32 to index
            %get3A_538 = arith.constant 16 : index
            %get3A_539 = tpu.vector_load %arg7[%get3A_537, %get3A_538] {strides = array<i32>} : memref<256x128xf32, #tpu.memory_space<vmem>>, vector<16xf32>,
            %mul3A_540 = arith.constant 1.000000e+02 : f32
            %mul3A_541 = vector.broadcast %mul3A_540 : f32 to vector<16xf32>
            %mul3A_542 = arith.mulf %get3A_539, %mul3A_541 : vector<16xf32>
            %sub3A_543 = arith.constant 44.3614197 : f32
            %sub3A_544 = vector.broadcast %sub3A_543 : f32 to vector<16xf32>
            %sub3A_545 = arith.subf %mul3A_542, %sub3A_544 : vector<16xf32>
            %exp3A_546 = math.exp %sub3A_545 : vector<16xf32>
            %add3A_547 = arith.addf %while3A_520, %exp3A_546 : vector<16xf32>
            %get3A_548 = arith.index_cast %while3A_518 : i32 to index
            %get3A_549 = arith.constant 32 : index
            %get3A_550 = tpu.vector_load %arg7[%get3A_548, %get3A_549] {strides = array<i32>} : memref<256x128xf32, #tpu.memory_space<vmem>>, vector<16xf32>,
            %mul3A_551 = arith.constant 1.000000e+02 : f32
            %mul3A_552 = vector.broadcast %mul3A_551 : f32 to vector<16xf32>
            %mul3A_553 = arith.mulf %get3A_550, %mul3A_552 : vector<16xf32>
            %sub3A_554 = arith.constant 44.3614197 : f32
            %sub3A_555 = vector.broadcast %sub3A_554 : f32 to vector<16xf32>
            %sub3A_556 = arith.subf %mul3A_553, %sub3A_555 : vector<16xf32>
            %exp3A_557 = math.exp %sub3A_556 : vector<16xf32>
            %add3A_558 = arith.addf %while3A_521, %exp3A_557 : vector<16xf32>
            %get3A_559 = arith.index_cast %while3A_518 : i32 to index
            %get3A_560 = arith.constant 48 : index
            %get3A_561 = tpu.vector_load %arg7[%get3A_559, %get3A_560] {strides = array<i32>} : memref<256x128xf32, #tpu.memory_space<vmem>>, vector<16xf32>,
            %mul3A_562 = arith.constant 1.000000e+02 : f32
            %mul3A_563 = vector.broadcast %mul3A_562 : f32 to vector<16xf32>
            %mul3A_564 = arith.mulf %get3A_561, %mul3A_563 : vector<16xf32>
            %sub3A_565 = arith.constant 44.3614197 : f32
            %sub3A_566 = vector.broadcast %sub3A_565 : f32 to vector<16xf32>
            %sub3A_567 = arith.subf %mul3A_564, %sub3A_566 : vector<16xf32>
            %exp3A_568 = math.exp %sub3A_567 : vector<16xf32>
            %add3A_569 = arith.addf %while3A_522, %exp3A_568 : vector<16xf32>
            %get3A_570 = arith.index_cast %while3A_518 : i32 to index
            %get3A_571 = arith.constant 64 : index
            %get3A_572 = tpu.vector_load %arg7[%get3A_570, %get3A_571] {strides = array<i32>} : memref<256x128xf32, #tpu.memory_space<vmem>>, vector<16xf32>,
            %mul3A_573 = arith.constant 1.000000e+02 : f32
            %mul3A_574 = vector.broadcast %mul3A_573 : f32 to vector<16xf32>
            %mul3A_575 = arith.mulf %get3A_572, %mul3A_574 : vector<16xf32>
            %sub3A_576 = arith.constant 44.3614197 : f32
            %sub3A_577 = vector.broadcast %sub3A_576 : f32 to vector<16xf32>
            %sub3A_578 = arith.subf %mul3A_575, %sub3A_577 : vector<16xf32>
            %exp3A_579 = math.exp %sub3A_578 : vector<16xf32>
            %add3A_580 = arith.addf %while3A_523, %exp3A_579 : vector<16xf32>
            %get3A_581 = arith.index_cast %while3A_518 : i32 to index
            %get3A_582 = arith.constant 80 : index
            %get3A_583 = tpu.vector_load %arg7[%get3A_581, %get3A_582] {strides = array<i32>} : memref<256x128xf32, #tpu.memory_space<vmem>>, vector<16xf32>,
            %mul3A_584 = arith.constant 1.000000e+02 : f32
            %mul3A_585 = vector.broadcast %mul3A_584 : f32 to vector<16xf32>
            %mul3A_586 = arith.mulf %get3A_583, %mul3A_585 : vector<16xf32>
            %sub3A_587 = arith.constant 44.3614197 : f32
            %sub3A_588 = vector.broadcast %sub3A_587 : f32 to vector<16xf32>
            %sub3A_589 = arith.subf %mul3A_586, %sub3A_588 : vector<16xf32>
            %exp3A_590 = math.exp %sub3A_589 : vector<16xf32>
            %add3A_591 = arith.addf %while3A_524, %exp3A_590 : vector<16xf32>
            %get3A_592 = arith.index_cast %while3A_518 : i32 to index
            %get3A_593 = arith.constant 96 : index
            %get3A_594 = tpu.vector_load %arg7[%get3A_592, %get3A_593] {strides = array<i32>} : memref<256x128xf32, #tpu.memory_space<vmem>>, vector<16xf32>,
            %mul3A_595 = arith.constant 1.000000e+02 : f32
            %mul3A_596 = vector.broadcast %mul3A_595 : f32 to vector<16xf32>
            %mul3A_597 = arith.mulf %get3A_594, %mul3A_596 : vector<16xf32>
            %sub3A_598 = arith.constant 44.3614197 : f32
            %sub3A_599 = vector.broadcast %sub3A_598 : f32 to vector<16xf32>
            %sub3A_600 = arith.subf %mul3A_597, %sub3A_599 : vector<16xf32>
            %exp3A_601 = math.exp %sub3A_600 : vector<16xf32>
            %add3A_602 = arith.addf %while3A_525, %exp3A_601 : vector<16xf32>
            %get3A_603 = arith.index_cast %while3A_518 : i32 to index
            %get3A_604 = arith.constant 112 : index
            %get3A_605 = tpu.vector_load %arg7[%get3A_603, %get3A_604] {strides = array<i32>} : memref<256x128xf32, #tpu.memory_space<vmem>>, vector<16xf32>,
            %mul3A_606 = arith.constant 1.000000e+02 : f32
            %mul3A_607 = vector.broadcast %mul3A_606 : f32 to vector<16xf32>
            %mul3A_608 = arith.mulf %get3A_605, %mul3A_607 : vector<16xf32>
            %sub3A_609 = arith.constant 44.3614197 : f32
            %sub3A_610 = vector.broadcast %sub3A_609 : f32 to vector<16xf32>
            %sub3A_611 = arith.subf %mul3A_608, %sub3A_610 : vector<16xf32>
            %exp3A_612 = math.exp %sub3A_611 : vector<16xf32>
            %add3A_613 = arith.addf %while3A_526, %exp3A_612 : vector<16xf32>
            scf.yield %add3A_536, %add3A_547, %add3A_558, %add3A_569, %add3A_580, %add3A_591, %add3A_602, %add3A_613 : vector<16xf32>, vector<16xf32>, vector<16xf32>, vector<16xf32>, vector<16xf32>, vector<16xf32>, vector<16xf32>, vector<16xf32>
          }
          %while3A_511 = arith.constant 1 : i32
          %while3A_512:8 = scf.for %while3A_518 = %while3A_508 to %while3A_504 step %while3A_511 iter_args(%while3A_519 = %while3A_510#0, %while3A_520 = %while3A_510#1, %while3A_521 = %while3A_510#2, %while3A_522 = %while3A_510#3, %while3A_523 = %while3A_510#4, %while3A_524 = %while3A_510#5, %while3A_525 = %while3A_510#6, %while3A_526 = %while3A_510#7) -> (vector<16xf32>, vector<16xf32>, vector<16xf32>, vector<16xf32>, vector<16xf32>, vector<16xf32>, vector<16xf32>, vector<16xf32>)  : i32 {
            %get3A_527 = arith.index_cast %while3A_518 : i32 to index
            %get3A_528 = arith.constant 0 : index
            %get3A_529 = tpu.vector_load %arg7[%get3A_527, %get3A_528] {strides = array<i32>} : memref<256x128xf32, #tpu.memory_space<vmem>>, vector<16xf32>,
            %mul3A_530 = arith.constant 1.000000e+02 : f32
            %mul3A_531 = vector.broadcast %mul3A_530 : f32 to vector<16xf32>
            %mul3A_532 = arith.mulf %get3A_529, %mul3A_531 : vector<16xf32>
            %sub3A_533 = arith.constant 44.3614197 : f32
            %sub3A_534 = vector.broadcast %sub3A_533 : f32 to vector<16xf32>
            %sub3A_535 = arith.subf %mul3A_532, %sub3A_534 : vector<16xf32>
            %exp3A = math.exp %sub3A_535 : vector<16xf32>
            %add3A_536 = arith.addf %while3A_519, %exp3A : vector<16xf32>
            %get3A_537 = arith.index_cast %while3A_518 : i32 to index
            %get3A_538 = arith.constant 16 : index
            %get3A_539 = tpu.vector_load %arg7[%get3A_537, %get3A_538] {strides = array<i32>} : memref<256x128xf32, #tpu.memory_space<vmem>>, vector<16xf32>,
            %mul3A_540 = arith.constant 1.000000e+02 : f32
            %mul3A_541 = vector.broadcast %mul3A_540 : f32 to vector<16xf32>
            %mul3A_542 = arith.mulf %get3A_539, %mul3A_541 : vector<16xf32>
            %sub3A_543 = arith.constant 44.3614197 : f32
            %sub3A_544 = vector.broadcast %sub3A_543 : f32 to vector<16xf32>
            %sub3A_545 = arith.subf %mul3A_542, %sub3A_544 : vector<16xf32>
            %exp3A_546 = math.exp %sub3A_545 : vector<16xf32>
            %add3A_547 = arith.addf %while3A_520, %exp3A_546 : vector<16xf32>
            %get3A_548 = arith.index_cast %while3A_518 : i32 to index
            %get3A_549 = arith.constant 32 : index
            %get3A_550 = tpu.vector_load %arg7[%get3A_548, %get3A_549] {strides = array<i32>} : memref<256x128xf32, #tpu.memory_space<vmem>>, vector<16xf32>,
            %mul3A_551 = arith.constant 1.000000e+02 : f32
            %mul3A_552 = vector.broadcast %mul3A_551 : f32 to vector<16xf32>
            %mul3A_553 = arith.mulf %get3A_550, %mul3A_552 : vector<16xf32>
            %sub3A_554 = arith.constant 44.3614197 : f32
            %sub3A_555 = vector.broadcast %sub3A_554 : f32 to vector<16xf32>
            %sub3A_556 = arith.subf %mul3A_553, %sub3A_555 : vector<16xf32>
            %exp3A_557 = math.exp %sub3A_556 : vector<16xf32>
            %add3A_558 = arith.addf %while3A_521, %exp3A_557 : vector<16xf32>
            %get3A_559 = arith.index_cast %while3A_518 : i32 to index
            %get3A_560 = arith.constant 48 : index
            %get3A_561 = tpu.vector_load %arg7[%get3A_559, %get3A_560] {strides = array<i32>} : memref<256x128xf32, #tpu.memory_space<vmem>>, vector<16xf32>,
            %mul3A_562 = arith.constant 1.000000e+02 : f32
            %mul3A_563 = vector.broadcast %mul3A_562 : f32 to vector<16xf32>
            %mul3A_564 = arith.mulf %get3A_561, %mul3A_563 : vector<16xf32>
            %sub3A_565 = arith.constant 44.3614197 : f32
            %sub3A_566 = vector.broadcast %sub3A_565 : f32 to vector<16xf32>
            %sub3A_567 = arith.subf %mul3A_564, %sub3A_566 : vector<16xf32>
            %exp3A_568 = math.exp %sub3A_567 : vector<16xf32>
            %add3A_569 = arith.addf %while3A_522, %exp3A_568 : vector<16xf32>
            %get3A_570 = arith.index_cast %while3A_518 : i32 to index
            %get3A_571 = arith.constant 64 : index
            %get3A_572 = tpu.vector_load %arg7[%get3A_570, %get3A_571] {strides = array<i32>} : memref<256x128xf32, #tpu.memory_space<vmem>>, vector<16xf32>,
            %mul3A_573 = arith.constant 1.000000e+02 : f32
            %mul3A_574 = vector.broadcast %mul3A_573 : f32 to vector<16xf32>
            %mul3A_575 = arith.mulf %get3A_572, %mul3A_574 : vector<16xf32>
            %sub3A_576 = arith.constant 44.3614197 : f32
            %sub3A_577 = vector.broadcast %sub3A_576 : f32 to vector<16xf32>
            %sub3A_578 = arith.subf %mul3A_575, %sub3A_577 : vector<16xf32>
            %exp3A_579 = math.exp %sub3A_578 : vector<16xf32>
            %add3A_580 = arith.addf %while3A_523, %exp3A_579 : vector<16xf32>
            %get3A_581 = arith.index_cast %while3A_518 : i32 to index
            %get3A_582 = arith.constant 80 : index
            %get3A_583 = tpu.vector_load %arg7[%get3A_581, %get3A_582] {strides = array<i32>} : memref<256x128xf32, #tpu.memory_space<vmem>>, vector<16xf32>,
            %mul3A_584 = arith.constant 1.000000e+02 : f32
            %mul3A_585 = vector.broadcast %mul3A_584 : f32 to vector<16xf32>
            %mul3A_586 = arith.mulf %get3A_583, %mul3A_585 : vector<16xf32>
            %sub3A_587 = arith.constant 44.3614197 : f32
            %sub3A_588 = vector.broadcast %sub3A_587 : f32 to vector<16xf32>
            %sub3A_589 = arith.subf %mul3A_586, %sub3A_588 : vector<16xf32>
            %exp3A_590 = math.exp %sub3A_589 : vector<16xf32>
            %add3A_591 = arith.addf %while3A_524, %exp3A_590 : vector<16xf32>
            %get3A_592 = arith.index_cast %while3A_518 : i32 to index
            %get3A_593 = arith.constant 96 : index
            %get3A_594 = tpu.vector_load %arg7[%get3A_592, %get3A_593] {strides = array<i32>} : memref<256x128xf32, #tpu.memory_space<vmem>>, vector<16xf32>,
            %mul3A_595 = arith.constant 1.000000e+02 : f32
            %mul3A_596 = vector.broadcast %mul3A_595 : f32 to vector<16xf32>
            %mul3A_597 = arith.mulf %get3A_594, %mul3A_596 : vector<16xf32>
            %sub3A_598 = arith.constant 44.3614197 : f32
            %sub3A_599 = vector.broadcast %sub3A_598 : f32 to vector<16xf32>
            %sub3A_600 = arith.subf %mul3A_597, %sub3A_599 : vector<16xf32>
            %exp3A_601 = math.exp %sub3A_600 : vector<16xf32>
            %add3A_602 = arith.addf %while3A_525, %exp3A_601 : vector<16xf32>
            %get3A_603 = arith.index_cast %while3A_518 : i32 to index
            %get3A_604 = arith.constant 112 : index
            %get3A_605 = tpu.vector_load %arg7[%get3A_603, %get3A_604] {strides = array<i32>} : memref<256x128xf32, #tpu.memory_space<vmem>>, vector<16xf32>,
            %mul3A_606 = arith.constant 1.000000e+02 : f32
            %mul3A_607 = vector.broadcast %mul3A_606 : f32 to vector<16xf32>
            %mul3A_608 = arith.mulf %get3A_605, %mul3A_607 : vector<16xf32>
            %sub3A_609 = arith.constant 44.3614197 : f32
            %sub3A_610 = vector.broadcast %sub3A_609 : f32 to vector<16xf32>
            %sub3A_611 = arith.subf %mul3A_608, %sub3A_610 : vector<16xf32>
            %exp3A_612 = math.exp %sub3A_611 : vector<16xf32>
            %add3A_613 = arith.addf %while3A_526, %exp3A_612 : vector<16xf32>
            scf.yield %add3A_536, %add3A_547, %add3A_558, %add3A_569, %add3A_580, %add3A_591, %add3A_602, %add3A_613 : vector<16xf32>, vector<16xf32>, vector<16xf32>, vector<16xf32>, vector<16xf32>, vector<16xf32>, vector<16xf32>, vector<16xf32>
          }
          %eq3A_513 = arith.cmpi eq, %squeeze3A_502, %while3A_483 : i32
          %convert_element_type3A_514 = arith.extui %eq3A_513 : i1 to i32
          %cond3A_515 = arith.constant 0 : i32
          %cond3A_516 = arith.cmpi ne, %convert_element_type3A_514, %cond3A_515 : i32
          %cond3A_517:10 = scf.if %cond3A_516 -> (vector<16xf32>, vector<16xf32>, vector<16xf32>, vector<16xf32>, vector<16xf32>, vector<16xf32>, vector<16xf32>, vector<16xf32>, i32, i32) {
            %add3A_518 = arith.addf %while3A_475, %while3A_512#0 : vector<16xf32>
            %add3A_519 = arith.addf %while3A_476, %while3A_512#1 : vector<16xf32>
            %add3A_520 = arith.addf %while3A_477, %while3A_512#2 : vector<16xf32>
            %add3A_521 = arith.addf %while3A_478, %while3A_512#3 : vector<16xf32>
            %add3A_522 = arith.addf %while3A_479, %while3A_512#4 : vector<16xf32>
            %add3A_523 = arith.addf %while3A_480, %while3A_512#5 : vector<16xf32>
            %add3A_524 = arith.addf %while3A_481, %while3A_512#6 : vector<16xf32>
            %add3A_525 = arith.addf %while3A_482, %while3A_512#7 : vector<16xf32>
            scf.yield %add3A_518, %add3A_519, %add3A_520, %add3A_521, %add3A_522, %add3A_523, %add3A_524, %add3A_525, %while3A_484, %while3A_485 : vector<16xf32>, vector<16xf32>, vector<16xf32>, vector<16xf32>, vector<16xf32>, vector<16xf32>, vector<16xf32>, vector<16xf32>, i32, i32
          } else {
            %ge3A_518 = arith.constant 0 : i32
            %ge3A_519 = arith.cmpi sge, %while3A_483, %ge3A_518 : i32
            %convert_element_type3A_520 = arith.extui %ge3A_519 : i1 to i32
            %cond3A_521 = arith.constant 0 : i32
            %cond3A_522 = arith.cmpi ne, %convert_element_type3A_520, %cond3A_521 : i32
            %cond3A_523:2 = scf.if %cond3A_522 -> (i32, i32) {
              %while3A_524:2 = scf.while (%while3A_580 = %while3A_484, %while3A_581 = %while3A_485) : (i32, i32) -> (i32, i32) {
                %add3A_582 = arith.addi %while3A_580, %while3A_581 : i32
                %lt3A_583 = arith.cmpi slt, %add3A_582, %while3A_483 : i32
                scf.condition(%lt3A_583) %while3A_580, %while3A_581 : i32, i32
              } do {
              ^bb0(%while3A_580: i32, %while3A_581: i32):
                %mul3A_582 = arith.constant 128 : i32
                %mul3A_583 = arith.muli %while3A_580, %mul3A_582 : i32
                %add3A_584 = arith.constant 0 : i32
                %add3A_585 = arith.addi %mul3A_583, %add3A_584 : i32
                %swap3A_586 = arith.index_cast %add3A_585 : i32 to index
                %swap3A_587 = tpu.vector_load %arg11[%swap3A_586] {strides = array<i32>} : memref<8192xf32, #tpu.memory_space<vmem>>, vector<16xf32>,
                tpu.vector_store %arg11[%swap3A_586], %broadcast_in_dim3A_1 {strides = array<i32>} : memref<8192xf32, #tpu.memory_space<vmem>>, vector<16xf32>,
                %mul3A_588 = arith.constant 128 : i32
                %mul3A_589 = arith.muli %while3A_580, %mul3A_588 : i32
                %add3A_590 = arith.constant 16 : i32
                %add3A_591 = arith.addi %mul3A_589, %add3A_590 : i32
                %swap3A_592 = arith.index_cast %add3A_591 : i32 to index
                %swap3A_593 = tpu.vector_load %arg11[%swap3A_592] {strides = array<i32>} : memref<8192xf32, #tpu.memory_space<vmem>>, vector<16xf32>,
                tpu.vector_store %arg11[%swap3A_592], %broadcast_in_dim3A_1 {strides = array<i32>} : memref<8192xf32, #tpu.memory_space<vmem>>, vector<16xf32>,
                %mul3A_594 = arith.constant 128 : i32
                %mul3A_595 = arith.muli %while3A_580, %mul3A_594 : i32
                %add3A_596 = arith.constant 32 : i32
                %add3A_597 = arith.addi %mul3A_595, %add3A_596 : i32
                %swap3A_598 = arith.index_cast %add3A_597 : i32 to index
                %swap3A_599 = tpu.vector_load %arg11[%swap3A_598] {strides = array<i32>} : memref<8192xf32, #tpu.memory_space<vmem>>, vector<16xf32>,
                tpu.vector_store %arg11[%swap3A_598], %broadcast_in_dim3A_1 {strides = array<i32>} : memref<8192xf32, #tpu.memory_space<vmem>>, vector<16xf32>,
                %mul3A_600 = arith.constant 128 : i32
                %mul3A_601 = arith.muli %while3A_580, %mul3A_600 : i32
                %add3A_602 = arith.constant 48 : i32
                %add3A_603 = arith.addi %mul3A_601, %add3A_602 : i32
                %swap3A_604 = arith.index_cast %add3A_603 : i32 to index
                %swap3A_605 = tpu.vector_load %arg11[%swap3A_604] {strides = array<i32>} : memref<8192xf32, #tpu.memory_space<vmem>>, vector<16xf32>,
                tpu.vector_store %arg11[%swap3A_604], %broadcast_in_dim3A_1 {strides = array<i32>} : memref<8192xf32, #tpu.memory_space<vmem>>, vector<16xf32>,
                %mul3A_606 = arith.constant 128 : i32
                %mul3A_607 = arith.muli %while3A_580, %mul3A_606 : i32
                %add3A_608 = arith.constant 64 : i32
                %add3A_609 = arith.addi %mul3A_607, %add3A_608 : i32
                %swap3A_610 = arith.index_cast %add3A_609 : i32 to index
                %swap3A_611 = tpu.vector_load %arg11[%swap3A_610] {strides = array<i32>} : memref<8192xf32, #tpu.memory_space<vmem>>, vector<16xf32>,
                tpu.vector_store %arg11[%swap3A_610], %broadcast_in_dim3A_1 {strides = array<i32>} : memref<8192xf32, #tpu.memory_space<vmem>>, vector<16xf32>,
                %mul3A_612 = arith.constant 128 : i32
                %mul3A_613 = arith.muli %while3A_580, %mul3A_612 : i32
                %add3A_614 = arith.constant 80 : i32
                %add3A_615 = arith.addi %mul3A_613, %add3A_614 : i32
                %swap3A_616 = arith.index_cast %add3A_615 : i32 to index
                %swap3A_617 = tpu.vector_load %arg11[%swap3A_616] {strides = array<i32>} : memref<8192xf32, #tpu.memory_space<vmem>>, vector<16xf32>,
                tpu.vector_store %arg11[%swap3A_616], %broadcast_in_dim3A_1 {strides = array<i32>} : memref<8192xf32, #tpu.memory_space<vmem>>, vector<16xf32>,
                %mul3A_618 = arith.constant 128 : i32
                %mul3A_619 = arith.muli %while3A_580, %mul3A_618 : i32
                %add3A_620 = arith.constant 96 : i32
                %add3A_621 = arith.addi %mul3A_619, %add3A_620 : i32
                %swap3A_622 = arith.index_cast %add3A_621 : i32 to index
                %swap3A_623 = tpu.vector_load %arg11[%swap3A_622] {strides = array<i32>} : memref<8192xf32, #tpu.memory_space<vmem>>, vector<16xf32>,
                tpu.vector_store %arg11[%swap3A_622], %broadcast_in_dim3A_1 {strides = array<i32>} : memref<8192xf32, #tpu.memory_space<vmem>>, vector<16xf32>,
                %mul3A_624 = arith.constant 128 : i32
                %mul3A_625 = arith.muli %while3A_580, %mul3A_624 : i32
                %add3A_626 = arith.constant 112 : i32
                %add3A_627 = arith.addi %mul3A_625, %add3A_626 : i32
                %swap3A_628 = arith.index_cast %add3A_627 : i32 to index
                %swap3A_629 = tpu.vector_load %arg11[%swap3A_628] {strides = array<i32>} : memref<8192xf32, #tpu.memory_space<vmem>>, vector<16xf32>,
                tpu.vector_store %arg11[%swap3A_628], %broadcast_in_dim3A_1 {strides = array<i32>} : memref<8192xf32, #tpu.memory_space<vmem>>, vector<16xf32>,
                %add3A_630 = arith.constant 1 : i32
                %add3A_631 = arith.addi %while3A_580, %add3A_630 : i32
                %eq3A_632 = arith.constant 64 : i32
                %eq3A_633 = arith.cmpi eq, %add3A_631, %eq3A_632 : i32
                %convert_element_type3A_634 = arith.extui %eq3A_633 : i1 to i32
                %cond3A_635 = arith.constant 0 : i32
                %cond3A_636 = arith.cmpi ne, %convert_element_type3A_634, %cond3A_635 : i32
                %cond3A_637:2 = scf.if %cond3A_636 -> (i32, i32) {
                  %mul3A_638 = arith.constant 128 : i32
                  %mul3A_639 = arith.muli %while3A_581, %mul3A_638 : i32
                  %multiple_of3A_640 = tpu.assume_multiple %mul3A_639, 8 : i32
                  "tpu.region"() ({
                    %run_scoped3A = tpu.sem_alloc : memref<!tpu.dma_semaphore, #tpu.memory_space<semaphore_mem>>
                    %dma_start3A_644 = tpu.memref_slice %arg4[%multiple_of3A_640] : memref<1280000xf32, #tpu.memory_space<hbm>> -> memref<8192xf32, #tpu.memory_space<hbm>>
                    %dma_start3A_645 = tpu.memref_slice %arg4[%multiple_of3A_640] : memref<1280000xf32, #tpu.memory_space<hbm>> -> memref<8192xf32, #tpu.memory_space<hbm>>
                    tpu.enqueue_dma source(%arg11 : memref<8192xf32, #tpu.memory_space<vmem>>) target(%dma_start3A_645 : memref<8192xf32, #tpu.memory_space<hbm>>) target_semaphore(%run_scoped3A : memref<!tpu.dma_semaphore, #tpu.memory_space<semaphore_mem>>)
                    %dma_wait3A_646 = tpu.memref_slice %arg4[%multiple_of3A_640] : memref<1280000xf32, #tpu.memory_space<hbm>> -> memref<8192xf32, #tpu.memory_space<hbm>>
                    %dma_wait3A_647 = tpu.memref_slice %arg4[%multiple_of3A_640] : memref<1280000xf32, #tpu.memory_space<hbm>> -> memref<8192xf32, #tpu.memory_space<hbm>>
                    tpu.wait_dma2 semaphore(%run_scoped3A : memref<!tpu.dma_semaphore, #tpu.memory_space<semaphore_mem>>) src(%arg11 : memref<8192xf32, #tpu.memory_space<vmem>>) dst(%dma_wait3A_647 : memref<8192xf32, #tpu.memory_space<hbm>>)
                    tpu.yield
                  }) : () -> ()
                  %add3A_641 = arith.constant 64 : i32
                  %add3A_642 = arith.addi %while3A_581, %add3A_641 : i32
                  %cond3A_643 = arith.constant 0 : i32
                  scf.yield %cond3A_643, %add3A_642 : i32, i32
                } else {
                  scf.yield %add3A_631, %while3A_581 : i32, i32
                }
                scf.yield %cond3A_637#0, %cond3A_637#1 : i32, i32
              }
              %mul3A_525 = arith.constant 128 : i32
              %mul3A_526 = arith.muli %while3A_524#0, %mul3A_525 : i32
              %add3A_527 = arith.constant 0 : i32
              %add3A_528 = arith.addi %mul3A_526, %add3A_527 : i32
              %swap3A = arith.index_cast %add3A_528 : i32 to index
              %swap3A_529 = tpu.vector_load %arg11[%swap3A] {strides = array<i32>} : memref<8192xf32, #tpu.memory_space<vmem>>, vector<16xf32>,
              tpu.vector_store %arg11[%swap3A], %while3A_475 {strides = array<i32>} : memref<8192xf32, #tpu.memory_space<vmem>>, vector<16xf32>,
              %mul3A_530 = arith.constant 128 : i32
              %mul3A_531 = arith.muli %while3A_524#0, %mul3A_530 : i32
              %add3A_532 = arith.constant 16 : i32
              %add3A_533 = arith.addi %mul3A_531, %add3A_532 : i32
              %swap3A_534 = arith.index_cast %add3A_533 : i32 to index
              %swap3A_535 = tpu.vector_load %arg11[%swap3A_534] {strides = array<i32>} : memref<8192xf32, #tpu.memory_space<vmem>>, vector<16xf32>,
              tpu.vector_store %arg11[%swap3A_534], %while3A_476 {strides = array<i32>} : memref<8192xf32, #tpu.memory_space<vmem>>, vector<16xf32>,
              %mul3A_536 = arith.constant 128 : i32
              %mul3A_537 = arith.muli %while3A_524#0, %mul3A_536 : i32
              %add3A_538 = arith.constant 32 : i32
              %add3A_539 = arith.addi %mul3A_537, %add3A_538 : i32
              %swap3A_540 = arith.index_cast %add3A_539 : i32 to index
              %swap3A_541 = tpu.vector_load %arg11[%swap3A_540] {strides = array<i32>} : memref<8192xf32, #tpu.memory_space<vmem>>, vector<16xf32>,
              tpu.vector_store %arg11[%swap3A_540], %while3A_477 {strides = array<i32>} : memref<8192xf32, #tpu.memory_space<vmem>>, vector<16xf32>,
              %mul3A_542 = arith.constant 128 : i32
              %mul3A_543 = arith.muli %while3A_524#0, %mul3A_542 : i32
              %add3A_544 = arith.constant 48 : i32
              %add3A_545 = arith.addi %mul3A_543, %add3A_544 : i32
              %swap3A_546 = arith.index_cast %add3A_545 : i32 to index
              %swap3A_547 = tpu.vector_load %arg11[%swap3A_546] {strides = array<i32>} : memref<8192xf32, #tpu.memory_space<vmem>>, vector<16xf32>,
              tpu.vector_store %arg11[%swap3A_546], %while3A_478 {strides = array<i32>} : memref<8192xf32, #tpu.memory_space<vmem>>, vector<16xf32>,
              %mul3A_548 = arith.constant 128 : i32
              %mul3A_549 = arith.muli %while3A_524#0, %mul3A_548 : i32
              %add3A_550 = arith.constant 64 : i32
              %add3A_551 = arith.addi %mul3A_549, %add3A_550 : i32
              %swap3A_552 = arith.index_cast %add3A_551 : i32 to index
              %swap3A_553 = tpu.vector_load %arg11[%swap3A_552] {strides = array<i32>} : memref<8192xf32, #tpu.memory_space<vmem>>, vector<16xf32>,
              tpu.vector_store %arg11[%swap3A_552], %while3A_479 {strides = array<i32>} : memref<8192xf32, #tpu.memory_space<vmem>>, vector<16xf32>,
              %mul3A_554 = arith.constant 128 : i32
              %mul3A_555 = arith.muli %while3A_524#0, %mul3A_554 : i32
              %add3A_556 = arith.constant 80 : i32
              %add3A_557 = arith.addi %mul3A_555, %add3A_556 : i32
              %swap3A_558 = arith.index_cast %add3A_557 : i32 to index
              %swap3A_559 = tpu.vector_load %arg11[%swap3A_558] {strides = array<i32>} : memref<8192xf32, #tpu.memory_space<vmem>>, vector<16xf32>,
              tpu.vector_store %arg11[%swap3A_558], %while3A_480 {strides = array<i32>} : memref<8192xf32, #tpu.memory_space<vmem>>, vector<16xf32>,
              %mul3A_560 = arith.constant 128 : i32
              %mul3A_561 = arith.muli %while3A_524#0, %mul3A_560 : i32
              %add3A_562 = arith.constant 96 : i32
              %add3A_563 = arith.addi %mul3A_561, %add3A_562 : i32
              %swap3A_564 = arith.index_cast %add3A_563 : i32 to index
              %swap3A_565 = tpu.vector_load %arg11[%swap3A_564] {strides = array<i32>} : memref<8192xf32, #tpu.memory_space<vmem>>, vector<16xf32>,
              tpu.vector_store %arg11[%swap3A_564], %while3A_481 {strides = array<i32>} : memref<8192xf32, #tpu.memory_space<vmem>>, vector<16xf32>,
              %mul3A_566 = arith.constant 128 : i32
              %mul3A_567 = arith.muli %while3A_524#0, %mul3A_566 : i32
              %add3A_568 = arith.constant 112 : i32
              %add3A_569 = arith.addi %mul3A_567, %add3A_568 : i32
              %swap3A_570 = arith.index_cast %add3A_569 : i32 to index
              %swap3A_571 = tpu.vector_load %arg11[%swap3A_570] {strides = array<i32>} : memref<8192xf32, #tpu.memory_space<vmem>>, vector<16xf32>,
              tpu.vector_store %arg11[%swap3A_570], %while3A_482 {strides = array<i32>} : memref<8192xf32, #tpu.memory_space<vmem>>, vector<16xf32>,
              %add3A_572 = arith.constant 1 : i32
              %add3A_573 = arith.addi %while3A_524#0, %add3A_572 : i32
              %eq3A_574 = arith.constant 64 : i32
              %eq3A_575 = arith.cmpi eq, %add3A_573, %eq3A_574 : i32
              %convert_element_type3A_576 = arith.extui %eq3A_575 : i1 to i32
              %cond3A_577 = arith.constant 0 : i32
              %cond3A_578 = arith.cmpi ne, %convert_element_type3A_576, %cond3A_577 : i32
              %cond3A_579:2 = scf.if %cond3A_578 -> (i32, i32) {
                %mul3A_580 = arith.constant 128 : i32
                %mul3A_581 = arith.muli %while3A_524#1, %mul3A_580 : i32
                %multiple_of3A_582 = tpu.assume_multiple %mul3A_581, 8 : i32
                "tpu.region"() ({
                  %run_scoped3A = tpu.sem_alloc : memref<!tpu.dma_semaphore, #tpu.memory_space<semaphore_mem>>
                  %dma_start3A_586 = tpu.memref_slice %arg4[%multiple_of3A_582] : memref<1280000xf32, #tpu.memory_space<hbm>> -> memref<8192xf32, #tpu.memory_space<hbm>>
                  %dma_start3A_587 = tpu.memref_slice %arg4[%multiple_of3A_582] : memref<1280000xf32, #tpu.memory_space<hbm>> -> memref<8192xf32, #tpu.memory_space<hbm>>
                  tpu.enqueue_dma source(%arg11 : memref<8192xf32, #tpu.memory_space<vmem>>) target(%dma_start3A_587 : memref<8192xf32, #tpu.memory_space<hbm>>) target_semaphore(%run_scoped3A : memref<!tpu.dma_semaphore, #tpu.memory_space<semaphore_mem>>)
                  %dma_wait3A_588 = tpu.memref_slice %arg4[%multiple_of3A_582] : memref<1280000xf32, #tpu.memory_space<hbm>> -> memref<8192xf32, #tpu.memory_space<hbm>>
                  %dma_wait3A_589 = tpu.memref_slice %arg4[%multiple_of3A_582] : memref<1280000xf32, #tpu.memory_space<hbm>> -> memref<8192xf32, #tpu.memory_space<hbm>>
                  tpu.wait_dma2 semaphore(%run_scoped3A : memref<!tpu.dma_semaphore, #tpu.memory_space<semaphore_mem>>) src(%arg11 : memref<8192xf32, #tpu.memory_space<vmem>>) dst(%dma_wait3A_589 : memref<8192xf32, #tpu.memory_space<hbm>>)
                  tpu.yield
                }) : () -> ()
                %add3A_583 = arith.constant 64 : i32
                %add3A_584 = arith.addi %while3A_524#1, %add3A_583 : i32
                %cond3A_585 = arith.constant 0 : i32
                scf.yield %cond3A_585, %add3A_584 : i32, i32
              } else {
                scf.yield %add3A_573, %while3A_524#1 : i32, i32
              }
              scf.yield %cond3A_579#0, %cond3A_579#1 : i32, i32
            } else {
              scf.yield %while3A_484, %while3A_485 : i32, i32
            }
            scf.yield %while3A_512#0, %while3A_512#1, %while3A_512#2, %while3A_512#3, %while3A_512#4, %while3A_512#5, %while3A_512#6, %while3A_512#7, %cond3A_523#0, %cond3A_523#1 : vector<16xf32>, vector<16xf32>, vector<16xf32>, vector<16xf32>, vector<16xf32>, vector<16xf32>, vector<16xf32>, vector<16xf32>, i32, i32
          }
          scf.yield %cond3A_517#0, %cond3A_517#1, %cond3A_517#2, %cond3A_517#3, %cond3A_517#4, %cond3A_517#5, %cond3A_517#6, %cond3A_517#7, %squeeze3A_502, %cond3A_517#8, %cond3A_517#9 : vector<16xf32>, vector<16xf32>, vector<16xf32>, vector<16xf32>, vector<16xf32>, vector<16xf32>, vector<16xf32>, vector<16xf32>, i32, i32, i32
        } else {
          scf.yield %while3A_475, %while3A_476, %while3A_477, %while3A_478, %while3A_479, %while3A_480, %while3A_481, %while3A_482, %while3A_483, %while3A_484, %while3A_485 : vector<16xf32>, vector<16xf32>, vector<16xf32>, vector<16xf32>, vector<16xf32>, vector<16xf32>, vector<16xf32>, vector<16xf32>, i32, i32, i32
        }
        scf.yield %cond3A_498#0, %cond3A_498#1, %cond3A_498#2, %cond3A_498#3, %cond3A_498#4, %cond3A_498#5, %cond3A_498#6, %cond3A_498#7, %cond3A_498#8, %cond3A_498#9, %cond3A_498#10, %select_n3A_492 : vector<16xf32>, vector<16xf32>, vector<16xf32>, vector<16xf32>, vector<16xf32>, vector<16xf32>, vector<16xf32>, vector<16xf32>, i32, i32, i32, i32
      }
      scf.yield %while3A_473#0, %while3A_473#1, %while3A_473#2, %while3A_473#3, %while3A_473#4, %while3A_473#5, %while3A_473#6, %while3A_473#7, %while3A_473#8, %while3A_473#9, %while3A_473#10 : vector<16xf32>, vector<16xf32>, vector<16xf32>, vector<16xf32>, vector<16xf32>, vector<16xf32>, vector<16xf32>, vector<16xf32>, i32, i32, i32
    }
    %while3A_290 = arith.constant 1 : i32
    %while3A_291:11 = scf.for %while3A_317 = %while3A_287 to %while3A_283 step %while3A_290 iter_args(%while3A_318 = %while3A_289#0, %while3A_319 = %while3A_289#1, %while3A_320 = %while3A_289#2, %while3A_321 = %while3A_289#3, %while3A_322 = %while3A_289#4, %while3A_323 = %while3A_289#5, %while3A_324 = %while3A_289#6, %while3A_325 = %while3A_289#7, %while3A_326 = %while3A_289#8, %while3A_327 = %while3A_289#9, %while3A_328 = %while3A_289#10) -> (vector<16xf32>, vector<16xf32>, vector<16xf32>, vector<16xf32>, vector<16xf32>, vector<16xf32>, vector<16xf32>, vector<16xf32>, i32, i32, i32)  : i32 {
      %mul3A_329 = arith.constant 2 : i32
      %mul3A_330 = arith.muli %mul3A_329, %while3A_317 : i32
      %add3A_331 = arith.constant 1 : i32
      %add3A_332 = arith.addi %mul3A_330, %add3A_331 : i32
      %mul3A_333 = arith.constant 256 : i32
      %mul3A_334 = arith.muli %add3A_332, %mul3A_333 : i32
      %add3A_335 = arith.addi %mul3A_207, %mul3A_334 : i32
      %min3A_336 = arith.constant 319744 : i32
      %min3A_337 = arith.minsi %add3A_335, %min3A_336 : i32
      %multiple_of3A_338 = tpu.assume_multiple %min3A_337, 8 : i32
      %dma_start3A_339 = arith.constant 0 : i32
      %dma_start3A_340 = tpu.memref_slice %arg2[%multiple_of3A_338, %dma_start3A_339] : memref<320000x128xf32, #tpu.memory_space<hbm>> -> memref<256x128xf32, #tpu.memory_space<hbm>>
      %dma_start3A_341 = arith.constant 0 : i32
      %dma_start3A_342 = tpu.memref_slice %arg2[%multiple_of3A_338, %dma_start3A_341] : memref<320000x128xf32, #tpu.memory_space<hbm>> -> memref<256x128xf32, #tpu.memory_space<hbm>>
      tpu.enqueue_dma source(%dma_start3A_342 : memref<256x128xf32, #tpu.memory_space<hbm>>) target(%arg7 : memref<256x128xf32, #tpu.memory_space<vmem>>) target_semaphore(%arg15 : memref<!tpu.dma_semaphore, #tpu.memory_space<semaphore_mem>>)
      %dma_start3A_343 = arith.constant 0 : i32
      %dma_start3A_344 = tpu.memref_slice %arg8[%dma_start3A_343] : memref<272xi32, #tpu.memory_space<vmem>> -> memref<256xi32, #tpu.memory_space<vmem>>
      %dma_start3A_345 = tpu.memref_slice %arg3[%multiple_of3A_338] : memref<320000xi32, #tpu.memory_space<hbm>> -> memref<256xi32, #tpu.memory_space<hbm>>
      %dma_start3A_346 = arith.constant 0 : i32
      %dma_start3A_347 = tpu.memref_slice %arg8[%dma_start3A_346] : memref<272xi32, #tpu.memory_space<vmem>> -> memref<256xi32, #tpu.memory_space<vmem>>
      %dma_start3A_348 = tpu.memref_slice %arg3[%multiple_of3A_338] : memref<320000xi32, #tpu.memory_space<hbm>> -> memref<256xi32, #tpu.memory_space<hbm>>
      tpu.enqueue_dma source(%dma_start3A_348 : memref<256xi32, #tpu.memory_space<hbm>>) target(%dma_start3A_347 : memref<256xi32, #tpu.memory_space<vmem>>) target_semaphore(%arg16 : memref<!tpu.dma_semaphore, #tpu.memory_space<semaphore_mem>>)
      %mul3A_349 = arith.constant 256 : i32
      %mul3A_350 = arith.muli %mul3A_330, %mul3A_349 : i32
      %add3A_351 = arith.addi %mul3A_207, %mul3A_350 : i32
      %min3A_352 = arith.constant 319744 : i32
      %min3A_353 = arith.minsi %add3A_351, %min3A_352 : i32
      %multiple_of3A_354 = tpu.assume_multiple %min3A_353, 8 : i32
      %dma_wait3A_355 = arith.constant 0 : i32
      %dma_wait3A_356 = tpu.memref_slice %arg2[%multiple_of3A_354, %dma_wait3A_355] : memref<320000x128xf32, #tpu.memory_space<hbm>> -> memref<256x128xf32, #tpu.memory_space<hbm>>
      %dma_wait3A_357 = arith.constant 0 : i32
      %dma_wait3A_358 = tpu.memref_slice %arg2[%multiple_of3A_354, %dma_wait3A_357] : memref<320000x128xf32, #tpu.memory_space<hbm>> -> memref<256x128xf32, #tpu.memory_space<hbm>>
      tpu.wait_dma2 semaphore(%arg13 : memref<!tpu.dma_semaphore, #tpu.memory_space<semaphore_mem>>) src(%dma_wait3A_358 : memref<256x128xf32, #tpu.memory_space<hbm>>) dst(%arg5 : memref<256x128xf32, #tpu.memory_space<vmem>>)
      %dma_wait3A_359 = arith.constant 0 : i32
      %dma_wait3A_360 = tpu.memref_slice %arg6[%dma_wait3A_359] : memref<272xi32, #tpu.memory_space<vmem>> -> memref<256xi32, #tpu.memory_space<vmem>>
      %dma_wait3A_361 = tpu.memref_slice %arg3[%multiple_of3A_354] : memref<320000xi32, #tpu.memory_space<hbm>> -> memref<256xi32, #tpu.memory_space<hbm>>
      %dma_wait3A_362 = arith.constant 0 : i32
      %dma_wait3A_363 = tpu.memref_slice %arg6[%dma_wait3A_362] : memref<272xi32, #tpu.memory_space<vmem>> -> memref<256xi32, #tpu.memory_space<vmem>>
      %dma_wait3A_364 = tpu.memref_slice %arg3[%multiple_of3A_354] : memref<320000xi32, #tpu.memory_space<hbm>> -> memref<256xi32, #tpu.memory_space<hbm>>
      tpu.wait_dma2 semaphore(%arg14 : memref<!tpu.dma_semaphore, #tpu.memory_space<semaphore_mem>>) src(%dma_wait3A_364 : memref<256xi32, #tpu.memory_space<hbm>>) dst(%dma_wait3A_363 : memref<256xi32, #tpu.memory_space<vmem>>)
      %mul3A_365 = arith.constant 256 : i32
      %mul3A_366 = arith.muli %mul3A_330, %mul3A_365 : i32
      %add3A_367 = arith.addi %mul3A_207, %mul3A_366 : i32
      %mul3A_368 = arith.constant 256 : i32
      %mul3A_369 = arith.muli %mul3A_330, %mul3A_368 : i32
      %add3A_370 = arith.addi %mul3A_207, %mul3A_369 : i32
      %min3A_371 = arith.constant 319744 : i32
      %min3A_372 = arith.minsi %add3A_370, %min3A_371 : i32
      %multiple_of3A_373 = tpu.assume_multiple %min3A_372, 8 : i32
      %sub3A_374 = arith.subi %select_n3A_50, %multiple_of3A_373 : i32
      %sub3A_375 = arith.subi %add3A_367, %multiple_of3A_373 : i32
      %max3A = arith.maxsi %sub3A_374, %sub3A_375 : i32
      %sub3A_376 = arith.subi %select_n3A_100, %multiple_of3A_373 : i32
      %min3A_377 = arith.constant 256 : i32
      %min3A_378 = arith.minsi %sub3A_376, %min3A_377 : i32
      %scan3A_379 = arith.constant 0 : i32
      %scan3A_380 = arith.constant 0 : i32
      %scan3A_381 = arith.constant 16 : i32
      %scan3A_382 = arith.addi %scan3A_380, %scan3A_381 : i32
      %scan3A_383 = arith.constant 1 : i32
      %scan3A_384 = scf.for %scan3A_474 = %scan3A_380 to %scan3A_382 step %scan3A_383 iter_args(%scan3A_475 = %scan3A_379) -> (i32)  : i32 {
        %mul3A_476 = arith.constant 16 : i32
        %mul3A_477 = arith.muli %scan3A_474, %mul3A_476 : i32
        %get3A_478 = arith.index_cast %mul3A_477 : i32 to index
        %get3A_479 = tpu.vector_load %arg6[%get3A_478] {strides = array<i32>} : memref<272xi32, #tpu.memory_space<vmem>>, vector<16xi32>,
        %mul3A_480 = arith.constant 16 : i32
        %mul3A_481 = arith.muli %scan3A_474, %mul3A_480 : i32
        %add3A_482 = arith.constant 1 : i32
        %add3A_483 = arith.addi %mul3A_481, %add3A_482 : i32
        %get3A_484 = arith.index_cast %add3A_483 : i32 to index
        %get3A_485 = tpu.vector_load %arg6[%get3A_484] {strides = array<i32>} : memref<272xi32, #tpu.memory_space<vmem>>, vector<16xi32>,
        %ne3A_486 = arith.cmpi ne, %get3A_479, %get3A_485 : vector<16xi32>
        %iota3A_487 = tpu.iota {dimensions = array<i32: 0>} : vector<16xi32>
        %mul3A_488 = arith.constant 16 : i32
        %mul3A_489 = arith.muli %scan3A_474, %mul3A_488 : i32
        %add3A_490 = arith.constant 1 : i32
        %add3A_491 = arith.addi %mul3A_489, %add3A_490 : i32
        %add3A_492 = vector.broadcast %add3A_491 : i32 to vector<16xi32>
        %add3A_493 = arith.addi %iota3A_487, %add3A_492 : vector<16xi32>
        %swap3A = arith.index_cast %scan3A_475 : i32 to index
        %swap3A_494 = tpu.vector_load %arg12[%swap3A] masked %ne3A_486 {strides = array<i32>} : memref<288xi32, #tpu.memory_space<vmem>>, vector<16xi32>, vector<16xi1>
        tpu.vector_store %arg12[%swap3A], %add3A_493 masked %ne3A_486 {strides = array<i32>} : memref<288xi32, #tpu.memory_space<vmem>>, vector<16xi32>, vector<16xi1>
        %all_reduce_population_count3A = tpu.all_reduce %ne3A_486 {dim = 0 : i64, kind = #tpu.reduction_kind<sum>} : vector<16xi1> -> vector<16xi32>
        %slice3A_495 = vector.extract_strided_slice %all_reduce_population_count3A {offsets = [0], sizes = [1], strides = [1]} : vector<16xi32> to vector<1xi32>
        %squeeze3A_496 = vector.extract %slice3A_495[0] : i32 from vector<1xi32>
        %add3A_497 = arith.addi %scan3A_475, %squeeze3A_496 : i32
        scf.yield %add3A_497 : i32
      }
      %scan3A_385 = arith.constant 16 : i32
      %add3A_386 = arith.constant 1 : i32
      %add3A_387 = arith.addi %scan3A_384, %add3A_386 : i32
      %while3A_388 = arith.constant 0 : i32
      %while3A_389 = arith.constant 0 : i32
      %while3A_390 = arith.subi %add3A_387, %while3A_388 : i32
      %while3A_391 = arith.addi %while3A_388, %while3A_390 : i32
      %while3A_392 = arith.constant 1 : i32
      %while3A_393 = arith.divsi %while3A_390, %while3A_392 : i32
      %while3A_394 = arith.muli %while3A_393, %while3A_392 : i32
      %while3A_395 = arith.addi %while3A_388, %while3A_394 : i32
      %while3A_396 = arith.constant 1 : i32
      %while3A_397:12 = scf.for %while3A_474 = %while3A_388 to %while3A_395 step %while3A_396 iter_args(%while3A_475 = %while3A_318, %while3A_476 = %while3A_319, %while3A_477 = %while3A_320, %while3A_478 = %while3A_321, %while3A_479 = %while3A_322, %while3A_480 = %while3A_323, %while3A_481 = %while3A_324, %while3A_482 = %while3A_325, %while3A_483 = %while3A_326, %while3A_484 = %while3A_327, %while3A_485 = %while3A_328, %while3A_486 = %while3A_389) -> (vector<16xf32>, vector<16xf32>, vector<16xf32>, vector<16xf32>, vector<16xf32>, vector<16xf32>, vector<16xf32>, vector<16xf32>, i32, i32, i32, i32)  : i32 {
        %lt3A_487 = arith.cmpi slt, %while3A_474, %scan3A_384 : i32
        %get3A_488 = arith.index_cast %while3A_474 : i32 to index
        %get3A_489 = tpu.vector_load %arg12[%get3A_488] {strides = array<i32>} : memref<288xi32, #tpu.memory_space<vmem>>, vector<16xi32>,
        %slice3A_490 = vector.extract_strided_slice %get3A_489 {offsets = [0], sizes = [1], strides = [1]} : vector<16xi32> to vector<1xi32>
        %squeeze3A_491 = vector.extract %slice3A_490[0] : i32 from vector<1xi32>
        %select_n3A_492 = arith.select %lt3A_487, %squeeze3A_491, %min3A_378 : i32
        %max3A_493 = arith.maxsi %while3A_486, %max3A : i32
        %min3A_494 = arith.minsi %select_n3A_492, %min3A_378 : i32
        %gt3A = arith.cmpi sgt, %min3A_494, %max3A_493 : i32
        %convert_element_type3A_495 = arith.extui %gt3A : i1 to i32
        %cond3A_496 = arith.constant 0 : i32
        %cond3A_497 = arith.cmpi ne, %convert_element_type3A_495, %cond3A_496 : i32
        %cond3A_498:11 = scf.if %cond3A_497 -> (vector<16xf32>, vector<16xf32>, vector<16xf32>, vector<16xf32>, vector<16xf32>, vector<16xf32>, vector<16xf32>, vector<16xf32>, i32, i32, i32) {
          %get3A_499 = arith.index_cast %max3A_493 : i32 to index
          %get3A_500 = tpu.vector_load %arg6[%get3A_499] {strides = array<i32>} : memref<272xi32, #tpu.memory_space<vmem>>, vector<16xi32>,
          %slice3A_501 = vector.extract_strided_slice %get3A_500 {offsets = [0], sizes = [1], strides = [1]} : vector<16xi32> to vector<1xi32>
          %squeeze3A_502 = vector.extract %slice3A_501[0] : i32 from vector<1xi32>
          %while3A_503 = arith.subi %min3A_494, %max3A_493 : i32
          %while3A_504 = arith.addi %max3A_493, %while3A_503 : i32
          %while3A_505 = arith.constant 1 : i32
          %while3A_506 = arith.divsi %while3A_503, %while3A_505 : i32
          %while3A_507 = arith.muli %while3A_506, %while3A_505 : i32
          %while3A_508 = arith.addi %max3A_493, %while3A_507 : i32
          %while3A_509 = arith.constant 1 : i32
          %while3A_510:8 = scf.for %while3A_518 = %max3A_493 to %while3A_508 step %while3A_509 iter_args(%while3A_519 = %broadcast_in_dim3A_1, %while3A_520 = %broadcast_in_dim3A_1, %while3A_521 = %broadcast_in_dim3A_1, %while3A_522 = %broadcast_in_dim3A_1, %while3A_523 = %broadcast_in_dim3A_1, %while3A_524 = %broadcast_in_dim3A_1, %while3A_525 = %broadcast_in_dim3A_1, %while3A_526 = %broadcast_in_dim3A_1) -> (vector<16xf32>, vector<16xf32>, vector<16xf32>, vector<16xf32>, vector<16xf32>, vector<16xf32>, vector<16xf32>, vector<16xf32>)  : i32 {
            %get3A_527 = arith.index_cast %while3A_518 : i32 to index
            %get3A_528 = arith.constant 0 : index
            %get3A_529 = tpu.vector_load %arg5[%get3A_527, %get3A_528] {strides = array<i32>} : memref<256x128xf32, #tpu.memory_space<vmem>>, vector<16xf32>,
            %mul3A_530 = arith.constant 1.000000e+02 : f32
            %mul3A_531 = vector.broadcast %mul3A_530 : f32 to vector<16xf32>
            %mul3A_532 = arith.mulf %get3A_529, %mul3A_531 : vector<16xf32>
            %sub3A_533 = arith.constant 44.3614197 : f32
            %sub3A_534 = vector.broadcast %sub3A_533 : f32 to vector<16xf32>
            %sub3A_535 = arith.subf %mul3A_532, %sub3A_534 : vector<16xf32>
            %exp3A = math.exp %sub3A_535 : vector<16xf32>
            %add3A_536 = arith.addf %while3A_519, %exp3A : vector<16xf32>
            %get3A_537 = arith.index_cast %while3A_518 : i32 to index
            %get3A_538 = arith.constant 16 : index
            %get3A_539 = tpu.vector_load %arg5[%get3A_537, %get3A_538] {strides = array<i32>} : memref<256x128xf32, #tpu.memory_space<vmem>>, vector<16xf32>,
            %mul3A_540 = arith.constant 1.000000e+02 : f32
            %mul3A_541 = vector.broadcast %mul3A_540 : f32 to vector<16xf32>
            %mul3A_542 = arith.mulf %get3A_539, %mul3A_541 : vector<16xf32>
            %sub3A_543 = arith.constant 44.3614197 : f32
            %sub3A_544 = vector.broadcast %sub3A_543 : f32 to vector<16xf32>
            %sub3A_545 = arith.subf %mul3A_542, %sub3A_544 : vector<16xf32>
            %exp3A_546 = math.exp %sub3A_545 : vector<16xf32>
            %add3A_547 = arith.addf %while3A_520, %exp3A_546 : vector<16xf32>
            %get3A_548 = arith.index_cast %while3A_518 : i32 to index
            %get3A_549 = arith.constant 32 : index
            %get3A_550 = tpu.vector_load %arg5[%get3A_548, %get3A_549] {strides = array<i32>} : memref<256x128xf32, #tpu.memory_space<vmem>>, vector<16xf32>,
            %mul3A_551 = arith.constant 1.000000e+02 : f32
            %mul3A_552 = vector.broadcast %mul3A_551 : f32 to vector<16xf32>
            %mul3A_553 = arith.mulf %get3A_550, %mul3A_552 : vector<16xf32>
            %sub3A_554 = arith.constant 44.3614197 : f32
            %sub3A_555 = vector.broadcast %sub3A_554 : f32 to vector<16xf32>
            %sub3A_556 = arith.subf %mul3A_553, %sub3A_555 : vector<16xf32>
            %exp3A_557 = math.exp %sub3A_556 : vector<16xf32>
            %add3A_558 = arith.addf %while3A_521, %exp3A_557 : vector<16xf32>
            %get3A_559 = arith.index_cast %while3A_518 : i32 to index
            %get3A_560 = arith.constant 48 : index
            %get3A_561 = tpu.vector_load %arg5[%get3A_559, %get3A_560] {strides = array<i32>} : memref<256x128xf32, #tpu.memory_space<vmem>>, vector<16xf32>,
            %mul3A_562 = arith.constant 1.000000e+02 : f32
            %mul3A_563 = vector.broadcast %mul3A_562 : f32 to vector<16xf32>
            %mul3A_564 = arith.mulf %get3A_561, %mul3A_563 : vector<16xf32>
            %sub3A_565 = arith.constant 44.3614197 : f32
            %sub3A_566 = vector.broadcast %sub3A_565 : f32 to vector<16xf32>
            %sub3A_567 = arith.subf %mul3A_564, %sub3A_566 : vector<16xf32>
            %exp3A_568 = math.exp %sub3A_567 : vector<16xf32>
            %add3A_569 = arith.addf %while3A_522, %exp3A_568 : vector<16xf32>
            %get3A_570 = arith.index_cast %while3A_518 : i32 to index
            %get3A_571 = arith.constant 64 : index
            %get3A_572 = tpu.vector_load %arg5[%get3A_570, %get3A_571] {strides = array<i32>} : memref<256x128xf32, #tpu.memory_space<vmem>>, vector<16xf32>,
            %mul3A_573 = arith.constant 1.000000e+02 : f32
            %mul3A_574 = vector.broadcast %mul3A_573 : f32 to vector<16xf32>
            %mul3A_575 = arith.mulf %get3A_572, %mul3A_574 : vector<16xf32>
            %sub3A_576 = arith.constant 44.3614197 : f32
            %sub3A_577 = vector.broadcast %sub3A_576 : f32 to vector<16xf32>
            %sub3A_578 = arith.subf %mul3A_575, %sub3A_577 : vector<16xf32>
            %exp3A_579 = math.exp %sub3A_578 : vector<16xf32>
            %add3A_580 = arith.addf %while3A_523, %exp3A_579 : vector<16xf32>
            %get3A_581 = arith.index_cast %while3A_518 : i32 to index
            %get3A_582 = arith.constant 80 : index
            %get3A_583 = tpu.vector_load %arg5[%get3A_581, %get3A_582] {strides = array<i32>} : memref<256x128xf32, #tpu.memory_space<vmem>>, vector<16xf32>,
            %mul3A_584 = arith.constant 1.000000e+02 : f32
            %mul3A_585 = vector.broadcast %mul3A_584 : f32 to vector<16xf32>
            %mul3A_586 = arith.mulf %get3A_583, %mul3A_585 : vector<16xf32>
            %sub3A_587 = arith.constant 44.3614197 : f32
            %sub3A_588 = vector.broadcast %sub3A_587 : f32 to vector<16xf32>
            %sub3A_589 = arith.subf %mul3A_586, %sub3A_588 : vector<16xf32>
            %exp3A_590 = math.exp %sub3A_589 : vector<16xf32>
            %add3A_591 = arith.addf %while3A_524, %exp3A_590 : vector<16xf32>
            %get3A_592 = arith.index_cast %while3A_518 : i32 to index
            %get3A_593 = arith.constant 96 : index
            %get3A_594 = tpu.vector_load %arg5[%get3A_592, %get3A_593] {strides = array<i32>} : memref<256x128xf32, #tpu.memory_space<vmem>>, vector<16xf32>,
            %mul3A_595 = arith.constant 1.000000e+02 : f32
            %mul3A_596 = vector.broadcast %mul3A_595 : f32 to vector<16xf32>
            %mul3A_597 = arith.mulf %get3A_594, %mul3A_596 : vector<16xf32>
            %sub3A_598 = arith.constant 44.3614197 : f32
            %sub3A_599 = vector.broadcast %sub3A_598 : f32 to vector<16xf32>
            %sub3A_600 = arith.subf %mul3A_597, %sub3A_599 : vector<16xf32>
            %exp3A_601 = math.exp %sub3A_600 : vector<16xf32>
            %add3A_602 = arith.addf %while3A_525, %exp3A_601 : vector<16xf32>
            %get3A_603 = arith.index_cast %while3A_518 : i32 to index
            %get3A_604 = arith.constant 112 : index
            %get3A_605 = tpu.vector_load %arg5[%get3A_603, %get3A_604] {strides = array<i32>} : memref<256x128xf32, #tpu.memory_space<vmem>>, vector<16xf32>,
            %mul3A_606 = arith.constant 1.000000e+02 : f32
            %mul3A_607 = vector.broadcast %mul3A_606 : f32 to vector<16xf32>
            %mul3A_608 = arith.mulf %get3A_605, %mul3A_607 : vector<16xf32>
            %sub3A_609 = arith.constant 44.3614197 : f32
            %sub3A_610 = vector.broadcast %sub3A_609 : f32 to vector<16xf32>
            %sub3A_611 = arith.subf %mul3A_608, %sub3A_610 : vector<16xf32>
            %exp3A_612 = math.exp %sub3A_611 : vector<16xf32>
            %add3A_613 = arith.addf %while3A_526, %exp3A_612 : vector<16xf32>
            scf.yield %add3A_536, %add3A_547, %add3A_558, %add3A_569, %add3A_580, %add3A_591, %add3A_602, %add3A_613 : vector<16xf32>, vector<16xf32>, vector<16xf32>, vector<16xf32>, vector<16xf32>, vector<16xf32>, vector<16xf32>, vector<16xf32>
          }
          %while3A_511 = arith.constant 1 : i32
          %while3A_512:8 = scf.for %while3A_518 = %while3A_508 to %while3A_504 step %while3A_511 iter_args(%while3A_519 = %while3A_510#0, %while3A_520 = %while3A_510#1, %while3A_521 = %while3A_510#2, %while3A_522 = %while3A_510#3, %while3A_523 = %while3A_510#4, %while3A_524 = %while3A_510#5, %while3A_525 = %while3A_510#6, %while3A_526 = %while3A_510#7) -> (vector<16xf32>, vector<16xf32>, vector<16xf32>, vector<16xf32>, vector<16xf32>, vector<16xf32>, vector<16xf32>, vector<16xf32>)  : i32 {
            %get3A_527 = arith.index_cast %while3A_518 : i32 to index
            %get3A_528 = arith.constant 0 : index
            %get3A_529 = tpu.vector_load %arg5[%get3A_527, %get3A_528] {strides = array<i32>} : memref<256x128xf32, #tpu.memory_space<vmem>>, vector<16xf32>,
            %mul3A_530 = arith.constant 1.000000e+02 : f32
            %mul3A_531 = vector.broadcast %mul3A_530 : f32 to vector<16xf32>
            %mul3A_532 = arith.mulf %get3A_529, %mul3A_531 : vector<16xf32>
            %sub3A_533 = arith.constant 44.3614197 : f32
            %sub3A_534 = vector.broadcast %sub3A_533 : f32 to vector<16xf32>
            %sub3A_535 = arith.subf %mul3A_532, %sub3A_534 : vector<16xf32>
            %exp3A = math.exp %sub3A_535 : vector<16xf32>
            %add3A_536 = arith.addf %while3A_519, %exp3A : vector<16xf32>
            %get3A_537 = arith.index_cast %while3A_518 : i32 to index
            %get3A_538 = arith.constant 16 : index
            %get3A_539 = tpu.vector_load %arg5[%get3A_537, %get3A_538] {strides = array<i32>} : memref<256x128xf32, #tpu.memory_space<vmem>>, vector<16xf32>,
            %mul3A_540 = arith.constant 1.000000e+02 : f32
            %mul3A_541 = vector.broadcast %mul3A_540 : f32 to vector<16xf32>
            %mul3A_542 = arith.mulf %get3A_539, %mul3A_541 : vector<16xf32>
            %sub3A_543 = arith.constant 44.3614197 : f32
            %sub3A_544 = vector.broadcast %sub3A_543 : f32 to vector<16xf32>
            %sub3A_545 = arith.subf %mul3A_542, %sub3A_544 : vector<16xf32>
            %exp3A_546 = math.exp %sub3A_545 : vector<16xf32>
            %add3A_547 = arith.addf %while3A_520, %exp3A_546 : vector<16xf32>
            %get3A_548 = arith.index_cast %while3A_518 : i32 to index
            %get3A_549 = arith.constant 32 : index
            %get3A_550 = tpu.vector_load %arg5[%get3A_548, %get3A_549] {strides = array<i32>} : memref<256x128xf32, #tpu.memory_space<vmem>>, vector<16xf32>,
            %mul3A_551 = arith.constant 1.000000e+02 : f32
            %mul3A_552 = vector.broadcast %mul3A_551 : f32 to vector<16xf32>
            %mul3A_553 = arith.mulf %get3A_550, %mul3A_552 : vector<16xf32>
            %sub3A_554 = arith.constant 44.3614197 : f32
            %sub3A_555 = vector.broadcast %sub3A_554 : f32 to vector<16xf32>
            %sub3A_556 = arith.subf %mul3A_553, %sub3A_555 : vector<16xf32>
            %exp3A_557 = math.exp %sub3A_556 : vector<16xf32>
            %add3A_558 = arith.addf %while3A_521, %exp3A_557 : vector<16xf32>
            %get3A_559 = arith.index_cast %while3A_518 : i32 to index
            %get3A_560 = arith.constant 48 : index
            %get3A_561 = tpu.vector_load %arg5[%get3A_559, %get3A_560] {strides = array<i32>} : memref<256x128xf32, #tpu.memory_space<vmem>>, vector<16xf32>,
            %mul3A_562 = arith.constant 1.000000e+02 : f32
            %mul3A_563 = vector.broadcast %mul3A_562 : f32 to vector<16xf32>
            %mul3A_564 = arith.mulf %get3A_561, %mul3A_563 : vector<16xf32>
            %sub3A_565 = arith.constant 44.3614197 : f32
            %sub3A_566 = vector.broadcast %sub3A_565 : f32 to vector<16xf32>
            %sub3A_567 = arith.subf %mul3A_564, %sub3A_566 : vector<16xf32>
            %exp3A_568 = math.exp %sub3A_567 : vector<16xf32>
            %add3A_569 = arith.addf %while3A_522, %exp3A_568 : vector<16xf32>
            %get3A_570 = arith.index_cast %while3A_518 : i32 to index
            %get3A_571 = arith.constant 64 : index
            %get3A_572 = tpu.vector_load %arg5[%get3A_570, %get3A_571] {strides = array<i32>} : memref<256x128xf32, #tpu.memory_space<vmem>>, vector<16xf32>,
            %mul3A_573 = arith.constant 1.000000e+02 : f32
            %mul3A_574 = vector.broadcast %mul3A_573 : f32 to vector<16xf32>
            %mul3A_575 = arith.mulf %get3A_572, %mul3A_574 : vector<16xf32>
            %sub3A_576 = arith.constant 44.3614197 : f32
            %sub3A_577 = vector.broadcast %sub3A_576 : f32 to vector<16xf32>
            %sub3A_578 = arith.subf %mul3A_575, %sub3A_577 : vector<16xf32>
            %exp3A_579 = math.exp %sub3A_578 : vector<16xf32>
            %add3A_580 = arith.addf %while3A_523, %exp3A_579 : vector<16xf32>
            %get3A_581 = arith.index_cast %while3A_518 : i32 to index
            %get3A_582 = arith.constant 80 : index
            %get3A_583 = tpu.vector_load %arg5[%get3A_581, %get3A_582] {strides = array<i32>} : memref<256x128xf32, #tpu.memory_space<vmem>>, vector<16xf32>,
            %mul3A_584 = arith.constant 1.000000e+02 : f32
            %mul3A_585 = vector.broadcast %mul3A_584 : f32 to vector<16xf32>
            %mul3A_586 = arith.mulf %get3A_583, %mul3A_585 : vector<16xf32>
            %sub3A_587 = arith.constant 44.3614197 : f32
            %sub3A_588 = vector.broadcast %sub3A_587 : f32 to vector<16xf32>
            %sub3A_589 = arith.subf %mul3A_586, %sub3A_588 : vector<16xf32>
            %exp3A_590 = math.exp %sub3A_589 : vector<16xf32>
            %add3A_591 = arith.addf %while3A_524, %exp3A_590 : vector<16xf32>
            %get3A_592 = arith.index_cast %while3A_518 : i32 to index
            %get3A_593 = arith.constant 96 : index
            %get3A_594 = tpu.vector_load %arg5[%get3A_592, %get3A_593] {strides = array<i32>} : memref<256x128xf32, #tpu.memory_space<vmem>>, vector<16xf32>,
            %mul3A_595 = arith.constant 1.000000e+02 : f32
            %mul3A_596 = vector.broadcast %mul3A_595 : f32 to vector<16xf32>
            %mul3A_597 = arith.mulf %get3A_594, %mul3A_596 : vector<16xf32>
            %sub3A_598 = arith.constant 44.3614197 : f32
            %sub3A_599 = vector.broadcast %sub3A_598 : f32 to vector<16xf32>
            %sub3A_600 = arith.subf %mul3A_597, %sub3A_599 : vector<16xf32>
            %exp3A_601 = math.exp %sub3A_600 : vector<16xf32>
            %add3A_602 = arith.addf %while3A_525, %exp3A_601 : vector<16xf32>
            %get3A_603 = arith.index_cast %while3A_518 : i32 to index
            %get3A_604 = arith.constant 112 : index
            %get3A_605 = tpu.vector_load %arg5[%get3A_603, %get3A_604] {strides = array<i32>} : memref<256x128xf32, #tpu.memory_space<vmem>>, vector<16xf32>,
            %mul3A_606 = arith.constant 1.000000e+02 : f32
            %mul3A_607 = vector.broadcast %mul3A_606 : f32 to vector<16xf32>
            %mul3A_608 = arith.mulf %get3A_605, %mul3A_607 : vector<16xf32>
            %sub3A_609 = arith.constant 44.3614197 : f32
            %sub3A_610 = vector.broadcast %sub3A_609 : f32 to vector<16xf32>
            %sub3A_611 = arith.subf %mul3A_608, %sub3A_610 : vector<16xf32>
            %exp3A_612 = math.exp %sub3A_611 : vector<16xf32>
            %add3A_613 = arith.addf %while3A_526, %exp3A_612 : vector<16xf32>
            scf.yield %add3A_536, %add3A_547, %add3A_558, %add3A_569, %add3A_580, %add3A_591, %add3A_602, %add3A_613 : vector<16xf32>, vector<16xf32>, vector<16xf32>, vector<16xf32>, vector<16xf32>, vector<16xf32>, vector<16xf32>, vector<16xf32>
          }
          %eq3A_513 = arith.cmpi eq, %squeeze3A_502, %while3A_483 : i32
          %convert_element_type3A_514 = arith.extui %eq3A_513 : i1 to i32
          %cond3A_515 = arith.constant 0 : i32
          %cond3A_516 = arith.cmpi ne, %convert_element_type3A_514, %cond3A_515 : i32
          %cond3A_517:10 = scf.if %cond3A_516 -> (vector<16xf32>, vector<16xf32>, vector<16xf32>, vector<16xf32>, vector<16xf32>, vector<16xf32>, vector<16xf32>, vector<16xf32>, i32, i32) {
            %add3A_518 = arith.addf %while3A_475, %while3A_512#0 : vector<16xf32>
            %add3A_519 = arith.addf %while3A_476, %while3A_512#1 : vector<16xf32>
            %add3A_520 = arith.addf %while3A_477, %while3A_512#2 : vector<16xf32>
            %add3A_521 = arith.addf %while3A_478, %while3A_512#3 : vector<16xf32>
            %add3A_522 = arith.addf %while3A_479, %while3A_512#4 : vector<16xf32>
            %add3A_523 = arith.addf %while3A_480, %while3A_512#5 : vector<16xf32>
            %add3A_524 = arith.addf %while3A_481, %while3A_512#6 : vector<16xf32>
            %add3A_525 = arith.addf %while3A_482, %while3A_512#7 : vector<16xf32>
            scf.yield %add3A_518, %add3A_519, %add3A_520, %add3A_521, %add3A_522, %add3A_523, %add3A_524, %add3A_525, %while3A_484, %while3A_485 : vector<16xf32>, vector<16xf32>, vector<16xf32>, vector<16xf32>, vector<16xf32>, vector<16xf32>, vector<16xf32>, vector<16xf32>, i32, i32
          } else {
            %ge3A_518 = arith.constant 0 : i32
            %ge3A_519 = arith.cmpi sge, %while3A_483, %ge3A_518 : i32
            %convert_element_type3A_520 = arith.extui %ge3A_519 : i1 to i32
            %cond3A_521 = arith.constant 0 : i32
            %cond3A_522 = arith.cmpi ne, %convert_element_type3A_520, %cond3A_521 : i32
            %cond3A_523:2 = scf.if %cond3A_522 -> (i32, i32) {
              %while3A_524:2 = scf.while (%while3A_580 = %while3A_484, %while3A_581 = %while3A_485) : (i32, i32) -> (i32, i32) {
                %add3A_582 = arith.addi %while3A_580, %while3A_581 : i32
                %lt3A_583 = arith.cmpi slt, %add3A_582, %while3A_483 : i32
                scf.condition(%lt3A_583) %while3A_580, %while3A_581 : i32, i32
              } do {
              ^bb0(%while3A_580: i32, %while3A_581: i32):
                %mul3A_582 = arith.constant 128 : i32
                %mul3A_583 = arith.muli %while3A_580, %mul3A_582 : i32
                %add3A_584 = arith.constant 0 : i32
                %add3A_585 = arith.addi %mul3A_583, %add3A_584 : i32
                %swap3A_586 = arith.index_cast %add3A_585 : i32 to index
                %swap3A_587 = tpu.vector_load %arg11[%swap3A_586] {strides = array<i32>} : memref<8192xf32, #tpu.memory_space<vmem>>, vector<16xf32>,
                tpu.vector_store %arg11[%swap3A_586], %broadcast_in_dim3A_1 {strides = array<i32>} : memref<8192xf32, #tpu.memory_space<vmem>>, vector<16xf32>,
                %mul3A_588 = arith.constant 128 : i32
                %mul3A_589 = arith.muli %while3A_580, %mul3A_588 : i32
                %add3A_590 = arith.constant 16 : i32
                %add3A_591 = arith.addi %mul3A_589, %add3A_590 : i32
                %swap3A_592 = arith.index_cast %add3A_591 : i32 to index
                %swap3A_593 = tpu.vector_load %arg11[%swap3A_592] {strides = array<i32>} : memref<8192xf32, #tpu.memory_space<vmem>>, vector<16xf32>,
                tpu.vector_store %arg11[%swap3A_592], %broadcast_in_dim3A_1 {strides = array<i32>} : memref<8192xf32, #tpu.memory_space<vmem>>, vector<16xf32>,
                %mul3A_594 = arith.constant 128 : i32
                %mul3A_595 = arith.muli %while3A_580, %mul3A_594 : i32
                %add3A_596 = arith.constant 32 : i32
                %add3A_597 = arith.addi %mul3A_595, %add3A_596 : i32
                %swap3A_598 = arith.index_cast %add3A_597 : i32 to index
                %swap3A_599 = tpu.vector_load %arg11[%swap3A_598] {strides = array<i32>} : memref<8192xf32, #tpu.memory_space<vmem>>, vector<16xf32>,
                tpu.vector_store %arg11[%swap3A_598], %broadcast_in_dim3A_1 {strides = array<i32>} : memref<8192xf32, #tpu.memory_space<vmem>>, vector<16xf32>,
                %mul3A_600 = arith.constant 128 : i32
                %mul3A_601 = arith.muli %while3A_580, %mul3A_600 : i32
                %add3A_602 = arith.constant 48 : i32
                %add3A_603 = arith.addi %mul3A_601, %add3A_602 : i32
                %swap3A_604 = arith.index_cast %add3A_603 : i32 to index
                %swap3A_605 = tpu.vector_load %arg11[%swap3A_604] {strides = array<i32>} : memref<8192xf32, #tpu.memory_space<vmem>>, vector<16xf32>,
                tpu.vector_store %arg11[%swap3A_604], %broadcast_in_dim3A_1 {strides = array<i32>} : memref<8192xf32, #tpu.memory_space<vmem>>, vector<16xf32>,
                %mul3A_606 = arith.constant 128 : i32
                %mul3A_607 = arith.muli %while3A_580, %mul3A_606 : i32
                %add3A_608 = arith.constant 64 : i32
                %add3A_609 = arith.addi %mul3A_607, %add3A_608 : i32
                %swap3A_610 = arith.index_cast %add3A_609 : i32 to index
                %swap3A_611 = tpu.vector_load %arg11[%swap3A_610] {strides = array<i32>} : memref<8192xf32, #tpu.memory_space<vmem>>, vector<16xf32>,
                tpu.vector_store %arg11[%swap3A_610], %broadcast_in_dim3A_1 {strides = array<i32>} : memref<8192xf32, #tpu.memory_space<vmem>>, vector<16xf32>,
                %mul3A_612 = arith.constant 128 : i32
                %mul3A_613 = arith.muli %while3A_580, %mul3A_612 : i32
                %add3A_614 = arith.constant 80 : i32
                %add3A_615 = arith.addi %mul3A_613, %add3A_614 : i32
                %swap3A_616 = arith.index_cast %add3A_615 : i32 to index
                %swap3A_617 = tpu.vector_load %arg11[%swap3A_616] {strides = array<i32>} : memref<8192xf32, #tpu.memory_space<vmem>>, vector<16xf32>,
                tpu.vector_store %arg11[%swap3A_616], %broadcast_in_dim3A_1 {strides = array<i32>} : memref<8192xf32, #tpu.memory_space<vmem>>, vector<16xf32>,
                %mul3A_618 = arith.constant 128 : i32
                %mul3A_619 = arith.muli %while3A_580, %mul3A_618 : i32
                %add3A_620 = arith.constant 96 : i32
                %add3A_621 = arith.addi %mul3A_619, %add3A_620 : i32
                %swap3A_622 = arith.index_cast %add3A_621 : i32 to index
                %swap3A_623 = tpu.vector_load %arg11[%swap3A_622] {strides = array<i32>} : memref<8192xf32, #tpu.memory_space<vmem>>, vector<16xf32>,
                tpu.vector_store %arg11[%swap3A_622], %broadcast_in_dim3A_1 {strides = array<i32>} : memref<8192xf32, #tpu.memory_space<vmem>>, vector<16xf32>,
                %mul3A_624 = arith.constant 128 : i32
                %mul3A_625 = arith.muli %while3A_580, %mul3A_624 : i32
                %add3A_626 = arith.constant 112 : i32
                %add3A_627 = arith.addi %mul3A_625, %add3A_626 : i32
                %swap3A_628 = arith.index_cast %add3A_627 : i32 to index
                %swap3A_629 = tpu.vector_load %arg11[%swap3A_628] {strides = array<i32>} : memref<8192xf32, #tpu.memory_space<vmem>>, vector<16xf32>,
                tpu.vector_store %arg11[%swap3A_628], %broadcast_in_dim3A_1 {strides = array<i32>} : memref<8192xf32, #tpu.memory_space<vmem>>, vector<16xf32>,
                %add3A_630 = arith.constant 1 : i32
                %add3A_631 = arith.addi %while3A_580, %add3A_630 : i32
                %eq3A_632 = arith.constant 64 : i32
                %eq3A_633 = arith.cmpi eq, %add3A_631, %eq3A_632 : i32
                %convert_element_type3A_634 = arith.extui %eq3A_633 : i1 to i32
                %cond3A_635 = arith.constant 0 : i32
                %cond3A_636 = arith.cmpi ne, %convert_element_type3A_634, %cond3A_635 : i32
                %cond3A_637:2 = scf.if %cond3A_636 -> (i32, i32) {
                  %mul3A_638 = arith.constant 128 : i32
                  %mul3A_639 = arith.muli %while3A_581, %mul3A_638 : i32
                  %multiple_of3A_640 = tpu.assume_multiple %mul3A_639, 8 : i32
                  "tpu.region"() ({
                    %run_scoped3A = tpu.sem_alloc : memref<!tpu.dma_semaphore, #tpu.memory_space<semaphore_mem>>
                    %dma_start3A_644 = tpu.memref_slice %arg4[%multiple_of3A_640] : memref<1280000xf32, #tpu.memory_space<hbm>> -> memref<8192xf32, #tpu.memory_space<hbm>>
                    %dma_start3A_645 = tpu.memref_slice %arg4[%multiple_of3A_640] : memref<1280000xf32, #tpu.memory_space<hbm>> -> memref<8192xf32, #tpu.memory_space<hbm>>
                    tpu.enqueue_dma source(%arg11 : memref<8192xf32, #tpu.memory_space<vmem>>) target(%dma_start3A_645 : memref<8192xf32, #tpu.memory_space<hbm>>) target_semaphore(%run_scoped3A : memref<!tpu.dma_semaphore, #tpu.memory_space<semaphore_mem>>)
                    %dma_wait3A_646 = tpu.memref_slice %arg4[%multiple_of3A_640] : memref<1280000xf32, #tpu.memory_space<hbm>> -> memref<8192xf32, #tpu.memory_space<hbm>>
                    %dma_wait3A_647 = tpu.memref_slice %arg4[%multiple_of3A_640] : memref<1280000xf32, #tpu.memory_space<hbm>> -> memref<8192xf32, #tpu.memory_space<hbm>>
                    tpu.wait_dma2 semaphore(%run_scoped3A : memref<!tpu.dma_semaphore, #tpu.memory_space<semaphore_mem>>) src(%arg11 : memref<8192xf32, #tpu.memory_space<vmem>>) dst(%dma_wait3A_647 : memref<8192xf32, #tpu.memory_space<hbm>>)
                    tpu.yield
                  }) : () -> ()
                  %add3A_641 = arith.constant 64 : i32
                  %add3A_642 = arith.addi %while3A_581, %add3A_641 : i32
                  %cond3A_643 = arith.constant 0 : i32
                  scf.yield %cond3A_643, %add3A_642 : i32, i32
                } else {
                  scf.yield %add3A_631, %while3A_581 : i32, i32
                }
                scf.yield %cond3A_637#0, %cond3A_637#1 : i32, i32
              }
              %mul3A_525 = arith.constant 128 : i32
              %mul3A_526 = arith.muli %while3A_524#0, %mul3A_525 : i32
              %add3A_527 = arith.constant 0 : i32
              %add3A_528 = arith.addi %mul3A_526, %add3A_527 : i32
              %swap3A = arith.index_cast %add3A_528 : i32 to index
              %swap3A_529 = tpu.vector_load %arg11[%swap3A] {strides = array<i32>} : memref<8192xf32, #tpu.memory_space<vmem>>, vector<16xf32>,
              tpu.vector_store %arg11[%swap3A], %while3A_475 {strides = array<i32>} : memref<8192xf32, #tpu.memory_space<vmem>>, vector<16xf32>,
              %mul3A_530 = arith.constant 128 : i32
              %mul3A_531 = arith.muli %while3A_524#0, %mul3A_530 : i32
              %add3A_532 = arith.constant 16 : i32
              %add3A_533 = arith.addi %mul3A_531, %add3A_532 : i32
              %swap3A_534 = arith.index_cast %add3A_533 : i32 to index
              %swap3A_535 = tpu.vector_load %arg11[%swap3A_534] {strides = array<i32>} : memref<8192xf32, #tpu.memory_space<vmem>>, vector<16xf32>,
              tpu.vector_store %arg11[%swap3A_534], %while3A_476 {strides = array<i32>} : memref<8192xf32, #tpu.memory_space<vmem>>, vector<16xf32>,
              %mul3A_536 = arith.constant 128 : i32
              %mul3A_537 = arith.muli %while3A_524#0, %mul3A_536 : i32
              %add3A_538 = arith.constant 32 : i32
              %add3A_539 = arith.addi %mul3A_537, %add3A_538 : i32
              %swap3A_540 = arith.index_cast %add3A_539 : i32 to index
              %swap3A_541 = tpu.vector_load %arg11[%swap3A_540] {strides = array<i32>} : memref<8192xf32, #tpu.memory_space<vmem>>, vector<16xf32>,
              tpu.vector_store %arg11[%swap3A_540], %while3A_477 {strides = array<i32>} : memref<8192xf32, #tpu.memory_space<vmem>>, vector<16xf32>,
              %mul3A_542 = arith.constant 128 : i32
              %mul3A_543 = arith.muli %while3A_524#0, %mul3A_542 : i32
              %add3A_544 = arith.constant 48 : i32
              %add3A_545 = arith.addi %mul3A_543, %add3A_544 : i32
              %swap3A_546 = arith.index_cast %add3A_545 : i32 to index
              %swap3A_547 = tpu.vector_load %arg11[%swap3A_546] {strides = array<i32>} : memref<8192xf32, #tpu.memory_space<vmem>>, vector<16xf32>,
              tpu.vector_store %arg11[%swap3A_546], %while3A_478 {strides = array<i32>} : memref<8192xf32, #tpu.memory_space<vmem>>, vector<16xf32>,
              %mul3A_548 = arith.constant 128 : i32
              %mul3A_549 = arith.muli %while3A_524#0, %mul3A_548 : i32
              %add3A_550 = arith.constant 64 : i32
              %add3A_551 = arith.addi %mul3A_549, %add3A_550 : i32
              %swap3A_552 = arith.index_cast %add3A_551 : i32 to index
              %swap3A_553 = tpu.vector_load %arg11[%swap3A_552] {strides = array<i32>} : memref<8192xf32, #tpu.memory_space<vmem>>, vector<16xf32>,
              tpu.vector_store %arg11[%swap3A_552], %while3A_479 {strides = array<i32>} : memref<8192xf32, #tpu.memory_space<vmem>>, vector<16xf32>,
              %mul3A_554 = arith.constant 128 : i32
              %mul3A_555 = arith.muli %while3A_524#0, %mul3A_554 : i32
              %add3A_556 = arith.constant 80 : i32
              %add3A_557 = arith.addi %mul3A_555, %add3A_556 : i32
              %swap3A_558 = arith.index_cast %add3A_557 : i32 to index
              %swap3A_559 = tpu.vector_load %arg11[%swap3A_558] {strides = array<i32>} : memref<8192xf32, #tpu.memory_space<vmem>>, vector<16xf32>,
              tpu.vector_store %arg11[%swap3A_558], %while3A_480 {strides = array<i32>} : memref<8192xf32, #tpu.memory_space<vmem>>, vector<16xf32>,
              %mul3A_560 = arith.constant 128 : i32
              %mul3A_561 = arith.muli %while3A_524#0, %mul3A_560 : i32
              %add3A_562 = arith.constant 96 : i32
              %add3A_563 = arith.addi %mul3A_561, %add3A_562 : i32
              %swap3A_564 = arith.index_cast %add3A_563 : i32 to index
              %swap3A_565 = tpu.vector_load %arg11[%swap3A_564] {strides = array<i32>} : memref<8192xf32, #tpu.memory_space<vmem>>, vector<16xf32>,
              tpu.vector_store %arg11[%swap3A_564], %while3A_481 {strides = array<i32>} : memref<8192xf32, #tpu.memory_space<vmem>>, vector<16xf32>,
              %mul3A_566 = arith.constant 128 : i32
              %mul3A_567 = arith.muli %while3A_524#0, %mul3A_566 : i32
              %add3A_568 = arith.constant 112 : i32
              %add3A_569 = arith.addi %mul3A_567, %add3A_568 : i32
              %swap3A_570 = arith.index_cast %add3A_569 : i32 to index
              %swap3A_571 = tpu.vector_load %arg11[%swap3A_570] {strides = array<i32>} : memref<8192xf32, #tpu.memory_space<vmem>>, vector<16xf32>,
              tpu.vector_store %arg11[%swap3A_570], %while3A_482 {strides = array<i32>} : memref<8192xf32, #tpu.memory_space<vmem>>, vector<16xf32>,
              %add3A_572 = arith.constant 1 : i32
              %add3A_573 = arith.addi %while3A_524#0, %add3A_572 : i32
              %eq3A_574 = arith.constant 64 : i32
              %eq3A_575 = arith.cmpi eq, %add3A_573, %eq3A_574 : i32
              %convert_element_type3A_576 = arith.extui %eq3A_575 : i1 to i32
              %cond3A_577 = arith.constant 0 : i32
              %cond3A_578 = arith.cmpi ne, %convert_element_type3A_576, %cond3A_577 : i32
              %cond3A_579:2 = scf.if %cond3A_578 -> (i32, i32) {
                %mul3A_580 = arith.constant 128 : i32
                %mul3A_581 = arith.muli %while3A_524#1, %mul3A_580 : i32
                %multiple_of3A_582 = tpu.assume_multiple %mul3A_581, 8 : i32
                "tpu.region"() ({
                  %run_scoped3A = tpu.sem_alloc : memref<!tpu.dma_semaphore, #tpu.memory_space<semaphore_mem>>
                  %dma_start3A_586 = tpu.memref_slice %arg4[%multiple_of3A_582] : memref<1280000xf32, #tpu.memory_space<hbm>> -> memref<8192xf32, #tpu.memory_space<hbm>>
                  %dma_start3A_587 = tpu.memref_slice %arg4[%multiple_of3A_582] : memref<1280000xf32, #tpu.memory_space<hbm>> -> memref<8192xf32, #tpu.memory_space<hbm>>
                  tpu.enqueue_dma source(%arg11 : memref<8192xf32, #tpu.memory_space<vmem>>) target(%dma_start3A_587 : memref<8192xf32, #tpu.memory_space<hbm>>) target_semaphore(%run_scoped3A : memref<!tpu.dma_semaphore, #tpu.memory_space<semaphore_mem>>)
                  %dma_wait3A_588 = tpu.memref_slice %arg4[%multiple_of3A_582] : memref<1280000xf32, #tpu.memory_space<hbm>> -> memref<8192xf32, #tpu.memory_space<hbm>>
                  %dma_wait3A_589 = tpu.memref_slice %arg4[%multiple_of3A_582] : memref<1280000xf32, #tpu.memory_space<hbm>> -> memref<8192xf32, #tpu.memory_space<hbm>>
                  tpu.wait_dma2 semaphore(%run_scoped3A : memref<!tpu.dma_semaphore, #tpu.memory_space<semaphore_mem>>) src(%arg11 : memref<8192xf32, #tpu.memory_space<vmem>>) dst(%dma_wait3A_589 : memref<8192xf32, #tpu.memory_space<hbm>>)
                  tpu.yield
                }) : () -> ()
                %add3A_583 = arith.constant 64 : i32
                %add3A_584 = arith.addi %while3A_524#1, %add3A_583 : i32
                %cond3A_585 = arith.constant 0 : i32
                scf.yield %cond3A_585, %add3A_584 : i32, i32
              } else {
                scf.yield %add3A_573, %while3A_524#1 : i32, i32
              }
              scf.yield %cond3A_579#0, %cond3A_579#1 : i32, i32
            } else {
              scf.yield %while3A_484, %while3A_485 : i32, i32
            }
            scf.yield %while3A_512#0, %while3A_512#1, %while3A_512#2, %while3A_512#3, %while3A_512#4, %while3A_512#5, %while3A_512#6, %while3A_512#7, %cond3A_523#0, %cond3A_523#1 : vector<16xf32>, vector<16xf32>, vector<16xf32>, vector<16xf32>, vector<16xf32>, vector<16xf32>, vector<16xf32>, vector<16xf32>, i32, i32
          }
          scf.yield %cond3A_517#0, %cond3A_517#1, %cond3A_517#2, %cond3A_517#3, %cond3A_517#4, %cond3A_517#5, %cond3A_517#6, %cond3A_517#7, %squeeze3A_502, %cond3A_517#8, %cond3A_517#9 : vector<16xf32>, vector<16xf32>, vector<16xf32>, vector<16xf32>, vector<16xf32>, vector<16xf32>, vector<16xf32>, vector<16xf32>, i32, i32, i32
        } else {
          scf.yield %while3A_475, %while3A_476, %while3A_477, %while3A_478, %while3A_479, %while3A_480, %while3A_481, %while3A_482, %while3A_483, %while3A_484, %while3A_485 : vector<16xf32>, vector<16xf32>, vector<16xf32>, vector<16xf32>, vector<16xf32>, vector<16xf32>, vector<16xf32>, vector<16xf32>, i32, i32, i32
        }
        scf.yield %cond3A_498#0, %cond3A_498#1, %cond3A_498#2, %cond3A_498#3, %cond3A_498#4, %cond3A_498#5, %cond3A_498#6, %cond3A_498#7, %cond3A_498#8, %cond3A_498#9, %cond3A_498#10, %select_n3A_492 : vector<16xf32>, vector<16xf32>, vector<16xf32>, vector<16xf32>, vector<16xf32>, vector<16xf32>, vector<16xf32>, vector<16xf32>, i32, i32, i32, i32
      }
      %while3A_398 = arith.constant 1 : i32
      %while3A_399:12 = scf.for %while3A_474 = %while3A_395 to %while3A_391 step %while3A_398 iter_args(%while3A_475 = %while3A_397#0, %while3A_476 = %while3A_397#1, %while3A_477 = %while3A_397#2, %while3A_478 = %while3A_397#3, %while3A_479 = %while3A_397#4, %while3A_480 = %while3A_397#5, %while3A_481 = %while3A_397#6, %while3A_482 = %while3A_397#7, %while3A_483 = %while3A_397#8, %while3A_484 = %while3A_397#9, %while3A_485 = %while3A_397#10, %while3A_486 = %while3A_397#11) -> (vector<16xf32>, vector<16xf32>, vector<16xf32>, vector<16xf32>, vector<16xf32>, vector<16xf32>, vector<16xf32>, vector<16xf32>, i32, i32, i32, i32)  : i32 {
        %lt3A_487 = arith.cmpi slt, %while3A_474, %scan3A_384 : i32
        %get3A_488 = arith.index_cast %while3A_474 : i32 to index
        %get3A_489 = tpu.vector_load %arg12[%get3A_488] {strides = array<i32>} : memref<288xi32, #tpu.memory_space<vmem>>, vector<16xi32>,
        %slice3A_490 = vector.extract_strided_slice %get3A_489 {offsets = [0], sizes = [1], strides = [1]} : vector<16xi32> to vector<1xi32>
        %squeeze3A_491 = vector.extract %slice3A_490[0] : i32 from vector<1xi32>
        %select_n3A_492 = arith.select %lt3A_487, %squeeze3A_491, %min3A_378 : i32
        %max3A_493 = arith.maxsi %while3A_486, %max3A : i32
        %min3A_494 = arith.minsi %select_n3A_492, %min3A_378 : i32
        %gt3A = arith.cmpi sgt, %min3A_494, %max3A_493 : i32
        %convert_element_type3A_495 = arith.extui %gt3A : i1 to i32
        %cond3A_496 = arith.constant 0 : i32
        %cond3A_497 = arith.cmpi ne, %convert_element_type3A_495, %cond3A_496 : i32
        %cond3A_498:11 = scf.if %cond3A_497 -> (vector<16xf32>, vector<16xf32>, vector<16xf32>, vector<16xf32>, vector<16xf32>, vector<16xf32>, vector<16xf32>, vector<16xf32>, i32, i32, i32) {
          %get3A_499 = arith.index_cast %max3A_493 : i32 to index
          %get3A_500 = tpu.vector_load %arg6[%get3A_499] {strides = array<i32>} : memref<272xi32, #tpu.memory_space<vmem>>, vector<16xi32>,
          %slice3A_501 = vector.extract_strided_slice %get3A_500 {offsets = [0], sizes = [1], strides = [1]} : vector<16xi32> to vector<1xi32>
          %squeeze3A_502 = vector.extract %slice3A_501[0] : i32 from vector<1xi32>
          %while3A_503 = arith.subi %min3A_494, %max3A_493 : i32
          %while3A_504 = arith.addi %max3A_493, %while3A_503 : i32
          %while3A_505 = arith.constant 1 : i32
          %while3A_506 = arith.divsi %while3A_503, %while3A_505 : i32
          %while3A_507 = arith.muli %while3A_506, %while3A_505 : i32
          %while3A_508 = arith.addi %max3A_493, %while3A_507 : i32
          %while3A_509 = arith.constant 1 : i32
          %while3A_510:8 = scf.for %while3A_518 = %max3A_493 to %while3A_508 step %while3A_509 iter_args(%while3A_519 = %broadcast_in_dim3A_1, %while3A_520 = %broadcast_in_dim3A_1, %while3A_521 = %broadcast_in_dim3A_1, %while3A_522 = %broadcast_in_dim3A_1, %while3A_523 = %broadcast_in_dim3A_1, %while3A_524 = %broadcast_in_dim3A_1, %while3A_525 = %broadcast_in_dim3A_1, %while3A_526 = %broadcast_in_dim3A_1) -> (vector<16xf32>, vector<16xf32>, vector<16xf32>, vector<16xf32>, vector<16xf32>, vector<16xf32>, vector<16xf32>, vector<16xf32>)  : i32 {
            %get3A_527 = arith.index_cast %while3A_518 : i32 to index
            %get3A_528 = arith.constant 0 : index
            %get3A_529 = tpu.vector_load %arg5[%get3A_527, %get3A_528] {strides = array<i32>} : memref<256x128xf32, #tpu.memory_space<vmem>>, vector<16xf32>,
            %mul3A_530 = arith.constant 1.000000e+02 : f32
            %mul3A_531 = vector.broadcast %mul3A_530 : f32 to vector<16xf32>
            %mul3A_532 = arith.mulf %get3A_529, %mul3A_531 : vector<16xf32>
            %sub3A_533 = arith.constant 44.3614197 : f32
            %sub3A_534 = vector.broadcast %sub3A_533 : f32 to vector<16xf32>
            %sub3A_535 = arith.subf %mul3A_532, %sub3A_534 : vector<16xf32>
            %exp3A = math.exp %sub3A_535 : vector<16xf32>
            %add3A_536 = arith.addf %while3A_519, %exp3A : vector<16xf32>
            %get3A_537 = arith.index_cast %while3A_518 : i32 to index
            %get3A_538 = arith.constant 16 : index
            %get3A_539 = tpu.vector_load %arg5[%get3A_537, %get3A_538] {strides = array<i32>} : memref<256x128xf32, #tpu.memory_space<vmem>>, vector<16xf32>,
            %mul3A_540 = arith.constant 1.000000e+02 : f32
            %mul3A_541 = vector.broadcast %mul3A_540 : f32 to vector<16xf32>
            %mul3A_542 = arith.mulf %get3A_539, %mul3A_541 : vector<16xf32>
            %sub3A_543 = arith.constant 44.3614197 : f32
            %sub3A_544 = vector.broadcast %sub3A_543 : f32 to vector<16xf32>
            %sub3A_545 = arith.subf %mul3A_542, %sub3A_544 : vector<16xf32>
            %exp3A_546 = math.exp %sub3A_545 : vector<16xf32>
            %add3A_547 = arith.addf %while3A_520, %exp3A_546 : vector<16xf32>
            %get3A_548 = arith.index_cast %while3A_518 : i32 to index
            %get3A_549 = arith.constant 32 : index
            %get3A_550 = tpu.vector_load %arg5[%get3A_548, %get3A_549] {strides = array<i32>} : memref<256x128xf32, #tpu.memory_space<vmem>>, vector<16xf32>,
            %mul3A_551 = arith.constant 1.000000e+02 : f32
            %mul3A_552 = vector.broadcast %mul3A_551 : f32 to vector<16xf32>
            %mul3A_553 = arith.mulf %get3A_550, %mul3A_552 : vector<16xf32>
            %sub3A_554 = arith.constant 44.3614197 : f32
            %sub3A_555 = vector.broadcast %sub3A_554 : f32 to vector<16xf32>
            %sub3A_556 = arith.subf %mul3A_553, %sub3A_555 : vector<16xf32>
            %exp3A_557 = math.exp %sub3A_556 : vector<16xf32>
            %add3A_558 = arith.addf %while3A_521, %exp3A_557 : vector<16xf32>
            %get3A_559 = arith.index_cast %while3A_518 : i32 to index
            %get3A_560 = arith.constant 48 : index
            %get3A_561 = tpu.vector_load %arg5[%get3A_559, %get3A_560] {strides = array<i32>} : memref<256x128xf32, #tpu.memory_space<vmem>>, vector<16xf32>,
            %mul3A_562 = arith.constant 1.000000e+02 : f32
            %mul3A_563 = vector.broadcast %mul3A_562 : f32 to vector<16xf32>
            %mul3A_564 = arith.mulf %get3A_561, %mul3A_563 : vector<16xf32>
            %sub3A_565 = arith.constant 44.3614197 : f32
            %sub3A_566 = vector.broadcast %sub3A_565 : f32 to vector<16xf32>
            %sub3A_567 = arith.subf %mul3A_564, %sub3A_566 : vector<16xf32>
            %exp3A_568 = math.exp %sub3A_567 : vector<16xf32>
            %add3A_569 = arith.addf %while3A_522, %exp3A_568 : vector<16xf32>
            %get3A_570 = arith.index_cast %while3A_518 : i32 to index
            %get3A_571 = arith.constant 64 : index
            %get3A_572 = tpu.vector_load %arg5[%get3A_570, %get3A_571] {strides = array<i32>} : memref<256x128xf32, #tpu.memory_space<vmem>>, vector<16xf32>,
            %mul3A_573 = arith.constant 1.000000e+02 : f32
            %mul3A_574 = vector.broadcast %mul3A_573 : f32 to vector<16xf32>
            %mul3A_575 = arith.mulf %get3A_572, %mul3A_574 : vector<16xf32>
            %sub3A_576 = arith.constant 44.3614197 : f32
            %sub3A_577 = vector.broadcast %sub3A_576 : f32 to vector<16xf32>
            %sub3A_578 = arith.subf %mul3A_575, %sub3A_577 : vector<16xf32>
            %exp3A_579 = math.exp %sub3A_578 : vector<16xf32>
            %add3A_580 = arith.addf %while3A_523, %exp3A_579 : vector<16xf32>
            %get3A_581 = arith.index_cast %while3A_518 : i32 to index
            %get3A_582 = arith.constant 80 : index
            %get3A_583 = tpu.vector_load %arg5[%get3A_581, %get3A_582] {strides = array<i32>} : memref<256x128xf32, #tpu.memory_space<vmem>>, vector<16xf32>,
            %mul3A_584 = arith.constant 1.000000e+02 : f32
            %mul3A_585 = vector.broadcast %mul3A_584 : f32 to vector<16xf32>
            %mul3A_586 = arith.mulf %get3A_583, %mul3A_585 : vector<16xf32>
            %sub3A_587 = arith.constant 44.3614197 : f32
            %sub3A_588 = vector.broadcast %sub3A_587 : f32 to vector<16xf32>
            %sub3A_589 = arith.subf %mul3A_586, %sub3A_588 : vector<16xf32>
            %exp3A_590 = math.exp %sub3A_589 : vector<16xf32>
            %add3A_591 = arith.addf %while3A_524, %exp3A_590 : vector<16xf32>
            %get3A_592 = arith.index_cast %while3A_518 : i32 to index
            %get3A_593 = arith.constant 96 : index
            %get3A_594 = tpu.vector_load %arg5[%get3A_592, %get3A_593] {strides = array<i32>} : memref<256x128xf32, #tpu.memory_space<vmem>>, vector<16xf32>,
            %mul3A_595 = arith.constant 1.000000e+02 : f32
            %mul3A_596 = vector.broadcast %mul3A_595 : f32 to vector<16xf32>
            %mul3A_597 = arith.mulf %get3A_594, %mul3A_596 : vector<16xf32>
            %sub3A_598 = arith.constant 44.3614197 : f32
            %sub3A_599 = vector.broadcast %sub3A_598 : f32 to vector<16xf32>
            %sub3A_600 = arith.subf %mul3A_597, %sub3A_599 : vector<16xf32>
            %exp3A_601 = math.exp %sub3A_600 : vector<16xf32>
            %add3A_602 = arith.addf %while3A_525, %exp3A_601 : vector<16xf32>
            %get3A_603 = arith.index_cast %while3A_518 : i32 to index
            %get3A_604 = arith.constant 112 : index
            %get3A_605 = tpu.vector_load %arg5[%get3A_603, %get3A_604] {strides = array<i32>} : memref<256x128xf32, #tpu.memory_space<vmem>>, vector<16xf32>,
            %mul3A_606 = arith.constant 1.000000e+02 : f32
            %mul3A_607 = vector.broadcast %mul3A_606 : f32 to vector<16xf32>
            %mul3A_608 = arith.mulf %get3A_605, %mul3A_607 : vector<16xf32>
            %sub3A_609 = arith.constant 44.3614197 : f32
            %sub3A_610 = vector.broadcast %sub3A_609 : f32 to vector<16xf32>
            %sub3A_611 = arith.subf %mul3A_608, %sub3A_610 : vector<16xf32>
            %exp3A_612 = math.exp %sub3A_611 : vector<16xf32>
            %add3A_613 = arith.addf %while3A_526, %exp3A_612 : vector<16xf32>
            scf.yield %add3A_536, %add3A_547, %add3A_558, %add3A_569, %add3A_580, %add3A_591, %add3A_602, %add3A_613 : vector<16xf32>, vector<16xf32>, vector<16xf32>, vector<16xf32>, vector<16xf32>, vector<16xf32>, vector<16xf32>, vector<16xf32>
          }
          %while3A_511 = arith.constant 1 : i32
          %while3A_512:8 = scf.for %while3A_518 = %while3A_508 to %while3A_504 step %while3A_511 iter_args(%while3A_519 = %while3A_510#0, %while3A_520 = %while3A_510#1, %while3A_521 = %while3A_510#2, %while3A_522 = %while3A_510#3, %while3A_523 = %while3A_510#4, %while3A_524 = %while3A_510#5, %while3A_525 = %while3A_510#6, %while3A_526 = %while3A_510#7) -> (vector<16xf32>, vector<16xf32>, vector<16xf32>, vector<16xf32>, vector<16xf32>, vector<16xf32>, vector<16xf32>, vector<16xf32>)  : i32 {
            %get3A_527 = arith.index_cast %while3A_518 : i32 to index
            %get3A_528 = arith.constant 0 : index
            %get3A_529 = tpu.vector_load %arg5[%get3A_527, %get3A_528] {strides = array<i32>} : memref<256x128xf32, #tpu.memory_space<vmem>>, vector<16xf32>,
            %mul3A_530 = arith.constant 1.000000e+02 : f32
            %mul3A_531 = vector.broadcast %mul3A_530 : f32 to vector<16xf32>
            %mul3A_532 = arith.mulf %get3A_529, %mul3A_531 : vector<16xf32>
            %sub3A_533 = arith.constant 44.3614197 : f32
            %sub3A_534 = vector.broadcast %sub3A_533 : f32 to vector<16xf32>
            %sub3A_535 = arith.subf %mul3A_532, %sub3A_534 : vector<16xf32>
            %exp3A = math.exp %sub3A_535 : vector<16xf32>
            %add3A_536 = arith.addf %while3A_519, %exp3A : vector<16xf32>
            %get3A_537 = arith.index_cast %while3A_518 : i32 to index
            %get3A_538 = arith.constant 16 : index
            %get3A_539 = tpu.vector_load %arg5[%get3A_537, %get3A_538] {strides = array<i32>} : memref<256x128xf32, #tpu.memory_space<vmem>>, vector<16xf32>,
            %mul3A_540 = arith.constant 1.000000e+02 : f32
            %mul3A_541 = vector.broadcast %mul3A_540 : f32 to vector<16xf32>
            %mul3A_542 = arith.mulf %get3A_539, %mul3A_541 : vector<16xf32>
            %sub3A_543 = arith.constant 44.3614197 : f32
            %sub3A_544 = vector.broadcast %sub3A_543 : f32 to vector<16xf32>
            %sub3A_545 = arith.subf %mul3A_542, %sub3A_544 : vector<16xf32>
            %exp3A_546 = math.exp %sub3A_545 : vector<16xf32>
            %add3A_547 = arith.addf %while3A_520, %exp3A_546 : vector<16xf32>
            %get3A_548 = arith.index_cast %while3A_518 : i32 to index
            %get3A_549 = arith.constant 32 : index
            %get3A_550 = tpu.vector_load %arg5[%get3A_548, %get3A_549] {strides = array<i32>} : memref<256x128xf32, #tpu.memory_space<vmem>>, vector<16xf32>,
            %mul3A_551 = arith.constant 1.000000e+02 : f32
            %mul3A_552 = vector.broadcast %mul3A_551 : f32 to vector<16xf32>
            %mul3A_553 = arith.mulf %get3A_550, %mul3A_552 : vector<16xf32>
            %sub3A_554 = arith.constant 44.3614197 : f32
            %sub3A_555 = vector.broadcast %sub3A_554 : f32 to vector<16xf32>
            %sub3A_556 = arith.subf %mul3A_553, %sub3A_555 : vector<16xf32>
            %exp3A_557 = math.exp %sub3A_556 : vector<16xf32>
            %add3A_558 = arith.addf %while3A_521, %exp3A_557 : vector<16xf32>
            %get3A_559 = arith.index_cast %while3A_518 : i32 to index
            %get3A_560 = arith.constant 48 : index
            %get3A_561 = tpu.vector_load %arg5[%get3A_559, %get3A_560] {strides = array<i32>} : memref<256x128xf32, #tpu.memory_space<vmem>>, vector<16xf32>,
            %mul3A_562 = arith.constant 1.000000e+02 : f32
            %mul3A_563 = vector.broadcast %mul3A_562 : f32 to vector<16xf32>
            %mul3A_564 = arith.mulf %get3A_561, %mul3A_563 : vector<16xf32>
            %sub3A_565 = arith.constant 44.3614197 : f32
            %sub3A_566 = vector.broadcast %sub3A_565 : f32 to vector<16xf32>
            %sub3A_567 = arith.subf %mul3A_564, %sub3A_566 : vector<16xf32>
            %exp3A_568 = math.exp %sub3A_567 : vector<16xf32>
            %add3A_569 = arith.addf %while3A_522, %exp3A_568 : vector<16xf32>
            %get3A_570 = arith.index_cast %while3A_518 : i32 to index
            %get3A_571 = arith.constant 64 : index
            %get3A_572 = tpu.vector_load %arg5[%get3A_570, %get3A_571] {strides = array<i32>} : memref<256x128xf32, #tpu.memory_space<vmem>>, vector<16xf32>,
            %mul3A_573 = arith.constant 1.000000e+02 : f32
            %mul3A_574 = vector.broadcast %mul3A_573 : f32 to vector<16xf32>
            %mul3A_575 = arith.mulf %get3A_572, %mul3A_574 : vector<16xf32>
            %sub3A_576 = arith.constant 44.3614197 : f32
            %sub3A_577 = vector.broadcast %sub3A_576 : f32 to vector<16xf32>
            %sub3A_578 = arith.subf %mul3A_575, %sub3A_577 : vector<16xf32>
            %exp3A_579 = math.exp %sub3A_578 : vector<16xf32>
            %add3A_580 = arith.addf %while3A_523, %exp3A_579 : vector<16xf32>
            %get3A_581 = arith.index_cast %while3A_518 : i32 to index
            %get3A_582 = arith.constant 80 : index
            %get3A_583 = tpu.vector_load %arg5[%get3A_581, %get3A_582] {strides = array<i32>} : memref<256x128xf32, #tpu.memory_space<vmem>>, vector<16xf32>,
            %mul3A_584 = arith.constant 1.000000e+02 : f32
            %mul3A_585 = vector.broadcast %mul3A_584 : f32 to vector<16xf32>
            %mul3A_586 = arith.mulf %get3A_583, %mul3A_585 : vector<16xf32>
            %sub3A_587 = arith.constant 44.3614197 : f32
            %sub3A_588 = vector.broadcast %sub3A_587 : f32 to vector<16xf32>
            %sub3A_589 = arith.subf %mul3A_586, %sub3A_588 : vector<16xf32>
            %exp3A_590 = math.exp %sub3A_589 : vector<16xf32>
            %add3A_591 = arith.addf %while3A_524, %exp3A_590 : vector<16xf32>
            %get3A_592 = arith.index_cast %while3A_518 : i32 to index
            %get3A_593 = arith.constant 96 : index
            %get3A_594 = tpu.vector_load %arg5[%get3A_592, %get3A_593] {strides = array<i32>} : memref<256x128xf32, #tpu.memory_space<vmem>>, vector<16xf32>,
            %mul3A_595 = arith.constant 1.000000e+02 : f32
            %mul3A_596 = vector.broadcast %mul3A_595 : f32 to vector<16xf32>
            %mul3A_597 = arith.mulf %get3A_594, %mul3A_596 : vector<16xf32>
            %sub3A_598 = arith.constant 44.3614197 : f32
            %sub3A_599 = vector.broadcast %sub3A_598 : f32 to vector<16xf32>
            %sub3A_600 = arith.subf %mul3A_597, %sub3A_599 : vector<16xf32>
            %exp3A_601 = math.exp %sub3A_600 : vector<16xf32>
            %add3A_602 = arith.addf %while3A_525, %exp3A_601 : vector<16xf32>
            %get3A_603 = arith.index_cast %while3A_518 : i32 to index
            %get3A_604 = arith.constant 112 : index
            %get3A_605 = tpu.vector_load %arg5[%get3A_603, %get3A_604] {strides = array<i32>} : memref<256x128xf32, #tpu.memory_space<vmem>>, vector<16xf32>,
            %mul3A_606 = arith.constant 1.000000e+02 : f32
            %mul3A_607 = vector.broadcast %mul3A_606 : f32 to vector<16xf32>
            %mul3A_608 = arith.mulf %get3A_605, %mul3A_607 : vector<16xf32>
            %sub3A_609 = arith.constant 44.3614197 : f32
            %sub3A_610 = vector.broadcast %sub3A_609 : f32 to vector<16xf32>
            %sub3A_611 = arith.subf %mul3A_608, %sub3A_610 : vector<16xf32>
            %exp3A_612 = math.exp %sub3A_611 : vector<16xf32>
            %add3A_613 = arith.addf %while3A_526, %exp3A_612 : vector<16xf32>
            scf.yield %add3A_536, %add3A_547, %add3A_558, %add3A_569, %add3A_580, %add3A_591, %add3A_602, %add3A_613 : vector<16xf32>, vector<16xf32>, vector<16xf32>, vector<16xf32>, vector<16xf32>, vector<16xf32>, vector<16xf32>, vector<16xf32>
          }
          %eq3A_513 = arith.cmpi eq, %squeeze3A_502, %while3A_483 : i32
          %convert_element_type3A_514 = arith.extui %eq3A_513 : i1 to i32
          %cond3A_515 = arith.constant 0 : i32
          %cond3A_516 = arith.cmpi ne, %convert_element_type3A_514, %cond3A_515 : i32
          %cond3A_517:10 = scf.if %cond3A_516 -> (vector<16xf32>, vector<16xf32>, vector<16xf32>, vector<16xf32>, vector<16xf32>, vector<16xf32>, vector<16xf32>, vector<16xf32>, i32, i32) {
            %add3A_518 = arith.addf %while3A_475, %while3A_512#0 : vector<16xf32>
            %add3A_519 = arith.addf %while3A_476, %while3A_512#1 : vector<16xf32>
            %add3A_520 = arith.addf %while3A_477, %while3A_512#2 : vector<16xf32>
            %add3A_521 = arith.addf %while3A_478, %while3A_512#3 : vector<16xf32>
            %add3A_522 = arith.addf %while3A_479, %while3A_512#4 : vector<16xf32>
            %add3A_523 = arith.addf %while3A_480, %while3A_512#5 : vector<16xf32>
            %add3A_524 = arith.addf %while3A_481, %while3A_512#6 : vector<16xf32>
            %add3A_525 = arith.addf %while3A_482, %while3A_512#7 : vector<16xf32>
            scf.yield %add3A_518, %add3A_519, %add3A_520, %add3A_521, %add3A_522, %add3A_523, %add3A_524, %add3A_525, %while3A_484, %while3A_485 : vector<16xf32>, vector<16xf32>, vector<16xf32>, vector<16xf32>, vector<16xf32>, vector<16xf32>, vector<16xf32>, vector<16xf32>, i32, i32
          } else {
            %ge3A_518 = arith.constant 0 : i32
            %ge3A_519 = arith.cmpi sge, %while3A_483, %ge3A_518 : i32
            %convert_element_type3A_520 = arith.extui %ge3A_519 : i1 to i32
            %cond3A_521 = arith.constant 0 : i32
            %cond3A_522 = arith.cmpi ne, %convert_element_type3A_520, %cond3A_521 : i32
            %cond3A_523:2 = scf.if %cond3A_522 -> (i32, i32) {
              %while3A_524:2 = scf.while (%while3A_580 = %while3A_484, %while3A_581 = %while3A_485) : (i32, i32) -> (i32, i32) {
                %add3A_582 = arith.addi %while3A_580, %while3A_581 : i32
                %lt3A_583 = arith.cmpi slt, %add3A_582, %while3A_483 : i32
                scf.condition(%lt3A_583) %while3A_580, %while3A_581 : i32, i32
              } do {
              ^bb0(%while3A_580: i32, %while3A_581: i32):
                %mul3A_582 = arith.constant 128 : i32
                %mul3A_583 = arith.muli %while3A_580, %mul3A_582 : i32
                %add3A_584 = arith.constant 0 : i32
                %add3A_585 = arith.addi %mul3A_583, %add3A_584 : i32
                %swap3A_586 = arith.index_cast %add3A_585 : i32 to index
                %swap3A_587 = tpu.vector_load %arg11[%swap3A_586] {strides = array<i32>} : memref<8192xf32, #tpu.memory_space<vmem>>, vector<16xf32>,
                tpu.vector_store %arg11[%swap3A_586], %broadcast_in_dim3A_1 {strides = array<i32>} : memref<8192xf32, #tpu.memory_space<vmem>>, vector<16xf32>,
                %mul3A_588 = arith.constant 128 : i32
                %mul3A_589 = arith.muli %while3A_580, %mul3A_588 : i32
                %add3A_590 = arith.constant 16 : i32
                %add3A_591 = arith.addi %mul3A_589, %add3A_590 : i32
                %swap3A_592 = arith.index_cast %add3A_591 : i32 to index
                %swap3A_593 = tpu.vector_load %arg11[%swap3A_592] {strides = array<i32>} : memref<8192xf32, #tpu.memory_space<vmem>>, vector<16xf32>,
                tpu.vector_store %arg11[%swap3A_592], %broadcast_in_dim3A_1 {strides = array<i32>} : memref<8192xf32, #tpu.memory_space<vmem>>, vector<16xf32>,
                %mul3A_594 = arith.constant 128 : i32
                %mul3A_595 = arith.muli %while3A_580, %mul3A_594 : i32
                %add3A_596 = arith.constant 32 : i32
                %add3A_597 = arith.addi %mul3A_595, %add3A_596 : i32
                %swap3A_598 = arith.index_cast %add3A_597 : i32 to index
                %swap3A_599 = tpu.vector_load %arg11[%swap3A_598] {strides = array<i32>} : memref<8192xf32, #tpu.memory_space<vmem>>, vector<16xf32>,
                tpu.vector_store %arg11[%swap3A_598], %broadcast_in_dim3A_1 {strides = array<i32>} : memref<8192xf32, #tpu.memory_space<vmem>>, vector<16xf32>,
                %mul3A_600 = arith.constant 128 : i32
                %mul3A_601 = arith.muli %while3A_580, %mul3A_600 : i32
                %add3A_602 = arith.constant 48 : i32
                %add3A_603 = arith.addi %mul3A_601, %add3A_602 : i32
                %swap3A_604 = arith.index_cast %add3A_603 : i32 to index
                %swap3A_605 = tpu.vector_load %arg11[%swap3A_604] {strides = array<i32>} : memref<8192xf32, #tpu.memory_space<vmem>>, vector<16xf32>,
                tpu.vector_store %arg11[%swap3A_604], %broadcast_in_dim3A_1 {strides = array<i32>} : memref<8192xf32, #tpu.memory_space<vmem>>, vector<16xf32>,
                %mul3A_606 = arith.constant 128 : i32
                %mul3A_607 = arith.muli %while3A_580, %mul3A_606 : i32
                %add3A_608 = arith.constant 64 : i32
                %add3A_609 = arith.addi %mul3A_607, %add3A_608 : i32
                %swap3A_610 = arith.index_cast %add3A_609 : i32 to index
                %swap3A_611 = tpu.vector_load %arg11[%swap3A_610] {strides = array<i32>} : memref<8192xf32, #tpu.memory_space<vmem>>, vector<16xf32>,
                tpu.vector_store %arg11[%swap3A_610], %broadcast_in_dim3A_1 {strides = array<i32>} : memref<8192xf32, #tpu.memory_space<vmem>>, vector<16xf32>,
                %mul3A_612 = arith.constant 128 : i32
                %mul3A_613 = arith.muli %while3A_580, %mul3A_612 : i32
                %add3A_614 = arith.constant 80 : i32
                %add3A_615 = arith.addi %mul3A_613, %add3A_614 : i32
                %swap3A_616 = arith.index_cast %add3A_615 : i32 to index
                %swap3A_617 = tpu.vector_load %arg11[%swap3A_616] {strides = array<i32>} : memref<8192xf32, #tpu.memory_space<vmem>>, vector<16xf32>,
                tpu.vector_store %arg11[%swap3A_616], %broadcast_in_dim3A_1 {strides = array<i32>} : memref<8192xf32, #tpu.memory_space<vmem>>, vector<16xf32>,
                %mul3A_618 = arith.constant 128 : i32
                %mul3A_619 = arith.muli %while3A_580, %mul3A_618 : i32
                %add3A_620 = arith.constant 96 : i32
                %add3A_621 = arith.addi %mul3A_619, %add3A_620 : i32
                %swap3A_622 = arith.index_cast %add3A_621 : i32 to index
                %swap3A_623 = tpu.vector_load %arg11[%swap3A_622] {strides = array<i32>} : memref<8192xf32, #tpu.memory_space<vmem>>, vector<16xf32>,
                tpu.vector_store %arg11[%swap3A_622], %broadcast_in_dim3A_1 {strides = array<i32>} : memref<8192xf32, #tpu.memory_space<vmem>>, vector<16xf32>,
                %mul3A_624 = arith.constant 128 : i32
                %mul3A_625 = arith.muli %while3A_580, %mul3A_624 : i32
                %add3A_626 = arith.constant 112 : i32
                %add3A_627 = arith.addi %mul3A_625, %add3A_626 : i32
                %swap3A_628 = arith.index_cast %add3A_627 : i32 to index
                %swap3A_629 = tpu.vector_load %arg11[%swap3A_628] {strides = array<i32>} : memref<8192xf32, #tpu.memory_space<vmem>>, vector<16xf32>,
                tpu.vector_store %arg11[%swap3A_628], %broadcast_in_dim3A_1 {strides = array<i32>} : memref<8192xf32, #tpu.memory_space<vmem>>, vector<16xf32>,
                %add3A_630 = arith.constant 1 : i32
                %add3A_631 = arith.addi %while3A_580, %add3A_630 : i32
                %eq3A_632 = arith.constant 64 : i32
                %eq3A_633 = arith.cmpi eq, %add3A_631, %eq3A_632 : i32
                %convert_element_type3A_634 = arith.extui %eq3A_633 : i1 to i32
                %cond3A_635 = arith.constant 0 : i32
                %cond3A_636 = arith.cmpi ne, %convert_element_type3A_634, %cond3A_635 : i32
                %cond3A_637:2 = scf.if %cond3A_636 -> (i32, i32) {
                  %mul3A_638 = arith.constant 128 : i32
                  %mul3A_639 = arith.muli %while3A_581, %mul3A_638 : i32
                  %multiple_of3A_640 = tpu.assume_multiple %mul3A_639, 8 : i32
                  "tpu.region"() ({
                    %run_scoped3A = tpu.sem_alloc : memref<!tpu.dma_semaphore, #tpu.memory_space<semaphore_mem>>
                    %dma_start3A_644 = tpu.memref_slice %arg4[%multiple_of3A_640] : memref<1280000xf32, #tpu.memory_space<hbm>> -> memref<8192xf32, #tpu.memory_space<hbm>>
                    %dma_start3A_645 = tpu.memref_slice %arg4[%multiple_of3A_640] : memref<1280000xf32, #tpu.memory_space<hbm>> -> memref<8192xf32, #tpu.memory_space<hbm>>
                    tpu.enqueue_dma source(%arg11 : memref<8192xf32, #tpu.memory_space<vmem>>) target(%dma_start3A_645 : memref<8192xf32, #tpu.memory_space<hbm>>) target_semaphore(%run_scoped3A : memref<!tpu.dma_semaphore, #tpu.memory_space<semaphore_mem>>)
                    %dma_wait3A_646 = tpu.memref_slice %arg4[%multiple_of3A_640] : memref<1280000xf32, #tpu.memory_space<hbm>> -> memref<8192xf32, #tpu.memory_space<hbm>>
                    %dma_wait3A_647 = tpu.memref_slice %arg4[%multiple_of3A_640] : memref<1280000xf32, #tpu.memory_space<hbm>> -> memref<8192xf32, #tpu.memory_space<hbm>>
                    tpu.wait_dma2 semaphore(%run_scoped3A : memref<!tpu.dma_semaphore, #tpu.memory_space<semaphore_mem>>) src(%arg11 : memref<8192xf32, #tpu.memory_space<vmem>>) dst(%dma_wait3A_647 : memref<8192xf32, #tpu.memory_space<hbm>>)
                    tpu.yield
                  }) : () -> ()
                  %add3A_641 = arith.constant 64 : i32
                  %add3A_642 = arith.addi %while3A_581, %add3A_641 : i32
                  %cond3A_643 = arith.constant 0 : i32
                  scf.yield %cond3A_643, %add3A_642 : i32, i32
                } else {
                  scf.yield %add3A_631, %while3A_581 : i32, i32
                }
                scf.yield %cond3A_637#0, %cond3A_637#1 : i32, i32
              }
              %mul3A_525 = arith.constant 128 : i32
              %mul3A_526 = arith.muli %while3A_524#0, %mul3A_525 : i32
              %add3A_527 = arith.constant 0 : i32
              %add3A_528 = arith.addi %mul3A_526, %add3A_527 : i32
              %swap3A = arith.index_cast %add3A_528 : i32 to index
              %swap3A_529 = tpu.vector_load %arg11[%swap3A] {strides = array<i32>} : memref<8192xf32, #tpu.memory_space<vmem>>, vector<16xf32>,
              tpu.vector_store %arg11[%swap3A], %while3A_475 {strides = array<i32>} : memref<8192xf32, #tpu.memory_space<vmem>>, vector<16xf32>,
              %mul3A_530 = arith.constant 128 : i32
              %mul3A_531 = arith.muli %while3A_524#0, %mul3A_530 : i32
              %add3A_532 = arith.constant 16 : i32
              %add3A_533 = arith.addi %mul3A_531, %add3A_532 : i32
              %swap3A_534 = arith.index_cast %add3A_533 : i32 to index
              %swap3A_535 = tpu.vector_load %arg11[%swap3A_534] {strides = array<i32>} : memref<8192xf32, #tpu.memory_space<vmem>>, vector<16xf32>,
              tpu.vector_store %arg11[%swap3A_534], %while3A_476 {strides = array<i32>} : memref<8192xf32, #tpu.memory_space<vmem>>, vector<16xf32>,
              %mul3A_536 = arith.constant 128 : i32
              %mul3A_537 = arith.muli %while3A_524#0, %mul3A_536 : i32
              %add3A_538 = arith.constant 32 : i32
              %add3A_539 = arith.addi %mul3A_537, %add3A_538 : i32
              %swap3A_540 = arith.index_cast %add3A_539 : i32 to index
              %swap3A_541 = tpu.vector_load %arg11[%swap3A_540] {strides = array<i32>} : memref<8192xf32, #tpu.memory_space<vmem>>, vector<16xf32>,
              tpu.vector_store %arg11[%swap3A_540], %while3A_477 {strides = array<i32>} : memref<8192xf32, #tpu.memory_space<vmem>>, vector<16xf32>,
              %mul3A_542 = arith.constant 128 : i32
              %mul3A_543 = arith.muli %while3A_524#0, %mul3A_542 : i32
              %add3A_544 = arith.constant 48 : i32
              %add3A_545 = arith.addi %mul3A_543, %add3A_544 : i32
              %swap3A_546 = arith.index_cast %add3A_545 : i32 to index
              %swap3A_547 = tpu.vector_load %arg11[%swap3A_546] {strides = array<i32>} : memref<8192xf32, #tpu.memory_space<vmem>>, vector<16xf32>,
              tpu.vector_store %arg11[%swap3A_546], %while3A_478 {strides = array<i32>} : memref<8192xf32, #tpu.memory_space<vmem>>, vector<16xf32>,
              %mul3A_548 = arith.constant 128 : i32
              %mul3A_549 = arith.muli %while3A_524#0, %mul3A_548 : i32
              %add3A_550 = arith.constant 64 : i32
              %add3A_551 = arith.addi %mul3A_549, %add3A_550 : i32
              %swap3A_552 = arith.index_cast %add3A_551 : i32 to index
              %swap3A_553 = tpu.vector_load %arg11[%swap3A_552] {strides = array<i32>} : memref<8192xf32, #tpu.memory_space<vmem>>, vector<16xf32>,
              tpu.vector_store %arg11[%swap3A_552], %while3A_479 {strides = array<i32>} : memref<8192xf32, #tpu.memory_space<vmem>>, vector<16xf32>,
              %mul3A_554 = arith.constant 128 : i32
              %mul3A_555 = arith.muli %while3A_524#0, %mul3A_554 : i32
              %add3A_556 = arith.constant 80 : i32
              %add3A_557 = arith.addi %mul3A_555, %add3A_556 : i32
              %swap3A_558 = arith.index_cast %add3A_557 : i32 to index
              %swap3A_559 = tpu.vector_load %arg11[%swap3A_558] {strides = array<i32>} : memref<8192xf32, #tpu.memory_space<vmem>>, vector<16xf32>,
              tpu.vector_store %arg11[%swap3A_558], %while3A_480 {strides = array<i32>} : memref<8192xf32, #tpu.memory_space<vmem>>, vector<16xf32>,
              %mul3A_560 = arith.constant 128 : i32
              %mul3A_561 = arith.muli %while3A_524#0, %mul3A_560 : i32
              %add3A_562 = arith.constant 96 : i32
              %add3A_563 = arith.addi %mul3A_561, %add3A_562 : i32
              %swap3A_564 = arith.index_cast %add3A_563 : i32 to index
              %swap3A_565 = tpu.vector_load %arg11[%swap3A_564] {strides = array<i32>} : memref<8192xf32, #tpu.memory_space<vmem>>, vector<16xf32>,
              tpu.vector_store %arg11[%swap3A_564], %while3A_481 {strides = array<i32>} : memref<8192xf32, #tpu.memory_space<vmem>>, vector<16xf32>,
              %mul3A_566 = arith.constant 128 : i32
              %mul3A_567 = arith.muli %while3A_524#0, %mul3A_566 : i32
              %add3A_568 = arith.constant 112 : i32
              %add3A_569 = arith.addi %mul3A_567, %add3A_568 : i32
              %swap3A_570 = arith.index_cast %add3A_569 : i32 to index
              %swap3A_571 = tpu.vector_load %arg11[%swap3A_570] {strides = array<i32>} : memref<8192xf32, #tpu.memory_space<vmem>>, vector<16xf32>,
              tpu.vector_store %arg11[%swap3A_570], %while3A_482 {strides = array<i32>} : memref<8192xf32, #tpu.memory_space<vmem>>, vector<16xf32>,
              %add3A_572 = arith.constant 1 : i32
              %add3A_573 = arith.addi %while3A_524#0, %add3A_572 : i32
              %eq3A_574 = arith.constant 64 : i32
              %eq3A_575 = arith.cmpi eq, %add3A_573, %eq3A_574 : i32
              %convert_element_type3A_576 = arith.extui %eq3A_575 : i1 to i32
              %cond3A_577 = arith.constant 0 : i32
              %cond3A_578 = arith.cmpi ne, %convert_element_type3A_576, %cond3A_577 : i32
              %cond3A_579:2 = scf.if %cond3A_578 -> (i32, i32) {
                %mul3A_580 = arith.constant 128 : i32
                %mul3A_581 = arith.muli %while3A_524#1, %mul3A_580 : i32
                %multiple_of3A_582 = tpu.assume_multiple %mul3A_581, 8 : i32
                "tpu.region"() ({
                  %run_scoped3A = tpu.sem_alloc : memref<!tpu.dma_semaphore, #tpu.memory_space<semaphore_mem>>
                  %dma_start3A_586 = tpu.memref_slice %arg4[%multiple_of3A_582] : memref<1280000xf32, #tpu.memory_space<hbm>> -> memref<8192xf32, #tpu.memory_space<hbm>>
                  %dma_start3A_587 = tpu.memref_slice %arg4[%multiple_of3A_582] : memref<1280000xf32, #tpu.memory_space<hbm>> -> memref<8192xf32, #tpu.memory_space<hbm>>
                  tpu.enqueue_dma source(%arg11 : memref<8192xf32, #tpu.memory_space<vmem>>) target(%dma_start3A_587 : memref<8192xf32, #tpu.memory_space<hbm>>) target_semaphore(%run_scoped3A : memref<!tpu.dma_semaphore, #tpu.memory_space<semaphore_mem>>)
                  %dma_wait3A_588 = tpu.memref_slice %arg4[%multiple_of3A_582] : memref<1280000xf32, #tpu.memory_space<hbm>> -> memref<8192xf32, #tpu.memory_space<hbm>>
                  %dma_wait3A_589 = tpu.memref_slice %arg4[%multiple_of3A_582] : memref<1280000xf32, #tpu.memory_space<hbm>> -> memref<8192xf32, #tpu.memory_space<hbm>>
                  tpu.wait_dma2 semaphore(%run_scoped3A : memref<!tpu.dma_semaphore, #tpu.memory_space<semaphore_mem>>) src(%arg11 : memref<8192xf32, #tpu.memory_space<vmem>>) dst(%dma_wait3A_589 : memref<8192xf32, #tpu.memory_space<hbm>>)
                  tpu.yield
                }) : () -> ()
                %add3A_583 = arith.constant 64 : i32
                %add3A_584 = arith.addi %while3A_524#1, %add3A_583 : i32
                %cond3A_585 = arith.constant 0 : i32
                scf.yield %cond3A_585, %add3A_584 : i32, i32
              } else {
                scf.yield %add3A_573, %while3A_524#1 : i32, i32
              }
              scf.yield %cond3A_579#0, %cond3A_579#1 : i32, i32
            } else {
              scf.yield %while3A_484, %while3A_485 : i32, i32
            }
            scf.yield %while3A_512#0, %while3A_512#1, %while3A_512#2, %while3A_512#3, %while3A_512#4, %while3A_512#5, %while3A_512#6, %while3A_512#7, %cond3A_523#0, %cond3A_523#1 : vector<16xf32>, vector<16xf32>, vector<16xf32>, vector<16xf32>, vector<16xf32>, vector<16xf32>, vector<16xf32>, vector<16xf32>, i32, i32
          }
          scf.yield %cond3A_517#0, %cond3A_517#1, %cond3A_517#2, %cond3A_517#3, %cond3A_517#4, %cond3A_517#5, %cond3A_517#6, %cond3A_517#7, %squeeze3A_502, %cond3A_517#8, %cond3A_517#9 : vector<16xf32>, vector<16xf32>, vector<16xf32>, vector<16xf32>, vector<16xf32>, vector<16xf32>, vector<16xf32>, vector<16xf32>, i32, i32, i32
        } else {
          scf.yield %while3A_475, %while3A_476, %while3A_477, %while3A_478, %while3A_479, %while3A_480, %while3A_481, %while3A_482, %while3A_483, %while3A_484, %while3A_485 : vector<16xf32>, vector<16xf32>, vector<16xf32>, vector<16xf32>, vector<16xf32>, vector<16xf32>, vector<16xf32>, vector<16xf32>, i32, i32, i32
        }
        scf.yield %cond3A_498#0, %cond3A_498#1, %cond3A_498#2, %cond3A_498#3, %cond3A_498#4, %cond3A_498#5, %cond3A_498#6, %cond3A_498#7, %cond3A_498#8, %cond3A_498#9, %cond3A_498#10, %select_n3A_492 : vector<16xf32>, vector<16xf32>, vector<16xf32>, vector<16xf32>, vector<16xf32>, vector<16xf32>, vector<16xf32>, vector<16xf32>, i32, i32, i32, i32
      }
      %add3A_400 = arith.constant 2 : i32
      %add3A_401 = arith.addi %mul3A_330, %add3A_400 : i32
      %mul3A_402 = arith.constant 256 : i32
      %mul3A_403 = arith.muli %add3A_401, %mul3A_402 : i32
      %add3A_404 = arith.addi %mul3A_207, %mul3A_403 : i32
      %min3A_405 = arith.constant 319744 : i32
      %min3A_406 = arith.minsi %add3A_404, %min3A_405 : i32
      %multiple_of3A_407 = tpu.assume_multiple %min3A_406, 8 : i32
      %dma_start3A_408 = arith.constant 0 : i32
      %dma_start3A_409 = tpu.memref_slice %arg2[%multiple_of3A_407, %dma_start3A_408] : memref<320000x128xf32, #tpu.memory_space<hbm>> -> memref<256x128xf32, #tpu.memory_space<hbm>>
      %dma_start3A_410 = arith.constant 0 : i32
      %dma_start3A_411 = tpu.memref_slice %arg2[%multiple_of3A_407, %dma_start3A_410] : memref<320000x128xf32, #tpu.memory_space<hbm>> -> memref<256x128xf32, #tpu.memory_space<hbm>>
      tpu.enqueue_dma source(%dma_start3A_411 : memref<256x128xf32, #tpu.memory_space<hbm>>) target(%arg5 : memref<256x128xf32, #tpu.memory_space<vmem>>) target_semaphore(%arg13 : memref<!tpu.dma_semaphore, #tpu.memory_space<semaphore_mem>>)
      %dma_start3A_412 = arith.constant 0 : i32
      %dma_start3A_413 = tpu.memref_slice %arg6[%dma_start3A_412] : memref<272xi32, #tpu.memory_space<vmem>> -> memref<256xi32, #tpu.memory_space<vmem>>
      %dma_start3A_414 = tpu.memref_slice %arg3[%multiple_of3A_407] : memref<320000xi32, #tpu.memory_space<hbm>> -> memref<256xi32, #tpu.memory_space<hbm>>
      %dma_start3A_415 = arith.constant 0 : i32
      %dma_start3A_416 = tpu.memref_slice %arg6[%dma_start3A_415] : memref<272xi32, #tpu.memory_space<vmem>> -> memref<256xi32, #tpu.memory_space<vmem>>
      %dma_start3A_417 = tpu.memref_slice %arg3[%multiple_of3A_407] : memref<320000xi32, #tpu.memory_space<hbm>> -> memref<256xi32, #tpu.memory_space<hbm>>
      tpu.enqueue_dma source(%dma_start3A_417 : memref<256xi32, #tpu.memory_space<hbm>>) target(%dma_start3A_416 : memref<256xi32, #tpu.memory_space<vmem>>) target_semaphore(%arg14 : memref<!tpu.dma_semaphore, #tpu.memory_space<semaphore_mem>>)
      %add3A_418 = arith.constant 1 : i32
      %add3A_419 = arith.addi %mul3A_330, %add3A_418 : i32
      %mul3A_420 = arith.constant 256 : i32
      %mul3A_421 = arith.muli %add3A_419, %mul3A_420 : i32
      %add3A_422 = arith.addi %mul3A_207, %mul3A_421 : i32
      %min3A_423 = arith.constant 319744 : i32
      %min3A_424 = arith.minsi %add3A_422, %min3A_423 : i32
      %multiple_of3A_425 = tpu.assume_multiple %min3A_424, 8 : i32
      %dma_wait3A_426 = arith.constant 0 : i32
      %dma_wait3A_427 = tpu.memref_slice %arg2[%multiple_of3A_425, %dma_wait3A_426] : memref<320000x128xf32, #tpu.memory_space<hbm>> -> memref<256x128xf32, #tpu.memory_space<hbm>>
      %dma_wait3A_428 = arith.constant 0 : i32
      %dma_wait3A_429 = tpu.memref_slice %arg2[%multiple_of3A_425, %dma_wait3A_428] : memref<320000x128xf32, #tpu.memory_space<hbm>> -> memref<256x128xf32, #tpu.memory_space<hbm>>
      tpu.wait_dma2 semaphore(%arg15 : memref<!tpu.dma_semaphore, #tpu.memory_space<semaphore_mem>>) src(%dma_wait3A_429 : memref<256x128xf32, #tpu.memory_space<hbm>>) dst(%arg7 : memref<256x128xf32, #tpu.memory_space<vmem>>)
      %dma_wait3A_430 = arith.constant 0 : i32
      %dma_wait3A_431 = tpu.memref_slice %arg8[%dma_wait3A_430] : memref<272xi32, #tpu.memory_space<vmem>> -> memref<256xi32, #tpu.memory_space<vmem>>
      %dma_wait3A_432 = tpu.memref_slice %arg3[%multiple_of3A_425] : memref<320000xi32, #tpu.memory_space<hbm>> -> memref<256xi32, #tpu.memory_space<hbm>>
      %dma_wait3A_433 = arith.constant 0 : i32
      %dma_wait3A_434 = tpu.memref_slice %arg8[%dma_wait3A_433] : memref<272xi32, #tpu.memory_space<vmem>> -> memref<256xi32, #tpu.memory_space<vmem>>
      %dma_wait3A_435 = tpu.memref_slice %arg3[%multiple_of3A_425] : memref<320000xi32, #tpu.memory_space<hbm>> -> memref<256xi32, #tpu.memory_space<hbm>>
      tpu.wait_dma2 semaphore(%arg16 : memref<!tpu.dma_semaphore, #tpu.memory_space<semaphore_mem>>) src(%dma_wait3A_435 : memref<256xi32, #tpu.memory_space<hbm>>) dst(%dma_wait3A_434 : memref<256xi32, #tpu.memory_space<vmem>>)
      %add3A_436 = arith.constant 1 : i32
      %add3A_437 = arith.addi %mul3A_330, %add3A_436 : i32
      %mul3A_438 = arith.constant 256 : i32
      %mul3A_439 = arith.muli %add3A_437, %mul3A_438 : i32
      %add3A_440 = arith.addi %mul3A_207, %mul3A_439 : i32
      %mul3A_441 = arith.constant 256 : i32
      %mul3A_442 = arith.muli %add3A_437, %mul3A_441 : i32
      %add3A_443 = arith.addi %mul3A_207, %mul3A_442 : i32
      %min3A_444 = arith.constant 319744 : i32
      %min3A_445 = arith.minsi %add3A_443, %min3A_444 : i32
      %multiple_of3A_446 = tpu.assume_multiple %min3A_445, 8 : i32
      %sub3A_447 = arith.subi %select_n3A_50, %multiple_of3A_446 : i32
      %sub3A_448 = arith.subi %add3A_440, %multiple_of3A_446 : i32
      %max3A_449 = arith.maxsi %sub3A_447, %sub3A_448 : i32
      %sub3A_450 = arith.subi %select_n3A_100, %multiple_of3A_446 : i32
      %min3A_451 = arith.constant 256 : i32
      %min3A_452 = arith.minsi %sub3A_450, %min3A_451 : i32
      %scan3A_453 = arith.constant 0 : i32
      %scan3A_454 = arith.constant 0 : i32
      %scan3A_455 = arith.constant 16 : i32
      %scan3A_456 = arith.addi %scan3A_454, %scan3A_455 : i32
      %scan3A_457 = arith.constant 1 : i32
      %scan3A_458 = scf.for %scan3A_474 = %scan3A_454 to %scan3A_456 step %scan3A_457 iter_args(%scan3A_475 = %scan3A_453) -> (i32)  : i32 {
        %mul3A_476 = arith.constant 16 : i32
        %mul3A_477 = arith.muli %scan3A_474, %mul3A_476 : i32
        %get3A_478 = arith.index_cast %mul3A_477 : i32 to index
        %get3A_479 = tpu.vector_load %arg8[%get3A_478] {strides = array<i32>} : memref<272xi32, #tpu.memory_space<vmem>>, vector<16xi32>,
        %mul3A_480 = arith.constant 16 : i32
        %mul3A_481 = arith.muli %scan3A_474, %mul3A_480 : i32
        %add3A_482 = arith.constant 1 : i32
        %add3A_483 = arith.addi %mul3A_481, %add3A_482 : i32
        %get3A_484 = arith.index_cast %add3A_483 : i32 to index
        %get3A_485 = tpu.vector_load %arg8[%get3A_484] {strides = array<i32>} : memref<272xi32, #tpu.memory_space<vmem>>, vector<16xi32>,
        %ne3A_486 = arith.cmpi ne, %get3A_479, %get3A_485 : vector<16xi32>
        %iota3A_487 = tpu.iota {dimensions = array<i32: 0>} : vector<16xi32>
        %mul3A_488 = arith.constant 16 : i32
        %mul3A_489 = arith.muli %scan3A_474, %mul3A_488 : i32
        %add3A_490 = arith.constant 1 : i32
        %add3A_491 = arith.addi %mul3A_489, %add3A_490 : i32
        %add3A_492 = vector.broadcast %add3A_491 : i32 to vector<16xi32>
        %add3A_493 = arith.addi %iota3A_487, %add3A_492 : vector<16xi32>
        %swap3A = arith.index_cast %scan3A_475 : i32 to index
        %swap3A_494 = tpu.vector_load %arg12[%swap3A] masked %ne3A_486 {strides = array<i32>} : memref<288xi32, #tpu.memory_space<vmem>>, vector<16xi32>, vector<16xi1>
        tpu.vector_store %arg12[%swap3A], %add3A_493 masked %ne3A_486 {strides = array<i32>} : memref<288xi32, #tpu.memory_space<vmem>>, vector<16xi32>, vector<16xi1>
        %all_reduce_population_count3A = tpu.all_reduce %ne3A_486 {dim = 0 : i64, kind = #tpu.reduction_kind<sum>} : vector<16xi1> -> vector<16xi32>
        %slice3A_495 = vector.extract_strided_slice %all_reduce_population_count3A {offsets = [0], sizes = [1], strides = [1]} : vector<16xi32> to vector<1xi32>
        %squeeze3A_496 = vector.extract %slice3A_495[0] : i32 from vector<1xi32>
        %add3A_497 = arith.addi %scan3A_475, %squeeze3A_496 : i32
        scf.yield %add3A_497 : i32
      }
      %scan3A_459 = arith.constant 16 : i32
      %add3A_460 = arith.constant 1 : i32
      %add3A_461 = arith.addi %scan3A_458, %add3A_460 : i32
      %while3A_462 = arith.constant 0 : i32
      %while3A_463 = arith.constant 0 : i32
      %while3A_464 = arith.subi %add3A_461, %while3A_462 : i32
      %while3A_465 = arith.addi %while3A_462, %while3A_464 : i32
      %while3A_466 = arith.constant 1 : i32
      %while3A_467 = arith.divsi %while3A_464, %while3A_466 : i32
      %while3A_468 = arith.muli %while3A_467, %while3A_466 : i32
      %while3A_469 = arith.addi %while3A_462, %while3A_468 : i32
      %while3A_470 = arith.constant 1 : i32
      %while3A_471:12 = scf.for %while3A_474 = %while3A_462 to %while3A_469 step %while3A_470 iter_args(%while3A_475 = %while3A_399#0, %while3A_476 = %while3A_399#1, %while3A_477 = %while3A_399#2, %while3A_478 = %while3A_399#3, %while3A_479 = %while3A_399#4, %while3A_480 = %while3A_399#5, %while3A_481 = %while3A_399#6, %while3A_482 = %while3A_399#7, %while3A_483 = %while3A_399#8, %while3A_484 = %while3A_399#9, %while3A_485 = %while3A_399#10, %while3A_486 = %while3A_463) -> (vector<16xf32>, vector<16xf32>, vector<16xf32>, vector<16xf32>, vector<16xf32>, vector<16xf32>, vector<16xf32>, vector<16xf32>, i32, i32, i32, i32)  : i32 {
        %lt3A_487 = arith.cmpi slt, %while3A_474, %scan3A_458 : i32
        %get3A_488 = arith.index_cast %while3A_474 : i32 to index
        %get3A_489 = tpu.vector_load %arg12[%get3A_488] {strides = array<i32>} : memref<288xi32, #tpu.memory_space<vmem>>, vector<16xi32>,
        %slice3A_490 = vector.extract_strided_slice %get3A_489 {offsets = [0], sizes = [1], strides = [1]} : vector<16xi32> to vector<1xi32>
        %squeeze3A_491 = vector.extract %slice3A_490[0] : i32 from vector<1xi32>
        %select_n3A_492 = arith.select %lt3A_487, %squeeze3A_491, %min3A_452 : i32
        %max3A_493 = arith.maxsi %while3A_486, %max3A_449 : i32
        %min3A_494 = arith.minsi %select_n3A_492, %min3A_452 : i32
        %gt3A = arith.cmpi sgt, %min3A_494, %max3A_493 : i32
        %convert_element_type3A_495 = arith.extui %gt3A : i1 to i32
        %cond3A_496 = arith.constant 0 : i32
        %cond3A_497 = arith.cmpi ne, %convert_element_type3A_495, %cond3A_496 : i32
        %cond3A_498:11 = scf.if %cond3A_497 -> (vector<16xf32>, vector<16xf32>, vector<16xf32>, vector<16xf32>, vector<16xf32>, vector<16xf32>, vector<16xf32>, vector<16xf32>, i32, i32, i32) {
          %get3A_499 = arith.index_cast %max3A_493 : i32 to index
          %get3A_500 = tpu.vector_load %arg8[%get3A_499] {strides = array<i32>} : memref<272xi32, #tpu.memory_space<vmem>>, vector<16xi32>,
          %slice3A_501 = vector.extract_strided_slice %get3A_500 {offsets = [0], sizes = [1], strides = [1]} : vector<16xi32> to vector<1xi32>
          %squeeze3A_502 = vector.extract %slice3A_501[0] : i32 from vector<1xi32>
          %while3A_503 = arith.subi %min3A_494, %max3A_493 : i32
          %while3A_504 = arith.addi %max3A_493, %while3A_503 : i32
          %while3A_505 = arith.constant 1 : i32
          %while3A_506 = arith.divsi %while3A_503, %while3A_505 : i32
          %while3A_507 = arith.muli %while3A_506, %while3A_505 : i32
          %while3A_508 = arith.addi %max3A_493, %while3A_507 : i32
          %while3A_509 = arith.constant 1 : i32
          %while3A_510:8 = scf.for %while3A_518 = %max3A_493 to %while3A_508 step %while3A_509 iter_args(%while3A_519 = %broadcast_in_dim3A_1, %while3A_520 = %broadcast_in_dim3A_1, %while3A_521 = %broadcast_in_dim3A_1, %while3A_522 = %broadcast_in_dim3A_1, %while3A_523 = %broadcast_in_dim3A_1, %while3A_524 = %broadcast_in_dim3A_1, %while3A_525 = %broadcast_in_dim3A_1, %while3A_526 = %broadcast_in_dim3A_1) -> (vector<16xf32>, vector<16xf32>, vector<16xf32>, vector<16xf32>, vector<16xf32>, vector<16xf32>, vector<16xf32>, vector<16xf32>)  : i32 {
            %get3A_527 = arith.index_cast %while3A_518 : i32 to index
            %get3A_528 = arith.constant 0 : index
            %get3A_529 = tpu.vector_load %arg7[%get3A_527, %get3A_528] {strides = array<i32>} : memref<256x128xf32, #tpu.memory_space<vmem>>, vector<16xf32>,
            %mul3A_530 = arith.constant 1.000000e+02 : f32
            %mul3A_531 = vector.broadcast %mul3A_530 : f32 to vector<16xf32>
            %mul3A_532 = arith.mulf %get3A_529, %mul3A_531 : vector<16xf32>
            %sub3A_533 = arith.constant 44.3614197 : f32
            %sub3A_534 = vector.broadcast %sub3A_533 : f32 to vector<16xf32>
            %sub3A_535 = arith.subf %mul3A_532, %sub3A_534 : vector<16xf32>
            %exp3A = math.exp %sub3A_535 : vector<16xf32>
            %add3A_536 = arith.addf %while3A_519, %exp3A : vector<16xf32>
            %get3A_537 = arith.index_cast %while3A_518 : i32 to index
            %get3A_538 = arith.constant 16 : index
            %get3A_539 = tpu.vector_load %arg7[%get3A_537, %get3A_538] {strides = array<i32>} : memref<256x128xf32, #tpu.memory_space<vmem>>, vector<16xf32>,
            %mul3A_540 = arith.constant 1.000000e+02 : f32
            %mul3A_541 = vector.broadcast %mul3A_540 : f32 to vector<16xf32>
            %mul3A_542 = arith.mulf %get3A_539, %mul3A_541 : vector<16xf32>
            %sub3A_543 = arith.constant 44.3614197 : f32
            %sub3A_544 = vector.broadcast %sub3A_543 : f32 to vector<16xf32>
            %sub3A_545 = arith.subf %mul3A_542, %sub3A_544 : vector<16xf32>
            %exp3A_546 = math.exp %sub3A_545 : vector<16xf32>
            %add3A_547 = arith.addf %while3A_520, %exp3A_546 : vector<16xf32>
            %get3A_548 = arith.index_cast %while3A_518 : i32 to index
            %get3A_549 = arith.constant 32 : index
            %get3A_550 = tpu.vector_load %arg7[%get3A_548, %get3A_549] {strides = array<i32>} : memref<256x128xf32, #tpu.memory_space<vmem>>, vector<16xf32>,
            %mul3A_551 = arith.constant 1.000000e+02 : f32
            %mul3A_552 = vector.broadcast %mul3A_551 : f32 to vector<16xf32>
            %mul3A_553 = arith.mulf %get3A_550, %mul3A_552 : vector<16xf32>
            %sub3A_554 = arith.constant 44.3614197 : f32
            %sub3A_555 = vector.broadcast %sub3A_554 : f32 to vector<16xf32>
            %sub3A_556 = arith.subf %mul3A_553, %sub3A_555 : vector<16xf32>
            %exp3A_557 = math.exp %sub3A_556 : vector<16xf32>
            %add3A_558 = arith.addf %while3A_521, %exp3A_557 : vector<16xf32>
            %get3A_559 = arith.index_cast %while3A_518 : i32 to index
            %get3A_560 = arith.constant 48 : index
            %get3A_561 = tpu.vector_load %arg7[%get3A_559, %get3A_560] {strides = array<i32>} : memref<256x128xf32, #tpu.memory_space<vmem>>, vector<16xf32>,
            %mul3A_562 = arith.constant 1.000000e+02 : f32
            %mul3A_563 = vector.broadcast %mul3A_562 : f32 to vector<16xf32>
            %mul3A_564 = arith.mulf %get3A_561, %mul3A_563 : vector<16xf32>
            %sub3A_565 = arith.constant 44.3614197 : f32
            %sub3A_566 = vector.broadcast %sub3A_565 : f32 to vector<16xf32>
            %sub3A_567 = arith.subf %mul3A_564, %sub3A_566 : vector<16xf32>
            %exp3A_568 = math.exp %sub3A_567 : vector<16xf32>
            %add3A_569 = arith.addf %while3A_522, %exp3A_568 : vector<16xf32>
            %get3A_570 = arith.index_cast %while3A_518 : i32 to index
            %get3A_571 = arith.constant 64 : index
            %get3A_572 = tpu.vector_load %arg7[%get3A_570, %get3A_571] {strides = array<i32>} : memref<256x128xf32, #tpu.memory_space<vmem>>, vector<16xf32>,
            %mul3A_573 = arith.constant 1.000000e+02 : f32
            %mul3A_574 = vector.broadcast %mul3A_573 : f32 to vector<16xf32>
            %mul3A_575 = arith.mulf %get3A_572, %mul3A_574 : vector<16xf32>
            %sub3A_576 = arith.constant 44.3614197 : f32
            %sub3A_577 = vector.broadcast %sub3A_576 : f32 to vector<16xf32>
            %sub3A_578 = arith.subf %mul3A_575, %sub3A_577 : vector<16xf32>
            %exp3A_579 = math.exp %sub3A_578 : vector<16xf32>
            %add3A_580 = arith.addf %while3A_523, %exp3A_579 : vector<16xf32>
            %get3A_581 = arith.index_cast %while3A_518 : i32 to index
            %get3A_582 = arith.constant 80 : index
            %get3A_583 = tpu.vector_load %arg7[%get3A_581, %get3A_582] {strides = array<i32>} : memref<256x128xf32, #tpu.memory_space<vmem>>, vector<16xf32>,
            %mul3A_584 = arith.constant 1.000000e+02 : f32
            %mul3A_585 = vector.broadcast %mul3A_584 : f32 to vector<16xf32>
            %mul3A_586 = arith.mulf %get3A_583, %mul3A_585 : vector<16xf32>
            %sub3A_587 = arith.constant 44.3614197 : f32
            %sub3A_588 = vector.broadcast %sub3A_587 : f32 to vector<16xf32>
            %sub3A_589 = arith.subf %mul3A_586, %sub3A_588 : vector<16xf32>
            %exp3A_590 = math.exp %sub3A_589 : vector<16xf32>
            %add3A_591 = arith.addf %while3A_524, %exp3A_590 : vector<16xf32>
            %get3A_592 = arith.index_cast %while3A_518 : i32 to index
            %get3A_593 = arith.constant 96 : index
            %get3A_594 = tpu.vector_load %arg7[%get3A_592, %get3A_593] {strides = array<i32>} : memref<256x128xf32, #tpu.memory_space<vmem>>, vector<16xf32>,
            %mul3A_595 = arith.constant 1.000000e+02 : f32
            %mul3A_596 = vector.broadcast %mul3A_595 : f32 to vector<16xf32>
            %mul3A_597 = arith.mulf %get3A_594, %mul3A_596 : vector<16xf32>
            %sub3A_598 = arith.constant 44.3614197 : f32
            %sub3A_599 = vector.broadcast %sub3A_598 : f32 to vector<16xf32>
            %sub3A_600 = arith.subf %mul3A_597, %sub3A_599 : vector<16xf32>
            %exp3A_601 = math.exp %sub3A_600 : vector<16xf32>
            %add3A_602 = arith.addf %while3A_525, %exp3A_601 : vector<16xf32>
            %get3A_603 = arith.index_cast %while3A_518 : i32 to index
            %get3A_604 = arith.constant 112 : index
            %get3A_605 = tpu.vector_load %arg7[%get3A_603, %get3A_604] {strides = array<i32>} : memref<256x128xf32, #tpu.memory_space<vmem>>, vector<16xf32>,
            %mul3A_606 = arith.constant 1.000000e+02 : f32
            %mul3A_607 = vector.broadcast %mul3A_606 : f32 to vector<16xf32>
            %mul3A_608 = arith.mulf %get3A_605, %mul3A_607 : vector<16xf32>
            %sub3A_609 = arith.constant 44.3614197 : f32
            %sub3A_610 = vector.broadcast %sub3A_609 : f32 to vector<16xf32>
            %sub3A_611 = arith.subf %mul3A_608, %sub3A_610 : vector<16xf32>
            %exp3A_612 = math.exp %sub3A_611 : vector<16xf32>
            %add3A_613 = arith.addf %while3A_526, %exp3A_612 : vector<16xf32>
            scf.yield %add3A_536, %add3A_547, %add3A_558, %add3A_569, %add3A_580, %add3A_591, %add3A_602, %add3A_613 : vector<16xf32>, vector<16xf32>, vector<16xf32>, vector<16xf32>, vector<16xf32>, vector<16xf32>, vector<16xf32>, vector<16xf32>
          }
          %while3A_511 = arith.constant 1 : i32
          %while3A_512:8 = scf.for %while3A_518 = %while3A_508 to %while3A_504 step %while3A_511 iter_args(%while3A_519 = %while3A_510#0, %while3A_520 = %while3A_510#1, %while3A_521 = %while3A_510#2, %while3A_522 = %while3A_510#3, %while3A_523 = %while3A_510#4, %while3A_524 = %while3A_510#5, %while3A_525 = %while3A_510#6, %while3A_526 = %while3A_510#7) -> (vector<16xf32>, vector<16xf32>, vector<16xf32>, vector<16xf32>, vector<16xf32>, vector<16xf32>, vector<16xf32>, vector<16xf32>)  : i32 {
            %get3A_527 = arith.index_cast %while3A_518 : i32 to index
            %get3A_528 = arith.constant 0 : index
            %get3A_529 = tpu.vector_load %arg7[%get3A_527, %get3A_528] {strides = array<i32>} : memref<256x128xf32, #tpu.memory_space<vmem>>, vector<16xf32>,
            %mul3A_530 = arith.constant 1.000000e+02 : f32
            %mul3A_531 = vector.broadcast %mul3A_530 : f32 to vector<16xf32>
            %mul3A_532 = arith.mulf %get3A_529, %mul3A_531 : vector<16xf32>
            %sub3A_533 = arith.constant 44.3614197 : f32
            %sub3A_534 = vector.broadcast %sub3A_533 : f32 to vector<16xf32>
            %sub3A_535 = arith.subf %mul3A_532, %sub3A_534 : vector<16xf32>
            %exp3A = math.exp %sub3A_535 : vector<16xf32>
            %add3A_536 = arith.addf %while3A_519, %exp3A : vector<16xf32>
            %get3A_537 = arith.index_cast %while3A_518 : i32 to index
            %get3A_538 = arith.constant 16 : index
            %get3A_539 = tpu.vector_load %arg7[%get3A_537, %get3A_538] {strides = array<i32>} : memref<256x128xf32, #tpu.memory_space<vmem>>, vector<16xf32>,
            %mul3A_540 = arith.constant 1.000000e+02 : f32
            %mul3A_541 = vector.broadcast %mul3A_540 : f32 to vector<16xf32>
            %mul3A_542 = arith.mulf %get3A_539, %mul3A_541 : vector<16xf32>
            %sub3A_543 = arith.constant 44.3614197 : f32
            %sub3A_544 = vector.broadcast %sub3A_543 : f32 to vector<16xf32>
            %sub3A_545 = arith.subf %mul3A_542, %sub3A_544 : vector<16xf32>
            %exp3A_546 = math.exp %sub3A_545 : vector<16xf32>
            %add3A_547 = arith.addf %while3A_520, %exp3A_546 : vector<16xf32>
            %get3A_548 = arith.index_cast %while3A_518 : i32 to index
            %get3A_549 = arith.constant 32 : index
            %get3A_550 = tpu.vector_load %arg7[%get3A_548, %get3A_549] {strides = array<i32>} : memref<256x128xf32, #tpu.memory_space<vmem>>, vector<16xf32>,
            %mul3A_551 = arith.constant 1.000000e+02 : f32
            %mul3A_552 = vector.broadcast %mul3A_551 : f32 to vector<16xf32>
            %mul3A_553 = arith.mulf %get3A_550, %mul3A_552 : vector<16xf32>
            %sub3A_554 = arith.constant 44.3614197 : f32
            %sub3A_555 = vector.broadcast %sub3A_554 : f32 to vector<16xf32>
            %sub3A_556 = arith.subf %mul3A_553, %sub3A_555 : vector<16xf32>
            %exp3A_557 = math.exp %sub3A_556 : vector<16xf32>
            %add3A_558 = arith.addf %while3A_521, %exp3A_557 : vector<16xf32>
            %get3A_559 = arith.index_cast %while3A_518 : i32 to index
            %get3A_560 = arith.constant 48 : index
            %get3A_561 = tpu.vector_load %arg7[%get3A_559, %get3A_560] {strides = array<i32>} : memref<256x128xf32, #tpu.memory_space<vmem>>, vector<16xf32>,
            %mul3A_562 = arith.constant 1.000000e+02 : f32
            %mul3A_563 = vector.broadcast %mul3A_562 : f32 to vector<16xf32>
            %mul3A_564 = arith.mulf %get3A_561, %mul3A_563 : vector<16xf32>
            %sub3A_565 = arith.constant 44.3614197 : f32
            %sub3A_566 = vector.broadcast %sub3A_565 : f32 to vector<16xf32>
            %sub3A_567 = arith.subf %mul3A_564, %sub3A_566 : vector<16xf32>
            %exp3A_568 = math.exp %sub3A_567 : vector<16xf32>
            %add3A_569 = arith.addf %while3A_522, %exp3A_568 : vector<16xf32>
            %get3A_570 = arith.index_cast %while3A_518 : i32 to index
            %get3A_571 = arith.constant 64 : index
            %get3A_572 = tpu.vector_load %arg7[%get3A_570, %get3A_571] {strides = array<i32>} : memref<256x128xf32, #tpu.memory_space<vmem>>, vector<16xf32>,
            %mul3A_573 = arith.constant 1.000000e+02 : f32
            %mul3A_574 = vector.broadcast %mul3A_573 : f32 to vector<16xf32>
            %mul3A_575 = arith.mulf %get3A_572, %mul3A_574 : vector<16xf32>
            %sub3A_576 = arith.constant 44.3614197 : f32
            %sub3A_577 = vector.broadcast %sub3A_576 : f32 to vector<16xf32>
            %sub3A_578 = arith.subf %mul3A_575, %sub3A_577 : vector<16xf32>
            %exp3A_579 = math.exp %sub3A_578 : vector<16xf32>
            %add3A_580 = arith.addf %while3A_523, %exp3A_579 : vector<16xf32>
            %get3A_581 = arith.index_cast %while3A_518 : i32 to index
            %get3A_582 = arith.constant 80 : index
            %get3A_583 = tpu.vector_load %arg7[%get3A_581, %get3A_582] {strides = array<i32>} : memref<256x128xf32, #tpu.memory_space<vmem>>, vector<16xf32>,
            %mul3A_584 = arith.constant 1.000000e+02 : f32
            %mul3A_585 = vector.broadcast %mul3A_584 : f32 to vector<16xf32>
            %mul3A_586 = arith.mulf %get3A_583, %mul3A_585 : vector<16xf32>
            %sub3A_587 = arith.constant 44.3614197 : f32
            %sub3A_588 = vector.broadcast %sub3A_587 : f32 to vector<16xf32>
            %sub3A_589 = arith.subf %mul3A_586, %sub3A_588 : vector<16xf32>
            %exp3A_590 = math.exp %sub3A_589 : vector<16xf32>
            %add3A_591 = arith.addf %while3A_524, %exp3A_590 : vector<16xf32>
            %get3A_592 = arith.index_cast %while3A_518 : i32 to index
            %get3A_593 = arith.constant 96 : index
            %get3A_594 = tpu.vector_load %arg7[%get3A_592, %get3A_593] {strides = array<i32>} : memref<256x128xf32, #tpu.memory_space<vmem>>, vector<16xf32>,
            %mul3A_595 = arith.constant 1.000000e+02 : f32
            %mul3A_596 = vector.broadcast %mul3A_595 : f32 to vector<16xf32>
            %mul3A_597 = arith.mulf %get3A_594, %mul3A_596 : vector<16xf32>
            %sub3A_598 = arith.constant 44.3614197 : f32
            %sub3A_599 = vector.broadcast %sub3A_598 : f32 to vector<16xf32>
            %sub3A_600 = arith.subf %mul3A_597, %sub3A_599 : vector<16xf32>
            %exp3A_601 = math.exp %sub3A_600 : vector<16xf32>
            %add3A_602 = arith.addf %while3A_525, %exp3A_601 : vector<16xf32>
            %get3A_603 = arith.index_cast %while3A_518 : i32 to index
            %get3A_604 = arith.constant 112 : index
            %get3A_605 = tpu.vector_load %arg7[%get3A_603, %get3A_604] {strides = array<i32>} : memref<256x128xf32, #tpu.memory_space<vmem>>, vector<16xf32>,
            %mul3A_606 = arith.constant 1.000000e+02 : f32
            %mul3A_607 = vector.broadcast %mul3A_606 : f32 to vector<16xf32>
            %mul3A_608 = arith.mulf %get3A_605, %mul3A_607 : vector<16xf32>
            %sub3A_609 = arith.constant 44.3614197 : f32
            %sub3A_610 = vector.broadcast %sub3A_609 : f32 to vector<16xf32>
            %sub3A_611 = arith.subf %mul3A_608, %sub3A_610 : vector<16xf32>
            %exp3A_612 = math.exp %sub3A_611 : vector<16xf32>
            %add3A_613 = arith.addf %while3A_526, %exp3A_612 : vector<16xf32>
            scf.yield %add3A_536, %add3A_547, %add3A_558, %add3A_569, %add3A_580, %add3A_591, %add3A_602, %add3A_613 : vector<16xf32>, vector<16xf32>, vector<16xf32>, vector<16xf32>, vector<16xf32>, vector<16xf32>, vector<16xf32>, vector<16xf32>
          }
          %eq3A_513 = arith.cmpi eq, %squeeze3A_502, %while3A_483 : i32
          %convert_element_type3A_514 = arith.extui %eq3A_513 : i1 to i32
          %cond3A_515 = arith.constant 0 : i32
          %cond3A_516 = arith.cmpi ne, %convert_element_type3A_514, %cond3A_515 : i32
          %cond3A_517:10 = scf.if %cond3A_516 -> (vector<16xf32>, vector<16xf32>, vector<16xf32>, vector<16xf32>, vector<16xf32>, vector<16xf32>, vector<16xf32>, vector<16xf32>, i32, i32) {
            %add3A_518 = arith.addf %while3A_475, %while3A_512#0 : vector<16xf32>
            %add3A_519 = arith.addf %while3A_476, %while3A_512#1 : vector<16xf32>
            %add3A_520 = arith.addf %while3A_477, %while3A_512#2 : vector<16xf32>
            %add3A_521 = arith.addf %while3A_478, %while3A_512#3 : vector<16xf32>
            %add3A_522 = arith.addf %while3A_479, %while3A_512#4 : vector<16xf32>
            %add3A_523 = arith.addf %while3A_480, %while3A_512#5 : vector<16xf32>
            %add3A_524 = arith.addf %while3A_481, %while3A_512#6 : vector<16xf32>
            %add3A_525 = arith.addf %while3A_482, %while3A_512#7 : vector<16xf32>
            scf.yield %add3A_518, %add3A_519, %add3A_520, %add3A_521, %add3A_522, %add3A_523, %add3A_524, %add3A_525, %while3A_484, %while3A_485 : vector<16xf32>, vector<16xf32>, vector<16xf32>, vector<16xf32>, vector<16xf32>, vector<16xf32>, vector<16xf32>, vector<16xf32>, i32, i32
          } else {
            %ge3A_518 = arith.constant 0 : i32
            %ge3A_519 = arith.cmpi sge, %while3A_483, %ge3A_518 : i32
            %convert_element_type3A_520 = arith.extui %ge3A_519 : i1 to i32
            %cond3A_521 = arith.constant 0 : i32
            %cond3A_522 = arith.cmpi ne, %convert_element_type3A_520, %cond3A_521 : i32
            %cond3A_523:2 = scf.if %cond3A_522 -> (i32, i32) {
              %while3A_524:2 = scf.while (%while3A_580 = %while3A_484, %while3A_581 = %while3A_485) : (i32, i32) -> (i32, i32) {
                %add3A_582 = arith.addi %while3A_580, %while3A_581 : i32
                %lt3A_583 = arith.cmpi slt, %add3A_582, %while3A_483 : i32
                scf.condition(%lt3A_583) %while3A_580, %while3A_581 : i32, i32
              } do {
              ^bb0(%while3A_580: i32, %while3A_581: i32):
                %mul3A_582 = arith.constant 128 : i32
                %mul3A_583 = arith.muli %while3A_580, %mul3A_582 : i32
                %add3A_584 = arith.constant 0 : i32
                %add3A_585 = arith.addi %mul3A_583, %add3A_584 : i32
                %swap3A_586 = arith.index_cast %add3A_585 : i32 to index
                %swap3A_587 = tpu.vector_load %arg11[%swap3A_586] {strides = array<i32>} : memref<8192xf32, #tpu.memory_space<vmem>>, vector<16xf32>,
                tpu.vector_store %arg11[%swap3A_586], %broadcast_in_dim3A_1 {strides = array<i32>} : memref<8192xf32, #tpu.memory_space<vmem>>, vector<16xf32>,
                %mul3A_588 = arith.constant 128 : i32
                %mul3A_589 = arith.muli %while3A_580, %mul3A_588 : i32
                %add3A_590 = arith.constant 16 : i32
                %add3A_591 = arith.addi %mul3A_589, %add3A_590 : i32
                %swap3A_592 = arith.index_cast %add3A_591 : i32 to index
                %swap3A_593 = tpu.vector_load %arg11[%swap3A_592] {strides = array<i32>} : memref<8192xf32, #tpu.memory_space<vmem>>, vector<16xf32>,
                tpu.vector_store %arg11[%swap3A_592], %broadcast_in_dim3A_1 {strides = array<i32>} : memref<8192xf32, #tpu.memory_space<vmem>>, vector<16xf32>,
                %mul3A_594 = arith.constant 128 : i32
                %mul3A_595 = arith.muli %while3A_580, %mul3A_594 : i32
                %add3A_596 = arith.constant 32 : i32
                %add3A_597 = arith.addi %mul3A_595, %add3A_596 : i32
                %swap3A_598 = arith.index_cast %add3A_597 : i32 to index
                %swap3A_599 = tpu.vector_load %arg11[%swap3A_598] {strides = array<i32>} : memref<8192xf32, #tpu.memory_space<vmem>>, vector<16xf32>,
                tpu.vector_store %arg11[%swap3A_598], %broadcast_in_dim3A_1 {strides = array<i32>} : memref<8192xf32, #tpu.memory_space<vmem>>, vector<16xf32>,
                %mul3A_600 = arith.constant 128 : i32
                %mul3A_601 = arith.muli %while3A_580, %mul3A_600 : i32
                %add3A_602 = arith.constant 48 : i32
                %add3A_603 = arith.addi %mul3A_601, %add3A_602 : i32
                %swap3A_604 = arith.index_cast %add3A_603 : i32 to index
                %swap3A_605 = tpu.vector_load %arg11[%swap3A_604] {strides = array<i32>} : memref<8192xf32, #tpu.memory_space<vmem>>, vector<16xf32>,
                tpu.vector_store %arg11[%swap3A_604], %broadcast_in_dim3A_1 {strides = array<i32>} : memref<8192xf32, #tpu.memory_space<vmem>>, vector<16xf32>,
                %mul3A_606 = arith.constant 128 : i32
                %mul3A_607 = arith.muli %while3A_580, %mul3A_606 : i32
                %add3A_608 = arith.constant 64 : i32
                %add3A_609 = arith.addi %mul3A_607, %add3A_608 : i32
                %swap3A_610 = arith.index_cast %add3A_609 : i32 to index
                %swap3A_611 = tpu.vector_load %arg11[%swap3A_610] {strides = array<i32>} : memref<8192xf32, #tpu.memory_space<vmem>>, vector<16xf32>,
                tpu.vector_store %arg11[%swap3A_610], %broadcast_in_dim3A_1 {strides = array<i32>} : memref<8192xf32, #tpu.memory_space<vmem>>, vector<16xf32>,
                %mul3A_612 = arith.constant 128 : i32
                %mul3A_613 = arith.muli %while3A_580, %mul3A_612 : i32
                %add3A_614 = arith.constant 80 : i32
                %add3A_615 = arith.addi %mul3A_613, %add3A_614 : i32
                %swap3A_616 = arith.index_cast %add3A_615 : i32 to index
                %swap3A_617 = tpu.vector_load %arg11[%swap3A_616] {strides = array<i32>} : memref<8192xf32, #tpu.memory_space<vmem>>, vector<16xf32>,
                tpu.vector_store %arg11[%swap3A_616], %broadcast_in_dim3A_1 {strides = array<i32>} : memref<8192xf32, #tpu.memory_space<vmem>>, vector<16xf32>,
                %mul3A_618 = arith.constant 128 : i32
                %mul3A_619 = arith.muli %while3A_580, %mul3A_618 : i32
                %add3A_620 = arith.constant 96 : i32
                %add3A_621 = arith.addi %mul3A_619, %add3A_620 : i32
                %swap3A_622 = arith.index_cast %add3A_621 : i32 to index
                %swap3A_623 = tpu.vector_load %arg11[%swap3A_622] {strides = array<i32>} : memref<8192xf32, #tpu.memory_space<vmem>>, vector<16xf32>,
                tpu.vector_store %arg11[%swap3A_622], %broadcast_in_dim3A_1 {strides = array<i32>} : memref<8192xf32, #tpu.memory_space<vmem>>, vector<16xf32>,
                %mul3A_624 = arith.constant 128 : i32
                %mul3A_625 = arith.muli %while3A_580, %mul3A_624 : i32
                %add3A_626 = arith.constant 112 : i32
                %add3A_627 = arith.addi %mul3A_625, %add3A_626 : i32
                %swap3A_628 = arith.index_cast %add3A_627 : i32 to index
                %swap3A_629 = tpu.vector_load %arg11[%swap3A_628] {strides = array<i32>} : memref<8192xf32, #tpu.memory_space<vmem>>, vector<16xf32>,
                tpu.vector_store %arg11[%swap3A_628], %broadcast_in_dim3A_1 {strides = array<i32>} : memref<8192xf32, #tpu.memory_space<vmem>>, vector<16xf32>,
                %add3A_630 = arith.constant 1 : i32
                %add3A_631 = arith.addi %while3A_580, %add3A_630 : i32
                %eq3A_632 = arith.constant 64 : i32
                %eq3A_633 = arith.cmpi eq, %add3A_631, %eq3A_632 : i32
                %convert_element_type3A_634 = arith.extui %eq3A_633 : i1 to i32
                %cond3A_635 = arith.constant 0 : i32
                %cond3A_636 = arith.cmpi ne, %convert_element_type3A_634, %cond3A_635 : i32
                %cond3A_637:2 = scf.if %cond3A_636 -> (i32, i32) {
                  %mul3A_638 = arith.constant 128 : i32
                  %mul3A_639 = arith.muli %while3A_581, %mul3A_638 : i32
                  %multiple_of3A_640 = tpu.assume_multiple %mul3A_639, 8 : i32
                  "tpu.region"() ({
                    %run_scoped3A = tpu.sem_alloc : memref<!tpu.dma_semaphore, #tpu.memory_space<semaphore_mem>>
                    %dma_start3A_644 = tpu.memref_slice %arg4[%multiple_of3A_640] : memref<1280000xf32, #tpu.memory_space<hbm>> -> memref<8192xf32, #tpu.memory_space<hbm>>
                    %dma_start3A_645 = tpu.memref_slice %arg4[%multiple_of3A_640] : memref<1280000xf32, #tpu.memory_space<hbm>> -> memref<8192xf32, #tpu.memory_space<hbm>>
                    tpu.enqueue_dma source(%arg11 : memref<8192xf32, #tpu.memory_space<vmem>>) target(%dma_start3A_645 : memref<8192xf32, #tpu.memory_space<hbm>>) target_semaphore(%run_scoped3A : memref<!tpu.dma_semaphore, #tpu.memory_space<semaphore_mem>>)
                    %dma_wait3A_646 = tpu.memref_slice %arg4[%multiple_of3A_640] : memref<1280000xf32, #tpu.memory_space<hbm>> -> memref<8192xf32, #tpu.memory_space<hbm>>
                    %dma_wait3A_647 = tpu.memref_slice %arg4[%multiple_of3A_640] : memref<1280000xf32, #tpu.memory_space<hbm>> -> memref<8192xf32, #tpu.memory_space<hbm>>
                    tpu.wait_dma2 semaphore(%run_scoped3A : memref<!tpu.dma_semaphore, #tpu.memory_space<semaphore_mem>>) src(%arg11 : memref<8192xf32, #tpu.memory_space<vmem>>) dst(%dma_wait3A_647 : memref<8192xf32, #tpu.memory_space<hbm>>)
                    tpu.yield
                  }) : () -> ()
                  %add3A_641 = arith.constant 64 : i32
                  %add3A_642 = arith.addi %while3A_581, %add3A_641 : i32
                  %cond3A_643 = arith.constant 0 : i32
                  scf.yield %cond3A_643, %add3A_642 : i32, i32
                } else {
                  scf.yield %add3A_631, %while3A_581 : i32, i32
                }
                scf.yield %cond3A_637#0, %cond3A_637#1 : i32, i32
              }
              %mul3A_525 = arith.constant 128 : i32
              %mul3A_526 = arith.muli %while3A_524#0, %mul3A_525 : i32
              %add3A_527 = arith.constant 0 : i32
              %add3A_528 = arith.addi %mul3A_526, %add3A_527 : i32
              %swap3A = arith.index_cast %add3A_528 : i32 to index
              %swap3A_529 = tpu.vector_load %arg11[%swap3A] {strides = array<i32>} : memref<8192xf32, #tpu.memory_space<vmem>>, vector<16xf32>,
              tpu.vector_store %arg11[%swap3A], %while3A_475 {strides = array<i32>} : memref<8192xf32, #tpu.memory_space<vmem>>, vector<16xf32>,
              %mul3A_530 = arith.constant 128 : i32
              %mul3A_531 = arith.muli %while3A_524#0, %mul3A_530 : i32
              %add3A_532 = arith.constant 16 : i32
              %add3A_533 = arith.addi %mul3A_531, %add3A_532 : i32
              %swap3A_534 = arith.index_cast %add3A_533 : i32 to index
              %swap3A_535 = tpu.vector_load %arg11[%swap3A_534] {strides = array<i32>} : memref<8192xf32, #tpu.memory_space<vmem>>, vector<16xf32>,
              tpu.vector_store %arg11[%swap3A_534], %while3A_476 {strides = array<i32>} : memref<8192xf32, #tpu.memory_space<vmem>>, vector<16xf32>,
              %mul3A_536 = arith.constant 128 : i32
              %mul3A_537 = arith.muli %while3A_524#0, %mul3A_536 : i32
              %add3A_538 = arith.constant 32 : i32
              %add3A_539 = arith.addi %mul3A_537, %add3A_538 : i32
              %swap3A_540 = arith.index_cast %add3A_539 : i32 to index
              %swap3A_541 = tpu.vector_load %arg11[%swap3A_540] {strides = array<i32>} : memref<8192xf32, #tpu.memory_space<vmem>>, vector<16xf32>,
              tpu.vector_store %arg11[%swap3A_540], %while3A_477 {strides = array<i32>} : memref<8192xf32, #tpu.memory_space<vmem>>, vector<16xf32>,
              %mul3A_542 = arith.constant 128 : i32
              %mul3A_543 = arith.muli %while3A_524#0, %mul3A_542 : i32
              %add3A_544 = arith.constant 48 : i32
              %add3A_545 = arith.addi %mul3A_543, %add3A_544 : i32
              %swap3A_546 = arith.index_cast %add3A_545 : i32 to index
              %swap3A_547 = tpu.vector_load %arg11[%swap3A_546] {strides = array<i32>} : memref<8192xf32, #tpu.memory_space<vmem>>, vector<16xf32>,
              tpu.vector_store %arg11[%swap3A_546], %while3A_478 {strides = array<i32>} : memref<8192xf32, #tpu.memory_space<vmem>>, vector<16xf32>,
              %mul3A_548 = arith.constant 128 : i32
              %mul3A_549 = arith.muli %while3A_524#0, %mul3A_548 : i32
              %add3A_550 = arith.constant 64 : i32
              %add3A_551 = arith.addi %mul3A_549, %add3A_550 : i32
              %swap3A_552 = arith.index_cast %add3A_551 : i32 to index
              %swap3A_553 = tpu.vector_load %arg11[%swap3A_552] {strides = array<i32>} : memref<8192xf32, #tpu.memory_space<vmem>>, vector<16xf32>,
              tpu.vector_store %arg11[%swap3A_552], %while3A_479 {strides = array<i32>} : memref<8192xf32, #tpu.memory_space<vmem>>, vector<16xf32>,
              %mul3A_554 = arith.constant 128 : i32
              %mul3A_555 = arith.muli %while3A_524#0, %mul3A_554 : i32
              %add3A_556 = arith.constant 80 : i32
              %add3A_557 = arith.addi %mul3A_555, %add3A_556 : i32
              %swap3A_558 = arith.index_cast %add3A_557 : i32 to index
              %swap3A_559 = tpu.vector_load %arg11[%swap3A_558] {strides = array<i32>} : memref<8192xf32, #tpu.memory_space<vmem>>, vector<16xf32>,
              tpu.vector_store %arg11[%swap3A_558], %while3A_480 {strides = array<i32>} : memref<8192xf32, #tpu.memory_space<vmem>>, vector<16xf32>,
              %mul3A_560 = arith.constant 128 : i32
              %mul3A_561 = arith.muli %while3A_524#0, %mul3A_560 : i32
              %add3A_562 = arith.constant 96 : i32
              %add3A_563 = arith.addi %mul3A_561, %add3A_562 : i32
              %swap3A_564 = arith.index_cast %add3A_563 : i32 to index
              %swap3A_565 = tpu.vector_load %arg11[%swap3A_564] {strides = array<i32>} : memref<8192xf32, #tpu.memory_space<vmem>>, vector<16xf32>,
              tpu.vector_store %arg11[%swap3A_564], %while3A_481 {strides = array<i32>} : memref<8192xf32, #tpu.memory_space<vmem>>, vector<16xf32>,
              %mul3A_566 = arith.constant 128 : i32
              %mul3A_567 = arith.muli %while3A_524#0, %mul3A_566 : i32
              %add3A_568 = arith.constant 112 : i32
              %add3A_569 = arith.addi %mul3A_567, %add3A_568 : i32
              %swap3A_570 = arith.index_cast %add3A_569 : i32 to index
              %swap3A_571 = tpu.vector_load %arg11[%swap3A_570] {strides = array<i32>} : memref<8192xf32, #tpu.memory_space<vmem>>, vector<16xf32>,
              tpu.vector_store %arg11[%swap3A_570], %while3A_482 {strides = array<i32>} : memref<8192xf32, #tpu.memory_space<vmem>>, vector<16xf32>,
              %add3A_572 = arith.constant 1 : i32
              %add3A_573 = arith.addi %while3A_524#0, %add3A_572 : i32
              %eq3A_574 = arith.constant 64 : i32
              %eq3A_575 = arith.cmpi eq, %add3A_573, %eq3A_574 : i32
              %convert_element_type3A_576 = arith.extui %eq3A_575 : i1 to i32
              %cond3A_577 = arith.constant 0 : i32
              %cond3A_578 = arith.cmpi ne, %convert_element_type3A_576, %cond3A_577 : i32
              %cond3A_579:2 = scf.if %cond3A_578 -> (i32, i32) {
                %mul3A_580 = arith.constant 128 : i32
                %mul3A_581 = arith.muli %while3A_524#1, %mul3A_580 : i32
                %multiple_of3A_582 = tpu.assume_multiple %mul3A_581, 8 : i32
                "tpu.region"() ({
                  %run_scoped3A = tpu.sem_alloc : memref<!tpu.dma_semaphore, #tpu.memory_space<semaphore_mem>>
                  %dma_start3A_586 = tpu.memref_slice %arg4[%multiple_of3A_582] : memref<1280000xf32, #tpu.memory_space<hbm>> -> memref<8192xf32, #tpu.memory_space<hbm>>
                  %dma_start3A_587 = tpu.memref_slice %arg4[%multiple_of3A_582] : memref<1280000xf32, #tpu.memory_space<hbm>> -> memref<8192xf32, #tpu.memory_space<hbm>>
                  tpu.enqueue_dma source(%arg11 : memref<8192xf32, #tpu.memory_space<vmem>>) target(%dma_start3A_587 : memref<8192xf32, #tpu.memory_space<hbm>>) target_semaphore(%run_scoped3A : memref<!tpu.dma_semaphore, #tpu.memory_space<semaphore_mem>>)
                  %dma_wait3A_588 = tpu.memref_slice %arg4[%multiple_of3A_582] : memref<1280000xf32, #tpu.memory_space<hbm>> -> memref<8192xf32, #tpu.memory_space<hbm>>
                  %dma_wait3A_589 = tpu.memref_slice %arg4[%multiple_of3A_582] : memref<1280000xf32, #tpu.memory_space<hbm>> -> memref<8192xf32, #tpu.memory_space<hbm>>
                  tpu.wait_dma2 semaphore(%run_scoped3A : memref<!tpu.dma_semaphore, #tpu.memory_space<semaphore_mem>>) src(%arg11 : memref<8192xf32, #tpu.memory_space<vmem>>) dst(%dma_wait3A_589 : memref<8192xf32, #tpu.memory_space<hbm>>)
                  tpu.yield
                }) : () -> ()
                %add3A_583 = arith.constant 64 : i32
                %add3A_584 = arith.addi %while3A_524#1, %add3A_583 : i32
                %cond3A_585 = arith.constant 0 : i32
                scf.yield %cond3A_585, %add3A_584 : i32, i32
              } else {
                scf.yield %add3A_573, %while3A_524#1 : i32, i32
              }
              scf.yield %cond3A_579#0, %cond3A_579#1 : i32, i32
            } else {
              scf.yield %while3A_484, %while3A_485 : i32, i32
            }
            scf.yield %while3A_512#0, %while3A_512#1, %while3A_512#2, %while3A_512#3, %while3A_512#4, %while3A_512#5, %while3A_512#6, %while3A_512#7, %cond3A_523#0, %cond3A_523#1 : vector<16xf32>, vector<16xf32>, vector<16xf32>, vector<16xf32>, vector<16xf32>, vector<16xf32>, vector<16xf32>, vector<16xf32>, i32, i32
          }
          scf.yield %cond3A_517#0, %cond3A_517#1, %cond3A_517#2, %cond3A_517#3, %cond3A_517#4, %cond3A_517#5, %cond3A_517#6, %cond3A_517#7, %squeeze3A_502, %cond3A_517#8, %cond3A_517#9 : vector<16xf32>, vector<16xf32>, vector<16xf32>, vector<16xf32>, vector<16xf32>, vector<16xf32>, vector<16xf32>, vector<16xf32>, i32, i32, i32
        } else {
          scf.yield %while3A_475, %while3A_476, %while3A_477, %while3A_478, %while3A_479, %while3A_480, %while3A_481, %while3A_482, %while3A_483, %while3A_484, %while3A_485 : vector<16xf32>, vector<16xf32>, vector<16xf32>, vector<16xf32>, vector<16xf32>, vector<16xf32>, vector<16xf32>, vector<16xf32>, i32, i32, i32
        }
        scf.yield %cond3A_498#0, %cond3A_498#1, %cond3A_498#2, %cond3A_498#3, %cond3A_498#4, %cond3A_498#5, %cond3A_498#6, %cond3A_498#7, %cond3A_498#8, %cond3A_498#9, %cond3A_498#10, %select_n3A_492 : vector<16xf32>, vector<16xf32>, vector<16xf32>, vector<16xf32>, vector<16xf32>, vector<16xf32>, vector<16xf32>, vector<16xf32>, i32, i32, i32, i32
      }
      %while3A_472 = arith.constant 1 : i32
      %while3A_473:12 = scf.for %while3A_474 = %while3A_469 to %while3A_465 step %while3A_472 iter_args(%while3A_475 = %while3A_471#0, %while3A_476 = %while3A_471#1, %while3A_477 = %while3A_471#2, %while3A_478 = %while3A_471#3, %while3A_479 = %while3A_471#4, %while3A_480 = %while3A_471#5, %while3A_481 = %while3A_471#6, %while3A_482 = %while3A_471#7, %while3A_483 = %while3A_471#8, %while3A_484 = %while3A_471#9, %while3A_485 = %while3A_471#10, %while3A_486 = %while3A_471#11) -> (vector<16xf32>, vector<16xf32>, vector<16xf32>, vector<16xf32>, vector<16xf32>, vector<16xf32>, vector<16xf32>, vector<16xf32>, i32, i32, i32, i32)  : i32 {
        %lt3A_487 = arith.cmpi slt, %while3A_474, %scan3A_458 : i32
        %get3A_488 = arith.index_cast %while3A_474 : i32 to index
        %get3A_489 = tpu.vector_load %arg12[%get3A_488] {strides = array<i32>} : memref<288xi32, #tpu.memory_space<vmem>>, vector<16xi32>,
        %slice3A_490 = vector.extract_strided_slice %get3A_489 {offsets = [0], sizes = [1], strides = [1]} : vector<16xi32> to vector<1xi32>
        %squeeze3A_491 = vector.extract %slice3A_490[0] : i32 from vector<1xi32>
        %select_n3A_492 = arith.select %lt3A_487, %squeeze3A_491, %min3A_452 : i32
        %max3A_493 = arith.maxsi %while3A_486, %max3A_449 : i32
        %min3A_494 = arith.minsi %select_n3A_492, %min3A_452 : i32
        %gt3A = arith.cmpi sgt, %min3A_494, %max3A_493 : i32
        %convert_element_type3A_495 = arith.extui %gt3A : i1 to i32
        %cond3A_496 = arith.constant 0 : i32
        %cond3A_497 = arith.cmpi ne, %convert_element_type3A_495, %cond3A_496 : i32
        %cond3A_498:11 = scf.if %cond3A_497 -> (vector<16xf32>, vector<16xf32>, vector<16xf32>, vector<16xf32>, vector<16xf32>, vector<16xf32>, vector<16xf32>, vector<16xf32>, i32, i32, i32) {
          %get3A_499 = arith.index_cast %max3A_493 : i32 to index
          %get3A_500 = tpu.vector_load %arg8[%get3A_499] {strides = array<i32>} : memref<272xi32, #tpu.memory_space<vmem>>, vector<16xi32>,
          %slice3A_501 = vector.extract_strided_slice %get3A_500 {offsets = [0], sizes = [1], strides = [1]} : vector<16xi32> to vector<1xi32>
          %squeeze3A_502 = vector.extract %slice3A_501[0] : i32 from vector<1xi32>
          %while3A_503 = arith.subi %min3A_494, %max3A_493 : i32
          %while3A_504 = arith.addi %max3A_493, %while3A_503 : i32
          %while3A_505 = arith.constant 1 : i32
          %while3A_506 = arith.divsi %while3A_503, %while3A_505 : i32
          %while3A_507 = arith.muli %while3A_506, %while3A_505 : i32
          %while3A_508 = arith.addi %max3A_493, %while3A_507 : i32
          %while3A_509 = arith.constant 1 : i32
          %while3A_510:8 = scf.for %while3A_518 = %max3A_493 to %while3A_508 step %while3A_509 iter_args(%while3A_519 = %broadcast_in_dim3A_1, %while3A_520 = %broadcast_in_dim3A_1, %while3A_521 = %broadcast_in_dim3A_1, %while3A_522 = %broadcast_in_dim3A_1, %while3A_523 = %broadcast_in_dim3A_1, %while3A_524 = %broadcast_in_dim3A_1, %while3A_525 = %broadcast_in_dim3A_1, %while3A_526 = %broadcast_in_dim3A_1) -> (vector<16xf32>, vector<16xf32>, vector<16xf32>, vector<16xf32>, vector<16xf32>, vector<16xf32>, vector<16xf32>, vector<16xf32>)  : i32 {
            %get3A_527 = arith.index_cast %while3A_518 : i32 to index
            %get3A_528 = arith.constant 0 : index
            %get3A_529 = tpu.vector_load %arg7[%get3A_527, %get3A_528] {strides = array<i32>} : memref<256x128xf32, #tpu.memory_space<vmem>>, vector<16xf32>,
            %mul3A_530 = arith.constant 1.000000e+02 : f32
            %mul3A_531 = vector.broadcast %mul3A_530 : f32 to vector<16xf32>
            %mul3A_532 = arith.mulf %get3A_529, %mul3A_531 : vector<16xf32>
            %sub3A_533 = arith.constant 44.3614197 : f32
            %sub3A_534 = vector.broadcast %sub3A_533 : f32 to vector<16xf32>
            %sub3A_535 = arith.subf %mul3A_532, %sub3A_534 : vector<16xf32>
            %exp3A = math.exp %sub3A_535 : vector<16xf32>
            %add3A_536 = arith.addf %while3A_519, %exp3A : vector<16xf32>
            %get3A_537 = arith.index_cast %while3A_518 : i32 to index
            %get3A_538 = arith.constant 16 : index
            %get3A_539 = tpu.vector_load %arg7[%get3A_537, %get3A_538] {strides = array<i32>} : memref<256x128xf32, #tpu.memory_space<vmem>>, vector<16xf32>,
            %mul3A_540 = arith.constant 1.000000e+02 : f32
            %mul3A_541 = vector.broadcast %mul3A_540 : f32 to vector<16xf32>
            %mul3A_542 = arith.mulf %get3A_539, %mul3A_541 : vector<16xf32>
            %sub3A_543 = arith.constant 44.3614197 : f32
            %sub3A_544 = vector.broadcast %sub3A_543 : f32 to vector<16xf32>
            %sub3A_545 = arith.subf %mul3A_542, %sub3A_544 : vector<16xf32>
            %exp3A_546 = math.exp %sub3A_545 : vector<16xf32>
            %add3A_547 = arith.addf %while3A_520, %exp3A_546 : vector<16xf32>
            %get3A_548 = arith.index_cast %while3A_518 : i32 to index
            %get3A_549 = arith.constant 32 : index
            %get3A_550 = tpu.vector_load %arg7[%get3A_548, %get3A_549] {strides = array<i32>} : memref<256x128xf32, #tpu.memory_space<vmem>>, vector<16xf32>,
            %mul3A_551 = arith.constant 1.000000e+02 : f32
            %mul3A_552 = vector.broadcast %mul3A_551 : f32 to vector<16xf32>
            %mul3A_553 = arith.mulf %get3A_550, %mul3A_552 : vector<16xf32>
            %sub3A_554 = arith.constant 44.3614197 : f32
            %sub3A_555 = vector.broadcast %sub3A_554 : f32 to vector<16xf32>
            %sub3A_556 = arith.subf %mul3A_553, %sub3A_555 : vector<16xf32>
            %exp3A_557 = math.exp %sub3A_556 : vector<16xf32>
            %add3A_558 = arith.addf %while3A_521, %exp3A_557 : vector<16xf32>
            %get3A_559 = arith.index_cast %while3A_518 : i32 to index
            %get3A_560 = arith.constant 48 : index
            %get3A_561 = tpu.vector_load %arg7[%get3A_559, %get3A_560] {strides = array<i32>} : memref<256x128xf32, #tpu.memory_space<vmem>>, vector<16xf32>,
            %mul3A_562 = arith.constant 1.000000e+02 : f32
            %mul3A_563 = vector.broadcast %mul3A_562 : f32 to vector<16xf32>
            %mul3A_564 = arith.mulf %get3A_561, %mul3A_563 : vector<16xf32>
            %sub3A_565 = arith.constant 44.3614197 : f32
            %sub3A_566 = vector.broadcast %sub3A_565 : f32 to vector<16xf32>
            %sub3A_567 = arith.subf %mul3A_564, %sub3A_566 : vector<16xf32>
            %exp3A_568 = math.exp %sub3A_567 : vector<16xf32>
            %add3A_569 = arith.addf %while3A_522, %exp3A_568 : vector<16xf32>
            %get3A_570 = arith.index_cast %while3A_518 : i32 to index
            %get3A_571 = arith.constant 64 : index
            %get3A_572 = tpu.vector_load %arg7[%get3A_570, %get3A_571] {strides = array<i32>} : memref<256x128xf32, #tpu.memory_space<vmem>>, vector<16xf32>,
            %mul3A_573 = arith.constant 1.000000e+02 : f32
            %mul3A_574 = vector.broadcast %mul3A_573 : f32 to vector<16xf32>
            %mul3A_575 = arith.mulf %get3A_572, %mul3A_574 : vector<16xf32>
            %sub3A_576 = arith.constant 44.3614197 : f32
            %sub3A_577 = vector.broadcast %sub3A_576 : f32 to vector<16xf32>
            %sub3A_578 = arith.subf %mul3A_575, %sub3A_577 : vector<16xf32>
            %exp3A_579 = math.exp %sub3A_578 : vector<16xf32>
            %add3A_580 = arith.addf %while3A_523, %exp3A_579 : vector<16xf32>
            %get3A_581 = arith.index_cast %while3A_518 : i32 to index
            %get3A_582 = arith.constant 80 : index
            %get3A_583 = tpu.vector_load %arg7[%get3A_581, %get3A_582] {strides = array<i32>} : memref<256x128xf32, #tpu.memory_space<vmem>>, vector<16xf32>,
            %mul3A_584 = arith.constant 1.000000e+02 : f32
            %mul3A_585 = vector.broadcast %mul3A_584 : f32 to vector<16xf32>
            %mul3A_586 = arith.mulf %get3A_583, %mul3A_585 : vector<16xf32>
            %sub3A_587 = arith.constant 44.3614197 : f32
            %sub3A_588 = vector.broadcast %sub3A_587 : f32 to vector<16xf32>
            %sub3A_589 = arith.subf %mul3A_586, %sub3A_588 : vector<16xf32>
            %exp3A_590 = math.exp %sub3A_589 : vector<16xf32>
            %add3A_591 = arith.addf %while3A_524, %exp3A_590 : vector<16xf32>
            %get3A_592 = arith.index_cast %while3A_518 : i32 to index
            %get3A_593 = arith.constant 96 : index
            %get3A_594 = tpu.vector_load %arg7[%get3A_592, %get3A_593] {strides = array<i32>} : memref<256x128xf32, #tpu.memory_space<vmem>>, vector<16xf32>,
            %mul3A_595 = arith.constant 1.000000e+02 : f32
            %mul3A_596 = vector.broadcast %mul3A_595 : f32 to vector<16xf32>
            %mul3A_597 = arith.mulf %get3A_594, %mul3A_596 : vector<16xf32>
            %sub3A_598 = arith.constant 44.3614197 : f32
            %sub3A_599 = vector.broadcast %sub3A_598 : f32 to vector<16xf32>
            %sub3A_600 = arith.subf %mul3A_597, %sub3A_599 : vector<16xf32>
            %exp3A_601 = math.exp %sub3A_600 : vector<16xf32>
            %add3A_602 = arith.addf %while3A_525, %exp3A_601 : vector<16xf32>
            %get3A_603 = arith.index_cast %while3A_518 : i32 to index
            %get3A_604 = arith.constant 112 : index
            %get3A_605 = tpu.vector_load %arg7[%get3A_603, %get3A_604] {strides = array<i32>} : memref<256x128xf32, #tpu.memory_space<vmem>>, vector<16xf32>,
            %mul3A_606 = arith.constant 1.000000e+02 : f32
            %mul3A_607 = vector.broadcast %mul3A_606 : f32 to vector<16xf32>
            %mul3A_608 = arith.mulf %get3A_605, %mul3A_607 : vector<16xf32>
            %sub3A_609 = arith.constant 44.3614197 : f32
            %sub3A_610 = vector.broadcast %sub3A_609 : f32 to vector<16xf32>
            %sub3A_611 = arith.subf %mul3A_608, %sub3A_610 : vector<16xf32>
            %exp3A_612 = math.exp %sub3A_611 : vector<16xf32>
            %add3A_613 = arith.addf %while3A_526, %exp3A_612 : vector<16xf32>
            scf.yield %add3A_536, %add3A_547, %add3A_558, %add3A_569, %add3A_580, %add3A_591, %add3A_602, %add3A_613 : vector<16xf32>, vector<16xf32>, vector<16xf32>, vector<16xf32>, vector<16xf32>, vector<16xf32>, vector<16xf32>, vector<16xf32>
          }
          %while3A_511 = arith.constant 1 : i32
          %while3A_512:8 = scf.for %while3A_518 = %while3A_508 to %while3A_504 step %while3A_511 iter_args(%while3A_519 = %while3A_510#0, %while3A_520 = %while3A_510#1, %while3A_521 = %while3A_510#2, %while3A_522 = %while3A_510#3, %while3A_523 = %while3A_510#4, %while3A_524 = %while3A_510#5, %while3A_525 = %while3A_510#6, %while3A_526 = %while3A_510#7) -> (vector<16xf32>, vector<16xf32>, vector<16xf32>, vector<16xf32>, vector<16xf32>, vector<16xf32>, vector<16xf32>, vector<16xf32>)  : i32 {
            %get3A_527 = arith.index_cast %while3A_518 : i32 to index
            %get3A_528 = arith.constant 0 : index
            %get3A_529 = tpu.vector_load %arg7[%get3A_527, %get3A_528] {strides = array<i32>} : memref<256x128xf32, #tpu.memory_space<vmem>>, vector<16xf32>,
            %mul3A_530 = arith.constant 1.000000e+02 : f32
            %mul3A_531 = vector.broadcast %mul3A_530 : f32 to vector<16xf32>
            %mul3A_532 = arith.mulf %get3A_529, %mul3A_531 : vector<16xf32>
            %sub3A_533 = arith.constant 44.3614197 : f32
            %sub3A_534 = vector.broadcast %sub3A_533 : f32 to vector<16xf32>
            %sub3A_535 = arith.subf %mul3A_532, %sub3A_534 : vector<16xf32>
            %exp3A = math.exp %sub3A_535 : vector<16xf32>
            %add3A_536 = arith.addf %while3A_519, %exp3A : vector<16xf32>
            %get3A_537 = arith.index_cast %while3A_518 : i32 to index
            %get3A_538 = arith.constant 16 : index
            %get3A_539 = tpu.vector_load %arg7[%get3A_537, %get3A_538] {strides = array<i32>} : memref<256x128xf32, #tpu.memory_space<vmem>>, vector<16xf32>,
            %mul3A_540 = arith.constant 1.000000e+02 : f32
            %mul3A_541 = vector.broadcast %mul3A_540 : f32 to vector<16xf32>
            %mul3A_542 = arith.mulf %get3A_539, %mul3A_541 : vector<16xf32>
            %sub3A_543 = arith.constant 44.3614197 : f32
            %sub3A_544 = vector.broadcast %sub3A_543 : f32 to vector<16xf32>
            %sub3A_545 = arith.subf %mul3A_542, %sub3A_544 : vector<16xf32>
            %exp3A_546 = math.exp %sub3A_545 : vector<16xf32>
            %add3A_547 = arith.addf %while3A_520, %exp3A_546 : vector<16xf32>
            %get3A_548 = arith.index_cast %while3A_518 : i32 to index
            %get3A_549 = arith.constant 32 : index
            %get3A_550 = tpu.vector_load %arg7[%get3A_548, %get3A_549] {strides = array<i32>} : memref<256x128xf32, #tpu.memory_space<vmem>>, vector<16xf32>,
            %mul3A_551 = arith.constant 1.000000e+02 : f32
            %mul3A_552 = vector.broadcast %mul3A_551 : f32 to vector<16xf32>
            %mul3A_553 = arith.mulf %get3A_550, %mul3A_552 : vector<16xf32>
            %sub3A_554 = arith.constant 44.3614197 : f32
            %sub3A_555 = vector.broadcast %sub3A_554 : f32 to vector<16xf32>
            %sub3A_556 = arith.subf %mul3A_553, %sub3A_555 : vector<16xf32>
            %exp3A_557 = math.exp %sub3A_556 : vector<16xf32>
            %add3A_558 = arith.addf %while3A_521, %exp3A_557 : vector<16xf32>
            %get3A_559 = arith.index_cast %while3A_518 : i32 to index
            %get3A_560 = arith.constant 48 : index
            %get3A_561 = tpu.vector_load %arg7[%get3A_559, %get3A_560] {strides = array<i32>} : memref<256x128xf32, #tpu.memory_space<vmem>>, vector<16xf32>,
            %mul3A_562 = arith.constant 1.000000e+02 : f32
            %mul3A_563 = vector.broadcast %mul3A_562 : f32 to vector<16xf32>
            %mul3A_564 = arith.mulf %get3A_561, %mul3A_563 : vector<16xf32>
            %sub3A_565 = arith.constant 44.3614197 : f32
            %sub3A_566 = vector.broadcast %sub3A_565 : f32 to vector<16xf32>
            %sub3A_567 = arith.subf %mul3A_564, %sub3A_566 : vector<16xf32>
            %exp3A_568 = math.exp %sub3A_567 : vector<16xf32>
            %add3A_569 = arith.addf %while3A_522, %exp3A_568 : vector<16xf32>
            %get3A_570 = arith.index_cast %while3A_518 : i32 to index
            %get3A_571 = arith.constant 64 : index
            %get3A_572 = tpu.vector_load %arg7[%get3A_570, %get3A_571] {strides = array<i32>} : memref<256x128xf32, #tpu.memory_space<vmem>>, vector<16xf32>,
            %mul3A_573 = arith.constant 1.000000e+02 : f32
            %mul3A_574 = vector.broadcast %mul3A_573 : f32 to vector<16xf32>
            %mul3A_575 = arith.mulf %get3A_572, %mul3A_574 : vector<16xf32>
            %sub3A_576 = arith.constant 44.3614197 : f32
            %sub3A_577 = vector.broadcast %sub3A_576 : f32 to vector<16xf32>
            %sub3A_578 = arith.subf %mul3A_575, %sub3A_577 : vector<16xf32>
            %exp3A_579 = math.exp %sub3A_578 : vector<16xf32>
            %add3A_580 = arith.addf %while3A_523, %exp3A_579 : vector<16xf32>
            %get3A_581 = arith.index_cast %while3A_518 : i32 to index
            %get3A_582 = arith.constant 80 : index
            %get3A_583 = tpu.vector_load %arg7[%get3A_581, %get3A_582] {strides = array<i32>} : memref<256x128xf32, #tpu.memory_space<vmem>>, vector<16xf32>,
            %mul3A_584 = arith.constant 1.000000e+02 : f32
            %mul3A_585 = vector.broadcast %mul3A_584 : f32 to vector<16xf32>
            %mul3A_586 = arith.mulf %get3A_583, %mul3A_585 : vector<16xf32>
            %sub3A_587 = arith.constant 44.3614197 : f32
            %sub3A_588 = vector.broadcast %sub3A_587 : f32 to vector<16xf32>
            %sub3A_589 = arith.subf %mul3A_586, %sub3A_588 : vector<16xf32>
            %exp3A_590 = math.exp %sub3A_589 : vector<16xf32>
            %add3A_591 = arith.addf %while3A_524, %exp3A_590 : vector<16xf32>
            %get3A_592 = arith.index_cast %while3A_518 : i32 to index
            %get3A_593 = arith.constant 96 : index
            %get3A_594 = tpu.vector_load %arg7[%get3A_592, %get3A_593] {strides = array<i32>} : memref<256x128xf32, #tpu.memory_space<vmem>>, vector<16xf32>,
            %mul3A_595 = arith.constant 1.000000e+02 : f32
            %mul3A_596 = vector.broadcast %mul3A_595 : f32 to vector<16xf32>
            %mul3A_597 = arith.mulf %get3A_594, %mul3A_596 : vector<16xf32>
            %sub3A_598 = arith.constant 44.3614197 : f32
            %sub3A_599 = vector.broadcast %sub3A_598 : f32 to vector<16xf32>
            %sub3A_600 = arith.subf %mul3A_597, %sub3A_599 : vector<16xf32>
            %exp3A_601 = math.exp %sub3A_600 : vector<16xf32>
            %add3A_602 = arith.addf %while3A_525, %exp3A_601 : vector<16xf32>
            %get3A_603 = arith.index_cast %while3A_518 : i32 to index
            %get3A_604 = arith.constant 112 : index
            %get3A_605 = tpu.vector_load %arg7[%get3A_603, %get3A_604] {strides = array<i32>} : memref<256x128xf32, #tpu.memory_space<vmem>>, vector<16xf32>,
            %mul3A_606 = arith.constant 1.000000e+02 : f32
            %mul3A_607 = vector.broadcast %mul3A_606 : f32 to vector<16xf32>
            %mul3A_608 = arith.mulf %get3A_605, %mul3A_607 : vector<16xf32>
            %sub3A_609 = arith.constant 44.3614197 : f32
            %sub3A_610 = vector.broadcast %sub3A_609 : f32 to vector<16xf32>
            %sub3A_611 = arith.subf %mul3A_608, %sub3A_610 : vector<16xf32>
            %exp3A_612 = math.exp %sub3A_611 : vector<16xf32>
            %add3A_613 = arith.addf %while3A_526, %exp3A_612 : vector<16xf32>
            scf.yield %add3A_536, %add3A_547, %add3A_558, %add3A_569, %add3A_580, %add3A_591, %add3A_602, %add3A_613 : vector<16xf32>, vector<16xf32>, vector<16xf32>, vector<16xf32>, vector<16xf32>, vector<16xf32>, vector<16xf32>, vector<16xf32>
          }
          %eq3A_513 = arith.cmpi eq, %squeeze3A_502, %while3A_483 : i32
          %convert_element_type3A_514 = arith.extui %eq3A_513 : i1 to i32
          %cond3A_515 = arith.constant 0 : i32
          %cond3A_516 = arith.cmpi ne, %convert_element_type3A_514, %cond3A_515 : i32
          %cond3A_517:10 = scf.if %cond3A_516 -> (vector<16xf32>, vector<16xf32>, vector<16xf32>, vector<16xf32>, vector<16xf32>, vector<16xf32>, vector<16xf32>, vector<16xf32>, i32, i32) {
            %add3A_518 = arith.addf %while3A_475, %while3A_512#0 : vector<16xf32>
            %add3A_519 = arith.addf %while3A_476, %while3A_512#1 : vector<16xf32>
            %add3A_520 = arith.addf %while3A_477, %while3A_512#2 : vector<16xf32>
            %add3A_521 = arith.addf %while3A_478, %while3A_512#3 : vector<16xf32>
            %add3A_522 = arith.addf %while3A_479, %while3A_512#4 : vector<16xf32>
            %add3A_523 = arith.addf %while3A_480, %while3A_512#5 : vector<16xf32>
            %add3A_524 = arith.addf %while3A_481, %while3A_512#6 : vector<16xf32>
            %add3A_525 = arith.addf %while3A_482, %while3A_512#7 : vector<16xf32>
            scf.yield %add3A_518, %add3A_519, %add3A_520, %add3A_521, %add3A_522, %add3A_523, %add3A_524, %add3A_525, %while3A_484, %while3A_485 : vector<16xf32>, vector<16xf32>, vector<16xf32>, vector<16xf32>, vector<16xf32>, vector<16xf32>, vector<16xf32>, vector<16xf32>, i32, i32
          } else {
            %ge3A_518 = arith.constant 0 : i32
            %ge3A_519 = arith.cmpi sge, %while3A_483, %ge3A_518 : i32
            %convert_element_type3A_520 = arith.extui %ge3A_519 : i1 to i32
            %cond3A_521 = arith.constant 0 : i32
            %cond3A_522 = arith.cmpi ne, %convert_element_type3A_520, %cond3A_521 : i32
            %cond3A_523:2 = scf.if %cond3A_522 -> (i32, i32) {
              %while3A_524:2 = scf.while (%while3A_580 = %while3A_484, %while3A_581 = %while3A_485) : (i32, i32) -> (i32, i32) {
                %add3A_582 = arith.addi %while3A_580, %while3A_581 : i32
                %lt3A_583 = arith.cmpi slt, %add3A_582, %while3A_483 : i32
                scf.condition(%lt3A_583) %while3A_580, %while3A_581 : i32, i32
              } do {
              ^bb0(%while3A_580: i32, %while3A_581: i32):
                %mul3A_582 = arith.constant 128 : i32
                %mul3A_583 = arith.muli %while3A_580, %mul3A_582 : i32
                %add3A_584 = arith.constant 0 : i32
                %add3A_585 = arith.addi %mul3A_583, %add3A_584 : i32
                %swap3A_586 = arith.index_cast %add3A_585 : i32 to index
                %swap3A_587 = tpu.vector_load %arg11[%swap3A_586] {strides = array<i32>} : memref<8192xf32, #tpu.memory_space<vmem>>, vector<16xf32>,
                tpu.vector_store %arg11[%swap3A_586], %broadcast_in_dim3A_1 {strides = array<i32>} : memref<8192xf32, #tpu.memory_space<vmem>>, vector<16xf32>,
                %mul3A_588 = arith.constant 128 : i32
                %mul3A_589 = arith.muli %while3A_580, %mul3A_588 : i32
                %add3A_590 = arith.constant 16 : i32
                %add3A_591 = arith.addi %mul3A_589, %add3A_590 : i32
                %swap3A_592 = arith.index_cast %add3A_591 : i32 to index
                %swap3A_593 = tpu.vector_load %arg11[%swap3A_592] {strides = array<i32>} : memref<8192xf32, #tpu.memory_space<vmem>>, vector<16xf32>,
                tpu.vector_store %arg11[%swap3A_592], %broadcast_in_dim3A_1 {strides = array<i32>} : memref<8192xf32, #tpu.memory_space<vmem>>, vector<16xf32>,
                %mul3A_594 = arith.constant 128 : i32
                %mul3A_595 = arith.muli %while3A_580, %mul3A_594 : i32
                %add3A_596 = arith.constant 32 : i32
                %add3A_597 = arith.addi %mul3A_595, %add3A_596 : i32
                %swap3A_598 = arith.index_cast %add3A_597 : i32 to index
                %swap3A_599 = tpu.vector_load %arg11[%swap3A_598] {strides = array<i32>} : memref<8192xf32, #tpu.memory_space<vmem>>, vector<16xf32>,
                tpu.vector_store %arg11[%swap3A_598], %broadcast_in_dim3A_1 {strides = array<i32>} : memref<8192xf32, #tpu.memory_space<vmem>>, vector<16xf32>,
                %mul3A_600 = arith.constant 128 : i32
                %mul3A_601 = arith.muli %while3A_580, %mul3A_600 : i32
                %add3A_602 = arith.constant 48 : i32
                %add3A_603 = arith.addi %mul3A_601, %add3A_602 : i32
                %swap3A_604 = arith.index_cast %add3A_603 : i32 to index
                %swap3A_605 = tpu.vector_load %arg11[%swap3A_604] {strides = array<i32>} : memref<8192xf32, #tpu.memory_space<vmem>>, vector<16xf32>,
                tpu.vector_store %arg11[%swap3A_604], %broadcast_in_dim3A_1 {strides = array<i32>} : memref<8192xf32, #tpu.memory_space<vmem>>, vector<16xf32>,
                %mul3A_606 = arith.constant 128 : i32
                %mul3A_607 = arith.muli %while3A_580, %mul3A_606 : i32
                %add3A_608 = arith.constant 64 : i32
                %add3A_609 = arith.addi %mul3A_607, %add3A_608 : i32
                %swap3A_610 = arith.index_cast %add3A_609 : i32 to index
                %swap3A_611 = tpu.vector_load %arg11[%swap3A_610] {strides = array<i32>} : memref<8192xf32, #tpu.memory_space<vmem>>, vector<16xf32>,
                tpu.vector_store %arg11[%swap3A_610], %broadcast_in_dim3A_1 {strides = array<i32>} : memref<8192xf32, #tpu.memory_space<vmem>>, vector<16xf32>,
                %mul3A_612 = arith.constant 128 : i32
                %mul3A_613 = arith.muli %while3A_580, %mul3A_612 : i32
                %add3A_614 = arith.constant 80 : i32
                %add3A_615 = arith.addi %mul3A_613, %add3A_614 : i32
                %swap3A_616 = arith.index_cast %add3A_615 : i32 to index
                %swap3A_617 = tpu.vector_load %arg11[%swap3A_616] {strides = array<i32>} : memref<8192xf32, #tpu.memory_space<vmem>>, vector<16xf32>,
                tpu.vector_store %arg11[%swap3A_616], %broadcast_in_dim3A_1 {strides = array<i32>} : memref<8192xf32, #tpu.memory_space<vmem>>, vector<16xf32>,
                %mul3A_618 = arith.constant 128 : i32
                %mul3A_619 = arith.muli %while3A_580, %mul3A_618 : i32
                %add3A_620 = arith.constant 96 : i32
                %add3A_621 = arith.addi %mul3A_619, %add3A_620 : i32
                %swap3A_622 = arith.index_cast %add3A_621 : i32 to index
                %swap3A_623 = tpu.vector_load %arg11[%swap3A_622] {strides = array<i32>} : memref<8192xf32, #tpu.memory_space<vmem>>, vector<16xf32>,
                tpu.vector_store %arg11[%swap3A_622], %broadcast_in_dim3A_1 {strides = array<i32>} : memref<8192xf32, #tpu.memory_space<vmem>>, vector<16xf32>,
                %mul3A_624 = arith.constant 128 : i32
                %mul3A_625 = arith.muli %while3A_580, %mul3A_624 : i32
                %add3A_626 = arith.constant 112 : i32
                %add3A_627 = arith.addi %mul3A_625, %add3A_626 : i32
                %swap3A_628 = arith.index_cast %add3A_627 : i32 to index
                %swap3A_629 = tpu.vector_load %arg11[%swap3A_628] {strides = array<i32>} : memref<8192xf32, #tpu.memory_space<vmem>>, vector<16xf32>,
                tpu.vector_store %arg11[%swap3A_628], %broadcast_in_dim3A_1 {strides = array<i32>} : memref<8192xf32, #tpu.memory_space<vmem>>, vector<16xf32>,
                %add3A_630 = arith.constant 1 : i32
                %add3A_631 = arith.addi %while3A_580, %add3A_630 : i32
                %eq3A_632 = arith.constant 64 : i32
                %eq3A_633 = arith.cmpi eq, %add3A_631, %eq3A_632 : i32
                %convert_element_type3A_634 = arith.extui %eq3A_633 : i1 to i32
                %cond3A_635 = arith.constant 0 : i32
                %cond3A_636 = arith.cmpi ne, %convert_element_type3A_634, %cond3A_635 : i32
                %cond3A_637:2 = scf.if %cond3A_636 -> (i32, i32) {
                  %mul3A_638 = arith.constant 128 : i32
                  %mul3A_639 = arith.muli %while3A_581, %mul3A_638 : i32
                  %multiple_of3A_640 = tpu.assume_multiple %mul3A_639, 8 : i32
                  "tpu.region"() ({
                    %run_scoped3A = tpu.sem_alloc : memref<!tpu.dma_semaphore, #tpu.memory_space<semaphore_mem>>
                    %dma_start3A_644 = tpu.memref_slice %arg4[%multiple_of3A_640] : memref<1280000xf32, #tpu.memory_space<hbm>> -> memref<8192xf32, #tpu.memory_space<hbm>>
                    %dma_start3A_645 = tpu.memref_slice %arg4[%multiple_of3A_640] : memref<1280000xf32, #tpu.memory_space<hbm>> -> memref<8192xf32, #tpu.memory_space<hbm>>
                    tpu.enqueue_dma source(%arg11 : memref<8192xf32, #tpu.memory_space<vmem>>) target(%dma_start3A_645 : memref<8192xf32, #tpu.memory_space<hbm>>) target_semaphore(%run_scoped3A : memref<!tpu.dma_semaphore, #tpu.memory_space<semaphore_mem>>)
                    %dma_wait3A_646 = tpu.memref_slice %arg4[%multiple_of3A_640] : memref<1280000xf32, #tpu.memory_space<hbm>> -> memref<8192xf32, #tpu.memory_space<hbm>>
                    %dma_wait3A_647 = tpu.memref_slice %arg4[%multiple_of3A_640] : memref<1280000xf32, #tpu.memory_space<hbm>> -> memref<8192xf32, #tpu.memory_space<hbm>>
                    tpu.wait_dma2 semaphore(%run_scoped3A : memref<!tpu.dma_semaphore, #tpu.memory_space<semaphore_mem>>) src(%arg11 : memref<8192xf32, #tpu.memory_space<vmem>>) dst(%dma_wait3A_647 : memref<8192xf32, #tpu.memory_space<hbm>>)
                    tpu.yield
                  }) : () -> ()
                  %add3A_641 = arith.constant 64 : i32
                  %add3A_642 = arith.addi %while3A_581, %add3A_641 : i32
                  %cond3A_643 = arith.constant 0 : i32
                  scf.yield %cond3A_643, %add3A_642 : i32, i32
                } else {
                  scf.yield %add3A_631, %while3A_581 : i32, i32
                }
                scf.yield %cond3A_637#0, %cond3A_637#1 : i32, i32
              }
              %mul3A_525 = arith.constant 128 : i32
              %mul3A_526 = arith.muli %while3A_524#0, %mul3A_525 : i32
              %add3A_527 = arith.constant 0 : i32
              %add3A_528 = arith.addi %mul3A_526, %add3A_527 : i32
              %swap3A = arith.index_cast %add3A_528 : i32 to index
              %swap3A_529 = tpu.vector_load %arg11[%swap3A] {strides = array<i32>} : memref<8192xf32, #tpu.memory_space<vmem>>, vector<16xf32>,
              tpu.vector_store %arg11[%swap3A], %while3A_475 {strides = array<i32>} : memref<8192xf32, #tpu.memory_space<vmem>>, vector<16xf32>,
              %mul3A_530 = arith.constant 128 : i32
              %mul3A_531 = arith.muli %while3A_524#0, %mul3A_530 : i32
              %add3A_532 = arith.constant 16 : i32
              %add3A_533 = arith.addi %mul3A_531, %add3A_532 : i32
              %swap3A_534 = arith.index_cast %add3A_533 : i32 to index
              %swap3A_535 = tpu.vector_load %arg11[%swap3A_534] {strides = array<i32>} : memref<8192xf32, #tpu.memory_space<vmem>>, vector<16xf32>,
              tpu.vector_store %arg11[%swap3A_534], %while3A_476 {strides = array<i32>} : memref<8192xf32, #tpu.memory_space<vmem>>, vector<16xf32>,
              %mul3A_536 = arith.constant 128 : i32
              %mul3A_537 = arith.muli %while3A_524#0, %mul3A_536 : i32
              %add3A_538 = arith.constant 32 : i32
              %add3A_539 = arith.addi %mul3A_537, %add3A_538 : i32
              %swap3A_540 = arith.index_cast %add3A_539 : i32 to index
              %swap3A_541 = tpu.vector_load %arg11[%swap3A_540] {strides = array<i32>} : memref<8192xf32, #tpu.memory_space<vmem>>, vector<16xf32>,
              tpu.vector_store %arg11[%swap3A_540], %while3A_477 {strides = array<i32>} : memref<8192xf32, #tpu.memory_space<vmem>>, vector<16xf32>,
              %mul3A_542 = arith.constant 128 : i32
              %mul3A_543 = arith.muli %while3A_524#0, %mul3A_542 : i32
              %add3A_544 = arith.constant 48 : i32
              %add3A_545 = arith.addi %mul3A_543, %add3A_544 : i32
              %swap3A_546 = arith.index_cast %add3A_545 : i32 to index
              %swap3A_547 = tpu.vector_load %arg11[%swap3A_546] {strides = array<i32>} : memref<8192xf32, #tpu.memory_space<vmem>>, vector<16xf32>,
              tpu.vector_store %arg11[%swap3A_546], %while3A_478 {strides = array<i32>} : memref<8192xf32, #tpu.memory_space<vmem>>, vector<16xf32>,
              %mul3A_548 = arith.constant 128 : i32
              %mul3A_549 = arith.muli %while3A_524#0, %mul3A_548 : i32
              %add3A_550 = arith.constant 64 : i32
              %add3A_551 = arith.addi %mul3A_549, %add3A_550 : i32
              %swap3A_552 = arith.index_cast %add3A_551 : i32 to index
              %swap3A_553 = tpu.vector_load %arg11[%swap3A_552] {strides = array<i32>} : memref<8192xf32, #tpu.memory_space<vmem>>, vector<16xf32>,
              tpu.vector_store %arg11[%swap3A_552], %while3A_479 {strides = array<i32>} : memref<8192xf32, #tpu.memory_space<vmem>>, vector<16xf32>,
              %mul3A_554 = arith.constant 128 : i32
              %mul3A_555 = arith.muli %while3A_524#0, %mul3A_554 : i32
              %add3A_556 = arith.constant 80 : i32
              %add3A_557 = arith.addi %mul3A_555, %add3A_556 : i32
              %swap3A_558 = arith.index_cast %add3A_557 : i32 to index
              %swap3A_559 = tpu.vector_load %arg11[%swap3A_558] {strides = array<i32>} : memref<8192xf32, #tpu.memory_space<vmem>>, vector<16xf32>,
              tpu.vector_store %arg11[%swap3A_558], %while3A_480 {strides = array<i32>} : memref<8192xf32, #tpu.memory_space<vmem>>, vector<16xf32>,
              %mul3A_560 = arith.constant 128 : i32
              %mul3A_561 = arith.muli %while3A_524#0, %mul3A_560 : i32
              %add3A_562 = arith.constant 96 : i32
              %add3A_563 = arith.addi %mul3A_561, %add3A_562 : i32
              %swap3A_564 = arith.index_cast %add3A_563 : i32 to index
              %swap3A_565 = tpu.vector_load %arg11[%swap3A_564] {strides = array<i32>} : memref<8192xf32, #tpu.memory_space<vmem>>, vector<16xf32>,
              tpu.vector_store %arg11[%swap3A_564], %while3A_481 {strides = array<i32>} : memref<8192xf32, #tpu.memory_space<vmem>>, vector<16xf32>,
              %mul3A_566 = arith.constant 128 : i32
              %mul3A_567 = arith.muli %while3A_524#0, %mul3A_566 : i32
              %add3A_568 = arith.constant 112 : i32
              %add3A_569 = arith.addi %mul3A_567, %add3A_568 : i32
              %swap3A_570 = arith.index_cast %add3A_569 : i32 to index
              %swap3A_571 = tpu.vector_load %arg11[%swap3A_570] {strides = array<i32>} : memref<8192xf32, #tpu.memory_space<vmem>>, vector<16xf32>,
              tpu.vector_store %arg11[%swap3A_570], %while3A_482 {strides = array<i32>} : memref<8192xf32, #tpu.memory_space<vmem>>, vector<16xf32>,
              %add3A_572 = arith.constant 1 : i32
              %add3A_573 = arith.addi %while3A_524#0, %add3A_572 : i32
              %eq3A_574 = arith.constant 64 : i32
              %eq3A_575 = arith.cmpi eq, %add3A_573, %eq3A_574 : i32
              %convert_element_type3A_576 = arith.extui %eq3A_575 : i1 to i32
              %cond3A_577 = arith.constant 0 : i32
              %cond3A_578 = arith.cmpi ne, %convert_element_type3A_576, %cond3A_577 : i32
              %cond3A_579:2 = scf.if %cond3A_578 -> (i32, i32) {
                %mul3A_580 = arith.constant 128 : i32
                %mul3A_581 = arith.muli %while3A_524#1, %mul3A_580 : i32
                %multiple_of3A_582 = tpu.assume_multiple %mul3A_581, 8 : i32
                "tpu.region"() ({
                  %run_scoped3A = tpu.sem_alloc : memref<!tpu.dma_semaphore, #tpu.memory_space<semaphore_mem>>
                  %dma_start3A_586 = tpu.memref_slice %arg4[%multiple_of3A_582] : memref<1280000xf32, #tpu.memory_space<hbm>> -> memref<8192xf32, #tpu.memory_space<hbm>>
                  %dma_start3A_587 = tpu.memref_slice %arg4[%multiple_of3A_582] : memref<1280000xf32, #tpu.memory_space<hbm>> -> memref<8192xf32, #tpu.memory_space<hbm>>
                  tpu.enqueue_dma source(%arg11 : memref<8192xf32, #tpu.memory_space<vmem>>) target(%dma_start3A_587 : memref<8192xf32, #tpu.memory_space<hbm>>) target_semaphore(%run_scoped3A : memref<!tpu.dma_semaphore, #tpu.memory_space<semaphore_mem>>)
                  %dma_wait3A_588 = tpu.memref_slice %arg4[%multiple_of3A_582] : memref<1280000xf32, #tpu.memory_space<hbm>> -> memref<8192xf32, #tpu.memory_space<hbm>>
                  %dma_wait3A_589 = tpu.memref_slice %arg4[%multiple_of3A_582] : memref<1280000xf32, #tpu.memory_space<hbm>> -> memref<8192xf32, #tpu.memory_space<hbm>>
                  tpu.wait_dma2 semaphore(%run_scoped3A : memref<!tpu.dma_semaphore, #tpu.memory_space<semaphore_mem>>) src(%arg11 : memref<8192xf32, #tpu.memory_space<vmem>>) dst(%dma_wait3A_589 : memref<8192xf32, #tpu.memory_space<hbm>>)
                  tpu.yield
                }) : () -> ()
                %add3A_583 = arith.constant 64 : i32
                %add3A_584 = arith.addi %while3A_524#1, %add3A_583 : i32
                %cond3A_585 = arith.constant 0 : i32
                scf.yield %cond3A_585, %add3A_584 : i32, i32
              } else {
                scf.yield %add3A_573, %while3A_524#1 : i32, i32
              }
              scf.yield %cond3A_579#0, %cond3A_579#1 : i32, i32
            } else {
              scf.yield %while3A_484, %while3A_485 : i32, i32
            }
            scf.yield %while3A_512#0, %while3A_512#1, %while3A_512#2, %while3A_512#3, %while3A_512#4, %while3A_512#5, %while3A_512#6, %while3A_512#7, %cond3A_523#0, %cond3A_523#1 : vector<16xf32>, vector<16xf32>, vector<16xf32>, vector<16xf32>, vector<16xf32>, vector<16xf32>, vector<16xf32>, vector<16xf32>, i32, i32
          }
          scf.yield %cond3A_517#0, %cond3A_517#1, %cond3A_517#2, %cond3A_517#3, %cond3A_517#4, %cond3A_517#5, %cond3A_517#6, %cond3A_517#7, %squeeze3A_502, %cond3A_517#8, %cond3A_517#9 : vector<16xf32>, vector<16xf32>, vector<16xf32>, vector<16xf32>, vector<16xf32>, vector<16xf32>, vector<16xf32>, vector<16xf32>, i32, i32, i32
        } else {
          scf.yield %while3A_475, %while3A_476, %while3A_477, %while3A_478, %while3A_479, %while3A_480, %while3A_481, %while3A_482, %while3A_483, %while3A_484, %while3A_485 : vector<16xf32>, vector<16xf32>, vector<16xf32>, vector<16xf32>, vector<16xf32>, vector<16xf32>, vector<16xf32>, vector<16xf32>, i32, i32, i32
        }
        scf.yield %cond3A_498#0, %cond3A_498#1, %cond3A_498#2, %cond3A_498#3, %cond3A_498#4, %cond3A_498#5, %cond3A_498#6, %cond3A_498#7, %cond3A_498#8, %cond3A_498#9, %cond3A_498#10, %select_n3A_492 : vector<16xf32>, vector<16xf32>, vector<16xf32>, vector<16xf32>, vector<16xf32>, vector<16xf32>, vector<16xf32>, vector<16xf32>, i32, i32, i32, i32
      }
      scf.yield %while3A_473#0, %while3A_473#1, %while3A_473#2, %while3A_473#3, %while3A_473#4, %while3A_473#5, %while3A_473#6, %while3A_473#7, %while3A_473#8, %while3A_473#9, %while3A_473#10 : vector<16xf32>, vector<16xf32>, vector<16xf32>, vector<16xf32>, vector<16xf32>, vector<16xf32>, vector<16xf32>, vector<16xf32>, i32, i32, i32
    }
    %mul3A_292 = arith.constant 2 : i32
    %mul3A_293 = arith.muli %mul3A_292, %select_n3A_262 : i32
    %mul3A_294 = arith.constant 256 : i32
    %mul3A_295 = arith.muli %mul3A_293, %mul3A_294 : i32
    %add3A_296 = arith.addi %mul3A_207, %mul3A_295 : i32
    %min3A_297 = arith.constant 319744 : i32
    %min3A_298 = arith.minsi %add3A_296, %min3A_297 : i32
    %multiple_of3A_299 = tpu.assume_multiple %min3A_298, 8 : i32
    %dma_wait3A = arith.constant 0 : i32
    %dma_wait3A_300 = tpu.memref_slice %arg2[%multiple_of3A_299, %dma_wait3A] : memref<320000x128xf32, #tpu.memory_space<hbm>> -> memref<256x128xf32, #tpu.memory_space<hbm>>
    %dma_wait3A_301 = arith.constant 0 : i32
    %dma_wait3A_302 = tpu.memref_slice %arg2[%multiple_of3A_299, %dma_wait3A_301] : memref<320000x128xf32, #tpu.memory_space<hbm>> -> memref<256x128xf32, #tpu.memory_space<hbm>>
    tpu.wait_dma2 semaphore(%arg13 : memref<!tpu.dma_semaphore, #tpu.memory_space<semaphore_mem>>) src(%dma_wait3A_302 : memref<256x128xf32, #tpu.memory_space<hbm>>) dst(%arg5 : memref<256x128xf32, #tpu.memory_space<vmem>>)
    %dma_wait3A_303 = arith.constant 0 : i32
    %dma_wait3A_304 = tpu.memref_slice %arg6[%dma_wait3A_303] : memref<272xi32, #tpu.memory_space<vmem>> -> memref<256xi32, #tpu.memory_space<vmem>>
    %dma_wait3A_305 = tpu.memref_slice %arg3[%multiple_of3A_299] : memref<320000xi32, #tpu.memory_space<hbm>> -> memref<256xi32, #tpu.memory_space<hbm>>
    %dma_wait3A_306 = arith.constant 0 : i32
    %dma_wait3A_307 = tpu.memref_slice %arg6[%dma_wait3A_306] : memref<272xi32, #tpu.memory_space<vmem>> -> memref<256xi32, #tpu.memory_space<vmem>>
    %dma_wait3A_308 = tpu.memref_slice %arg3[%multiple_of3A_299] : memref<320000xi32, #tpu.memory_space<hbm>> -> memref<256xi32, #tpu.memory_space<hbm>>
    tpu.wait_dma2 semaphore(%arg14 : memref<!tpu.dma_semaphore, #tpu.memory_space<semaphore_mem>>) src(%dma_wait3A_308 : memref<256xi32, #tpu.memory_space<hbm>>) dst(%dma_wait3A_307 : memref<256xi32, #tpu.memory_space<vmem>>)
    %ge3A_309 = arith.constant 0 : i32
    %ge3A_310 = arith.cmpi sge, %while3A_291#8, %ge3A_309 : i32
    %convert_element_type3A = arith.extui %ge3A_310 : i1 to i32
    %cond3A = arith.constant 0 : i32
    %cond3A_311 = arith.cmpi ne, %convert_element_type3A, %cond3A : i32
    %cond3A_312:2 = scf.if %cond3A_311 -> (i32, i32) {
      %while3A_317:2 = scf.while (%while3A_373 = %while3A_291#9, %while3A_374 = %while3A_291#10) : (i32, i32) -> (i32, i32) {
        %add3A_375 = arith.addi %while3A_373, %while3A_374 : i32
        %lt3A_376 = arith.cmpi slt, %add3A_375, %while3A_291#8 : i32
        scf.condition(%lt3A_376) %while3A_373, %while3A_374 : i32, i32
      } do {
      ^bb0(%while3A_373: i32, %while3A_374: i32):
        %mul3A_375 = arith.constant 128 : i32
        %mul3A_376 = arith.muli %while3A_373, %mul3A_375 : i32
        %add3A_377 = arith.constant 0 : i32
        %add3A_378 = arith.addi %mul3A_376, %add3A_377 : i32
        %swap3A_379 = arith.index_cast %add3A_378 : i32 to index
        %swap3A_380 = tpu.vector_load %arg11[%swap3A_379] {strides = array<i32>} : memref<8192xf32, #tpu.memory_space<vmem>>, vector<16xf32>,
        tpu.vector_store %arg11[%swap3A_379], %broadcast_in_dim3A_1 {strides = array<i32>} : memref<8192xf32, #tpu.memory_space<vmem>>, vector<16xf32>,
        %mul3A_381 = arith.constant 128 : i32
        %mul3A_382 = arith.muli %while3A_373, %mul3A_381 : i32
        %add3A_383 = arith.constant 16 : i32
        %add3A_384 = arith.addi %mul3A_382, %add3A_383 : i32
        %swap3A_385 = arith.index_cast %add3A_384 : i32 to index
        %swap3A_386 = tpu.vector_load %arg11[%swap3A_385] {strides = array<i32>} : memref<8192xf32, #tpu.memory_space<vmem>>, vector<16xf32>,
        tpu.vector_store %arg11[%swap3A_385], %broadcast_in_dim3A_1 {strides = array<i32>} : memref<8192xf32, #tpu.memory_space<vmem>>, vector<16xf32>,
        %mul3A_387 = arith.constant 128 : i32
        %mul3A_388 = arith.muli %while3A_373, %mul3A_387 : i32
        %add3A_389 = arith.constant 32 : i32
        %add3A_390 = arith.addi %mul3A_388, %add3A_389 : i32
        %swap3A_391 = arith.index_cast %add3A_390 : i32 to index
        %swap3A_392 = tpu.vector_load %arg11[%swap3A_391] {strides = array<i32>} : memref<8192xf32, #tpu.memory_space<vmem>>, vector<16xf32>,
        tpu.vector_store %arg11[%swap3A_391], %broadcast_in_dim3A_1 {strides = array<i32>} : memref<8192xf32, #tpu.memory_space<vmem>>, vector<16xf32>,
        %mul3A_393 = arith.constant 128 : i32
        %mul3A_394 = arith.muli %while3A_373, %mul3A_393 : i32
        %add3A_395 = arith.constant 48 : i32
        %add3A_396 = arith.addi %mul3A_394, %add3A_395 : i32
        %swap3A_397 = arith.index_cast %add3A_396 : i32 to index
        %swap3A_398 = tpu.vector_load %arg11[%swap3A_397] {strides = array<i32>} : memref<8192xf32, #tpu.memory_space<vmem>>, vector<16xf32>,
        tpu.vector_store %arg11[%swap3A_397], %broadcast_in_dim3A_1 {strides = array<i32>} : memref<8192xf32, #tpu.memory_space<vmem>>, vector<16xf32>,
        %mul3A_399 = arith.constant 128 : i32
        %mul3A_400 = arith.muli %while3A_373, %mul3A_399 : i32
        %add3A_401 = arith.constant 64 : i32
        %add3A_402 = arith.addi %mul3A_400, %add3A_401 : i32
        %swap3A_403 = arith.index_cast %add3A_402 : i32 to index
        %swap3A_404 = tpu.vector_load %arg11[%swap3A_403] {strides = array<i32>} : memref<8192xf32, #tpu.memory_space<vmem>>, vector<16xf32>,
        tpu.vector_store %arg11[%swap3A_403], %broadcast_in_dim3A_1 {strides = array<i32>} : memref<8192xf32, #tpu.memory_space<vmem>>, vector<16xf32>,
        %mul3A_405 = arith.constant 128 : i32
        %mul3A_406 = arith.muli %while3A_373, %mul3A_405 : i32
        %add3A_407 = arith.constant 80 : i32
        %add3A_408 = arith.addi %mul3A_406, %add3A_407 : i32
        %swap3A_409 = arith.index_cast %add3A_408 : i32 to index
        %swap3A_410 = tpu.vector_load %arg11[%swap3A_409] {strides = array<i32>} : memref<8192xf32, #tpu.memory_space<vmem>>, vector<16xf32>,
        tpu.vector_store %arg11[%swap3A_409], %broadcast_in_dim3A_1 {strides = array<i32>} : memref<8192xf32, #tpu.memory_space<vmem>>, vector<16xf32>,
        %mul3A_411 = arith.constant 128 : i32
        %mul3A_412 = arith.muli %while3A_373, %mul3A_411 : i32
        %add3A_413 = arith.constant 96 : i32
        %add3A_414 = arith.addi %mul3A_412, %add3A_413 : i32
        %swap3A_415 = arith.index_cast %add3A_414 : i32 to index
        %swap3A_416 = tpu.vector_load %arg11[%swap3A_415] {strides = array<i32>} : memref<8192xf32, #tpu.memory_space<vmem>>, vector<16xf32>,
        tpu.vector_store %arg11[%swap3A_415], %broadcast_in_dim3A_1 {strides = array<i32>} : memref<8192xf32, #tpu.memory_space<vmem>>, vector<16xf32>,
        %mul3A_417 = arith.constant 128 : i32
        %mul3A_418 = arith.muli %while3A_373, %mul3A_417 : i32
        %add3A_419 = arith.constant 112 : i32
        %add3A_420 = arith.addi %mul3A_418, %add3A_419 : i32
        %swap3A_421 = arith.index_cast %add3A_420 : i32 to index
        %swap3A_422 = tpu.vector_load %arg11[%swap3A_421] {strides = array<i32>} : memref<8192xf32, #tpu.memory_space<vmem>>, vector<16xf32>,
        tpu.vector_store %arg11[%swap3A_421], %broadcast_in_dim3A_1 {strides = array<i32>} : memref<8192xf32, #tpu.memory_space<vmem>>, vector<16xf32>,
        %add3A_423 = arith.constant 1 : i32
        %add3A_424 = arith.addi %while3A_373, %add3A_423 : i32
        %eq3A_425 = arith.constant 64 : i32
        %eq3A_426 = arith.cmpi eq, %add3A_424, %eq3A_425 : i32
        %convert_element_type3A_427 = arith.extui %eq3A_426 : i1 to i32
        %cond3A_428 = arith.constant 0 : i32
        %cond3A_429 = arith.cmpi ne, %convert_element_type3A_427, %cond3A_428 : i32
        %cond3A_430:2 = scf.if %cond3A_429 -> (i32, i32) {
          %mul3A_431 = arith.constant 128 : i32
          %mul3A_432 = arith.muli %while3A_374, %mul3A_431 : i32
          %multiple_of3A_433 = tpu.assume_multiple %mul3A_432, 8 : i32
          "tpu.region"() ({
            %run_scoped3A = tpu.sem_alloc : memref<!tpu.dma_semaphore, #tpu.memory_space<semaphore_mem>>
            %dma_start3A_437 = tpu.memref_slice %arg4[%multiple_of3A_433] : memref<1280000xf32, #tpu.memory_space<hbm>> -> memref<8192xf32, #tpu.memory_space<hbm>>
            %dma_start3A_438 = tpu.memref_slice %arg4[%multiple_of3A_433] : memref<1280000xf32, #tpu.memory_space<hbm>> -> memref<8192xf32, #tpu.memory_space<hbm>>
            tpu.enqueue_dma source(%arg11 : memref<8192xf32, #tpu.memory_space<vmem>>) target(%dma_start3A_438 : memref<8192xf32, #tpu.memory_space<hbm>>) target_semaphore(%run_scoped3A : memref<!tpu.dma_semaphore, #tpu.memory_space<semaphore_mem>>)
            %dma_wait3A_439 = tpu.memref_slice %arg4[%multiple_of3A_433] : memref<1280000xf32, #tpu.memory_space<hbm>> -> memref<8192xf32, #tpu.memory_space<hbm>>
            %dma_wait3A_440 = tpu.memref_slice %arg4[%multiple_of3A_433] : memref<1280000xf32, #tpu.memory_space<hbm>> -> memref<8192xf32, #tpu.memory_space<hbm>>
            tpu.wait_dma2 semaphore(%run_scoped3A : memref<!tpu.dma_semaphore, #tpu.memory_space<semaphore_mem>>) src(%arg11 : memref<8192xf32, #tpu.memory_space<vmem>>) dst(%dma_wait3A_440 : memref<8192xf32, #tpu.memory_space<hbm>>)
            tpu.yield
          }) : () -> ()
          %add3A_434 = arith.constant 64 : i32
          %add3A_435 = arith.addi %while3A_374, %add3A_434 : i32
          %cond3A_436 = arith.constant 0 : i32
          scf.yield %cond3A_436, %add3A_435 : i32, i32
        } else {
          scf.yield %add3A_424, %while3A_374 : i32, i32
        }
        scf.yield %cond3A_430#0, %cond3A_430#1 : i32, i32
      }
      %mul3A_318 = arith.constant 128 : i32
      %mul3A_319 = arith.muli %while3A_317#0, %mul3A_318 : i32
      %add3A_320 = arith.constant 0 : i32
      %add3A_321 = arith.addi %mul3A_319, %add3A_320 : i32
      %swap3A = arith.index_cast %add3A_321 : i32 to index
      %swap3A_322 = tpu.vector_load %arg11[%swap3A] {strides = array<i32>} : memref<8192xf32, #tpu.memory_space<vmem>>, vector<16xf32>,
      tpu.vector_store %arg11[%swap3A], %while3A_291#0 {strides = array<i32>} : memref<8192xf32, #tpu.memory_space<vmem>>, vector<16xf32>,
      %mul3A_323 = arith.constant 128 : i32
      %mul3A_324 = arith.muli %while3A_317#0, %mul3A_323 : i32
      %add3A_325 = arith.constant 16 : i32
      %add3A_326 = arith.addi %mul3A_324, %add3A_325 : i32
      %swap3A_327 = arith.index_cast %add3A_326 : i32 to index
      %swap3A_328 = tpu.vector_load %arg11[%swap3A_327] {strides = array<i32>} : memref<8192xf32, #tpu.memory_space<vmem>>, vector<16xf32>,
      tpu.vector_store %arg11[%swap3A_327], %while3A_291#1 {strides = array<i32>} : memref<8192xf32, #tpu.memory_space<vmem>>, vector<16xf32>,
      %mul3A_329 = arith.constant 128 : i32
      %mul3A_330 = arith.muli %while3A_317#0, %mul3A_329 : i32
      %add3A_331 = arith.constant 32 : i32
      %add3A_332 = arith.addi %mul3A_330, %add3A_331 : i32
      %swap3A_333 = arith.index_cast %add3A_332 : i32 to index
      %swap3A_334 = tpu.vector_load %arg11[%swap3A_333] {strides = array<i32>} : memref<8192xf32, #tpu.memory_space<vmem>>, vector<16xf32>,
      tpu.vector_store %arg11[%swap3A_333], %while3A_291#2 {strides = array<i32>} : memref<8192xf32, #tpu.memory_space<vmem>>, vector<16xf32>,
      %mul3A_335 = arith.constant 128 : i32
      %mul3A_336 = arith.muli %while3A_317#0, %mul3A_335 : i32
      %add3A_337 = arith.constant 48 : i32
      %add3A_338 = arith.addi %mul3A_336, %add3A_337 : i32
      %swap3A_339 = arith.index_cast %add3A_338 : i32 to index
      %swap3A_340 = tpu.vector_load %arg11[%swap3A_339] {strides = array<i32>} : memref<8192xf32, #tpu.memory_space<vmem>>, vector<16xf32>,
      tpu.vector_store %arg11[%swap3A_339], %while3A_291#3 {strides = array<i32>} : memref<8192xf32, #tpu.memory_space<vmem>>, vector<16xf32>,
      %mul3A_341 = arith.constant 128 : i32
      %mul3A_342 = arith.muli %while3A_317#0, %mul3A_341 : i32
      %add3A_343 = arith.constant 64 : i32
      %add3A_344 = arith.addi %mul3A_342, %add3A_343 : i32
      %swap3A_345 = arith.index_cast %add3A_344 : i32 to index
      %swap3A_346 = tpu.vector_load %arg11[%swap3A_345] {strides = array<i32>} : memref<8192xf32, #tpu.memory_space<vmem>>, vector<16xf32>,
      tpu.vector_store %arg11[%swap3A_345], %while3A_291#4 {strides = array<i32>} : memref<8192xf32, #tpu.memory_space<vmem>>, vector<16xf32>,
      %mul3A_347 = arith.constant 128 : i32
      %mul3A_348 = arith.muli %while3A_317#0, %mul3A_347 : i32
      %add3A_349 = arith.constant 80 : i32
      %add3A_350 = arith.addi %mul3A_348, %add3A_349 : i32
      %swap3A_351 = arith.index_cast %add3A_350 : i32 to index
      %swap3A_352 = tpu.vector_load %arg11[%swap3A_351] {strides = array<i32>} : memref<8192xf32, #tpu.memory_space<vmem>>, vector<16xf32>,
      tpu.vector_store %arg11[%swap3A_351], %while3A_291#5 {strides = array<i32>} : memref<8192xf32, #tpu.memory_space<vmem>>, vector<16xf32>,
      %mul3A_353 = arith.constant 128 : i32
      %mul3A_354 = arith.muli %while3A_317#0, %mul3A_353 : i32
      %add3A_355 = arith.constant 96 : i32
      %add3A_356 = arith.addi %mul3A_354, %add3A_355 : i32
      %swap3A_357 = arith.index_cast %add3A_356 : i32 to index
      %swap3A_358 = tpu.vector_load %arg11[%swap3A_357] {strides = array<i32>} : memref<8192xf32, #tpu.memory_space<vmem>>, vector<16xf32>,
      tpu.vector_store %arg11[%swap3A_357], %while3A_291#6 {strides = array<i32>} : memref<8192xf32, #tpu.memory_space<vmem>>, vector<16xf32>,
      %mul3A_359 = arith.constant 128 : i32
      %mul3A_360 = arith.muli %while3A_317#0, %mul3A_359 : i32
      %add3A_361 = arith.constant 112 : i32
      %add3A_362 = arith.addi %mul3A_360, %add3A_361 : i32
      %swap3A_363 = arith.index_cast %add3A_362 : i32 to index
      %swap3A_364 = tpu.vector_load %arg11[%swap3A_363] {strides = array<i32>} : memref<8192xf32, #tpu.memory_space<vmem>>, vector<16xf32>,
      tpu.vector_store %arg11[%swap3A_363], %while3A_291#7 {strides = array<i32>} : memref<8192xf32, #tpu.memory_space<vmem>>, vector<16xf32>,
      %add3A_365 = arith.constant 1 : i32
      %add3A_366 = arith.addi %while3A_317#0, %add3A_365 : i32
      %eq3A_367 = arith.constant 64 : i32
      %eq3A_368 = arith.cmpi eq, %add3A_366, %eq3A_367 : i32
      %convert_element_type3A_369 = arith.extui %eq3A_368 : i1 to i32
      %cond3A_370 = arith.constant 0 : i32
      %cond3A_371 = arith.cmpi ne, %convert_element_type3A_369, %cond3A_370 : i32
      %cond3A_372:2 = scf.if %cond3A_371 -> (i32, i32) {
        %mul3A_373 = arith.constant 128 : i32
        %mul3A_374 = arith.muli %while3A_317#1, %mul3A_373 : i32
        %multiple_of3A_375 = tpu.assume_multiple %mul3A_374, 8 : i32
        "tpu.region"() ({
          %run_scoped3A = tpu.sem_alloc : memref<!tpu.dma_semaphore, #tpu.memory_space<semaphore_mem>>
          %dma_start3A_379 = tpu.memref_slice %arg4[%multiple_of3A_375] : memref<1280000xf32, #tpu.memory_space<hbm>> -> memref<8192xf32, #tpu.memory_space<hbm>>
          %dma_start3A_380 = tpu.memref_slice %arg4[%multiple_of3A_375] : memref<1280000xf32, #tpu.memory_space<hbm>> -> memref<8192xf32, #tpu.memory_space<hbm>>
          tpu.enqueue_dma source(%arg11 : memref<8192xf32, #tpu.memory_space<vmem>>) target(%dma_start3A_380 : memref<8192xf32, #tpu.memory_space<hbm>>) target_semaphore(%run_scoped3A : memref<!tpu.dma_semaphore, #tpu.memory_space<semaphore_mem>>)
          %dma_wait3A_381 = tpu.memref_slice %arg4[%multiple_of3A_375] : memref<1280000xf32, #tpu.memory_space<hbm>> -> memref<8192xf32, #tpu.memory_space<hbm>>
          %dma_wait3A_382 = tpu.memref_slice %arg4[%multiple_of3A_375] : memref<1280000xf32, #tpu.memory_space<hbm>> -> memref<8192xf32, #tpu.memory_space<hbm>>
          tpu.wait_dma2 semaphore(%run_scoped3A : memref<!tpu.dma_semaphore, #tpu.memory_space<semaphore_mem>>) src(%arg11 : memref<8192xf32, #tpu.memory_space<vmem>>) dst(%dma_wait3A_382 : memref<8192xf32, #tpu.memory_space<hbm>>)
          tpu.yield
        }) : () -> ()
        %add3A_376 = arith.constant 64 : i32
        %add3A_377 = arith.addi %while3A_317#1, %add3A_376 : i32
        %cond3A_378 = arith.constant 0 : i32
        scf.yield %cond3A_378, %add3A_377 : i32, i32
      } else {
        scf.yield %add3A_366, %while3A_317#1 : i32, i32
      }
      scf.yield %cond3A_372#0, %cond3A_372#1 : i32, i32
    } else {
      scf.yield %while3A_291#9, %while3A_291#10 : i32, i32
    }
    %while3A_313:2 = scf.while (%while3A_317 = %cond3A_312#0, %while3A_318 = %cond3A_312#1) : (i32, i32) -> (i32, i32) {
      %add3A_319 = arith.addi %while3A_317, %while3A_318 : i32
      %lt3A_320 = arith.cmpi slt, %add3A_319, %select_n3A_181 : i32
      scf.condition(%lt3A_320) %while3A_317, %while3A_318 : i32, i32
    } do {
    ^bb0(%while3A_317: i32, %while3A_318: i32):
      %mul3A_319 = arith.constant 128 : i32
      %mul3A_320 = arith.muli %while3A_317, %mul3A_319 : i32
      %add3A_321 = arith.constant 0 : i32
      %add3A_322 = arith.addi %mul3A_320, %add3A_321 : i32
      %swap3A = arith.index_cast %add3A_322 : i32 to index
      %swap3A_323 = tpu.vector_load %arg11[%swap3A] {strides = array<i32>} : memref<8192xf32, #tpu.memory_space<vmem>>, vector<16xf32>,
      tpu.vector_store %arg11[%swap3A], %broadcast_in_dim3A_1 {strides = array<i32>} : memref<8192xf32, #tpu.memory_space<vmem>>, vector<16xf32>,
      %mul3A_324 = arith.constant 128 : i32
      %mul3A_325 = arith.muli %while3A_317, %mul3A_324 : i32
      %add3A_326 = arith.constant 16 : i32
      %add3A_327 = arith.addi %mul3A_325, %add3A_326 : i32
      %swap3A_328 = arith.index_cast %add3A_327 : i32 to index
      %swap3A_329 = tpu.vector_load %arg11[%swap3A_328] {strides = array<i32>} : memref<8192xf32, #tpu.memory_space<vmem>>, vector<16xf32>,
      tpu.vector_store %arg11[%swap3A_328], %broadcast_in_dim3A_1 {strides = array<i32>} : memref<8192xf32, #tpu.memory_space<vmem>>, vector<16xf32>,
      %mul3A_330 = arith.constant 128 : i32
      %mul3A_331 = arith.muli %while3A_317, %mul3A_330 : i32
      %add3A_332 = arith.constant 32 : i32
      %add3A_333 = arith.addi %mul3A_331, %add3A_332 : i32
      %swap3A_334 = arith.index_cast %add3A_333 : i32 to index
      %swap3A_335 = tpu.vector_load %arg11[%swap3A_334] {strides = array<i32>} : memref<8192xf32, #tpu.memory_space<vmem>>, vector<16xf32>,
      tpu.vector_store %arg11[%swap3A_334], %broadcast_in_dim3A_1 {strides = array<i32>} : memref<8192xf32, #tpu.memory_space<vmem>>, vector<16xf32>,
      %mul3A_336 = arith.constant 128 : i32
      %mul3A_337 = arith.muli %while3A_317, %mul3A_336 : i32
      %add3A_338 = arith.constant 48 : i32
      %add3A_339 = arith.addi %mul3A_337, %add3A_338 : i32
      %swap3A_340 = arith.index_cast %add3A_339 : i32 to index
      %swap3A_341 = tpu.vector_load %arg11[%swap3A_340] {strides = array<i32>} : memref<8192xf32, #tpu.memory_space<vmem>>, vector<16xf32>,
      tpu.vector_store %arg11[%swap3A_340], %broadcast_in_dim3A_1 {strides = array<i32>} : memref<8192xf32, #tpu.memory_space<vmem>>, vector<16xf32>,
      %mul3A_342 = arith.constant 128 : i32
      %mul3A_343 = arith.muli %while3A_317, %mul3A_342 : i32
      %add3A_344 = arith.constant 64 : i32
      %add3A_345 = arith.addi %mul3A_343, %add3A_344 : i32
      %swap3A_346 = arith.index_cast %add3A_345 : i32 to index
      %swap3A_347 = tpu.vector_load %arg11[%swap3A_346] {strides = array<i32>} : memref<8192xf32, #tpu.memory_space<vmem>>, vector<16xf32>,
      tpu.vector_store %arg11[%swap3A_346], %broadcast_in_dim3A_1 {strides = array<i32>} : memref<8192xf32, #tpu.memory_space<vmem>>, vector<16xf32>,
      %mul3A_348 = arith.constant 128 : i32
      %mul3A_349 = arith.muli %while3A_317, %mul3A_348 : i32
      %add3A_350 = arith.constant 80 : i32
      %add3A_351 = arith.addi %mul3A_349, %add3A_350 : i32
      %swap3A_352 = arith.index_cast %add3A_351 : i32 to index
      %swap3A_353 = tpu.vector_load %arg11[%swap3A_352] {strides = array<i32>} : memref<8192xf32, #tpu.memory_space<vmem>>, vector<16xf32>,
      tpu.vector_store %arg11[%swap3A_352], %broadcast_in_dim3A_1 {strides = array<i32>} : memref<8192xf32, #tpu.memory_space<vmem>>, vector<16xf32>,
      %mul3A_354 = arith.constant 128 : i32
      %mul3A_355 = arith.muli %while3A_317, %mul3A_354 : i32
      %add3A_356 = arith.constant 96 : i32
      %add3A_357 = arith.addi %mul3A_355, %add3A_356 : i32
      %swap3A_358 = arith.index_cast %add3A_357 : i32 to index
      %swap3A_359 = tpu.vector_load %arg11[%swap3A_358] {strides = array<i32>} : memref<8192xf32, #tpu.memory_space<vmem>>, vector<16xf32>,
      tpu.vector_store %arg11[%swap3A_358], %broadcast_in_dim3A_1 {strides = array<i32>} : memref<8192xf32, #tpu.memory_space<vmem>>, vector<16xf32>,
      %mul3A_360 = arith.constant 128 : i32
      %mul3A_361 = arith.muli %while3A_317, %mul3A_360 : i32
      %add3A_362 = arith.constant 112 : i32
      %add3A_363 = arith.addi %mul3A_361, %add3A_362 : i32
      %swap3A_364 = arith.index_cast %add3A_363 : i32 to index
      %swap3A_365 = tpu.vector_load %arg11[%swap3A_364] {strides = array<i32>} : memref<8192xf32, #tpu.memory_space<vmem>>, vector<16xf32>,
      tpu.vector_store %arg11[%swap3A_364], %broadcast_in_dim3A_1 {strides = array<i32>} : memref<8192xf32, #tpu.memory_space<vmem>>, vector<16xf32>,
      %add3A_366 = arith.constant 1 : i32
      %add3A_367 = arith.addi %while3A_317, %add3A_366 : i32
      %eq3A_368 = arith.constant 64 : i32
      %eq3A_369 = arith.cmpi eq, %add3A_367, %eq3A_368 : i32
      %convert_element_type3A_370 = arith.extui %eq3A_369 : i1 to i32
      %cond3A_371 = arith.constant 0 : i32
      %cond3A_372 = arith.cmpi ne, %convert_element_type3A_370, %cond3A_371 : i32
      %cond3A_373:2 = scf.if %cond3A_372 -> (i32, i32) {
        %mul3A_374 = arith.constant 128 : i32
        %mul3A_375 = arith.muli %while3A_318, %mul3A_374 : i32
        %multiple_of3A_376 = tpu.assume_multiple %mul3A_375, 8 : i32
        "tpu.region"() ({
          %run_scoped3A = tpu.sem_alloc : memref<!tpu.dma_semaphore, #tpu.memory_space<semaphore_mem>>
          %dma_start3A_380 = tpu.memref_slice %arg4[%multiple_of3A_376] : memref<1280000xf32, #tpu.memory_space<hbm>> -> memref<8192xf32, #tpu.memory_space<hbm>>
          %dma_start3A_381 = tpu.memref_slice %arg4[%multiple_of3A_376] : memref<1280000xf32, #tpu.memory_space<hbm>> -> memref<8192xf32, #tpu.memory_space<hbm>>
          tpu.enqueue_dma source(%arg11 : memref<8192xf32, #tpu.memory_space<vmem>>) target(%dma_start3A_381 : memref<8192xf32, #tpu.memory_space<hbm>>) target_semaphore(%run_scoped3A : memref<!tpu.dma_semaphore, #tpu.memory_space<semaphore_mem>>)
          %dma_wait3A_382 = tpu.memref_slice %arg4[%multiple_of3A_376] : memref<1280000xf32, #tpu.memory_space<hbm>> -> memref<8192xf32, #tpu.memory_space<hbm>>
          %dma_wait3A_383 = tpu.memref_slice %arg4[%multiple_of3A_376] : memref<1280000xf32, #tpu.memory_space<hbm>> -> memref<8192xf32, #tpu.memory_space<hbm>>
          tpu.wait_dma2 semaphore(%run_scoped3A : memref<!tpu.dma_semaphore, #tpu.memory_space<semaphore_mem>>) src(%arg11 : memref<8192xf32, #tpu.memory_space<vmem>>) dst(%dma_wait3A_383 : memref<8192xf32, #tpu.memory_space<hbm>>)
          tpu.yield
        }) : () -> ()
        %add3A_377 = arith.constant 64 : i32
        %add3A_378 = arith.addi %while3A_318, %add3A_377 : i32
        %cond3A_379 = arith.constant 0 : i32
        scf.yield %cond3A_379, %add3A_378 : i32, i32
      } else {
        scf.yield %add3A_367, %while3A_318 : i32, i32
      }
      scf.yield %cond3A_373#0, %cond3A_373#1 : i32, i32
    }
    %while3A_314 = arith.constant 0 : i32
    %while3A_315 = scf.while (%while3A_317 = %while3A_314) : (i32) -> i32 {
      %add3A_318 = arith.constant 8 : i32
      %add3A_319 = arith.addi %while3A_317, %add3A_318 : i32
      %le3A = arith.cmpi sle, %add3A_319, %while3A_313#0 : i32
      scf.condition(%le3A) %while3A_317 : i32
    } do {
    ^bb0(%while3A_317: i32):
      %mul3A_318 = arith.constant 128 : i32
      %mul3A_319 = arith.muli %while3A_317, %mul3A_318 : i32
      %multiple_of3A_320 = tpu.assume_multiple %mul3A_319, 8 : i32
      %add3A_321 = arith.addi %while3A_313#1, %while3A_317 : i32
      %mul3A_322 = arith.constant 128 : i32
      %mul3A_323 = arith.muli %add3A_321, %mul3A_322 : i32
      %multiple_of3A_324 = tpu.assume_multiple %mul3A_323, 8 : i32
      "tpu.region"() ({
        %run_scoped3A = tpu.sem_alloc : memref<!tpu.dma_semaphore, #tpu.memory_space<semaphore_mem>>
        %dma_start3A_327 = tpu.memref_slice %arg11[%multiple_of3A_320] : memref<8192xf32, #tpu.memory_space<vmem>> -> memref<1024xf32, #tpu.memory_space<vmem>>
        %dma_start3A_328 = tpu.memref_slice %arg4[%multiple_of3A_324] : memref<1280000xf32, #tpu.memory_space<hbm>> -> memref<1024xf32, #tpu.memory_space<hbm>>
        %dma_start3A_329 = tpu.memref_slice %arg4[%multiple_of3A_324] : memref<1280000xf32, #tpu.memory_space<hbm>> -> memref<1024xf32, #tpu.memory_space<hbm>>
        %dma_start3A_330 = tpu.memref_slice %arg11[%multiple_of3A_320] : memref<8192xf32, #tpu.memory_space<vmem>> -> memref<1024xf32, #tpu.memory_space<vmem>>
        tpu.enqueue_dma source(%dma_start3A_330 : memref<1024xf32, #tpu.memory_space<vmem>>) target(%dma_start3A_329 : memref<1024xf32, #tpu.memory_space<hbm>>) target_semaphore(%run_scoped3A : memref<!tpu.dma_semaphore, #tpu.memory_space<semaphore_mem>>)
        %dma_wait3A_331 = tpu.memref_slice %arg11[%multiple_of3A_320] : memref<8192xf32, #tpu.memory_space<vmem>> -> memref<1024xf32, #tpu.memory_space<vmem>>
        %dma_wait3A_332 = tpu.memref_slice %arg4[%multiple_of3A_324] : memref<1280000xf32, #tpu.memory_space<hbm>> -> memref<1024xf32, #tpu.memory_space<hbm>>
        %dma_wait3A_333 = tpu.memref_slice %arg4[%multiple_of3A_324] : memref<1280000xf32, #tpu.memory_space<hbm>> -> memref<1024xf32, #tpu.memory_space<hbm>>
        %dma_wait3A_334 = tpu.memref_slice %arg11[%multiple_of3A_320] : memref<8192xf32, #tpu.memory_space<vmem>> -> memref<1024xf32, #tpu.memory_space<vmem>>
        tpu.wait_dma2 semaphore(%run_scoped3A : memref<!tpu.dma_semaphore, #tpu.memory_space<semaphore_mem>>) src(%dma_wait3A_334 : memref<1024xf32, #tpu.memory_space<vmem>>) dst(%dma_wait3A_333 : memref<1024xf32, #tpu.memory_space<hbm>>)
        tpu.yield
      }) : () -> ()
      %add3A_325 = arith.constant 8 : i32
      %add3A_326 = arith.addi %while3A_317, %add3A_325 : i32
      scf.yield %add3A_326 : i32
    }
    %while3A_316 = scf.while (%while3A_317 = %while3A_315) : (i32) -> i32 {
      %lt3A_318 = arith.cmpi slt, %while3A_317, %while3A_313#0 : i32
      scf.condition(%lt3A_318) %while3A_317 : i32
    } do {
    ^bb0(%while3A_317: i32):
      %mul3A_318 = arith.constant 128 : i32
      %mul3A_319 = arith.muli %while3A_317, %mul3A_318 : i32
      %multiple_of3A_320 = tpu.assume_multiple %mul3A_319, 8 : i32
      %add3A_321 = arith.addi %while3A_313#1, %while3A_317 : i32
      %mul3A_322 = arith.constant 128 : i32
      %mul3A_323 = arith.muli %add3A_321, %mul3A_322 : i32
      %multiple_of3A_324 = tpu.assume_multiple %mul3A_323, 8 : i32
      "tpu.region"() ({
        %run_scoped3A = tpu.sem_alloc : memref<!tpu.dma_semaphore, #tpu.memory_space<semaphore_mem>>
        %dma_start3A_327 = tpu.memref_slice %arg11[%multiple_of3A_320] : memref<8192xf32, #tpu.memory_space<vmem>> -> memref<128xf32, #tpu.memory_space<vmem>>
        %dma_start3A_328 = tpu.memref_slice %arg4[%multiple_of3A_324] : memref<1280000xf32, #tpu.memory_space<hbm>> -> memref<128xf32, #tpu.memory_space<hbm>>
        %dma_start3A_329 = tpu.memref_slice %arg4[%multiple_of3A_324] : memref<1280000xf32, #tpu.memory_space<hbm>> -> memref<128xf32, #tpu.memory_space<hbm>>
        %dma_start3A_330 = tpu.memref_slice %arg11[%multiple_of3A_320] : memref<8192xf32, #tpu.memory_space<vmem>> -> memref<128xf32, #tpu.memory_space<vmem>>
        tpu.enqueue_dma source(%dma_start3A_330 : memref<128xf32, #tpu.memory_space<vmem>>) target(%dma_start3A_329 : memref<128xf32, #tpu.memory_space<hbm>>) target_semaphore(%run_scoped3A : memref<!tpu.dma_semaphore, #tpu.memory_space<semaphore_mem>>)
        %dma_wait3A_331 = tpu.memref_slice %arg11[%multiple_of3A_320] : memref<8192xf32, #tpu.memory_space<vmem>> -> memref<128xf32, #tpu.memory_space<vmem>>
        %dma_wait3A_332 = tpu.memref_slice %arg4[%multiple_of3A_324] : memref<1280000xf32, #tpu.memory_space<hbm>> -> memref<128xf32, #tpu.memory_space<hbm>>
        %dma_wait3A_333 = tpu.memref_slice %arg4[%multiple_of3A_324] : memref<1280000xf32, #tpu.memory_space<hbm>> -> memref<128xf32, #tpu.memory_space<hbm>>
        %dma_wait3A_334 = tpu.memref_slice %arg11[%multiple_of3A_320] : memref<8192xf32, #tpu.memory_space<vmem>> -> memref<128xf32, #tpu.memory_space<vmem>>
        tpu.wait_dma2 semaphore(%run_scoped3A : memref<!tpu.dma_semaphore, #tpu.memory_space<semaphore_mem>>) src(%dma_wait3A_334 : memref<128xf32, #tpu.memory_space<vmem>>) dst(%dma_wait3A_333 : memref<128xf32, #tpu.memory_space<hbm>>)
        tpu.yield
      }) : () -> ()
      %add3A_325 = arith.constant 1 : i32
      %add3A_326 = arith.addi %while3A_317, %add3A_325 : i32
      scf.yield %add3A_326 : i32
    }
    return
  }
}

module attributes {stable_mosaic.version = 14 : i64} {
  func.func @_fin_body(%arg0: i32, %arg1: memref<1000x128xf32, #tpu.memory_space<vmem>>, %arg2: memref<1000x128xf32, #tpu.memory_space<vmem>>) attributes {dimension_semantics = [#tpu.dimension_semantics<arbitrary>], iteration_bounds = array<i64: 10>, scalar_prefetch = 0 : i64, scratch_operands = 0 : i64, tpu.core_type = #tpu.core_type<tc>, window_params = [{transform_indices = @transform_0, window_bounds = array<i64: 1000, 128>}, {transform_indices = @transform_1, window_bounds = array<i64: 1000, 128>}]} {
    %get3A = arith.constant 0 : index
    %get3A_0 = arith.constant 0 : index
    %get3A_1 = vector.load %arg1[%get3A, %get3A_0] : memref<1000x128xf32, #tpu.memory_space<vmem>>, vector<1000x128xf32>
    %add3A = arith.constant 5.42101084E-32 : f32
    %add3A_2 = vector.broadcast %add3A : f32 to vector<1000x128xf32>
    %add3A_3 = arith.addf %get3A_1, %add3A_2 : vector<1000x128xf32>
    %log3A = math.log %add3A_3 : vector<1000x128xf32>
    %add3A_4 = arith.constant 44.3614197 : f32
    %add3A_5 = vector.broadcast %add3A_4 : f32 to vector<1000x128xf32>
    %add3A_6 = arith.addf %add3A_5, %log3A : vector<1000x128xf32>
    %mul3A = arith.constant 0.00999999977 : f32
    %mul3A_7 = vector.broadcast %mul3A : f32 to vector<1000x128xf32>
    %mul3A_8 = arith.mulf %mul3A_7, %add3A_6 : vector<1000x128xf32>
    %swap3A = arith.constant 0 : index
    %swap3A_9 = arith.constant 0 : index
    %swap3A_10 = vector.load %arg2[%swap3A, %swap3A_9] : memref<1000x128xf32, #tpu.memory_space<vmem>>, vector<1000x128xf32>
    tpu.vector_store %arg2[%swap3A, %swap3A_9], %mul3A_8 {strides = array<i32>} : memref<1000x128xf32, #tpu.memory_space<vmem>>, vector<1000x128xf32>,
    return
  }
  func.func @transform_0(%arg0: i32) -> (i32, i32) {
    %c0_i32 = arith.constant 0 : i32
    %c0_i32_0 = arith.constant 0 : i32
    return %arg0, %c0_i32 : i32, i32
  }
  func.func @transform_1(%arg0: i32) -> (i32, i32) {
    %c0_i32 = arith.constant 0 : i32
    %c0_i32_0 = arith.constant 0 : i32
    return %arg0, %c0_i32 : i32, i32
  }
}

</mosaic_0001>

<sc_bundles>
// kernel: kernel.4.cloned.1.call-start
scs
__scs_entry_jumppad:
0x0: {  	(pc) =	sbr.rel $0x88, $3  }
0x1: {  	(tag) =	ssettag $0x0;
	lr =	simm.s32 $0x1  }
0x2: {  	[smem:$0x3F9F] =	sst lr;
	_ =	strace $0xD0000000  }
0x3: {  	_ = 	snop  }
0x4: {  	_ = 	snop  }
0x5: {  	_ = 	snop  }
0x6: {  	_ = 	snop  }
0x7: {  	_ = 	snop  }
__scs_overlays_trampoline_lowered:
0x8: {  	[smem:$0x3FAE] =	sst s0  }
0x9: {  	[smem:$0x3FAF] =	sst s1  }
0xa: {  	[smem:$0x3FB0] =	sst s2  }
0xb: {  	[smem:$0x3FB1] =	sst s3  }
0xc: {  	[smem:$0x3FB2] =	sst s4  }
0xd: {  	[smem:$0x3FB3] =	sst s5  }
0xe: {  	[smem:$0x3FB4] =	sst s6  }
0xf: {  	[smem:$0x3FB5] =	sst s7  }
0x10: {  	[smem:$0x3FB6] =	sst s8  }
0x11: {  	[smem:$0x3FB7] =	sst s9;
	s0 =	simm.s32 @!p0 $0x0  }
0x12: {  	s1 =	sld [smem:$0x3F9D];
	s0 =	simm.s32 @p0 $0x1  }
0x13: {  	[smem:$0x3FB8] =	sst s0;
	s0 =	simm.s32 @!p1 $0x0  }
0x14: {  	s2 =	sld [smem:$0x3F9C];
	s0 =	simm.s32 @p1 $0x1  }
0x15: {  	[smem:$0x3FB9] =	sst s0;
	s0 =	simm.s32 @!p2 $0x0  }
0x16: {  	s3 =	sld [smem:$0x3FDB];
	s0 =	simm.s32 @p2 $0x1  }
0x17: {  	s4 =	simm.s32 $0x1BF5;
	[smem:$0x3FBB] =	sst s0  }
0x18: {  	s0 =	sld [smem:$0x3F9E];
	_ =	swait.ge [sflag:s4], $0x0  }
0x19: {  	s7 =	sld [smem:$0x3F9F]  }
0x1a: {  	s8 =	sadd.s32 $0xFFFFE003, lr  }
0x1b: {  	s9 =	sadd.s32 $0xFFFFFEF7, lr;
	s5 =	simm.s32 $0xFFFFFFFF;
	p2 =	slt.u32 s8, $0xFFFFF086  }
0x1c: {  	p1 =	slt.u32 s9, $0xF7A;
	s5 =	simm.s32 @!p2 $0x0  }
0x1d: {  	s5 =	simm.s32 @p1 $0x1;
	p0 =	seq.s32 s7, s2  }
0x1e: {  	s7 =	smul.u32 @!p0 $0xF7A, s2;
	p2 =	seq.s32 @!p0 s5, $0x0  }
0x1f: {  	s9 =	smul.u32 $0xF7A, s1;
	s8 =	simm.s32 @!p0 $0x1BF5;
	p2 =	por !p2, p0  }
0x20: {  	[sflag:s8] =	ssyncset.s32 @!p0 $0xFFFFF086;
	s6 =	sadd.s32 @!p0 s3, s7;
	s7 =	simm.s32 @!p0 $0x108  }
0x21: {  	s3 =	sadd.s32 s3, s9;
	s6 =	sadd.s32 @!p0 $0x88, s6;
	s7 =	simm.s32 @p2 $0x1082  }
0x22: {  	[simem:s7], [sflag:s8] =	dma.local @!p0 [hbm:s6], $0xF7A  }
0x23: {  	s9 =	sor.u32 $0xD0000000, s2;
	s6 =	simm.s32 $0x108;
	_ =	swait.ge @!p0 [sflag:s8], $0x0  }
0x24: {  	s3 =	sadd.s32 $0x88, s3;
	s6 =	simm.s32 @!p1 $0x1082;
	[sflag:s4] =	ssyncset.s32 $0xFFFFF086  }
0x25: {  	[simem:s6], [sflag:s4] =	dma.local [hbm:s3], $0xF7A  }
0x26: {  	[smem:$0x3F9F] =	sst s1;
	(tag) =	ssettag s2;
	_ =	strace s9  }
0x27: {  	s1 =	sld [smem:$0x3FAF]  }
0x28: {  	s2 =	sld [smem:$0x3FB0]  }
0x29: {  	s4 =	sld [smem:$0x3FB2]  }
0x2a: {  	p0 =	seq.s32 s5, $0x0;
	s5 =	sld [smem:$0x3FB3]  }
0x2b: {  	s6 =	sld [smem:$0x3FB4]  }
0x2c: {  	s7 =	sld [smem:$0x3FB5]  }
0x2d: {  	s3 =	simm.s32 $0x108;
	s8 =	sld [smem:$0x3FB6]  }
0x2e: {  	s3 =	simm.s32 @!p0 $0x1082;
	s9 =	sld [smem:$0x3FB7]  }
0x2f: {  	lr =	sadd.s32 s0, s3;
	s0 =	sld [smem:$0x3FAE]  }
0x30: {  	s3 =	sld [smem:$0x3FB1]  }
0x31: {  	[smem:$0x3FBA] =	sst s10  }
0x32: {  	s10 =	sld [smem:$0x3FB8];
	_ =	sdelay $0x3  }
0x33: {  	p0 =	seq.s32 s10, $0x1;
	s10 =	sld [smem:$0x3FBA];
	_ =	sdelay $0x3  }
0x34: {  	[smem:$0x3FBA] =	sst s10  }
0x35: {  	s10 =	sld [smem:$0x3FB9];
	_ =	sdelay $0x3  }
0x36: {  	p1 =	seq.s32 s10, $0x1;
	s10 =	sld [smem:$0x3FBA];
	_ =	sdelay $0x3  }
0x37: {  	[smem:$0x3FBA] =	sst s10  }
0x38: {  	s10 =	sld [smem:$0x3FBB]  }
0x39: {  	_ = 	snop;
	(pc) =	sbr.ind lr, $3  }
0x3a: {  	_ = 	snop  }
0x3b: {  	_ = 	snop  }
0x3c: {  	p2 =	seq.s32 s10, $0x1;
	s10 =	sld [smem:$0x3FBA]  }
0x3d: {  	_ =	shalt  }
0x3e: {  	_ =	shalt  }
0x3f: {  	_ =	shalt  }
0x40: {  	_ =	shalt  }
0x41: {  	_ =	shalt  }
0x42: {  	_ =	shalt  }
0x43: {  	_ =	shalt  }
0x44: {  	_ =	shalt  }
0x45: {  	_ =	shalt  }
0x46: {  	_ =	shalt  }
0x47: {  	_ =	shalt  }
0x48: {  	_ =	shalt  }
0x49: {  	_ =	shalt  }
0x4a: {  	_ =	shalt  }
0x4b: {  	_ =	shalt  }
0x4c: {  	_ =	shalt  }
0x4d: {  	_ =	shalt  }
0x4e: {  	_ =	shalt  }
0x4f: {  	_ =	shalt  }
0x50: {  	_ =	shalt  }
0x51: {  	_ =	shalt  }
0x52: {  	_ =	shalt  }
0x53: {  	_ =	shalt  }
0x54: {  	_ =	shalt  }
0x55: {  	_ =	shalt  }
0x56: {  	_ =	shalt  }
0x57: {  	_ =	shalt  }
0x58: {  	_ =	shalt  }
0x59: {  	_ =	shalt  }
0x5a: {  	_ =	shalt  }
0x5b: {  	_ =	shalt  }
0x5c: {  	_ =	shalt  }
0x5d: {  	_ =	shalt  }
0x5e: {  	_ =	shalt  }
0x5f: {  	_ =	shalt  }
0x60: {  	_ =	shalt  }
0x61: {  	_ =	shalt  }
0x62: {  	_ =	shalt  }
0x63: {  	_ =	shalt  }
0x64: {  	_ =	shalt  }
0x65: {  	_ =	shalt  }
0x66: {  	_ =	shalt  }
0x67: {  	_ =	shalt  }
0x68: {  	_ =	shalt  }
0x69: {  	_ =	shalt  }
0x6a: {  	_ =	shalt  }
0x6b: {  	_ =	shalt  }
0x6c: {  	_ =	shalt  }
0x6d: {  	_ =	shalt  }
0x6e: {  	_ =	shalt  }
0x6f: {  	_ =	shalt  }
0x70: {  	_ =	shalt  }
0x71: {  	_ =	shalt  }
0x72: {  	_ =	shalt  }
0x73: {  	_ =	shalt  }
0x74: {  	_ =	shalt  }
0x75: {  	_ =	shalt  }
0x76: {  	_ =	shalt  }
0x77: {  	_ =	shalt  }
0x78: {  	_ =	shalt  }
0x79: {  	_ =	shalt  }
0x7a: {  	_ =	shalt  }
0x7b: {  	_ =	shalt  }
0x7c: {  	_ =	shalt  }
0x7d: {  	_ =	shalt  }
0x7e: {  	_ =	shalt  }
0x7f: {  	_ =	shalt  }
0x80: {  	_ =	shalt  }
0x81: {  	_ =	shalt  }
0x82: {  	_ =	shalt  }
0x83: {  	_ =	shalt  }
0x84: {  	_ =	shalt  }
0x85: {  	_ =	shalt  }
0x86: {  	_ =	shalt  }
0x87: {  	_ =	shalt  }
.Lfunc_end0:
.L_simem_size_0:
called_computation_lowered:
.L_overlay_start_0:
0x88: {  	s2 =	sld [smem:$0x3FD9]  }
0x89: {  	s3 =	sld [smem:$0x3FFE];
	_ =	sdelay $0x1  }
0x8a: {  	s1 =	srdreg.scid  }
0x8b: {  	s0 =	sand.u32 $0x1, s1  }
0x8c: {  	s18 =	sshll.u32 s0, $0xA;
	s2 =	sadd.s32 s3, s2  }
0x8d: {  	s2 =	sadd.s32 s2, s18  }
0x8e: {  	[smem:$0x3FC6] =	sst s2  }
0x8f: {  	_ = 	snop  }
0x90: {  	s2 =	sld [smem:$0x3FC9]  }
0x91: {  	s19 =	sld [smem:$0x3FC8]  }
0x92: {  	s4 =	sld [smem:$0x3FD0];
	(tm) =	ssettm $0x1  }
0x93: {  	s5 =	sld [smem:$0x3FFB];
	_ =	sdelay $0x3  }
0x94: {  	_ =	strace s5  }
0x95: {  	s5 =	sld [smem:$0x3FFC];
	_ =	sdelay $0x3  }
0x96: {  	_ =	strace s5  }
0x97: {  	s5 =	sld [smem:$0x3FFD];
	_ =	sdelay $0x3  }
0x98: {  	_ =	strace s5  }
0x99: {  	_ =	strace $0x8FFFFFFF  }
0x9a: {  	s20 =	sld [smem:$0x3FDB];
	_ =	sdelay $0x1  }
0x9b: {  	s6 =	simm.s32 $_scs_section_size  }
0x9c: {  	s7 =	simm.s32 $_size__tile_overlayer_lowered;
	s8 =	simm.s32 $_tile_overlayer_lowered  }
0x9d: {  	s23 =	simm.s32 $0x1BFF;
	s22 =	sshll.u32 s8, $0x1;
	s5 =	sadd.s32 s6, s20  }
0x9e: {  	s9 =	simm.s32 $0x0;
	s21 =	sshll.u32 s7, $0x1;
	s7 =	sadd.s32 s22, s5  }
0x9f: {  	[timem:s9], [sflag:s23] =	dma.local [hbm:s7], s21  }
0xa0: {  	_ =	swait.ge [sflag:s23], s21  }
0xa1: {  	s6 =	ssub.s32 $0x0, s21;
	[sflag:s23] =	ssyncset.done $0x0  }
0xa2: {  	[sflag:s23] =	ssyncadd.s32 s6;
	_ =	sdelay $0x1  }
0xa3: {  	s24 =	simm.s32 $0x1B8B  }
0xa4: {  	_ =	swait.ge [sflag:s24], $0x1  }
0xa5: {  	[sflag:s24] =	ssyncset.done $0x0  }
0xa6: {  	s25 =	simm.s32 $0x1B8E;
	[sflag:s24] =	ssyncadd.s32 $0xFFFFFFFF  }
0xa7: {  	s26 =	simm.s32 $execute0_lowered;
	[smem:$0x3FD2] =	sst s25  }
0xa8: {  	s6 =	sshll.u32 s26, $0x1;
	_ =	strace $0x80000046;
	[dreg:$0x1] =	wrdreg $0xFFFFFFFF  }
0xa9: {  	s28 =	simm.s32 $_size_execute0_lowered;
	s5 =	sadd.s32 s5, s6;
	[dreg:$0x0] =	wrdreg $0x0  }
0xaa: {  	s6 =	sshll.u32 s28, $0x1;
	[dreg:$0x2] =	wrdreg s5  }
0xab: {  	[dreg:$0x3] =	wrdreg s6  }
0xac: {  	[dreg:$0x4] =	wrdreg $0xC0  }
0xad: {  	_ =	task [dreg:s9], $0x5FFFF  }
0xae: {  	[dreg:$0x1] =	wrdreg $0xFFFFFFFF  }
0xaf: {  	[dreg:$0x0] =	wrdreg $0x60  }
0xb0: {  	[dreg:$0x2] =	wrdreg s2  }
0xb1: {  	[dreg:$0x3] =	wrdreg s19  }
0xb2: {  	[dreg:$0x4] =	wrdreg s4  }
0xb3: {  	[dreg:$0x5] =	wrdreg $0x9  }
0xb4: {  	_ =	task.clear_ibuf [dreg:s9], $0x6FFFF;
	_ =	strace $0x90000046  }
0xb5: {  	s29 =	simm.s32 $0x9;
	_ =	strace $0x80000048  }
0xb6: {  	_ =	swait.ge [sflag:s29], $0x1  }
0xb7: {  	[sflag:s29] =	ssyncadd.s32 $0xFFFFFFFF  }
0xb8: {  	_ =	strace $0x90000048  }
0xb9: {  	_ =	sfence  }
0xba: {  	s30 =	sld [smem:$0x0];
	_ =	sdelay $0x2  }
0xbb: {  	s31 =	sshll.u32 s1, $0xD;
	s1 =	sshrl.u32 s1, $0x2  }
0xbc: {  	s3 =	sand.u32 $0x4000, s31;
	s1 =	sadd.s32 s1, s30  }
0xbd: {  	s0 =	sor.u32 s3, s0;
	s1 =	sshll.u32 s1, $0x11  }
0xbe: {  	s0 =	sor.u32 s1, s0  }
0xbf: {  	s0 =	sadd.s32 $0x8F2B, s0  }
0xc0: {  	[sflag:s0] =	ssyncadd.remote.s32 $0x1  }
0xc1: {  	_ =	sfence.sel $0xFFFF  }
0xc2: {  	[dreg:$0x0] =	wrdreg $0xFFFFFFFF;
	(pc) =	sbr.abs _section_cstart, $3  }
0xc3: {  	[dreg:$0x1] =	wrdreg $0xFFFFFFFF  }
0xc4: {  	_ =	task.clear_ibuf [dreg:s9], $0x2FFFF;
	_ =	strace $0x9FFFFFFF  }
0xc5: {  	(tm) =	ssettm $0x7FFFFFFF  }
tec
execute0_lowered:
.L_overlay_start_1:
0x0: {  	(tag) =	ssettag $0x1  }
0x1: {  	s0 =	srdreg.scid;
	s26 =	rddreg [dreg:$0x0]  }
0x2: {  	s31 =	rddreg [dreg:$0x1];
	s0 =	sand.u32 $0x1, s0  }
0x3: {  	s2 =	stileid.u32;
	s4 =	rddreg [dreg:$0x2];
	s1 =	sshll.u32 s0, $0x4  }
0x4: {  	s5 =	simm.s32 $0x0;
	s0 =	ssub.s32 $0x2, s0;
	s1 =	sor.u32 s2, s1  }
0x5: {  	[smem:$0x7FF] =	sst s5;
	s22 =	sshrl.u32 s0, $0x1;
	s6 =	smul.u32 $0x2710, s1  }
0x6: {  	_ =	strace $0x80000047;
	p0 =	seq.s32 s1, $0x0;
	s0 =	ssub.s32 s0, s22  }
0x7: {  	s0 =	smax.u32 s0, $0x1;
	s7 =	sadd.s32 $0x2710, s6;
	s6 =	simm.s32 @p0 $0x8  }
0x8: {  	p1 =	seq.s32 s1, $0x1F;
	[dreg:$0xa] =	wrdreg s0;
	s3 =	sadd.s32 $0xFFFFFFF8, s6  }
0x9: {  	s7 =	simm.s32 @p1 $0x8;
	s25 =	sadd.s32 $0x7E8, s6;
	[dreg:$0x4] =	wrdreg s3  }
0xa: {  	s29 =	sadd.s32 $0x7FFFFFF9, s6;
	s3 =	sshrl.u32 s3, $0x3;
	[dreg:$0x7] =	wrdreg s25  }
0xb: {  	s21 =	smin.u32 s7, $0x4DA08;
	[dreg:$0xb] =	wrdreg s29;
	s23 =	sadd.s32 s31, s3  }
.Ltmp0:
0xc: {  	s8 =	sadd.s32 $0xFFFFFFF8, s21;
	[dreg:$0x6] =	wrdreg s23;
	(pc) =	sbr.rel .LBB2_1-.Ltmp0, $4  }
0xd: {  	s12 =	simm.s32 $0x10300;
	s28 =	sadd.s32 $0x7E8, s21;
	[dreg:$0x5] =	wrdreg s8  }
0xe: {  	s30 =	sadd.s32 $0x7FFFFFF9, s21;
	s24 =	sshrl.u32 s8, $0x3;
	[dreg:$0x9] =	wrdreg s28  }
0xf: {  	s18 =	simm.s32 $0x5;
	v0 =	vlaneseq.u32;
	[dreg:$0xc] =	wrdreg s30;
	s2 =	sadd.s32 s31, s24  }
0x10: {  	v2 =	vimm.f32 $0.0e+00;
	s13 =	simm.s32 $0x0;
	v1 =	vor.u32 $0x80000000, v0;
	p2 =	sgt.u32 s7, $0x4DA00;
	[dreg:$0x8] =	wrdreg s2  }
.LBB2_76:
0x11: {  	[sflag:s18] =	ssyncset.done $0x0  }
0x12: {  	s13 =	smov.u32 s8;
	[sflag:s18] =	ssyncadd.s32 $0xFFFFFF80  }
.LBB2_77:
0x13: {  	s13 =	sadd.s32 $0x1, s13;
	s0 =	rddreg [dreg:$0xa]  }
0x14: {  	p3 =	sne.s32 s13, s0  }
.Ltmp1:
0x15: {  	_ = 	snop;
	(pc) =	sbr.rel @!p3 .LBB2_78-.Ltmp1, $2  }
0x16: {  	_ =	sdelay $0x2  }
0x17: {  	s12 =	simm.s32 $0x10300  }
.LBB2_1:
0x18: {  	s0 =	rddreg [dreg:$0x6]  }
0x19: {  	[tilespmem:s12], [sflag:$0x5] =	stream.linear.gather [hbm4b:s0+s5], $0x800, $0x38;
	[tilespmem:$0x12D00] =	vst v63  }
0x1a: {  	_ =	swait.ge [sflag:s18], $0x800  }
0x1b: {  	[sflag:s18] =	ssyncset.done $0x0  }
0x1c: {  	s22 =	simm.s32 $0x0;
	[sflag:s18] =	ssyncadd.s32 $0xFFFFF800  }
0x1d: {  	v3 =	vld [tilespmem:s22+$0x10300]  }
0x1e: {  	v4 =	vld [tilespmem:s22+$0x10301];
	_ =	sdelay $0x4  }
0x1f: {  	vm0 =	veq.s32 v3, v4  }
0x20: {  	v3 =	vsel vm0, $0xBB9ACA00, v1  }
0x21: {  	(xrf0) =	vmin.scan.msk.u32 $0xffff, v3;
	_ =	sdelay $0x4  }
0x22: {  	s23 =	simm.s32 $0x10  }
0x23: {  	v4 =	vld [tilespmem:s23+$0x10300];
	v3, _, _ =	vpop (xrf0)  }
0x24: {  	s24 =	simm.s32 $0x20;
	(v2sf) =	vpush v3, $0xF;
	v3 =	vld [tilespmem:s23+$0x10301]  }
0x25: {  	v5 =	vld [tilespmem:s24+$0x10300]  }
0x26: {  	s25 =	simm.s32 $0x30;
	v6 =	vld [tilespmem:s24+$0x10301]  }
0x27: {  	v7 =	vld [tilespmem:s25+$0x10300]  }
0x28: {  	v8 =	vld [tilespmem:s25+$0x10301]  }
0x29: {  	vm12 =	veq.s32 v4, v3  }
0x2a: {  	v3 =	vsel vm12, $0xBB9ACA00, v1  }
0x2b: {  	(xrf0) =	vmin.scan.msk.u32 $0xffff, v3  }
0x2c: {  	vm13 =	veq.s32 v5, v6  }
0x2d: {  	vm14 =	veq.s32 v7, v8;
	v3 =	vsel vm13, $0xBB9ACA00, v1  }
0x2e: {  	v4 =	vsel vm14, $0xBB9ACA00, v1;
	(xrf0) =	vmin.scan.msk.u32 $0xffff, v3  }
0x2f: {  	(xrf0) =	vmin.scan.msk.u32 $0xffff, v4;
	_ =	sdelay $0x1  }
0x30: {  	v4, _, _ =	vpop (xrf0)  }
0x31: {  	(v2sf) =	vpush v4, $0xF;
	_ =	sdelay $0x1  }
0x32: {  	s28 =	simm.s32 $0x40;
	v4, _, _ =	vpop (xrf0)  }
0x33: {  	v5 =	vld [tilespmem:s28+$0x10301];
	s30 =	spop (v2sf);
	(v2sf) =	vpush v4, $0xF;
	v6, _, _ =	vpop (xrf0)  }
0x34: {  	v3 =	vld [tilespmem:s28+$0x10300];
	(v2sf) =	vpush v6, $0xF;
	_ =	sdelay $0x3  }
0x35: {  	s1 =	simm.s32 $0x50;
	s8 =	rddreg [dreg:$0xb]  }
0x36: {  	s29 =	simm.s32 $0x4E200;
	vm15 =	veq.s32 v3, v5;
	v3 =	vld [tilespmem:s1+$0x10300];
	s3 =	sadd.s32 s8, s30  }
0x37: {  	s2 =	simm.s32 $0x4E200;
	v5 =	vsel vm15, $0xBB9ACA00, v1;
	v4 =	vld [tilespmem:s1+$0x10301];
	s1 =	simm.s32 $0x180;
	p3 =	sgt.s32 s3, $0x4E200  }
0x38: {  	(xrf0) =	vmin.scan.msk.u32 $0xffff, v5;
	s0 =	sxor.u32 $0x80000000, s30;
	p4 =	sge.s32 s3, s6;
	s3 =	smov.u32 @p3 s29  }
0x39: {  	p3 =	slt.s32 s0, $0x3B9ACA00;
	s0 =	smov.u32 s8;
	s2 =	smov.u32 @p4 s3  }
.LBB2_2:
0x3a: {  	s3 =	sshra.s32 s1, $0x2  }
0x3b: {  	s29 =	smov.u32 @p3 s2;
	s0 =	sadd.s32 $0x10, s0;
	p4 =	sne.s32 s1, $0x1F80  }
.Ltmp2:
0x3c: {  	s1 =	sadd.s32 $0x40, s1;
	vm0 =	veq.s32 v3, v4;
	v3 =	vld [tilespmem:s3+$0x10300];
	s2 =	spop (v2sf);
	(pc) =	sbr.rel @p4 .LBB2_2-.Ltmp2, $4  }
0x3d: {  	v4 =	vld [tilespmem:s3+$0x10301];
	v6 =	vsel vm0, $0xBB9ACA00, v1;
	s3 =	sadd.s32 s0, s2  }
0x3e: {  	s2 =	sxor.u32 $0x80000000, s2;
	(xrf0) =	vmin.scan.msk.u32 $0xffff, v6;
	v5, _, _ =	vpop (xrf0);
	p3 =	slt.s32 s29, s3;
	p5 =	sge.s32 s3, s6  }
0x3f: {  	(v2sf) =	vpush v5, $0xF;
	s3 =	smov.u32 @p3 s29;
	p3 =	slt.s32 s2, $0x3B9ACA00;
	s2 =	smov.u32 s29  }
0x40: {  	s2 =	smov.u32 @p5 s3  }
0x41: {  	v5 =	vld [tilespmem:$0x10AEF]  }
0x42: {  	v6 =	vld [tilespmem:$0x10AF0];
	_ =	sdelay $0x1  }
0x43: {  	vm0 =	veq.s32 v3, v4  }
0x44: {  	v3 =	vsel vm0, $0xBB9ACA00, v1  }
0x45: {  	(xrf0) =	vmin.scan.msk.u32 $0xffff, v3  }
0x46: {  	vm15 =	veq.s32 v5, v6  }
0x47: {  	v3, _, _ =	vpop (xrf0);
	v63 =	vsel vm15, $0xBB9ACA00, v1  }
0x48: {  	(v2sf) =	vpush v3, $0xF;
	(xrf0) =	vmin.scan.msk.u32 $0xffff, v63;
	_ =	sdelay $0x2  }
0x49: {  	s0 =	sadd.s32 $0x10, s0;
	s1 =	spop (v2sf);
	v3, _, _ =	vpop (xrf0)  }
0x4a: {  	s29 =	smov.u32 @p3 s2;
	s2 =	sadd.s32 s0, s1;
	(v2sf) =	vpush v3, $0xF  }
0x4b: {  	s1 =	sxor.u32 $0x80000000, s1;
	p3 =	slt.s32 s29, s2;
	p4 =	sge.s32 s2, s6  }
0x4c: {  	s2 =	smov.u32 @p3 s29;
	p3 =	slt.s32 s1, $0x3B9ACA00;
	s1 =	smov.u32 s29;
	v3, _, _ =	vpop (xrf0)  }
0x4d: {  	s0 =	sadd.s32 $0x10, s0;
	s20 =	spop (v2sf);
	s1 =	smov.u32 @p4 s2;
	(v2sf) =	vpush v3, $0xF  }
0x4e: {  	s29 =	smov.u32 @p3 s1;
	s1 =	sadd.s32 s0, s20  }
0x4f: {  	s2 =	sxor.u32 $0x80000000, s20;
	p3 =	slt.s32 s29, s1;
	p4 =	sge.s32 s1, s6  }
0x50: {  	s1 =	smov.u32 @p3 s29;
	p3 =	slt.s32 s2, $0x3B9ACA00;
	s2 =	smov.u32 s29  }
0x51: {  	s0 =	sadd.s32 $0x10, s0;
	s2 =	smov.u32 @p4 s1;
	s3 =	spop (v2sf)  }
0x52: {  	s29 =	smov.u32 @p3 s2;
	s1 =	sadd.s32 s0, s3  }
0x53: {  	s2 =	smov.u32 s29;
	s21 =	sxor.u32 $0x80000000, s3;
	p3 =	slt.s32 s29, s1  }
0x54: {  	s0 =	sadd.s32 $0x10, s0;
	p4 =	sge.s32 s1, s6;
	s1 =	smov.u32 @p3 s29  }
0x55: {  	p3 =	slt.s32 s21, $0x3B9ACA00;
	s2 =	smov.u32 @p4 s1;
	s22 =	spop (v2sf)  }
0x56: {  	s29 =	smov.u32 @p3 s2;
	s2 =	sadd.s32 s0, s22  }
0x57: {  	s1 =	sxor.u32 $0x80000000, s22;
	p3 =	slt.s32 s29, s2;
	p4 =	sge.s32 s2, s6  }
0x58: {  	s2 =	smov.u32 @p3 s29;
	p3 =	slt.s32 s1, $0x3B9ACA00;
	s1 =	smov.u32 s29  }
0x59: {  	s0 =	sadd.s32 $0x10, s0;
	s1 =	smov.u32 @p4 s2;
	s23 =	spop (v2sf)  }
0x5a: {  	s30 =	rddreg [dreg:$0x7];
	s29 =	smov.u32 @p3 s1;
	s0 =	sadd.s32 s0, s23  }
0x5b: {  	s24 =	sxor.u32 $0x80000000, s23;
	p3 =	slt.s32 s29, s0;
	p4 =	sge.s32 s0, s6  }
0x5c: {  	s2 =	smov.u32 s29;
	s0 =	smov.u32 @p3 s29;
	s25 =	spop (v2sf)  }
0x5d: {  	p3 =	slt.s32 s24, $0x3B9ACA00;
	s2 =	smov.u32 @p4 s0;
	s28 =	sxor.u32 $0x80000000, s25  }
0x5e: {  	s29 =	smov.u32 @p3 s2;
	s1 =	sadd.s32 s28, s30  }
0x5f: {  	p4 =	slt.s32 s29, s1  }
0x60: {  	s2 =	smov.u32 s29;
	p3 =	sge.s32 s1, s6;
	s1 =	smov.u32 @p4 s29  }
0x61: {  	p4 =	slt.s32 s28, $0x3B9ACA00;
	s2 =	smov.u32 @p3 s1  }
0x62: {  	s29 =	smov.u32 @p4 s2  }
0x63: {  	p3 =	sne.s32 s29, $0x4E200  }
.Ltmp3:
0x64: {  	_ = 	snop;
	(pc) =	sbr.rel @p3 .LBB2_8-.Ltmp3, $2  }
0x65: {  	_ =	sdelay $0x2  }
0x66: {  	s0 =	rddreg [dreg:$0x4]  }
.LBB2_4:
0x67: {  	p3 =	slt.s32 s0, $0x4D208;
	s2 =	smov.u32 s0  }
0x68: {  	s2 =	simm.s32 @!p3 $0x4D208  }
0x69: {  	s1 =	sadd.s32 $0x7F8, s2  }
0x6a: {  	s3 =	sshrl.u32 s1, $0x3  }
0x6b: {  	s8 =	simm.s32 $0x0;
	s3 =	sadd.s32 s31, s3  }
0x6c: {  	[tilespmem:s12], [sflag:$0x5] =	stream.linear.gather [hbm4b:s3+s8], $0x800, $0x38;
	[tilespmem:$0x12D00] =	vst v63  }
0x6d: {  	_ =	swait.ge [sflag:s18], $0x800  }
0x6e: {  	[sflag:s18] =	ssyncset.done $0x0  }
0x6f: {  	s22 =	simm.s32 $0x0;
	[sflag:s18] =	ssyncadd.s32 $0xFFFFF800  }
0x70: {  	v3 =	vld [tilespmem:s22+$0x10300]  }
0x71: {  	v4 =	vld [tilespmem:s22+$0x10301];
	_ =	sdelay $0x4  }
0x72: {  	vm0 =	veq.s32 v3, v4  }
0x73: {  	v3 =	vsel vm0, $0xBB9ACA00, v1  }
0x74: {  	(xrf0) =	vmin.scan.msk.u32 $0xffff, v3;
	_ =	sdelay $0x4  }
0x75: {  	s23 =	simm.s32 $0x10  }
0x76: {  	v4 =	vld [tilespmem:s23+$0x10300];
	v3, _, _ =	vpop (xrf0)  }
0x77: {  	s24 =	simm.s32 $0x20;
	(v2sf) =	vpush v3, $0xF;
	v3 =	vld [tilespmem:s23+$0x10301]  }
0x78: {  	v5 =	vld [tilespmem:s24+$0x10300]  }
0x79: {  	s25 =	simm.s32 $0x30;
	v6 =	vld [tilespmem:s24+$0x10301]  }
0x7a: {  	v7 =	vld [tilespmem:s25+$0x10300]  }
0x7b: {  	v8 =	vld [tilespmem:s25+$0x10301]  }
0x7c: {  	vm12 =	veq.s32 v4, v3  }
0x7d: {  	v3 =	vsel vm12, $0xBB9ACA00, v1  }
0x7e: {  	(xrf0) =	vmin.scan.msk.u32 $0xffff, v3  }
0x7f: {  	vm13 =	veq.s32 v5, v6  }
0x80: {  	vm14 =	veq.s32 v7, v8;
	v3 =	vsel vm13, $0xBB9ACA00, v1  }
0x81: {  	v4 =	vsel vm14, $0xBB9ACA00, v1;
	(xrf0) =	vmin.scan.msk.u32 $0xffff, v3  }
0x82: {  	(xrf0) =	vmin.scan.msk.u32 $0xffff, v4;
	_ =	sdelay $0x1  }
0x83: {  	v4, _, _ =	vpop (xrf0)  }
0x84: {  	(v2sf) =	vpush v4, $0xF;
	_ =	sdelay $0x1  }
0x85: {  	s28 =	simm.s32 $0x40;
	v4, _, _ =	vpop (xrf0)  }
0x86: {  	v5 =	vld [tilespmem:s28+$0x10301];
	s30 =	spop (v2sf);
	(v2sf) =	vpush v4, $0xF;
	v6, _, _ =	vpop (xrf0)  }
0x87: {  	v3 =	vld [tilespmem:s28+$0x10300];
	(v2sf) =	vpush v6, $0xF;
	_ =	sdelay $0x3  }
0x88: {  	s11 =	simm.s32 $0x50;
	s3 =	sadd.s32 $0x800007F9, s2  }
0x89: {  	vm15 =	veq.s32 v3, v5;
	v3 =	vld [tilespmem:s11+$0x10300];
	s10 =	sadd.s32 s3, s30  }
0x8a: {  	s29 =	simm.s32 $0x4E200;
	s9 =	simm.s32 $0x4E200;
	v5 =	vsel vm15, $0xBB9ACA00, v1;
	v4 =	vld [tilespmem:s11+$0x10301];
	p3 =	sgt.s32 s10, $0x4E200  }
0x8b: {  	(xrf0) =	vmin.scan.msk.u32 $0xffff, v5;
	s8 =	sxor.u32 $0x80000000, s30;
	p4 =	sge.s32 s10, s6;
	s10 =	smov.u32 @p3 s29  }
0x8c: {  	p3 =	slt.s32 s8, $0x3B9ACA00;
	s8 =	simm.s32 $0x180;
	s9 =	smov.u32 @p4 s10  }
.LBB2_5:
0x8d: {  	s10 =	sshra.s32 s8, $0x2  }
0x8e: {  	s29 =	smov.u32 @p3 s9;
	s3 =	sadd.s32 $0x10, s3;
	p4 =	sne.s32 s8, $0x1F80  }
.Ltmp4:
0x8f: {  	s8 =	sadd.s32 $0x40, s8;
	vm0 =	veq.s32 v3, v4;
	v3 =	vld [tilespmem:s10+$0x10300];
	s9 =	spop (v2sf);
	(pc) =	sbr.rel @p4 .LBB2_5-.Ltmp4, $4  }
0x90: {  	v4 =	vld [tilespmem:s10+$0x10301];
	v6 =	vsel vm0, $0xBB9ACA00, v1;
	s10 =	sadd.s32 s3, s9  }
0x91: {  	s9 =	sxor.u32 $0x80000000, s9;
	(xrf0) =	vmin.scan.msk.u32 $0xffff, v6;
	v5, _, _ =	vpop (xrf0);
	p3 =	slt.s32 s29, s10;
	p5 =	sge.s32 s10, s6  }
0x92: {  	(v2sf) =	vpush v5, $0xF;
	s10 =	smov.u32 @p3 s29;
	p3 =	slt.s32 s9, $0x3B9ACA00;
	s9 =	smov.u32 s29  }
0x93: {  	s9 =	smov.u32 @p5 s10  }
0x94: {  	v5 =	vld [tilespmem:$0x10AEF]  }
0x95: {  	v6 =	vld [tilespmem:$0x10AF0];
	_ =	sdelay $0x2  }
0x96: {  	vm0 =	veq.s32 v3, v4  }
0x97: {  	v3 =	vsel vm0, $0xBB9ACA00, v1  }
0x98: {  	(xrf0) =	vmin.scan.msk.u32 $0xffff, v3;
	vm15 =	veq.s32 v5, v6  }
0x99: {  	v63, _, _ =	vpop (xrf0);
	v3 =	vsel vm15, $0xBB9ACA00, v1  }
0x9a: {  	(v2sf) =	vpush v63, $0xF;
	(xrf0) =	vmin.scan.msk.u32 $0xffff, v3;
	_ =	sdelay $0x2  }
0x9b: {  	s3 =	sadd.s32 $0x10, s3;
	s8 =	spop (v2sf)  }
0x9c: {  	s29 =	smov.u32 @p3 s9;
	s9 =	sadd.s32 s3, s8;
	v3, _, _ =	vpop (xrf0)  }
0x9d: {  	s8 =	sxor.u32 $0x80000000, s8;
	p3 =	slt.s32 s29, s9;
	p4 =	sge.s32 s9, s6;
	(v2sf) =	vpush v3, $0xF  }
0x9e: {  	s9 =	smov.u32 @p3 s29;
	p3 =	slt.s32 s8, $0x3B9ACA00;
	s8 =	smov.u32 s29;
	v3, _, _ =	vpop (xrf0)  }
0x9f: {  	s10 =	spop (v2sf);
	s3 =	sadd.s32 $0x10, s3;
	s8 =	smov.u32 @p4 s9;
	(v2sf) =	vpush v3, $0xF  }
0xa0: {  	s29 =	smov.u32 @p3 s8;
	s8 =	sadd.s32 s3, s10  }
0xa1: {  	s22 =	sxor.u32 $0x80000000, s10;
	s3 =	sadd.s32 $0x10, s3;
	p3 =	slt.s32 s29, s8  }
0xa2: {  	p4 =	sge.s32 s8, s6;
	s9 =	smov.u32 s29;
	s8 =	smov.u32 @p3 s29  }
0xa3: {  	p3 =	slt.s32 s22, $0x3B9ACA00;
	s9 =	smov.u32 @p4 s8;
	s23 =	spop (v2sf)  }
0xa4: {  	s29 =	smov.u32 @p3 s9;
	s8 =	sadd.s32 s3, s23  }
0xa5: {  	s9 =	smov.u32 s29;
	s24 =	sxor.u32 $0x80000000, s23;
	p3 =	slt.s32 s29, s8  }
0xa6: {  	s3 =	sadd.s32 $0x10, s3;
	p4 =	sge.s32 s8, s6;
	s8 =	smov.u32 @p3 s29  }
0xa7: {  	p3 =	slt.s32 s24, $0x3B9ACA00;
	s9 =	smov.u32 @p4 s8;
	s25 =	spop (v2sf)  }
0xa8: {  	s29 =	smov.u32 @p3 s9;
	s9 =	sadd.s32 s3, s25  }
0xa9: {  	s8 =	sxor.u32 $0x80000000, s25;
	p3 =	slt.s32 s29, s9;
	p4 =	sge.s32 s9, s6  }
0xaa: {  	s9 =	smov.u32 @p3 s29;
	p3 =	slt.s32 s8, $0x3B9ACA00;
	s8 =	smov.u32 s29  }
0xab: {  	s8 =	smov.u32 @p4 s9  }
0xac: {  	s3 =	sadd.s32 $0x10, s3;
	s29 =	smov.u32 @p3 s8;
	s28 =	spop (v2sf)  }
0xad: {  	s10 =	smov.u32 s29;
	s3 =	sadd.s32 s3, s28  }
0xae: {  	s9 =	sxor.u32 $0x80000000, s28;
	p3 =	slt.s32 s29, s3;
	s30 =	spop (v2sf)  }
0xaf: {  	p4 =	sge.s32 s3, s6;
	s3 =	smov.u32 @p3 s29;
	s8 =	sxor.u32 $0x80000000, s30  }
0xb0: {  	p3 =	slt.s32 s9, $0x3B9ACA00;
	s10 =	smov.u32 @p4 s3;
	s2 =	sadd.s32 s8, s2  }
0xb1: {  	s29 =	smov.u32 @p3 s10;
	s2 =	sadd.s32 $0xFE8, s2  }
0xb2: {  	p4 =	slt.s32 s29, s2  }
0xb3: {  	s3 =	smov.u32 s29;
	p3 =	sge.s32 s2, s6;
	s2 =	smov.u32 @p4 s29  }
0xb4: {  	p4 =	slt.s32 s8, $0x3B9ACA00;
	s3 =	smov.u32 @p3 s2  }
0xb5: {  	p3 =	sgt.s32 s0, $0x4D207;
	s29 =	smov.u32 @p4 s3  }
0xb6: {  	p4 =	seq.s32 @!p3 s29, $0x4E200  }
0xb7: {  	p4 =	por p3, !p4  }
.Ltmp5:
0xb8: {  	_ = 	snop;
	(pc) =	sbr.rel @!p4 .LBB2_4-.Ltmp5, $2  }
0xb9: {  	_ =	sdelay $0x2  }
0xba: {  	s0 =	smov.u32 s1  }
0xbb: {  	s29 =	smov.u32 @p3 s29  }
.LBB2_8:
0xbc: {  	s0 =	simm.s32 $0x0;
	s1 =	rddreg [dreg:$0x8]  }
0xbd: {  	[tilespmem:s12], [sflag:$0x5] =	stream.linear.gather [hbm4b:s1+s0], $0x800, $0x38;
	[tilespmem:$0x12D00] =	vst v63  }
0xbe: {  	_ =	swait.ge [sflag:s18], $0x800  }
0xbf: {  	[sflag:s18] =	ssyncset.done $0x0  }
0xc0: {  	s20 =	simm.s32 $0x0;
	[sflag:s18] =	ssyncadd.s32 $0xFFFFF800  }
0xc1: {  	v3 =	vld [tilespmem:s20+$0x10300]  }
0xc2: {  	v4 =	vld [tilespmem:s20+$0x10301];
	_ =	sdelay $0x4  }
0xc3: {  	vm0 =	veq.s32 v3, v4  }
0xc4: {  	v3 =	vsel vm0, $0xBB9ACA00, v1  }
0xc5: {  	(xrf0) =	vmin.scan.msk.u32 $0xffff, v3;
	_ =	sdelay $0x4  }
0xc6: {  	s21 =	simm.s32 $0x10  }
0xc7: {  	v4 =	vld [tilespmem:s21+$0x10300];
	v3, _, _ =	vpop (xrf0)  }
0xc8: {  	s22 =	simm.s32 $0x20;
	(v2sf) =	vpush v3, $0xF;
	v3 =	vld [tilespmem:s21+$0x10301]  }
0xc9: {  	v5 =	vld [tilespmem:s22+$0x10300]  }
0xca: {  	s23 =	simm.s32 $0x30;
	v6 =	vld [tilespmem:s22+$0x10301]  }
0xcb: {  	v7 =	vld [tilespmem:s23+$0x10300]  }
0xcc: {  	v8 =	vld [tilespmem:s23+$0x10301]  }
0xcd: {  	vm12 =	veq.s32 v4, v3  }
0xce: {  	v3 =	vsel vm12, $0xBB9ACA00, v1  }
0xcf: {  	(xrf0) =	vmin.scan.msk.u32 $0xffff, v3  }
0xd0: {  	vm13 =	veq.s32 v5, v6  }
0xd1: {  	vm14 =	veq.s32 v7, v8;
	v3 =	vsel vm13, $0xBB9ACA00, v1  }
0xd2: {  	v4 =	vsel vm14, $0xBB9ACA00, v1;
	(xrf0) =	vmin.scan.msk.u32 $0xffff, v3  }
0xd3: {  	(xrf0) =	vmin.scan.msk.u32 $0xffff, v4;
	_ =	sdelay $0x1  }
0xd4: {  	v4, _, _ =	vpop (xrf0)  }
0xd5: {  	(v2sf) =	vpush v4, $0xF;
	_ =	sdelay $0x1  }
0xd6: {  	s24 =	simm.s32 $0x40;
	v4, _, _ =	vpop (xrf0)  }
0xd7: {  	v5 =	vld [tilespmem:s24+$0x10301];
	s25 =	spop (v2sf);
	(v2sf) =	vpush v4, $0xF;
	v6, _, _ =	vpop (xrf0)  }
0xd8: {  	v3 =	vld [tilespmem:s24+$0x10300];
	(v2sf) =	vpush v6, $0xF;
	_ =	sdelay $0x3  }
0xd9: {  	s28 =	simm.s32 $0x50;
	s8 =	rddreg [dreg:$0xc]  }
0xda: {  	s30 =	simm.s32 $0x4E200;
	vm15 =	veq.s32 v3, v5;
	v3 =	vld [tilespmem:s28+$0x10300];
	s3 =	sadd.s32 s8, s25  }
0xdb: {  	s2 =	simm.s32 $0x4E200;
	s1 =	simm.s32 $0x180;
	v5 =	vsel vm15, $0xBB9ACA00, v1;
	v4 =	vld [tilespmem:s28+$0x10301];
	p3 =	sgt.s32 s3, $0x4E200  }
0xdc: {  	(xrf0) =	vmin.scan.msk.u32 $0xffff, v5;
	s0 =	sxor.u32 $0x80000000, s25;
	p4 =	sge.s32 s3, s7;
	s3 =	smov.u32 @p3 s30  }
0xdd: {  	p3 =	slt.s32 s0, $0x3B9ACA00;
	s0 =	smov.u32 s8;
	s2 =	smov.u32 @p4 s3  }
.LBB2_9:
0xde: {  	s3 =	sshra.s32 s1, $0x2  }
0xdf: {  	s30 =	smov.u32 @p3 s2;
	s0 =	sadd.s32 $0x10, s0;
	p4 =	sne.s32 s1, $0x1F80  }
.Ltmp6:
0xe0: {  	s1 =	sadd.s32 $0x40, s1;
	vm0 =	veq.s32 v3, v4;
	v3 =	vld [tilespmem:s3+$0x10300];
	s2 =	spop (v2sf);
	(pc) =	sbr.rel @p4 .LBB2_9-.Ltmp6, $4  }
0xe1: {  	v4 =	vld [tilespmem:s3+$0x10301];
	v6 =	vsel vm0, $0xBB9ACA00, v1;
	s3 =	sadd.s32 s0, s2  }
0xe2: {  	s2 =	sxor.u32 $0x80000000, s2;
	(xrf0) =	vmin.scan.msk.u32 $0xffff, v6;
	v5, _, _ =	vpop (xrf0);
	p3 =	slt.s32 s30, s3;
	p5 =	sge.s32 s3, s7  }
0xe3: {  	(v2sf) =	vpush v5, $0xF;
	s3 =	smov.u32 @p3 s30;
	p3 =	slt.s32 s2, $0x3B9ACA00;
	s2 =	smov.u32 s30  }
0xe4: {  	s2 =	smov.u32 @p5 s3  }
0xe5: {  	v5 =	vld [tilespmem:$0x10AEF]  }
0xe6: {  	v6 =	vld [tilespmem:$0x10AF0];
	_ =	sdelay $0x1  }
0xe7: {  	vm0 =	veq.s32 v3, v4  }
0xe8: {  	v3 =	vsel vm0, $0xBB9ACA00, v1  }
0xe9: {  	(xrf0) =	vmin.scan.msk.u32 $0xffff, v3  }
0xea: {  	vm15 =	veq.s32 v5, v6  }
0xeb: {  	v3, _, _ =	vpop (xrf0);
	v63 =	vsel vm15, $0xBB9ACA00, v1  }
0xec: {  	(v2sf) =	vpush v3, $0xF;
	(xrf0) =	vmin.scan.msk.u32 $0xffff, v63;
	_ =	sdelay $0x2  }
0xed: {  	s0 =	sadd.s32 $0x10, s0;
	s1 =	spop (v2sf);
	v3, _, _ =	vpop (xrf0)  }
0xee: {  	s30 =	smov.u32 @p3 s2;
	s2 =	sadd.s32 s0, s1;
	(v2sf) =	vpush v3, $0xF  }
0xef: {  	s1 =	sxor.u32 $0x80000000, s1;
	p3 =	slt.s32 s30, s2;
	p4 =	sge.s32 s2, s7  }
0xf0: {  	s2 =	smov.u32 @p3 s30;
	p3 =	slt.s32 s1, $0x3B9ACA00;
	s1 =	smov.u32 s30;
	v3, _, _ =	vpop (xrf0)  }
0xf1: {  	s0 =	sadd.s32 $0x10, s0;
	s19 =	spop (v2sf);
	s1 =	smov.u32 @p4 s2;
	(v2sf) =	vpush v3, $0xF  }
0xf2: {  	s30 =	smov.u32 @p3 s1;
	s1 =	sadd.s32 s0, s19  }
0xf3: {  	s2 =	sxor.u32 $0x80000000, s19;
	p3 =	slt.s32 s30, s1;
	p4 =	sge.s32 s1, s7  }
0xf4: {  	s1 =	smov.u32 @p3 s30;
	p3 =	slt.s32 s2, $0x3B9ACA00;
	s2 =	smov.u32 s30  }
0xf5: {  	s0 =	sadd.s32 $0x10, s0;
	s2 =	smov.u32 @p4 s1;
	s3 =	spop (v2sf)  }
0xf6: {  	s30 =	smov.u32 @p3 s2;
	s1 =	sadd.s32 s0, s3  }
0xf7: {  	s2 =	smov.u32 s30;
	s20 =	sxor.u32 $0x80000000, s3;
	p3 =	slt.s32 s30, s1  }
0xf8: {  	s0 =	sadd.s32 $0x10, s0;
	p4 =	sge.s32 s1, s7;
	s1 =	smov.u32 @p3 s30  }
0xf9: {  	p3 =	slt.s32 s20, $0x3B9ACA00;
	s2 =	smov.u32 @p4 s1;
	s21 =	spop (v2sf)  }
0xfa: {  	s30 =	smov.u32 @p3 s2;
	s2 =	sadd.s32 s0, s21  }
0xfb: {  	s1 =	sxor.u32 $0x80000000, s21;
	p3 =	slt.s32 s30, s2;
	p4 =	sge.s32 s2, s7  }
0xfc: {  	s2 =	smov.u32 @p3 s30;
	p3 =	slt.s32 s1, $0x3B9ACA00;
	s1 =	smov.u32 s30  }
0xfd: {  	s0 =	sadd.s32 $0x10, s0;
	s1 =	smov.u32 @p4 s2;
	s22 =	spop (v2sf)  }
0xfe: {  	s28 =	rddreg [dreg:$0x9];
	s30 =	smov.u32 @p3 s1;
	s0 =	sadd.s32 s0, s22  }
0xff: {  	s23 =	sxor.u32 $0x80000000, s22;
	p3 =	slt.s32 s30, s0;
	p4 =	sge.s32 s0, s7  }
0x100: {  	s2 =	smov.u32 s30;
	s0 =	smov.u32 @p3 s30;
	s24 =	spop (v2sf)  }
0x101: {  	p3 =	slt.s32 s23, $0x3B9ACA00;
	s2 =	smov.u32 @p4 s0;
	s25 =	sxor.u32 $0x80000000, s24  }
0x102: {  	s30 =	smov.u32 @p3 s2;
	s1 =	sadd.s32 s25, s28  }
0x103: {  	p4 =	slt.s32 s30, s1  }
0x104: {  	s2 =	smov.u32 s30;
	p3 =	sge.s32 s1, s7;
	s1 =	smov.u32 @p4 s30  }
0x105: {  	p4 =	slt.s32 s25, $0x3B9ACA00;
	s2 =	smov.u32 @p3 s1  }
0x106: {  	s30 =	smov.u32 @p4 s2  }
0x107: {  	p3 =	sne.s32 @!p2 s30, $0x4E200  }
0x108: {  	p3 =	por p2, p3  }
.Ltmp7:
0x109: {  	_ = 	snop;
	(pc) =	sbr.rel @p3 .LBB2_11-.Ltmp7, $3  }
0x10a: {  	_ =	sdelay $0x1  }
0x10b: {  	[dreg:$0xd] =	wrdreg s13  }
0x10c: {  	s0 =	rddreg [dreg:$0x5]  }
.LBB2_12:
0x10d: {  	p3 =	slt.s32 s0, $0x4D208;
	s2 =	smov.u32 s0  }
0x10e: {  	s2 =	simm.s32 @!p3 $0x4D208  }
0x10f: {  	s1 =	sadd.s32 $0x7F8, s2  }
0x110: {  	s3 =	sshrl.u32 s1, $0x3  }
0x111: {  	s8 =	simm.s32 $0x0;
	s3 =	sadd.s32 s31, s3  }
0x112: {  	[tilespmem:s12], [sflag:$0x5] =	stream.linear.gather [hbm4b:s3+s8], $0x800, $0x38;
	[tilespmem:$0x12D00] =	vst v63  }
0x113: {  	_ =	swait.ge [sflag:s18], $0x800  }
0x114: {  	[sflag:s18] =	ssyncset.done $0x0  }
0x115: {  	s21 =	simm.s32 $0x0;
	[sflag:s18] =	ssyncadd.s32 $0xFFFFF800  }
0x116: {  	v3 =	vld [tilespmem:s21+$0x10300]  }
0x117: {  	v4 =	vld [tilespmem:s21+$0x10301];
	_ =	sdelay $0x4  }
0x118: {  	vm0 =	veq.s32 v3, v4  }
0x119: {  	v3 =	vsel vm0, $0xBB9ACA00, v1  }
0x11a: {  	(xrf0) =	vmin.scan.msk.u32 $0xffff, v3;
	_ =	sdelay $0x4  }
0x11b: {  	s22 =	simm.s32 $0x10  }
0x11c: {  	v4 =	vld [tilespmem:s22+$0x10300];
	v3, _, _ =	vpop (xrf0)  }
0x11d: {  	s23 =	simm.s32 $0x20;
	(v2sf) =	vpush v3, $0xF;
	v3 =	vld [tilespmem:s22+$0x10301]  }
0x11e: {  	v5 =	vld [tilespmem:s23+$0x10300]  }
0x11f: {  	s24 =	simm.s32 $0x30;
	v6 =	vld [tilespmem:s23+$0x10301]  }
0x120: {  	v7 =	vld [tilespmem:s24+$0x10300]  }
0x121: {  	v8 =	vld [tilespmem:s24+$0x10301]  }
0x122: {  	vm12 =	veq.s32 v4, v3  }
0x123: {  	v3 =	vsel vm12, $0xBB9ACA00, v1  }
0x124: {  	(xrf0) =	vmin.scan.msk.u32 $0xffff, v3  }
0x125: {  	vm13 =	veq.s32 v5, v6  }
0x126: {  	vm14 =	veq.s32 v7, v8;
	v3 =	vsel vm13, $0xBB9ACA00, v1  }
0x127: {  	v4 =	vsel vm14, $0xBB9ACA00, v1;
	(xrf0) =	vmin.scan.msk.u32 $0xffff, v3  }
0x128: {  	(xrf0) =	vmin.scan.msk.u32 $0xffff, v4;
	_ =	sdelay $0x1  }
0x129: {  	v4, _, _ =	vpop (xrf0)  }
0x12a: {  	(v2sf) =	vpush v4, $0xF;
	_ =	sdelay $0x1  }
0x12b: {  	s25 =	simm.s32 $0x40;
	v4, _, _ =	vpop (xrf0)  }
0x12c: {  	v5 =	vld [tilespmem:s25+$0x10301];
	s28 =	spop (v2sf);
	(v2sf) =	vpush v4, $0xF;
	v6, _, _ =	vpop (xrf0)  }
0x12d: {  	v3 =	vld [tilespmem:s25+$0x10300];
	(v2sf) =	vpush v6, $0xF;
	_ =	sdelay $0x3  }
0x12e: {  	s11 =	simm.s32 $0x50;
	s3 =	sadd.s32 $0x800007F9, s2  }
0x12f: {  	vm15 =	veq.s32 v3, v5;
	v3 =	vld [tilespmem:s11+$0x10300];
	s10 =	sadd.s32 s3, s28  }
0x130: {  	s30 =	simm.s32 $0x4E200;
	s9 =	simm.s32 $0x4E200;
	v5 =	vsel vm15, $0xBB9ACA00, v1;
	v4 =	vld [tilespmem:s11+$0x10301];
	p3 =	sgt.s32 s10, $0x4E200  }
0x131: {  	(xrf0) =	vmin.scan.msk.u32 $0xffff, v5;
	s8 =	sxor.u32 $0x80000000, s28;
	p4 =	sge.s32 s10, s7;
	s10 =	smov.u32 @p3 s30  }
0x132: {  	p3 =	slt.s32 s8, $0x3B9ACA00;
	s8 =	simm.s32 $0x180;
	s9 =	smov.u32 @p4 s10  }
.LBB2_13:
0x133: {  	s10 =	sshra.s32 s8, $0x2  }
0x134: {  	s30 =	smov.u32 @p3 s9;
	s3 =	sadd.s32 $0x10, s3;
	p4 =	sne.s32 s8, $0x1F80  }
.Ltmp8:
0x135: {  	s8 =	sadd.s32 $0x40, s8;
	vm0 =	veq.s32 v3, v4;
	v3 =	vld [tilespmem:s10+$0x10300];
	s9 =	spop (v2sf);
	(pc) =	sbr.rel @p4 .LBB2_13-.Ltmp8, $4  }
0x136: {  	v4 =	vld [tilespmem:s10+$0x10301];
	v6 =	vsel vm0, $0xBB9ACA00, v1;
	s10 =	sadd.s32 s3, s9  }
0x137: {  	s9 =	sxor.u32 $0x80000000, s9;
	(xrf0) =	vmin.scan.msk.u32 $0xffff, v6;
	v5, _, _ =	vpop (xrf0);
	p3 =	slt.s32 s30, s10;
	p5 =	sge.s32 s10, s7  }
0x138: {  	(v2sf) =	vpush v5, $0xF;
	s10 =	smov.u32 @p3 s30;
	p3 =	slt.s32 s9, $0x3B9ACA00;
	s9 =	smov.u32 s30  }
0x139: {  	s9 =	smov.u32 @p5 s10  }
0x13a: {  	v5 =	vld [tilespmem:$0x10AEF]  }
0x13b: {  	v6 =	vld [tilespmem:$0x10AF0];
	_ =	sdelay $0x2  }
0x13c: {  	vm0 =	veq.s32 v3, v4  }
0x13d: {  	v3 =	vsel vm0, $0xBB9ACA00, v1  }
0x13e: {  	(xrf0) =	vmin.scan.msk.u32 $0xffff, v3;
	vm15 =	veq.s32 v5, v6  }
0x13f: {  	v63, _, _ =	vpop (xrf0);
	v3 =	vsel vm15, $0xBB9ACA00, v1  }
0x140: {  	(v2sf) =	vpush v63, $0xF;
	(xrf0) =	vmin.scan.msk.u32 $0xffff, v3;
	_ =	sdelay $0x2  }
0x141: {  	s3 =	sadd.s32 $0x10, s3;
	s8 =	spop (v2sf)  }
0x142: {  	s30 =	smov.u32 @p3 s9;
	s9 =	sadd.s32 s3, s8;
	v3, _, _ =	vpop (xrf0)  }
0x143: {  	s8 =	sxor.u32 $0x80000000, s8;
	p3 =	slt.s32 s30, s9;
	p4 =	sge.s32 s9, s7;
	(v2sf) =	vpush v3, $0xF  }
0x144: {  	s9 =	smov.u32 @p3 s30;
	p3 =	slt.s32 s8, $0x3B9ACA00;
	s8 =	smov.u32 s30;
	v3, _, _ =	vpop (xrf0)  }
0x145: {  	s10 =	spop (v2sf);
	s3 =	sadd.s32 $0x10, s3;
	s8 =	smov.u32 @p4 s9;
	(v2sf) =	vpush v3, $0xF  }
0x146: {  	s30 =	smov.u32 @p3 s8;
	s8 =	sadd.s32 s3, s10  }
0x147: {  	s21 =	sxor.u32 $0x80000000, s10;
	s3 =	sadd.s32 $0x10, s3;
	p3 =	slt.s32 s30, s8  }
0x148: {  	p4 =	sge.s32 s8, s7;
	s9 =	smov.u32 s30;
	s8 =	smov.u32 @p3 s30  }
0x149: {  	p3 =	slt.s32 s21, $0x3B9ACA00;
	s9 =	smov.u32 @p4 s8;
	s22 =	spop (v2sf)  }
0x14a: {  	s30 =	smov.u32 @p3 s9;
	s8 =	sadd.s32 s3, s22  }
0x14b: {  	s9 =	smov.u32 s30;
	s23 =	sxor.u32 $0x80000000, s22;
	p3 =	slt.s32 s30, s8  }
0x14c: {  	s3 =	sadd.s32 $0x10, s3;
	p4 =	sge.s32 s8, s7;
	s8 =	smov.u32 @p3 s30  }
0x14d: {  	p3 =	slt.s32 s23, $0x3B9ACA00;
	s9 =	smov.u32 @p4 s8;
	s24 =	spop (v2sf)  }
0x14e: {  	s30 =	smov.u32 @p3 s9;
	s9 =	sadd.s32 s3, s24  }
0x14f: {  	s8 =	sxor.u32 $0x80000000, s24;
	p3 =	slt.s32 s30, s9;
	p4 =	sge.s32 s9, s7  }
0x150: {  	s9 =	smov.u32 @p3 s30;
	p3 =	slt.s32 s8, $0x3B9ACA00;
	s8 =	smov.u32 s30  }
0x151: {  	s8 =	smov.u32 @p4 s9  }
0x152: {  	s3 =	sadd.s32 $0x10, s3;
	s30 =	smov.u32 @p3 s8;
	s25 =	spop (v2sf)  }
0x153: {  	s10 =	smov.u32 s30;
	s3 =	sadd.s32 s3, s25  }
0x154: {  	s9 =	sxor.u32 $0x80000000, s25;
	p3 =	slt.s32 s30, s3;
	s28 =	spop (v2sf)  }
0x155: {  	p4 =	sge.s32 s3, s7;
	s3 =	smov.u32 @p3 s30;
	s8 =	sxor.u32 $0x80000000, s28  }
0x156: {  	p3 =	slt.s32 s9, $0x3B9ACA00;
	s10 =	smov.u32 @p4 s3;
	s2 =	sadd.s32 s8, s2  }
0x157: {  	s30 =	smov.u32 @p3 s10;
	s2 =	sadd.s32 $0xFE8, s2  }
0x158: {  	p4 =	slt.s32 s30, s2  }
0x159: {  	s3 =	smov.u32 s30;
	p3 =	sge.s32 s2, s7;
	s2 =	smov.u32 @p4 s30  }
0x15a: {  	p4 =	slt.s32 s8, $0x3B9ACA00;
	s3 =	smov.u32 @p3 s2  }
0x15b: {  	p3 =	sgt.s32 s0, $0x4D207;
	s30 =	smov.u32 @p4 s3  }
0x15c: {  	p4 =	seq.s32 @!p3 s30, $0x4E200  }
0x15d: {  	p4 =	por p3, !p4  }
.Ltmp9:
0x15e: {  	_ = 	snop;
	(pc) =	sbr.rel @!p4 .LBB2_12-.Ltmp9, $2  }
0x15f: {  	_ =	sdelay $0x2  }
0x160: {  	s0 =	smov.u32 s1  }
.Ltmp10:
0x161: {  	(pc) =	sbr.rel .LBB2_16-.Ltmp10, $2  }
0x162: {  	_ =	sdelay $0x2  }
0x163: {  	s30 =	smov.u32 @p3 s30  }
.LBB2_11:
0x164: {  	s30 =	smov.u32 @p2 s30  }
.LBB2_16:
0x165: {  	s29 =	simm.s32 @p0 $0x0  }
0x166: {  	p3 =	slt.s32 s29, $0x4E1FF;
	s0 =	smov.u32 s29  }
0x167: {  	s0 =	simm.s32 @!p3 $0x4E1FF  }
0x168: {  	s1 =	sand.u32 $0x7, s0  }
0x169: {  	p3 =	slt.s32 s29, $0x1;
	s2 =	sshra.s32 s0, $0x1F;
	p4 =	sne.s32 s1, $0x0  }
0x16a: {  	s21 =	sshrl.u32 s2, $0x1D;
	p4 =	por !p3, !p4  }
0x16b: {  	s2 =	simm.s32 $0x1;
	s1 =	sadd.s32 s21, s0;
	p4 =	por !p4, !p4  }
0x16c: {  	s1 =	sshrl.u32 s1, $0x3;
	s2 =	simm.s32 @!p4 $0x0  }
0x16d: {  	s1 =	ssub.s32 s1, s2  }
0x16e: {  	s1 =	sshll.u32 s1, $0x3  }
0x16f: {  	p4 =	slt.s32 s1, $0x4E1F0  }
0x170: {  	s1 =	simm.s32 @!p4 $0x4E1F0  }
0x171: {  	s22 =	sshrl.u32 s1, $0x3  }
0x172: {  	s14 =	simm.s32 $0x0;
	s3 =	simm.s32 $0x10B00;
	s2 =	sadd.s32 s31, s22  }
0x173: {  	[tilespmem:s3], [sflag:$0x5] =	stream.linear.gather [hbm4b:s2+s14], $0x10, $0x38;
	[tilespmem:$0x12D00] =	vst v63  }
0x174: {  	_ =	swait.ge [sflag:s18], $0x10  }
0x175: {  	[sflag:s18] =	ssyncset.done $0x0  }
0x176: {  	s0 =	ssub.s32 s0, s1;
	[sflag:s18] =	ssyncadd.s32 $0xFFFFFFF0  }
0x177: {  	v3 =	vld [tilespmem:s0+$0x10B00];
	_ =	sdelay $0x4  }
0x178: {  	s30 =	simm.s32 @p1 $0x4E200;
	(v2sf) =	vpush v3, $0x0  }
0x179: {  	p4 =	slt.s32 s30, $0x4E1FF;
	s0 =	smov.u32 s30  }
0x17a: {  	s0 =	simm.s32 @!p4 $0x4E1FF  }
0x17b: {  	s23 =	sand.u32 $0x7, s0  }
0x17c: {  	p6 =	slt.s32 s30, $0x1;
	s24 =	sshra.s32 s0, $0x1F;
	p5 =	sne.s32 s23, $0x0  }
0x17d: {  	s25 =	sshrl.u32 s24, $0x1D;
	p4 =	por !p6, !p5  }
0x17e: {  	s2 =	simm.s32 $0x1;
	s1 =	sadd.s32 s25, s0;
	p4 =	por !p4, !p4  }
0x17f: {  	s1 =	sshrl.u32 s1, $0x3;
	s2 =	simm.s32 @!p4 $0x0  }
0x180: {  	s1 =	ssub.s32 s1, s2  }
0x181: {  	s1 =	sshll.u32 s1, $0x3  }
0x182: {  	s8 =	sand.u32 $0x7, s29;
	p4 =	slt.s32 s1, $0x4E1F0  }
0x183: {  	p6 =	sne.s32 s8, $0x0;
	s1 =	simm.s32 @!p4 $0x4E1F0  }
0x184: {  	s9 =	sshra.s32 s29, $0x1F;
	p3 =	por !p3, !p6;
	s28 =	sshrl.u32 s1, $0x3  }
0x185: {  	s10 =	sshrl.u32 s9, $0x1D;
	p3 =	por !p3, !p3;
	s2 =	sadd.s32 s31, s28  }
0x186: {  	[tilespmem:s3], [sflag:$0x5] =	stream.linear.gather [hbm4b:s2+s14], $0x10, $0x38;
	[tilespmem:$0x12D00] =	vst v63  }
0x187: {  	s2 =	sadd.s32 s10, s29;
	s3 =	simm.s32 $0x1;
	s20 =	spop (v2sf)  }
0x188: {  	s11 =	sshrl.u32 s2, $0x3;
	s3 =	simm.s32 @!p3 $0x0;
	_ =	swait.ge [sflag:s18], $0x10  }
0x189: {  	s12 =	ssub.s32 s11, s3;
	[sflag:s18] =	ssyncset.done $0x0  }
0x18a: {  	s0 =	ssub.s32 s0, s1;
	s8 =	sshll.u32 s12, $0x3;
	[sflag:s18] =	ssyncadd.s32 $0xFFFFFFF0  }
0x18b: {  	v3 =	vld [tilespmem:s0+$0x10B00];
	s0 =	ssub.s32 s30, s8  }
0x18c: {  	s0 =	sadd.s32 $0xFF, s0  }
0x18d: {  	s13 =	sand.u32 $0xFF, s0  }
0x18e: {  	s15 =	sshra.s32 s0, $0x1F;
	p5 =	slt.s32 s0, $0x1;
	p6 =	sne.s32 s13, $0x0  }
0x18f: {  	s16 =	sshrl.u32 s15, $0x18;
	p3 =	por !p5, !p6  }
0x190: {  	s1 =	simm.s32 $0x1;
	s0 =	sadd.s32 s16, s0;
	(v2sf) =	vpush v3, $0x0;
	p3 =	por !p3, !p3  }
0x191: {  	s0 =	sshra.s32 s0, $0x8;
	s1 =	simm.s32 @!p3 $0x0  }
0x192: {  	s0 =	ssub.s32 s0, s1  }
0x193: {  	s1 =	sadd.s32 $0x1, s0  }
0x194: {  	s17 =	sand.u32 $0x1, s1  }
0x195: {  	p5 =	slt.s32 s0, $0x0;
	p6 =	seq.s32 s17, $0x1  }
0x196: {  	s3 =	simm.s32 $0x1;
	s19 =	sshrl.u32 s1, $0x1F;
	p3 =	por !p5, !p6  }
0x197: {  	p4 =	slt.s32 s8, $0x4E100;
	s21 =	sadd.s32 s19, s1;
	p3 =	por !p3, !p3  }
0x198: {  	s2 =	smov.u32 s8;
	s0 =	sshra.s32 s21, $0x1;
	s3 =	simm.s32 @!p3 $0x0  }
0x199: {  	s2 =	simm.s32 @!p4 $0x4E100;
	p3 =	sgt.s32 s29, $0x4E1FF;
	s24 =	ssub.s32 s0, s3  }
0x19a: {  	s22 =	sshll.u32 s2, $0x4;
	s20 =	simm.s32 @p3 $0x2710;
	p3 =	slt.s32 s24, $0x1  }
.Ltmp11:
0x19b: {  	s23 =	sshrl.u32 s2, $0x3;
	s1 =	sadd.s32 s26, s22;
	(pc) =	sbr.rel @p3 .LBB2_17-.Ltmp11, $4  }
0x19c: {  	[tilespmem:s14], [sflag:$0x1] =	stream.linear.gather [hbm4b:s1+s14], $0x8000, $0x38;
	[tilespmem:$0x12D00] =	vst v63  }
0x19d: {  	s28 =	simm.s32 $0x8000;
	s25 =	sadd.s32 s31, s23  }
0x19e: {  	[tilespmem:s28], [sflag:$0x2] =	stream.linear.gather [hbm4b:s25+s14], $0x100, $0x38;
	[tilespmem:$0x12D00] =	vst v63  }
0x19f: {  	[dreg:$0xf] =	wrdreg s24;
	s20 =	simm.s32 @p0 $0x0;
	s2 =	spop (v2sf)  }
.Ltmp12:
0x1a0: {  	(pc) =	sbr.rel .LBB2_19-.Ltmp12, $4  }
0x1a1: {  	_ = 	snop  }
0x1a2: {  	v3 =	vimm.f32 $0.0e+00;
	v4 =	vimm.f32 $0.0e+00;
	s0 =	sadd.s32 $0x200, s8;
	s12 =	sadd.s32 $0x100, s8  }
0x1a3: {  	s16 =	simm.s32 $0xFFFFFFFF;
	v5 =	vimm.f32 $0.0e+00;
	v6 =	vimm.f32 $0.0e+00;
	v7 =	vimm.f32 $0.0e+00;
	s13 =	smov.u32 s8;
	[dreg:$0xe] =	wrdreg s8  }
0x1a4: {  	s14 =	simm.s32 $0x0;
	v8 =	vimm.f32 $0.0e+00;
	v9 =	vimm.f32 $0.0e+00;
	v10 =	vimm.f32 $0.0e+00;
	s28 =	simm.s32 $0x0;
	[dreg:$0x10] =	wrdreg s0  }
.LBB2_43:
0x1a5: {  	v10 =	vmov v17;
	v9 =	vmov v18;
	v8 =	vmov v15  }
0x1a6: {  	v7 =	vmovc v16;
	v6 =	vmovc v14;
	v5 =	vmov v13;
	v4 =	vmov v12;
	v3 =	vmov v11;
	s16 =	smov.u32 s15;
	s28 =	rddreg [dreg:$0x13]  }
.LBB2_61:
0x1a7: {  	s28 =	sadd.s32 $0x1, s28;
	s0 =	rddreg [dreg:$0xf]  }
0x1a8: {  	p3 =	sne.s32 s28, s0  }
.Ltmp13:
0x1a9: {  	_ = 	snop;
	(pc) =	sbr.rel @!p3 .LBB2_62-.Ltmp13, $4  }
0x1aa: {  	_ = 	snop  }
0x1ab: {  	s13 =	rddreg [dreg:$0x12]  }
0x1ac: {  	s12 =	rddreg [dreg:$0x11]  }
0x1ad: {  	s8 =	rddreg [dreg:$0xe];
	s13 =	sadd.s32 $0x200, s13;
	s12 =	sadd.s32 $0x200, s12  }
.LBB2_19:
0x1ae: {  	s17 =	sshll.u32 s28, $0x9  }
0x1af: {  	s1 =	sadd.s32 s17, s8  }
0x1b0: {  	[dreg:$0x13] =	wrdreg s28;
	s28 =	sadd.s32 $0x100, s1  }
0x1b1: {  	p3 =	slt.s32 s28, $0x4E100  }
0x1b2: {  	[dreg:$0x14] =	wrdreg s28;
	s28 =	simm.s32 @!p3 $0x4E100  }
0x1b3: {  	s0 =	simm.s32 $0x8180;
	s22 =	sshll.u32 s28, $0x4  }
0x1b4: {  	s10 =	simm.s32 $0x0;
	s23 =	sshrl.u32 s28, $0x3;
	s1 =	sadd.s32 s26, s22  }
0x1b5: {  	[tilespmem:s0], [sflag:$0x3] =	stream.linear.gather [hbm4b:s1+s10], $0x8000, $0x38;
	[tilespmem:$0x12D00] =	vst v63  }
0x1b6: {  	s24 =	simm.s32 $0x10180;
	s25 =	simm.s32 $0x1;
	s1 =	sadd.s32 s31, s23  }
0x1b7: {  	[tilespmem:s24], [sflag:$0x4] =	stream.linear.gather [hbm4b:s1+s10], $0x100, $0x38;
	[tilespmem:$0x12D00] =	vst v63  }
0x1b8: {  	_ =	swait.ge [sflag:s25], $0x8000  }
0x1b9: {  	[sflag:s25] =	ssyncset.done $0x0  }
0x1ba: {  	s26 =	simm.s32 $0x2;
	[sflag:s25] =	ssyncadd.s32 $0xFFFF8000  }
0x1bb: {  	_ =	swait.ge [sflag:s26], $0x100  }
0x1bc: {  	[sflag:s26] =	ssyncset.done $0x0  }
0x1bd: {  	s3 =	simm.s32 $0x8001;
	[sflag:s26] =	ssyncadd.s32 $0xFFFFFF00  }
0x1be: {  	v11 =	vld [tilespmem:s3+$0x0]  }
0x1bf: {  	v12 =	vld [tilespmem:s3+$0xFFFFFFFF];
	_ =	sdelay $0x4  }
0x1c0: {  	vm0 =	vne.s32 v12, v11  }
0x1c1: {  	v12 =	vmpcnt.ones.xlane vm0;
	_ =	sdelay $0x1  }
0x1c2: {  	(v2sf) =	vpush v12, $0x0;
	_ =	sdelay $0x2  }
0x1c3: {  	s11 =	smov.u32 s13  }
0x1c4: {  	p3 =	slt.s32 s12, $0x4E100;
	[dreg:$0x11] =	wrdreg s12;
	s3 =	smov.u32 s12  }
0x1c5: {  	[dreg:$0x12] =	wrdreg s13;
	s3 =	simm.s32 @!p3 $0x4E100;
	p3 =	slt.s32 s13, $0x4E100;
	v11 =	vadd.s32 s25, v0  }
0x1c6: {  	s9 =	ssub.s32 s29, s3;
	s11 =	simm.s32 @!p3 $0x4E100;
	[tilespmem:s10+$0x12B80] =	vst.msk vm0, v11;
	s10 =	simm.s32 $0x8011  }
0x1c7: {  	s19 =	ssub.s32 s12, s3;
	s3 =	simm.s32 $0x11;
	s21 =	ssub.s32 s29, s11;
	v11 =	vld [tilespmem:s10+$0x0]  }
0x1c8: {  	s1 =	ssub.s32 s13, s11;
	s13 =	simm.s32 $0x21;
	s11 =	simm.s32 $0x0;
	v12 =	vld [tilespmem:s10+$0xFFFFFFFF]  }
.LBB2_20:
0x1c9: {  	p3 =	sne.s32 s13, $0xF1;
	_ =	sdelay $0x3  }
0x1ca: {  	vm0 =	vne.s32 v12, v11  }
0x1cb: {  	v11 =	vmpcnt.ones.xlane vm0  }
0x1cc: {  	s15 =	spop (v2sf)  }
0x1cd: {  	v12 =	vadd.s32 s3, v0;
	s3 =	smov.u32 s13;
	(v2sf) =	vpush v11, $0x0;
	s11 =	sadd.s32 s11, s15  }
0x1ce: {  	[tilespmem:s11+$0x12B80] =	vst.msk vm0, v12;
	_ =	sdelay $0x2  }
.Ltmp14:
0x1cf: {  	(pc) =	sbr.rel @p3 .LBB2_20-.Ltmp14, $4  }
0x1d0: {  	_ = 	snop  }
0x1d1: {  	s10 =	sadd.s32 $0x10, s10  }
0x1d2: {  	v11 =	vld [tilespmem:s10+$0x0]  }
0x1d3: {  	s13 =	sadd.s32 $0x10, s13;
	v12 =	vld [tilespmem:s10+$0xFFFFFFFF]  }
0x1d4: {  	_ =	sdelay $0x3  }
0x1d5: {  	vm0 =	vne.s32 v12, v11  }
0x1d6: {  	v11 =	vmpcnt.ones.xlane vm0;
	_ =	sdelay $0x1  }
0x1d7: {  	(v2sf) =	vpush v11, $0x0;
	_ =	sdelay $0xd  }
0x1d8: {  	s10 =	spop (v2sf)  }
0x1d9: {  	s10 =	sadd.s32 s11, s10;
	s26 =	spop (v2sf)  }
0x1da: {  	s25 =	sadd.s32 s10, s26  }
0x1db: {  	p3 =	sgt.u32 s25, $0x7FFFFFFE  }
.Ltmp15:
0x1dc: {  	_ = 	snop;
	(pc) =	sbr.rel @p3 .LBB2_22-.Ltmp15, $3  }
0x1dd: {  	_ =	sdelay $0x1  }
0x1de: {  	v11 =	vadd.s32 s3, v0  }
0x1df: {  	[dreg:$0x15] =	wrdreg s17;
	[tilespmem:s10+$0x12B80] =	vst.msk vm0, v11  }
0x1e0: {  	s3 =	sadd.s32 s8, s17  }
0x1e1: {  	p3 =	slt.s32 s3, $0x4E100;
	s10 =	smov.u32 s3  }
.Ltmp16:
0x1e2: {  	s10 =	simm.s32 @!p3 $0x4E100;
	(pc) =	sbr.rel .LBB2_24-.Ltmp16, $4  }
0x1e3: {  	s11 =	ssub.s32 s29, s10;
	s26 =	ssub.s32 s3, s10  }
0x1e4: {  	s17 =	ssub.s32 s30, s10;
	p3 =	sgt.s32 s11, s26  }
0x1e5: {  	s26 =	smov.u32 @p3 s11;
	p3 =	slt.s32 s17, $0x100  }
0x1e6: {  	s24 =	simm.s32 $0x0;
	s11 =	simm.s32 $0x0;
	s17 =	simm.s32 @!p3 $0x100  }
.LBB2_25:
0x1e7: {  	v17 =	vmov v10;
	v18 =	vmov v9;
	v15 =	vmov v8  }
0x1e8: {  	v16 =	vmovc v7;
	v14 =	vmovc v6;
	v13 =	vmov v5;
	v12 =	vmov v4;
	v11 =	vmov v3;
	s15 =	smov.u32 s16  }
.LBB2_39:
0x1e9: {  	p3 =	sne.s32 s11, s25  }
.Ltmp17:
0x1ea: {  	_ = 	snop;
	(pc) =	sbr.rel @!p3 .LBB2_40-.Ltmp17, $3  }
0x1eb: {  	_ =	sdelay $0x1  }
0x1ec: {  	s3 =	sadd.s32 $0x1, s11;
	v3 =	vmov v11;
	v4 =	vmov v12;
	v5 =	vmov v13  }
0x1ed: {  	s16 =	smov.u32 s15;
	v6 =	vmovc v14;
	v7 =	vmovc v16;
	v8 =	vmov v15;
	v9 =	vmov v18;
	v10 =	vmov v17;
	s11 =	smov.u32 s3  }
.LBB2_24:
0x1ee: {  	v11 =	vld [tilespmem:s11+$0x12B80];
	_ =	sdelay $0x4  }
0x1ef: {  	(v2sf) =	vpush v11, $0x0;
	_ =	sdelay $0xd  }
0x1f0: {  	s3 =	smov.u32 s24  }
0x1f1: {  	p3 =	slt.s32 s11, s25;
	s24 =	smov.u32 s17;
	s10 =	spop (v2sf)  }
0x1f2: {  	s15 =	smov.u32 s17;
	s24 =	smov.u32 @p3 s10  }
0x1f3: {  	p3 =	sgt.s32 s3, s26;
	s10 =	smov.u32 s26;
	p4 =	slt.s32 s24, s17  }
0x1f4: {  	s10 =	smov.u32 @p3 s3;
	s15 =	smov.u32 @p4 s24  }
0x1f5: {  	p3 =	sle.s32 s15, s10  }
.Ltmp18:
0x1f6: {  	_ = 	snop;
	(pc) =	sbr.rel @p3 .LBB2_25-.Ltmp18, $1  }
0x1f7: {  	_ =	sdelay $0x3  }
0x1f8: {  	p3 =	sgt.s32 s3, s21;
	s13 =	smov.u32 s21  }
0x1f9: {  	s13 =	smov.u32 @p3 s3  }
0x1fa: {  	s3 =	smov.u32 s1;
	p3 =	sgt.s32 s13, s1  }
0x1fb: {  	s3 =	smov.u32 @p3 s13  }
0x1fc: {  	s3 =	sshll.u32 s3, $0x9  }
0x1fd: {  	s3 =	sshra.s32 s3, $0x2  }
0x1fe: {  	s23 =	sor.u32 $0x40, s3  }
0x1ff: {  	v11 =	vld [tilespmem:s23+$0x30]  }
0x200: {  	v12 =	vld [tilespmem:s23+$0xFFFFFFD0]  }
0x201: {  	v13 =	vld [tilespmem:s23+$0xFFFFFFE0]  }
0x202: {  	v14 =	vld [tilespmem:s23+$0xFFFFFFF0]  }
0x203: {  	v15 =	vld [tilespmem:s23+$0x0]  }
0x204: {  	v16 =	vld [tilespmem:s23+$0x10]  }
0x205: {  	v18 =	vld [tilespmem:s23+$0x20]  }
0x206: {  	v19 =	vld [tilespmem:s23+$0xFFFFFFC0]  }
0x207: {  	v11 =	vmul.f32 $1.000000000e+02, v11;
	v17 =	vmul.f32 $1.000000000e+02, v12  }
0x208: {  	s3 =	sadd.s32 $0x1, s10;
	v13 =	vmul.f32 $1.000000000e+02, v13;
	v14 =	vmul.f32 $1.000000000e+02, v14  }
0x209: {  	p4 =	slt.s32 s3, s15;
	v12 =	vimm.f32 $0.0e+00;
	v15 =	vmul.f32 $1.000000000e+02, v15;
	v16 =	vmul.f32 $1.000000000e+02, v16  }
.Ltmp19:
0x20a: {  	v63 =	vmul.f32 $1.000000000e+02, v18;
	v11 =	vadd.f32 $-4.436141970e+01, v11;
	v17 =	vadd.f32 $-4.436141970e+01, v17;
	(pc) =	sbr.rel @!p4 .LBB2_27-.Ltmp19, $4  }
0x20b: {  	v31 =	vmul.f32 $1.000000000e+02, v19;
	v13 =	vadd.f32 $-4.436141970e+01, v13;
	v14 =	vadd.f32 $-4.436141970e+01, v14  }
0x20c: {  	v15 =	vadd.f32 $-4.436141970e+01, v15;
	v11 =	vmul.f32 $1.442695020e+00, v11;
	v21 =	vmul.f32 $1.442695020e+00, v17  }
0x20d: {  	v29 =	vadd.f32 $-4.436141970e+01, v16;
	v27 =	vmul.f32 $1.442695020e+00, v13;
	v25 =	vmul.f32 $1.442695020e+00, v14  }
0x20e: {  	p3 =	por $0x0, $0x0;
	s13 =	sadd.s32 $0x80, s23;
	v30 =	vadd.f32 $-4.436141970e+01, v63;
	v24 =	vmul.f32 $1.442695020e+00, v15;
	(erf) = vpow2.f32 v11;
	v11 =	vld [tilespmem:s10+$0x8000]  }
0x20f: {  	v13 =	vld [tilespmem:s13+$0x30]  }
0x210: {  	v15 =	vld [tilespmem:s13+$0xFFFFFFD0]  }
0x211: {  	v14 =	vadd.f32 $-4.436141970e+01, v31;
	(erf) = vpow2.f32 v21;
	v16 =	vmul.f32 $1.442695020e+00, v29;
	v17 =	vld [tilespmem:s13+$0xFFFFFFE0]  }
0x212: {  	v18 =	vld [tilespmem:s13+$0xFFFFFFF0];
	(erf) = vpow2.f32 v27;
	v19 =	vmul.f32 $1.442695020e+00, v30  }
0x213: {  	v20 =	vld [tilespmem:s13+$0x0];
	v14 =	vmul.f32 $1.442695020e+00, v14;
	(erf) = vpow2.f32 v25  }
0x214: {  	(erf) = vpow2.f32 v24;
	v13 =	vmul.f32 $1.000000000e+02, v13  }
0x215: {  	(erf) = vpow2.f32 v14;
	v14 =	vld [tilespmem:s13+$0x10];
	v15 =	vmul.f32 $1.000000000e+02, v15  }
0x216: {  	(erf) = vpow2.f32 v16;
	v16 =	vld [tilespmem:s13+$0x20];
	v17 =	vmul.f32 $1.000000000e+02, v17;
	v22 =	vadd.f32 $-4.436141970e+01, v13  }
0x217: {  	v18 =	vmul.f32 $1.000000000e+02, v18;
	(erf) = vpow2.f32 v19;
	v19 =	vld [tilespmem:s13+$0xFFFFFFC0];
	v15 =	vadd.f32 $-4.436141970e+01, v15  }
0x218: {  	v20 =	vmul.f32 $1.000000000e+02, v20;
	v21 =	vpop (erf);
	v23 =	vmul.f32 $1.442695020e+00, v22  }
0x219: {  	s10 =	sadd.s32 $0x1, s3;
	v17 =	vadd.f32 $-4.436141970e+01, v17;
	v13 =	vadd.f32 v21, v12;
	v21 =	vmul.f32 $1.442695020e+00, v15  }
0x21a: {  	p4 =	slt.s32 s10, s15;
	v15 =	vadd.f32 $-4.436141970e+01, v18;
	v14 =	vmul.f32 $1.000000000e+02, v14;
	v18 =	vadd.f32 $-4.436141970e+01, v20  }
.Ltmp20:
0x21b: {  	v27 =	vmul.f32 $1.442695020e+00, v17;
	v17 =	vimm.f32 $0.0e+00;
	v16 =	vmul.f32 $1.000000000e+02, v16;
	v22 =	vpop (erf);
	(pc) =	sbr.rel @!p4 .LBB2_29-.Ltmp20, $4  }
0x21c: {  	v20 =	vimm.f32 $0.0e+00;
	(erf) = vpow2.f32 v23;
	v31 =	vmul.f32 $1.000000000e+02, v19;
	v23 =	vpop (erf)  }
0x21d: {  	v29 =	vadd.f32 $-4.436141970e+01, v14;
	v25 =	vmul.f32 $1.442695020e+00, v15;
	v24 =	vmul.f32 $1.442695020e+00, v18;
	v26 =	vpop (erf)  }
0x21e: {  	v14 =	vimm.f32 $0.0e+00;
	v15 =	vimm.f32 $0.0e+00;
	v18 =	vimm.f32 $0.0e+00;
	v28 =	vpop (erf)  }
0x21f: {  	s3 =	sadd.s32 $0x80, s13;
	p3 =	por $0x1, $0x1;
	v19 =	vimm.f32 $0.0e+00;
	v30 =	vadd.f32 $-4.436141970e+01, v16;
	v16 =	vimm.f32 $0.0e+00;
	v32 =	vpop (erf)  }
.LBB2_30:
0x220: {  	v33 =	vld [tilespmem:s3+$0x30];
	s10 =	sadd.s32 $0x1, s10;
	v31 =	vadd.f32 $-4.436141970e+01, v31;
	v29 =	vmul.f32 $1.442695020e+00, v29;
	(erf) = vpow2.f32 v21;
	v21 =	vpop (erf)  }
0x221: {  	v14 =	vadd.f32 v32, v14;
	v34 =	vld [tilespmem:s3+$0xFFFFFFD0];
	p4 =	slt.s32 s10, s15;
	v30 =	vmul.f32 $1.442695020e+00, v30;
	(erf) = vpow2.f32 v27;
	v27 =	vpop (erf)  }
0x222: {  	v15 =	vadd.f32 v22, v15;
	v32 =	vld [tilespmem:s3+$0xFFFFFFE0];
	v31 =	vmul.f32 $1.442695020e+00, v31;
	(erf) = vpow2.f32 v25  }
0x223: {  	v16 =	vadd.f32 v23, v16;
	v17 =	vadd.f32 v26, v17;
	v22 =	vld [tilespmem:s3+$0xFFFFFFF0];
	(erf) = vpow2.f32 v24  }
0x224: {  	v18 =	vadd.f32 v28, v18;
	v19 =	vadd.f32 v21, v19;
	v23 =	vld [tilespmem:s3+$0x0];
	(erf) = vpow2.f32 v31  }
0x225: {  	v20 =	vadd.f32 v27, v20;
	v24 =	vld [tilespmem:s3+$0x10];
	v21 =	vmul.f32 $1.000000000e+02, v33;
	(erf) = vpow2.f32 v29  }
0x226: {  	v25 =	vmul.f32 $1.000000000e+02, v34;
	v26 =	vld [tilespmem:s3+$0x20];
	(erf) = vpow2.f32 v30;
	v27 =	vpop (erf)  }
0x227: {  	v28 =	vld [tilespmem:s3+$0xFFFFFFC0];
	v29 =	vmul.f32 $1.000000000e+02, v32;
	v21 =	vadd.f32 $-4.436141970e+01, v21;
	v13 =	vadd.f32 v27, v13  }
0x228: {  	v25 =	vadd.f32 $-4.436141970e+01, v25;
	v27 =	vmul.f32 $1.000000000e+02, v22  }
.Ltmp21:
0x229: {  	v29 =	vadd.f32 $-4.436141970e+01, v29;
	v30 =	vmul.f32 $1.000000000e+02, v23;
	v31 =	vmul.f32 $1.442695020e+00, v21;
	v22 =	vpop (erf);
	(pc) =	sbr.rel @p4 .LBB2_30-.Ltmp21, $4  }
0x22a: {  	v21 =	vmul.f32 $1.442695020e+00, v25;
	v25 =	vadd.f32 $-4.436141970e+01, v27;
	v24 =	vmul.f32 $1.000000000e+02, v24;
	v23 =	vpop (erf)  }
0x22b: {  	v30 =	vadd.f32 $-4.436141970e+01, v30;
	v33 =	vmul.f32 $1.000000000e+02, v26;
	(erf) = vpow2.f32 v31;
	v26 =	vpop (erf)  }
0x22c: {  	v27 =	vmul.f32 $1.442695020e+00, v29;
	v31 =	vmul.f32 $1.000000000e+02, v28;
	v29 =	vadd.f32 $-4.436141970e+01, v24;
	v28 =	vpop (erf)  }
0x22d: {  	s3 =	sadd.s32 $0x80, s3;
	v25 =	vmul.f32 $1.442695020e+00, v25;
	v24 =	vmul.f32 $1.442695020e+00, v30;
	v30 =	vadd.f32 $-4.436141970e+01, v33;
	v32 =	vpop (erf)  }
.LBB2_31:
0x22e: {  	(v2sf) =	vpush v11, $0x0;
	_ =	sdelay $0x4  }
0x22f: {  	v31 =	vadd.f32 $-4.436141970e+01, v31;
	(erf) = vpow2.f32 v21  }
0x230: {  	(erf) = vpow2.f32 v27  }
0x231: {  	v11 =	vmul.f32 $1.442695020e+00, v31;
	(erf) = vpow2.f32 v25  }
0x232: {  	v56 =	vmul.f32 $1.442695020e+00, v29;
	(erf) = vpow2.f32 v24  }
0x233: {  	(erf) = vpow2.f32 v11;
	v11 =	vmul.f32 $1.442695020e+00, v30  }
0x234: {  	v24 =	vpop @p3 (erf);
	(erf) = vpow2.f32 v56  }
0x235: {  	v14 =	vadd.f32 @p3 v32, v14;
	v21 =	vpop @p3 (erf);
	(erf) = vpow2.f32 v11  }
0x236: {  	v15 =	vadd.f32 @p3 v22, v15;
	v16 =	vadd.f32 @p3 v23, v16  }
0x237: {  	v17 =	vadd.f32 @p3 v26, v17;
	v18 =	vadd.f32 @p3 v28, v18;
	v11 =	vpop (erf)  }
0x238: {  	v14 =	vpsel p3, v14, v12;
	v19 =	vadd.f32 @p3 v24, v19;
	v20 =	vadd.f32 @p3 v21, v20;
	v57 =	vpop (erf)  }
0x239: {  	v15 =	vpsel p3, v15, v12;
	v16 =	vpsel p3, v16, v12;
	v61 =	vpsel p3, v17, v12;
	v58 =	vpop (erf);
	s15 =	spop (v2sf)  }
0x23a: {  	v62 =	vpsel p3, v18, v12;
	v19 =	vpsel p3, v19, v12;
	v12 =	vpsel p3, v20, v12;
	v59 =	vpop (erf);
	p3 =	sne.s32 s15, s16  }
.Ltmp22:
0x23b: {  	v11 =	vadd.f32 v11, v13;
	v13 =	vpop (erf);
	(pc) =	sbr.rel @p3 .LBB2_33-.Ltmp22, $4  }
0x23c: {  	v18 =	vadd.f32 v57, v15;
	v60 =	vpop (erf)  }
0x23d: {  	v15 =	vadd.f32 v58, v16;
	v16 =	vadd.f32 v59, v61;
	v63 =	vpop (erf)  }
0x23e: {  	v17 =	vadd.f32 v60, v14;
	v14 =	vadd.f32 v13, v62;
	v20 =	vpop (erf)  }
0x23f: {  	v13 =	vadd.f32 v63, v19;
	v12 =	vadd.f32 v20, v12  }
.Ltmp23:
0x240: {  	(pc) =	sbr.rel .LBB2_39-.Ltmp23, $4  }
0x241: {  	v17 =	vadd.f32 v17, v10;
	v18 =	vadd.f32 v18, v9  }
0x242: {  	v15 =	vadd.f32 v15, v8;
	v16 =	vadd.f32 v16, v7  }
0x243: {  	v14 =	vadd.f32 v14, v6;
	v11 =	vadd.f32 v11, v3  }
0x244: {  	s15 =	smov.u32 s16;
	v13 =	vadd.f32 v13, v5;
	v12 =	vadd.f32 v12, v4  }
.LBB2_33:
0x245: {  	p3 =	slt.s32 s16, $0x0  }
.Ltmp24:
0x246: {  	_ = 	snop;
	(pc) =	sbr.rel @p3 .LBB2_39-.Ltmp24, $1  }
0x247: {  	_ =	sdelay $0x3  }
0x248: {  	s3 =	sadd.s32 s14, s20  }
0x249: {  	p3 =	sge.s32 s3, s16  }
.Ltmp25:
0x24a: {  	_ = 	snop;
	(pc) =	sbr.rel @p3 .LBB2_38-.Ltmp25, $1  }
0x24b: {  	_ =	sdelay $0x3  }
0x24c: {  	s0 =	smov.u32 s31;
	s31 =	sadd.s32 $0x1, s14  }
0x24d: {  	p3 =	sne.s32 s31, $0x40  }
0x24e: {  	p4 =	seq.s32 s31, $0x40;
	s3 =	sadd.s32 @!p3 $0x40, s20  }
0x24f: {  	s31 =	simm.s32 @p4 $0x0;
	s3 =	smov.u32 @p3 s20  }
0x250: {  	s23 =	sadd.s32 s31, s3  }
0x251: {  	p4 =	slt.s32 s23, s16  }
.Ltmp26:
0x252: {  	_ = 	snop;
	(pc) =	sbr.rel @!p4 .LBB2_37-.Ltmp26, $4  }
0x253: {  	s10 =	sshll.u32 s14, $0x9  }
0x254: {  	s13 =	sshra.s32 s10, $0x2;
	s14 =	sshll.u32 @!p3 s20, $0x4  }
0x255: {  	[tilespmem:s13+$0x10BF0] =	vst v2;
	s14 =	sand.u32 @!p3 $0x1FFFFFF0, s14;
	s20 =	simm.s32 @!p3 $0x10B80  }
0x256: {  	[tilespmem:s13+$0x10BE0] =	vst v2;
	s10 =	sadd.s32 @!p3 s4, s14;
	p3 =	por p3, p3;
	s14 =	smov.u32 s31  }
.LBB2_36:
0x257: {  	s22 =	smov.u32 s3  }
0x258: {  	[tilespmem:s13+$0x10BD0] =	vst v2  }
0x259: {  	[tilespmem:s13+$0x10BC0] =	vst v2  }
0x25a: {  	s14 =	sadd.s32 $0x1, s31;
	s23 =	simm.s32 @!p3 $0x0;
	[tilespmem:s13+$0x10BB0] =	vst v2  }
0x25b: {  	s8 =	simm.s32 @!p3 $0x5;
	s31 =	sshll.u32 s31, $0x9;
	p4 =	sne.s32 s14, $0x40;
	[tilespmem:s13+$0x10BA0] =	vst v2  }
0x25c: {  	p5 =	seq.s32 s14, $0x40;
	s12 =	sshll.u32 @!p4 s3, $0x4;
	s3 =	sadd.s32 @!p4 $0x40, s3;
	[tilespmem:s13+$0x10B80] =	vst v2  }
0x25d: {  	s14 =	simm.s32 @p5 $0x0;
	s3 =	smov.u32 @p4 s22;
	[tilespmem:s13+$0x10B90] =	vst v2  }
0x25e: {  	[hbm4b:s10+s23] =	stream.linear.scatter @!p3 [tilespmem:s20], [sflag:$0x5], $0x2000, $0x38;
	[tilespmem:$0x12D00] =	vst v63  }
0x25f: {  	s10 =	sand.u32 @!p4 $0x1FFFFFF0, s12;
	s12 =	sadd.s32 s14, s3  }
0x260: {  	p5 =	slt.s32 s12, s16  }
.Ltmp27:
0x261: {  	_ =	swait.ge @!p3 [sflag:s8], $0x2000;
	(pc) =	sbr.rel @p5 .LBB2_36-.Ltmp27, $4  }
0x262: {  	s20 =	simm.s32 @!p4 $0x10B80;
	s10 =	sadd.s32 @!p4 s4, s10;
	[sflag:s8] =	ssyncset.done @!p3 $0x0  }
0x263: {  	s13 =	sshra.s32 s31, $0x2;
	[sflag:s8] =	ssyncadd.s32 @!p3 $0xFFFFE000  }
0x264: {  	p3 =	por p4, p4;
	[tilespmem:s13+$0x10BF0] =	vst v2  }
0x265: {  	s31 =	smov.u32 s14;
	[tilespmem:s13+$0x10BE0] =	vst v2  }
.LBB2_37:
0x266: {  	[tilespmem:s13+$0x10BD0] =	vst v2  }
0x267: {  	[tilespmem:s13+$0x10BC0] =	vst v2  }
0x268: {  	[tilespmem:s13+$0x10BB0] =	vst v2  }
0x269: {  	[tilespmem:s13+$0x10BA0] =	vst v2  }
0x26a: {  	[tilespmem:s13+$0x10B80] =	vst v2  }
0x26b: {  	s8 =	simm.s32 @!p3 $0x0;
	s12 =	simm.s32 @!p3 $0x5;
	[tilespmem:s13+$0x10B90] =	vst v2  }
0x26c: {  	[hbm4b:s10+s8] =	stream.linear.scatter @!p3 [tilespmem:s20], [sflag:$0x5], $0x2000, $0x38;
	[tilespmem:$0x12D00] =	vst v63  }
0x26d: {  	_ =	swait.ge @!p3 [sflag:s12], $0x2000  }
0x26e: {  	[sflag:s12] =	ssyncset.done @!p3 $0x0  }
0x26f: {  	s31 =	smov.u32 s0;
	s20 =	smov.u32 s3;
	[sflag:s12] =	ssyncadd.s32 @!p3 $0xFFFFE000  }
.LBB2_38:
0x270: {  	s3 =	sshll.u32 s14, $0x9  }
0x271: {  	s3 =	sshra.s32 s3, $0x2  }
0x272: {  	[tilespmem:s3+$0x10B80] =	vst v10  }
0x273: {  	[tilespmem:s3+$0x10B90] =	vst v9  }
0x274: {  	[tilespmem:s3+$0x10BA0] =	vst v8  }
0x275: {  	s14 =	sadd.s32 $0x1, s14;
	[tilespmem:s3+$0x10BB0] =	vst v7  }
0x276: {  	p3 =	sne.s32 s14, $0x40;
	[tilespmem:s3+$0x10BC0] =	vst v6  }
0x277: {  	[tilespmem:s3+$0x10BD0] =	vst v5;
	s8 =	sshll.u32 @!p3 s20, $0x4  }
0x278: {  	[tilespmem:s3+$0x10BE0] =	vst v4;
	s8 =	sand.u32 @!p3 $0x1FFFFFF0, s8  }
0x279: {  	[tilespmem:s3+$0x10BF0] =	vst v3;
	s10 =	simm.s32 @!p3 $0x10B80;
	s3 =	sadd.s32 @!p3 s4, s8;
	s8 =	simm.s32 @!p3 $0x0  }
0x27a: {  	[hbm4b:s3+s8] =	stream.linear.scatter @!p3 [tilespmem:s10], [sflag:$0x5], $0x2000, $0x38;
	[tilespmem:$0x12D00] =	vst v63  }
.Ltmp28:
0x27b: {  	_ = 	snop;
	(pc) =	sbr.rel .LBB2_39-.Ltmp28, $4  }
0x27c: {  	s3 =	simm.s32 @!p3 $0x5  }
0x27d: {  	s8 =	sadd.s32 @!p3 $0x40, s20;
	_ =	swait.ge @!p3 [sflag:s3], $0x2000  }
0x27e: {  	s8 =	smov.u32 @p3 s20;
	[sflag:s3] =	ssyncset.done @!p3 $0x0  }
0x27f: {  	s14 =	simm.s32 @!p3 $0x0;
	s20 =	smov.u32 s8;
	[sflag:s3] =	ssyncadd.s32 @!p3 $0xFFFFE000  }
.LBB2_27:
.Ltmp29:
0x280: {  	(pc) =	sbr.rel .LBB2_31-.Ltmp29, $4  }
0x281: {  	_ = 	snop  }
0x282: {  	v14 =	vimm.f32 $0.0e+00;
	v15 =	vimm.f32 $0.0e+00  }
0x283: {  	v16 =	vimm.f32 $0.0e+00;
	v17 =	vimm.f32 $0.0e+00;
	v18 =	vimm.f32 $0.0e+00  }
0x284: {  	v19 =	vimm.f32 $0.0e+00;
	v20 =	vimm.f32 $0.0e+00;
	v13 =	vimm.f32 $0.0e+00  }
.LBB2_29:
.Ltmp30:
0x285: {  	(pc) =	sbr.rel .LBB2_31-.Ltmp30, $4  }
0x286: {  	_ = 	snop  }
0x287: {  	v14 =	vimm.f32 $0.0e+00  }
0x288: {  	v15 =	vimm.f32 $0.0e+00;
	v16 =	vimm.f32 $0.0e+00;
	v17 =	vimm.f32 $0.0e+00  }
0x289: {  	v18 =	vimm.f32 $0.0e+00;
	v19 =	vimm.f32 $0.0e+00;
	v20 =	vimm.f32 $0.0e+00  }
.LBB2_22:
0x28a: {  	v17 =	vmov v10;
	v18 =	vmov v9;
	v15 =	vmov v8  }
0x28b: {  	v16 =	vmovc v7;
	v14 =	vmovc v6;
	v13 =	vmov v5;
	v12 =	vmov v4;
	v11 =	vmov v3;
	s15 =	smov.u32 s16  }
.LBB2_40:
0x28c: {  	s0 =	rddreg [dreg:$0x10]  }
0x28d: {  	s1 =	rddreg [dreg:$0x15]  }
0x28e: {  	s3 =	sadd.s32 s1, s0  }
0x28f: {  	p3 =	slt.s32 s3, $0x4E100  }
0x290: {  	s3 =	simm.s32 @!p3 $0x4E100  }
0x291: {  	s26 =	rddreg [dreg:$0x0];
	s17 =	sshll.u32 s3, $0x4  }
0x292: {  	s1 =	simm.s32 $0x0;
	s3 =	sshrl.u32 s3, $0x3;
	s8 =	sadd.s32 s26, s17  }
0x293: {  	[tilespmem:s1], [sflag:$0x1] =	stream.linear.gather [hbm4b:s8+s1], $0x8000, $0x38;
	[tilespmem:$0x12D00] =	vst v63  }
0x294: {  	s21 =	simm.s32 $0x8000;
	s22 =	simm.s32 $0x3;
	s3 =	sadd.s32 s31, s3  }
0x295: {  	[tilespmem:s21], [sflag:$0x2] =	stream.linear.gather [hbm4b:s3+s1], $0x100, $0x38;
	[tilespmem:$0x12D00] =	vst v63  }
0x296: {  	_ =	swait.ge [sflag:s22], $0x8000  }
0x297: {  	[sflag:s22] =	ssyncset.done $0x0  }
0x298: {  	s23 =	simm.s32 $0x4;
	[sflag:s22] =	ssyncadd.s32 $0xFFFF8000  }
0x299: {  	_ =	swait.ge [sflag:s23], $0x100  }
0x29a: {  	[sflag:s23] =	ssyncset.done $0x0  }
0x29b: {  	s24 =	simm.s32 $0x10181;
	[sflag:s23] =	ssyncadd.s32 $0xFFFFFF00  }
0x29c: {  	v3 =	vld [tilespmem:s24+$0x0]  }
0x29d: {  	v4 =	vld [tilespmem:s24+$0xFFFFFFFF];
	_ =	sdelay $0x4  }
0x29e: {  	vm0 =	vne.s32 v4, v3  }
0x29f: {  	v4 =	vmpcnt.ones.xlane vm0;
	_ =	sdelay $0x1  }
0x2a0: {  	(v2sf) =	vpush v4, $0x0;
	_ =	sdelay $0x3  }
0x2a1: {  	s25 =	simm.s32 $0x1  }
0x2a2: {  	v3 =	vadd.s32 s25, v0  }
0x2a3: {  	s10 =	simm.s32 $0x10191;
	[tilespmem:s1+$0x12B80] =	vst.msk vm0, v3  }
0x2a4: {  	v3 =	vld [tilespmem:s10+$0x0]  }
0x2a5: {  	s11 =	simm.s32 $0x21;
	s3 =	simm.s32 $0x11;
	v4 =	vld [tilespmem:s10+$0xFFFFFFFF]  }
.LBB2_41:
0x2a6: {  	p3 =	sne.s32 s11, $0xF1;
	_ =	sdelay $0x3  }
0x2a7: {  	vm0 =	vne.s32 v4, v3  }
0x2a8: {  	v3 =	vmpcnt.ones.xlane vm0  }
0x2a9: {  	s8 =	spop (v2sf)  }
0x2aa: {  	v4 =	vadd.s32 s3, v0;
	s3 =	smov.u32 s11;
	(v2sf) =	vpush v3, $0x0;
	s1 =	sadd.s32 s1, s8  }
0x2ab: {  	[tilespmem:s1+$0x12B80] =	vst.msk vm0, v4;
	_ =	sdelay $0x2  }
.Ltmp31:
0x2ac: {  	(pc) =	sbr.rel @p3 .LBB2_41-.Ltmp31, $4  }
0x2ad: {  	_ = 	snop  }
0x2ae: {  	s10 =	sadd.s32 $0x10, s10  }
0x2af: {  	v3 =	vld [tilespmem:s10+$0x0]  }
0x2b0: {  	s11 =	sadd.s32 $0x10, s11;
	v4 =	vld [tilespmem:s10+$0xFFFFFFFF]  }
0x2b1: {  	_ =	sdelay $0x3  }
0x2b2: {  	vm0 =	vne.s32 v4, v3  }
0x2b3: {  	v3 =	vmpcnt.ones.xlane vm0;
	_ =	sdelay $0x1  }
0x2b4: {  	(v2sf) =	vpush v3, $0x0;
	_ =	sdelay $0xd  }
0x2b5: {  	s8 =	spop (v2sf)  }
0x2b6: {  	s8 =	sadd.s32 s1, s8;
	s25 =	spop (v2sf)  }
0x2b7: {  	s1 =	sadd.s32 s8, s25  }
0x2b8: {  	p3 =	sgt.u32 s1, $0x7FFFFFFE  }
.Ltmp32:
0x2b9: {  	_ = 	snop;
	(pc) =	sbr.rel @p3 .LBB2_43-.Ltmp32, $3  }
0x2ba: {  	_ =	sdelay $0x1  }
0x2bb: {  	v3 =	vadd.s32 s3, v0  }
0x2bc: {  	[tilespmem:s8+$0x12B80] =	vst.msk vm0, v3  }
.Ltmp33:
0x2bd: {  	s0 =	rddreg [dreg:$0x14];
	(pc) =	sbr.rel .LBB2_45-.Ltmp33, $4  }
0x2be: {  	s3 =	ssub.s32 s29, s28;
	s21 =	ssub.s32 s0, s28  }
0x2bf: {  	s22 =	ssub.s32 s30, s28;
	p3 =	sgt.s32 s3, s21  }
0x2c0: {  	s17 =	simm.s32 $0x0;
	s21 =	smov.u32 @p3 s3;
	p3 =	slt.s32 s22, $0x100  }
0x2c1: {  	s11 =	simm.s32 $0x0;
	s28 =	rddreg [dreg:$0x13];
	s22 =	simm.s32 @!p3 $0x100  }
.LBB2_46:
0x2c2: {  	v10 =	vmov v17;
	v9 =	vmov v18;
	v8 =	vmov v15  }
0x2c3: {  	v7 =	vmovc v16;
	v6 =	vmovc v14;
	v3 =	vmov v11;
	s16 =	smov.u32 s15;
	v5 =	vmov v13;
	v4 =	vmov v12  }
.LBB2_60:
0x2c4: {  	p3 =	sne.s32 s11, s1  }
.Ltmp34:
0x2c5: {  	_ = 	snop;
	(pc) =	sbr.rel @!p3 .LBB2_61-.Ltmp34, $3  }
0x2c6: {  	_ =	sdelay $0x1  }
0x2c7: {  	s3 =	sadd.s32 $0x1, s11;
	v11 =	vmov v3;
	v12 =	vmov v4;
	v13 =	vmov v5  }
0x2c8: {  	s15 =	smov.u32 s16;
	v14 =	vmovc v6;
	v16 =	vmovc v7;
	v15 =	vmov v8;
	v18 =	vmov v9;
	v17 =	vmov v10;
	s11 =	smov.u32 s3  }
.LBB2_45:
0x2c9: {  	v3 =	vld [tilespmem:s11+$0x12B80];
	_ =	sdelay $0x4  }
0x2ca: {  	(v2sf) =	vpush v3, $0x0;
	_ =	sdelay $0xd  }
0x2cb: {  	s3 =	smov.u32 s17  }
0x2cc: {  	p3 =	slt.s32 s11, s1;
	s17 =	smov.u32 s22;
	s8 =	spop (v2sf)  }
0x2cd: {  	s10 =	smov.u32 s21;
	s17 =	smov.u32 @p3 s8  }
0x2ce: {  	s16 =	smov.u32 s22;
	p3 =	sgt.s32 s3, s21;
	p4 =	slt.s32 s17, s22  }
0x2cf: {  	s10 =	smov.u32 @p3 s3;
	s16 =	smov.u32 @p4 s17  }
0x2d0: {  	p3 =	sle.s32 s16, s10  }
.Ltmp35:
0x2d1: {  	_ = 	snop;
	(pc) =	sbr.rel @p3 .LBB2_46-.Ltmp35, $1  }
0x2d2: {  	_ =	sdelay $0x3  }
0x2d3: {  	p3 =	sgt.s32 s3, s9;
	s8 =	smov.u32 s9  }
0x2d4: {  	s8 =	smov.u32 @p3 s3  }
0x2d5: {  	s3 =	smov.u32 s19;
	p3 =	sgt.s32 s8, s19  }
0x2d6: {  	s3 =	smov.u32 @p3 s8  }
0x2d7: {  	s3 =	sshll.u32 s3, $0x9  }
0x2d8: {  	s3 =	sshra.s32 s3, $0x2  }
0x2d9: {  	s25 =	sadd.s32 $0x81C0, s3  }
0x2da: {  	v3 =	vld [tilespmem:s25+$0x30]  }
0x2db: {  	v4 =	vld [tilespmem:s25+$0xFFFFFFD0]  }
0x2dc: {  	v5 =	vld [tilespmem:s25+$0xFFFFFFE0]  }
0x2dd: {  	v6 =	vld [tilespmem:s25+$0xFFFFFFF0]  }
0x2de: {  	v7 =	vld [tilespmem:s25+$0x0]  }
0x2df: {  	v8 =	vld [tilespmem:s25+$0x10]  }
0x2e0: {  	v19 =	vld [tilespmem:s25+$0xFFFFFFC0];
	_ =	sdelay $0x1  }
0x2e1: {  	v10 =	vld [tilespmem:s25+$0x20];
	v3 =	vmul.f32 $1.000000000e+02, v3  }
0x2e2: {  	s3 =	sadd.s32 $0x1, s10;
	v9 =	vmul.f32 $1.000000000e+02, v4;
	v5 =	vmul.f32 $1.000000000e+02, v5;
	v4 =	vimm.f32 $0.0e+00  }
0x2e3: {  	p4 =	slt.s32 s3, s16;
	v6 =	vmul.f32 $1.000000000e+02, v6;
	v7 =	vmul.f32 $1.000000000e+02, v7;
	v3 =	vadd.f32 $-4.436141970e+01, v3  }
.Ltmp36:
0x2e4: {  	v8 =	vmul.f32 $1.000000000e+02, v8;
	v31 =	vmul.f32 $1.000000000e+02, v19;
	v9 =	vadd.f32 $-4.436141970e+01, v9;
	(pc) =	sbr.rel @!p4 .LBB2_48-.Ltmp36, $4  }
0x2e5: {  	v5 =	vadd.f32 $-4.436141970e+01, v5;
	v6 =	vadd.f32 $-4.436141970e+01, v6;
	v3 =	vmul.f32 $1.442695020e+00, v3  }
0x2e6: {  	v7 =	vadd.f32 $-4.436141970e+01, v7;
	v21 =	vmul.f32 $1.442695020e+00, v9;
	v9 =	vmul.f32 $1.000000000e+02, v10  }
0x2e7: {  	v29 =	vadd.f32 $-4.436141970e+01, v8;
	v27 =	vmul.f32 $1.442695020e+00, v5;
	v25 =	vmul.f32 $1.442695020e+00, v6  }
0x2e8: {  	p3 =	por $0x0, $0x0;
	s13 =	sadd.s32 $0x80, s25;
	v24 =	vmul.f32 $1.442695020e+00, v7;
	(erf) = vpow2.f32 v3;
	v3 =	vld [tilespmem:s10+$0x10180];
	v30 =	vadd.f32 $-4.436141970e+01, v9  }
0x2e9: {  	v5 =	vld [tilespmem:s13+$0x30]  }
0x2ea: {  	v7 =	vld [tilespmem:s13+$0xFFFFFFD0]  }
0x2eb: {  	v6 =	vadd.f32 $-4.436141970e+01, v31;
	(erf) = vpow2.f32 v21;
	v8 =	vmul.f32 $1.442695020e+00, v29;
	v9 =	vld [tilespmem:s13+$0xFFFFFFE0]  }
0x2ec: {  	v10 =	vld [tilespmem:s13+$0xFFFFFFF0];
	(erf) = vpow2.f32 v27;
	v19 =	vmul.f32 $1.442695020e+00, v30  }
0x2ed: {  	v20 =	vld [tilespmem:s13+$0x0];
	v6 =	vmul.f32 $1.442695020e+00, v6;
	(erf) = vpow2.f32 v25  }
0x2ee: {  	(erf) = vpow2.f32 v24;
	v5 =	vmul.f32 $1.000000000e+02, v5  }
0x2ef: {  	(erf) = vpow2.f32 v6;
	v6 =	vld [tilespmem:s13+$0x10];
	v7 =	vmul.f32 $1.000000000e+02, v7  }
0x2f0: {  	(erf) = vpow2.f32 v8;
	v8 =	vld [tilespmem:s13+$0x20];
	v9 =	vmul.f32 $1.000000000e+02, v9;
	v22 =	vadd.f32 $-4.436141970e+01, v5  }
0x2f1: {  	v10 =	vmul.f32 $1.000000000e+02, v10;
	(erf) = vpow2.f32 v19;
	v19 =	vld [tilespmem:s13+$0xFFFFFFC0];
	v7 =	vadd.f32 $-4.436141970e+01, v7  }
0x2f2: {  	v20 =	vmul.f32 $1.000000000e+02, v20;
	v21 =	vpop (erf);
	v23 =	vmul.f32 $1.442695020e+00, v22  }
0x2f3: {  	s10 =	sadd.s32 $0x1, s3;
	v9 =	vadd.f32 $-4.436141970e+01, v9;
	v5 =	vadd.f32 v21, v4;
	v21 =	vmul.f32 $1.442695020e+00, v7  }
0x2f4: {  	p4 =	slt.s32 s10, s16;
	v7 =	vadd.f32 $-4.436141970e+01, v10;
	v6 =	vmul.f32 $1.000000000e+02, v6;
	v10 =	vadd.f32 $-4.436141970e+01, v20  }
.Ltmp37:
0x2f5: {  	v27 =	vmul.f32 $1.442695020e+00, v9;
	v9 =	vimm.f32 $0.0e+00;
	v8 =	vmul.f32 $1.000000000e+02, v8;
	v22 =	vpop (erf);
	(pc) =	sbr.rel @!p4 .LBB2_50-.Ltmp37, $4  }
0x2f6: {  	v20 =	vimm.f32 $0.0e+00;
	(erf) = vpow2.f32 v23;
	v31 =	vmul.f32 $1.000000000e+02, v19;
	v23 =	vpop (erf)  }
0x2f7: {  	v29 =	vadd.f32 $-4.436141970e+01, v6;
	v25 =	vmul.f32 $1.442695020e+00, v7;
	v24 =	vmul.f32 $1.442695020e+00, v10;
	v26 =	vpop (erf)  }
0x2f8: {  	v6 =	vimm.f32 $0.0e+00;
	v7 =	vimm.f32 $0.0e+00;
	v10 =	vimm.f32 $0.0e+00;
	v28 =	vpop (erf)  }
0x2f9: {  	s3 =	sadd.s32 $0x80, s13;
	p3 =	por $0x1, $0x1;
	v19 =	vimm.f32 $0.0e+00;
	v30 =	vadd.f32 $-4.436141970e+01, v8;
	v8 =	vimm.f32 $0.0e+00;
	v32 =	vpop (erf)  }
.LBB2_51:
0x2fa: {  	v33 =	vld [tilespmem:s3+$0x30];
	s10 =	sadd.s32 $0x1, s10;
	v31 =	vadd.f32 $-4.436141970e+01, v31;
	v29 =	vmul.f32 $1.442695020e+00, v29;
	(erf) = vpow2.f32 v21;
	v21 =	vpop (erf)  }
0x2fb: {  	v6 =	vadd.f32 v32, v6;
	v34 =	vld [tilespmem:s3+$0xFFFFFFD0];
	p4 =	slt.s32 s10, s16;
	v30 =	vmul.f32 $1.442695020e+00, v30;
	(erf) = vpow2.f32 v27;
	v27 =	vpop (erf)  }
0x2fc: {  	v7 =	vadd.f32 v22, v7;
	v32 =	vld [tilespmem:s3+$0xFFFFFFE0];
	v31 =	vmul.f32 $1.442695020e+00, v31;
	(erf) = vpow2.f32 v25  }
0x2fd: {  	v8 =	vadd.f32 v23, v8;
	v9 =	vadd.f32 v26, v9;
	v22 =	vld [tilespmem:s3+$0xFFFFFFF0];
	(erf) = vpow2.f32 v24  }
0x2fe: {  	v10 =	vadd.f32 v28, v10;
	v19 =	vadd.f32 v21, v19;
	v23 =	vld [tilespmem:s3+$0x0];
	(erf) = vpow2.f32 v31  }
0x2ff: {  	v20 =	vadd.f32 v27, v20;
	v24 =	vld [tilespmem:s3+$0x10];
	v21 =	vmul.f32 $1.000000000e+02, v33;
	(erf) = vpow2.f32 v29  }
0x300: {  	v25 =	vmul.f32 $1.000000000e+02, v34;
	v26 =	vld [tilespmem:s3+$0x20];
	(erf) = vpow2.f32 v30;
	v27 =	vpop (erf)  }
0x301: {  	v28 =	vld [tilespmem:s3+$0xFFFFFFC0];
	v29 =	vmul.f32 $1.000000000e+02, v32;
	v21 =	vadd.f32 $-4.436141970e+01, v21;
	v5 =	vadd.f32 v27, v5  }
0x302: {  	v25 =	vadd.f32 $-4.436141970e+01, v25;
	v27 =	vmul.f32 $1.000000000e+02, v22  }
.Ltmp38:
0x303: {  	v29 =	vadd.f32 $-4.436141970e+01, v29;
	v30 =	vmul.f32 $1.000000000e+02, v23;
	v31 =	vmul.f32 $1.442695020e+00, v21;
	v22 =	vpop (erf);
	(pc) =	sbr.rel @p4 .LBB2_51-.Ltmp38, $4  }
0x304: {  	v21 =	vmul.f32 $1.442695020e+00, v25;
	v25 =	vadd.f32 $-4.436141970e+01, v27;
	v24 =	vmul.f32 $1.000000000e+02, v24;
	v23 =	vpop (erf)  }
0x305: {  	v30 =	vadd.f32 $-4.436141970e+01, v30;
	v33 =	vmul.f32 $1.000000000e+02, v26;
	(erf) = vpow2.f32 v31;
	v26 =	vpop (erf)  }
0x306: {  	v27 =	vmul.f32 $1.442695020e+00, v29;
	v31 =	vmul.f32 $1.000000000e+02, v28;
	v29 =	vadd.f32 $-4.436141970e+01, v24;
	v28 =	vpop (erf)  }
0x307: {  	s3 =	sadd.s32 $0x80, s3;
	v25 =	vmul.f32 $1.442695020e+00, v25;
	v24 =	vmul.f32 $1.442695020e+00, v30;
	v30 =	vadd.f32 $-4.436141970e+01, v33;
	v32 =	vpop (erf)  }
.LBB2_52:
0x308: {  	(v2sf) =	vpush v3, $0x0;
	_ =	sdelay $0x4  }
0x309: {  	v31 =	vadd.f32 $-4.436141970e+01, v31;
	(erf) = vpow2.f32 v21  }
0x30a: {  	(erf) = vpow2.f32 v27  }
0x30b: {  	v3 =	vmul.f32 $1.442695020e+00, v31;
	(erf) = vpow2.f32 v25  }
0x30c: {  	v56 =	vmul.f32 $1.442695020e+00, v29;
	(erf) = vpow2.f32 v24  }
0x30d: {  	(erf) = vpow2.f32 v3;
	v3 =	vmul.f32 $1.442695020e+00, v30  }
0x30e: {  	v24 =	vpop @p3 (erf);
	(erf) = vpow2.f32 v56  }
0x30f: {  	v6 =	vadd.f32 @p3 v32, v6;
	v21 =	vpop @p3 (erf);
	(erf) = vpow2.f32 v3  }
0x310: {  	v7 =	vadd.f32 @p3 v22, v7;
	v8 =	vadd.f32 @p3 v23, v8  }
0x311: {  	v9 =	vadd.f32 @p3 v26, v9;
	v10 =	vadd.f32 @p3 v28, v10;
	v3 =	vpop (erf)  }
0x312: {  	v6 =	vpsel p3, v6, v4;
	v19 =	vadd.f32 @p3 v24, v19;
	v20 =	vadd.f32 @p3 v21, v20;
	v57 =	vpop (erf)  }
0x313: {  	v7 =	vpsel p3, v7, v4;
	v8 =	vpsel p3, v8, v4;
	v61 =	vpsel p3, v9, v4;
	v58 =	vpop (erf);
	s16 =	spop (v2sf)  }
0x314: {  	v62 =	vpsel p3, v10, v4;
	v19 =	vpsel p3, v19, v4;
	v4 =	vpsel p3, v20, v4;
	v59 =	vpop (erf);
	p3 =	sne.s32 s16, s15  }
.Ltmp39:
0x315: {  	v3 =	vadd.f32 v3, v5;
	v5 =	vpop (erf);
	(pc) =	sbr.rel @p3 .LBB2_54-.Ltmp39, $4  }
0x316: {  	v9 =	vadd.f32 v57, v7;
	v60 =	vpop (erf)  }
0x317: {  	v8 =	vadd.f32 v58, v8;
	v7 =	vadd.f32 v59, v61;
	v63 =	vpop (erf)  }
0x318: {  	v10 =	vadd.f32 v60, v6;
	v6 =	vadd.f32 v5, v62;
	v20 =	vpop (erf)  }
0x319: {  	v5 =	vadd.f32 v63, v19;
	v4 =	vadd.f32 v20, v4  }
.Ltmp40:
0x31a: {  	(pc) =	sbr.rel .LBB2_60-.Ltmp40, $4  }
0x31b: {  	v10 =	vadd.f32 v10, v17;
	v9 =	vadd.f32 v9, v18  }
0x31c: {  	v8 =	vadd.f32 v8, v15;
	v7 =	vadd.f32 v7, v16  }
0x31d: {  	v6 =	vadd.f32 v6, v14;
	v3 =	vadd.f32 v3, v11  }
0x31e: {  	s16 =	smov.u32 s15;
	v5 =	vadd.f32 v5, v13;
	v4 =	vadd.f32 v4, v12  }
.LBB2_54:
0x31f: {  	p3 =	slt.s32 s15, $0x0  }
.Ltmp41:
0x320: {  	_ = 	snop;
	(pc) =	sbr.rel @p3 .LBB2_60-.Ltmp41, $1  }
0x321: {  	_ =	sdelay $0x3  }
0x322: {  	s3 =	sadd.s32 s14, s20  }
0x323: {  	p3 =	sge.s32 s3, s15  }
.Ltmp42:
0x324: {  	_ = 	snop;
	(pc) =	sbr.rel @p3 .LBB2_59-.Ltmp42, $1  }
0x325: {  	_ =	sdelay $0x3  }
0x326: {  	s23 =	sadd.s32 $0x1, s14  }
0x327: {  	p3 =	sne.s32 s23, $0x40  }
0x328: {  	p4 =	seq.s32 s23, $0x40;
	s3 =	sadd.s32 @!p3 $0x40, s20  }
0x329: {  	s23 =	simm.s32 @p4 $0x0;
	s3 =	smov.u32 @p3 s20  }
0x32a: {  	s25 =	sadd.s32 s23, s3  }
0x32b: {  	p4 =	slt.s32 s25, s15  }
.Ltmp43:
0x32c: {  	_ = 	snop;
	(pc) =	sbr.rel @!p4 .LBB2_58-.Ltmp43, $4  }
0x32d: {  	s8 =	sshll.u32 s14, $0x9  }
0x32e: {  	s13 =	sshra.s32 s8, $0x2;
	s10 =	sshll.u32 @!p3 s20, $0x4  }
0x32f: {  	[tilespmem:s13+$0x10BF0] =	vst v2;
	s10 =	sand.u32 @!p3 $0x1FFFFFF0, s10;
	s20 =	simm.s32 @!p3 $0x10B80  }
0x330: {  	[tilespmem:s13+$0x10BE0] =	vst v2;
	s14 =	smov.u32 s23;
	s10 =	sadd.s32 @!p3 s4, s10;
	p3 =	por p3, p3  }
.LBB2_57:
0x331: {  	s8 =	smov.u32 s3  }
0x332: {  	s14 =	sadd.s32 $0x1, s23;
	[tilespmem:s13+$0x10BD0] =	vst v2  }
0x333: {  	s12 =	simm.s32 @!p3 $0x0;
	p4 =	sne.s32 s14, $0x40;
	[tilespmem:s13+$0x10BC0] =	vst v2  }
0x334: {  	p5 =	seq.s32 s14, $0x40;
	s25 =	sshll.u32 @!p4 s3, $0x4;
	s3 =	sadd.s32 @!p4 $0x40, s3;
	[tilespmem:s13+$0x10BB0] =	vst v2  }
0x335: {  	s24 =	simm.s32 @!p3 $0x5;
	s14 =	simm.s32 @p5 $0x0;
	s3 =	smov.u32 @p4 s8;
	[tilespmem:s13+$0x10BA0] =	vst v2  }
0x336: {  	s23 =	sshll.u32 s23, $0x9;
	s8 =	sadd.s32 s14, s3;
	[tilespmem:s13+$0x10B80] =	vst v2  }
0x337: {  	p5 =	slt.s32 s8, s15;
	[tilespmem:s13+$0x10B90] =	vst v2  }
0x338: {  	[hbm4b:s10+s12] =	stream.linear.scatter @!p3 [tilespmem:s20], [sflag:$0x5], $0x2000, $0x38;
	[tilespmem:$0x12D00] =	vst v63  }
.Ltmp44:
0x339: {  	s10 =	sand.u32 @!p4 $0x1FFFFFF0, s25;
	_ =	swait.ge @!p3 [sflag:s24], $0x2000;
	(pc) =	sbr.rel @p5 .LBB2_57-.Ltmp44, $4  }
0x33a: {  	s20 =	simm.s32 @!p4 $0x10B80;
	s10 =	sadd.s32 @!p4 s4, s10;
	[sflag:s24] =	ssyncset.done @!p3 $0x0  }
0x33b: {  	s13 =	sshra.s32 s23, $0x2;
	[sflag:s24] =	ssyncadd.s32 @!p3 $0xFFFFE000  }
0x33c: {  	p3 =	por p4, p4;
	[tilespmem:s13+$0x10BF0] =	vst v2  }
0x33d: {  	s23 =	smov.u32 s14;
	[tilespmem:s13+$0x10BE0] =	vst v2  }
.LBB2_58:
0x33e: {  	[tilespmem:s13+$0x10BD0] =	vst v2  }
0x33f: {  	[tilespmem:s13+$0x10BC0] =	vst v2  }
0x340: {  	[tilespmem:s13+$0x10BB0] =	vst v2  }
0x341: {  	[tilespmem:s13+$0x10BA0] =	vst v2  }
0x342: {  	[tilespmem:s13+$0x10B80] =	vst v2  }
0x343: {  	s8 =	simm.s32 @!p3 $0x0;
	s12 =	simm.s32 @!p3 $0x5;
	[tilespmem:s13+$0x10B90] =	vst v2  }
0x344: {  	[hbm4b:s10+s8] =	stream.linear.scatter @!p3 [tilespmem:s20], [sflag:$0x5], $0x2000, $0x38;
	[tilespmem:$0x12D00] =	vst v63  }
0x345: {  	_ =	swait.ge @!p3 [sflag:s12], $0x2000  }
0x346: {  	[sflag:s12] =	ssyncset.done @!p3 $0x0  }
0x347: {  	s20 =	smov.u32 s3;
	[sflag:s12] =	ssyncadd.s32 @!p3 $0xFFFFE000  }
.LBB2_59:
0x348: {  	s3 =	sshll.u32 s14, $0x9  }
0x349: {  	s3 =	sshra.s32 s3, $0x2  }
0x34a: {  	[tilespmem:s3+$0x10B80] =	vst v17  }
0x34b: {  	[tilespmem:s3+$0x10B90] =	vst v18  }
0x34c: {  	[tilespmem:s3+$0x10BA0] =	vst v15  }
0x34d: {  	s14 =	sadd.s32 $0x1, s14;
	[tilespmem:s3+$0x10BB0] =	vst v16  }
0x34e: {  	p3 =	sne.s32 s14, $0x40;
	[tilespmem:s3+$0x10BC0] =	vst v14  }
0x34f: {  	[tilespmem:s3+$0x10BD0] =	vst v13;
	s8 =	sshll.u32 @!p3 s20, $0x4  }
0x350: {  	[tilespmem:s3+$0x10BE0] =	vst v12;
	s8 =	sand.u32 @!p3 $0x1FFFFFF0, s8  }
0x351: {  	[tilespmem:s3+$0x10BF0] =	vst v11;
	s10 =	simm.s32 @!p3 $0x10B80;
	s3 =	sadd.s32 @!p3 s4, s8;
	s8 =	simm.s32 @!p3 $0x0  }
0x352: {  	[hbm4b:s3+s8] =	stream.linear.scatter @!p3 [tilespmem:s10], [sflag:$0x5], $0x2000, $0x38;
	[tilespmem:$0x12D00] =	vst v63  }
.Ltmp45:
0x353: {  	_ = 	snop;
	(pc) =	sbr.rel .LBB2_60-.Ltmp45, $4  }
0x354: {  	s3 =	simm.s32 @!p3 $0x5  }
0x355: {  	s8 =	sadd.s32 @!p3 $0x40, s20;
	_ =	swait.ge @!p3 [sflag:s3], $0x2000  }
0x356: {  	s8 =	smov.u32 @p3 s20;
	[sflag:s3] =	ssyncset.done @!p3 $0x0  }
0x357: {  	s14 =	simm.s32 @!p3 $0x0;
	s20 =	smov.u32 s8;
	[sflag:s3] =	ssyncadd.s32 @!p3 $0xFFFFE000  }
.LBB2_48:
.Ltmp46:
0x358: {  	(pc) =	sbr.rel .LBB2_52-.Ltmp46, $4  }
0x359: {  	_ = 	snop  }
0x35a: {  	v6 =	vimm.f32 $0.0e+00;
	v7 =	vimm.f32 $0.0e+00  }
0x35b: {  	v8 =	vimm.f32 $0.0e+00;
	v9 =	vimm.f32 $0.0e+00;
	v10 =	vimm.f32 $0.0e+00  }
0x35c: {  	v19 =	vimm.f32 $0.0e+00;
	v20 =	vimm.f32 $0.0e+00;
	v5 =	vimm.f32 $0.0e+00  }
.LBB2_50:
.Ltmp47:
0x35d: {  	(pc) =	sbr.rel .LBB2_52-.Ltmp47, $4  }
0x35e: {  	_ = 	snop  }
0x35f: {  	v6 =	vimm.f32 $0.0e+00  }
0x360: {  	v7 =	vimm.f32 $0.0e+00;
	v8 =	vimm.f32 $0.0e+00;
	v9 =	vimm.f32 $0.0e+00  }
0x361: {  	v10 =	vimm.f32 $0.0e+00;
	v19 =	vimm.f32 $0.0e+00;
	v20 =	vimm.f32 $0.0e+00  }
.LBB2_17:
0x362: {  	v10 =	vimm.f32 $0.0e+00;
	v9 =	vimm.f32 $0.0e+00  }
0x363: {  	v8 =	vimm.f32 $0.0e+00;
	v7 =	vimm.f32 $0.0e+00;
	v6 =	vimm.f32 $0.0e+00  }
0x364: {  	s16 =	simm.s32 $0xFFFFFFFF;
	v5 =	vimm.f32 $0.0e+00;
	v4 =	vimm.f32 $0.0e+00;
	v3 =	vimm.f32 $0.0e+00  }
.LBB2_62:
0x365: {  	s0 =	simm.s32 $0x1  }
0x366: {  	p3 =	slt.s32 s16, $0x0;
	_ =	swait.ge [sflag:s0], $0x8000  }
.Ltmp48:
0x367: {  	[sflag:s0] =	ssyncset.done $0x0;
	(pc) =	sbr.rel @p3 .LBB2_68-.Ltmp48, $4  }
0x368: {  	s29 =	simm.s32 $0x2;
	[sflag:s0] =	ssyncadd.s32 $0xFFFF8000  }
0x369: {  	_ =	swait.ge [sflag:s29], $0x100  }
0x36a: {  	[sflag:s29] =	ssyncset.done $0x0  }
0x36b: {  	[sflag:s29] =	ssyncadd.s32 $0xFFFFFF00  }
0x36c: {  	s0 =	sadd.s32 s14, s20  }
0x36d: {  	p3 =	sge.s32 s0, s16  }
.Ltmp49:
0x36e: {  	_ = 	snop;
	(pc) =	sbr.rel @p3 .LBB2_67-.Ltmp49, $1  }
0x36f: {  	_ =	sdelay $0x3  }
0x370: {  	s9 =	sadd.s32 $0x1, s14  }
0x371: {  	p3 =	sne.s32 s9, $0x40  }
0x372: {  	p4 =	seq.s32 s9, $0x40;
	s0 =	sadd.s32 @!p3 $0x40, s20  }
0x373: {  	s9 =	simm.s32 @p4 $0x0;
	s0 =	smov.u32 @p3 s20  }
0x374: {  	s29 =	sadd.s32 s9, s0  }
0x375: {  	p4 =	slt.s32 s29, s16  }
.Ltmp50:
0x376: {  	_ = 	snop;
	(pc) =	sbr.rel @!p4 .LBB2_66-.Ltmp50, $4  }
0x377: {  	s1 =	sshll.u32 s14, $0x9  }
0x378: {  	s3 =	sshra.s32 s1, $0x2;
	s8 =	sshll.u32 @!p3 s20, $0x4  }
0x379: {  	[tilespmem:s3+$0x10BF0] =	vst v2;
	s8 =	sand.u32 @!p3 $0x1FFFFFF0, s8;
	s14 =	smov.u32 s9  }
0x37a: {  	[tilespmem:s3+$0x10BE0] =	vst v2;
	s1 =	sadd.s32 @!p3 s4, s8;
	s8 =	simm.s32 @!p3 $0x10B80;
	p3 =	por p3, p3  }
.LBB2_65:
0x37b: {  	s10 =	smov.u32 s0  }
0x37c: {  	[tilespmem:s3+$0x10BD0] =	vst v2  }
0x37d: {  	s14 =	sadd.s32 $0x1, s9;
	[tilespmem:s3+$0x10BC0] =	vst v2  }
0x37e: {  	s11 =	simm.s32 @!p3 $0x0;
	s12 =	simm.s32 @!p3 $0x5;
	p4 =	sne.s32 s14, $0x40;
	[tilespmem:s3+$0x10BB0] =	vst v2  }
0x37f: {  	p5 =	seq.s32 s14, $0x40;
	s13 =	sshll.u32 @!p4 s0, $0x4;
	s0 =	sadd.s32 @!p4 $0x40, s0;
	[tilespmem:s3+$0x10BA0] =	vst v2  }
0x380: {  	s9 =	sshll.u32 s9, $0x9;
	s14 =	simm.s32 @p5 $0x0;
	s0 =	smov.u32 @p4 s10;
	[tilespmem:s3+$0x10B80] =	vst v2  }
0x381: {  	[tilespmem:s3+$0x10B90] =	vst v2;
	s3 =	sshra.s32 s9, $0x2;
	s9 =	sadd.s32 s14, s0  }
0x382: {  	[hbm4b:s1+s11] =	stream.linear.scatter @!p3 [tilespmem:s8], [sflag:$0x5], $0x2000, $0x38;
	[tilespmem:$0x12D00] =	vst v63  }
0x383: {  	p5 =	slt.s32 s9, s16  }
.Ltmp51:
0x384: {  	s1 =	sand.u32 @!p4 $0x1FFFFFF0, s13;
	_ =	swait.ge @!p3 [sflag:s12], $0x2000;
	(pc) =	sbr.rel @p5 .LBB2_65-.Ltmp51, $4  }
0x385: {  	s8 =	simm.s32 @!p4 $0x10B80;
	s1 =	sadd.s32 @!p4 s4, s1;
	[sflag:s12] =	ssyncset.done @!p3 $0x0  }
0x386: {  	[sflag:s12] =	ssyncadd.s32 @!p3 $0xFFFFE000  }
0x387: {  	p3 =	por p4, p4;
	[tilespmem:s3+$0x10BF0] =	vst v2  }
0x388: {  	s9 =	smov.u32 s14;
	[tilespmem:s3+$0x10BE0] =	vst v2  }
.LBB2_66:
0x389: {  	[tilespmem:s3+$0x10BD0] =	vst v2  }
0x38a: {  	[tilespmem:s3+$0x10BC0] =	vst v2  }
0x38b: {  	[tilespmem:s3+$0x10BB0] =	vst v2  }
0x38c: {  	[tilespmem:s3+$0x10BA0] =	vst v2  }
0x38d: {  	[tilespmem:s3+$0x10B80] =	vst v2  }
0x38e: {  	s9 =	simm.s32 @!p3 $0x0;
	s10 =	simm.s32 @!p3 $0x5;
	[tilespmem:s3+$0x10B90] =	vst v2  }
0x38f: {  	[hbm4b:s1+s9] =	stream.linear.scatter @!p3 [tilespmem:s8], [sflag:$0x5], $0x2000, $0x38;
	[tilespmem:$0x12D00] =	vst v63  }
0x390: {  	_ =	swait.ge @!p3 [sflag:s10], $0x2000  }
0x391: {  	[sflag:s10] =	ssyncset.done @!p3 $0x0  }
0x392: {  	s20 =	smov.u32 s0;
	[sflag:s10] =	ssyncadd.s32 @!p3 $0xFFFFE000  }
.LBB2_67:
0x393: {  	s0 =	sshll.u32 s14, $0x9  }
0x394: {  	s0 =	sshra.s32 s0, $0x2  }
0x395: {  	[tilespmem:s0+$0x10B80] =	vst v10  }
0x396: {  	[tilespmem:s0+$0x10B90] =	vst v9  }
0x397: {  	[tilespmem:s0+$0x10BA0] =	vst v8  }
0x398: {  	s14 =	sadd.s32 $0x1, s14;
	[tilespmem:s0+$0x10BB0] =	vst v7  }
0x399: {  	p3 =	sne.s32 s14, $0x40;
	[tilespmem:s0+$0x10BC0] =	vst v6  }
0x39a: {  	[tilespmem:s0+$0x10BD0] =	vst v5;
	s1 =	sshll.u32 @!p3 s20, $0x4  }
0x39b: {  	[tilespmem:s0+$0x10BE0] =	vst v4;
	s1 =	sand.u32 @!p3 $0x1FFFFFF0, s1  }
0x39c: {  	[tilespmem:s0+$0x10BF0] =	vst v3;
	s3 =	simm.s32 @!p3 $0x10B80;
	s0 =	sadd.s32 @!p3 s4, s1;
	s1 =	simm.s32 @!p3 $0x0  }
0x39d: {  	[hbm4b:s0+s1] =	stream.linear.scatter @!p3 [tilespmem:s3], [sflag:$0x5], $0x2000, $0x38;
	[tilespmem:$0x12D00] =	vst v63  }
0x39e: {  	s0 =	simm.s32 @!p3 $0x5  }
0x39f: {  	s1 =	sadd.s32 @!p3 $0x40, s20;
	_ =	swait.ge @!p3 [sflag:s0], $0x2000  }
0x3a0: {  	s1 =	smov.u32 @p3 s20;
	[sflag:s0] =	ssyncset.done @!p3 $0x0  }
0x3a1: {  	s14 =	simm.s32 @!p3 $0x0;
	s20 =	smov.u32 s1;
	[sflag:s0] =	ssyncadd.s32 @!p3 $0xFFFFE000  }
.LBB2_68:
0x3a2: {  	p3 =	sgt.s32 s30, $0x4E1FF  }
0x3a3: {  	s0 =	sadd.s32 s14, s20;
	s2 =	simm.s32 @p3 $0x2710  }
0x3a4: {  	p3 =	slt.s32 s0, s2  }
.Ltmp52:
0x3a5: {  	_ = 	snop;
	(pc) =	sbr.rel @!p3 .LBB2_69-.Ltmp52, $1  }
0x3a6: {  	_ =	sdelay $0x3  }
0x3a7: {  	s9 =	sadd.s32 $0x1, s14  }
0x3a8: {  	p3 =	sne.s32 s9, $0x40  }
0x3a9: {  	p4 =	seq.s32 s9, $0x40;
	s0 =	sadd.s32 @!p3 $0x40, s20  }
0x3aa: {  	s9 =	simm.s32 @p4 $0x0;
	s0 =	smov.u32 @p3 s20  }
0x3ab: {  	s30 =	sadd.s32 s9, s0  }
0x3ac: {  	p4 =	slt.s32 s30, s2  }
.Ltmp53:
0x3ad: {  	_ = 	snop;
	(pc) =	sbr.rel @!p4 .LBB2_81-.Ltmp53, $4  }
0x3ae: {  	s1 =	sshll.u32 s14, $0x9  }
0x3af: {  	s3 =	sshra.s32 s1, $0x2;
	s8 =	sshll.u32 @!p3 s20, $0x4  }
0x3b0: {  	[tilespmem:s3+$0x10BF0] =	vst v2;
	s8 =	sand.u32 @!p3 $0x1FFFFFF0, s8;
	s14 =	smov.u32 s9  }
0x3b1: {  	[tilespmem:s3+$0x10BE0] =	vst v2;
	s1 =	sadd.s32 @!p3 s4, s8;
	s8 =	simm.s32 @!p3 $0x10B80;
	p3 =	por p3, p3  }
.LBB2_80:
0x3b2: {  	s10 =	smov.u32 s0  }
0x3b3: {  	[tilespmem:s3+$0x10BD0] =	vst v2  }
0x3b4: {  	s14 =	sadd.s32 $0x1, s9;
	[tilespmem:s3+$0x10BC0] =	vst v2  }
0x3b5: {  	s11 =	simm.s32 @!p3 $0x0;
	s12 =	simm.s32 @!p3 $0x5;
	p4 =	sne.s32 s14, $0x40;
	[tilespmem:s3+$0x10BB0] =	vst v2  }
0x3b6: {  	p5 =	seq.s32 s14, $0x40;
	s13 =	sshll.u32 @!p4 s0, $0x4;
	s0 =	sadd.s32 @!p4 $0x40, s0;
	[tilespmem:s3+$0x10BA0] =	vst v2  }
0x3b7: {  	s9 =	sshll.u32 s9, $0x9;
	s14 =	simm.s32 @p5 $0x0;
	s0 =	smov.u32 @p4 s10;
	[tilespmem:s3+$0x10B80] =	vst v2  }
0x3b8: {  	[tilespmem:s3+$0x10B90] =	vst v2;
	s3 =	sshra.s32 s9, $0x2;
	s9 =	sadd.s32 s14, s0  }
0x3b9: {  	[hbm4b:s1+s11] =	stream.linear.scatter @!p3 [tilespmem:s8], [sflag:$0x5], $0x2000, $0x38;
	[tilespmem:$0x12D00] =	vst v63  }
0x3ba: {  	p5 =	slt.s32 s9, s2  }
.Ltmp54:
0x3bb: {  	s1 =	sand.u32 @!p4 $0x1FFFFFF0, s13;
	_ =	swait.ge @!p3 [sflag:s12], $0x2000;
	(pc) =	sbr.rel @p5 .LBB2_80-.Ltmp54, $4  }
0x3bc: {  	s8 =	simm.s32 @!p4 $0x10B80;
	s1 =	sadd.s32 @!p4 s4, s1;
	[sflag:s12] =	ssyncset.done @!p3 $0x0  }
0x3bd: {  	[sflag:s12] =	ssyncadd.s32 @!p3 $0xFFFFE000  }
0x3be: {  	p3 =	por p4, p4;
	[tilespmem:s3+$0x10BF0] =	vst v2  }
0x3bf: {  	s9 =	smov.u32 s14;
	[tilespmem:s3+$0x10BE0] =	vst v2  }
.LBB2_81:
0x3c0: {  	[tilespmem:s3+$0x10BD0] =	vst v2  }
0x3c1: {  	[tilespmem:s3+$0x10BC0] =	vst v2  }
0x3c2: {  	[tilespmem:s3+$0x10BB0] =	vst v2  }
0x3c3: {  	[tilespmem:s3+$0x10BA0] =	vst v2  }
0x3c4: {  	[tilespmem:s3+$0x10B80] =	vst v2  }
0x3c5: {  	s2 =	simm.s32 @!p3 $0x0;
	s9 =	simm.s32 @!p3 $0x5;
	[tilespmem:s3+$0x10B90] =	vst v2  }
0x3c6: {  	[hbm4b:s1+s2] =	stream.linear.scatter @!p3 [tilespmem:s8], [sflag:$0x5], $0x2000, $0x38;
	[tilespmem:$0x12D00] =	vst v63  }
0x3c7: {  	_ =	swait.ge @!p3 [sflag:s9], $0x2000  }
0x3c8: {  	[sflag:s9] =	ssyncset.done @!p3 $0x0  }
0x3c9: {  	s20 =	smov.u32 s0;
	[sflag:s9] =	ssyncadd.s32 @!p3 $0xFFFFE000  }
.LBB2_69:
0x3ca: {  	p3 =	slt.s32 s14, $0x8  }
.Ltmp55:
0x3cb: {  	_ = 	snop;
	(pc) =	sbr.rel @p3 .LBB2_73-.Ltmp55, $2  }
0x3cc: {  	_ =	sdelay $0x2  }
0x3cd: {  	s0 =	simm.s32 $0x0  }
0x3ce: {  	s1 =	sshll.u32 s20, $0x4;
	p3 =	slt.s32 s14, $0x10  }
.Ltmp56:
0x3cf: {  	s2 =	sand.u32 $0x1FFFFFF0, s1;
	(pc) =	sbr.rel @p3 .LBB2_72-.Ltmp56, $4  }
0x3d0: {  	s0 =	simm.s32 $0x10B80;
	s2 =	sadd.s32 s4, s2  }
0x3d1: {  	[hbm4b:s2+s5] =	stream.linear.scatter [tilespmem:s0], [sflag:$0x5], $0x400, $0x38;
	[tilespmem:$0x12D00] =	vst v63  }
0x3d2: {  	_ =	swait.ge [sflag:s18], $0x400  }
0x3d3: {  	s0 =	simm.s32 $0x8;
	s2 =	simm.s32 $0x10F80;
	[sflag:s18] =	ssyncset.done $0x0  }
.LBB2_71:
0x3d4: {  	s3 =	sadd.s32 $0x10, s0  }
0x3d5: {  	[sflag:s18] =	ssyncadd.s32 $0xFFFFFC00;
	s1 =	sadd.s32 $0x80, s1;
	p3 =	sgt.s32 s3, s14  }
.Ltmp57:
0x3d6: {  	s8 =	sand.u32 $0x1FFFFFF0, s1;
	(pc) =	sbr.rel @!p3 .LBB2_71-.Ltmp57, $4  }
0x3d7: {  	s3 =	sadd.s32 s4, s8  }
0x3d8: {  	[hbm4b:s3+s5] =	stream.linear.scatter [tilespmem:s2], [sflag:$0x5], $0x400, $0x38;
	[tilespmem:$0x12D00] =	vst v63  }
0x3d9: {  	_ =	swait.ge [sflag:s18], $0x400  }
0x3da: {  	s0 =	sadd.s32 $0x8, s0;
	s2 =	sadd.s32 $0x400, s2;
	[sflag:s18] =	ssyncset.done $0x0  }
.LBB2_72:
0x3db: {  	[sflag:s18] =	ssyncadd.s32 $0xFFFFFC00  }
.LBB2_73:
0x3dc: {  	p3 =	sle.s32 s14, s0  }
.Ltmp58:
0x3dd: {  	_ = 	snop;
	(pc) =	sbr.rel @p3 .LBB2_77-.Ltmp58, $2  }
0x3de: {  	_ =	sdelay $0x2  }
0x3df: {  	s13 =	rddreg [dreg:$0xd]  }
0x3e0: {  	s29 =	ssub.s32 s14, s0  }
0x3e1: {  	s3 =	sadd.s32 s0, s20;
	p3 =	sne.s32 s29, $0x1  }
.Ltmp59:
0x3e2: {  	s1 =	sshll.u32 s0, $0x9;
	s30 =	sshll.u32 s3, $0x4;
	(pc) =	sbr.rel @!p3 .LBB2_76-.Ltmp59, $4  }
0x3e3: {  	s2 =	sshra.s32 s1, $0x2;
	s3 =	sand.u32 $0x1FFFFFF0, s30  }
0x3e4: {  	s8 =	smov.u32 s13;
	s0 =	sadd.s32 $0x10B80, s2;
	s3 =	sadd.s32 s4, s3  }
0x3e5: {  	[hbm4b:s3+s5] =	stream.linear.scatter [tilespmem:s0], [sflag:$0x5], $0x80, $0x38;
	[tilespmem:$0x12D00] =	vst v63  }
0x3e6: {  	s1 =	sadd.s32 $0xFFFFFFFF, s29;
	s2 =	sadd.s32 $0x10, s30;
	_ =	swait.ge [sflag:s18], $0x80  }
.LBB2_75:
0x3e7: {  	s3 =	sand.u32 $0x1FFFFFF0, s2  }
0x3e8: {  	[sflag:s18] =	ssyncset.done $0x0;
	s0 =	sadd.s32 $0x80, s0;
	p3 =	sne.s32 s1, $0x1  }
.Ltmp60:
0x3e9: {  	s3 =	sadd.s32 s4, s3;
	[sflag:s18] =	ssyncadd.s32 $0xFFFFFF80;
	(pc) =	sbr.rel @p3 .LBB2_75-.Ltmp60, $3  }
0x3ea: {  	[hbm4b:s3+s5] =	stream.linear.scatter [tilespmem:s0], [sflag:$0x5], $0x80, $0x38;
	[tilespmem:$0x12D00] =	vst v63  }
0x3eb: {  	s1 =	sadd.s32 $0xFFFFFFFF, s1;
	_ =	sdelay $0x1  }
0x3ec: {  	s2 =	sadd.s32 $0x10, s2;
	_ =	swait.ge [sflag:s18], $0x80  }
.Ltmp61:
0x3ed: {  	_ = 	snop;
	(pc) =	sbr.rel .LBB2_76-.Ltmp61, $1  }
0x3ee: {  	_ =	sdelay $0x3  }
.LBB2_78:
0x3ef: {  	_ =	sfence.sel $0x180000  }
0x3f0: {  	[bflag:$0x0] =	sbarrier.arrive $0xFFFF  }
0x3f1: {  	_ =	strace $0x90000047  }
0x3f2: {  	s0 =	stileid.u32;
	[bflag:$0x2] =	sbarrier.arrive $0xFFFF  }
0x3f3: {  	p0 =	sne.s32 s0, $0x0;
	s0 =	rddreg [dreg:$0x3]  }
0x3f4: {  	s0 =	sadd.s32 @!p0 $0x100000, s0  }
0x3f5: {  	[sflag:s0] =	ssyncadd.tile.s32 @!p0 $0x1;
	_ =	shalt  }
.Lfunc_end2:
_tile_overlayer_lowered:
.L_overlay_start_2:
0x3f6: {  	(tag) =	ssettag $0x2  }
0x3f7: {  	s0 =	rddreg [dreg:$0x0];
	s2 =	stileid.u32  }
0x3f8: {  	s1 =	rddreg [dreg:$0x1];
	p0 =	sne.s32 s2, $0x0  }
0x3f9: {  	s3 =	rddreg [dreg:$0x2];
	[bflag:$0x3] =	sbarrier.arrive $0xFFFF;
	s2 =	simm.s32 @!p0 $0x1C05  }
0x3fa: {  	[timem:s3], [sflag:s2] =	dma.local @!p0 [hbm:s0], s1  }
0x3fb: {  	s0 =	simm.s32 @!p0 $0x5  }
0x3fc: {  	_ =	swait.ge @!p0 [sflag:s0], s1  }
0x3fd: {  	s1 =	ssub.s32 @!p0 $0x0, s1;
	[sflag:s0] =	ssyncset.done @!p0 $0x0  }
0x3fe: {  	[sflag:s0] =	ssyncadd.s32 @!p0 s1  }
0x3ff: {  	[bflag:$0x3] =	sbarrier.arrive $0xFFFF  }
0x400: {  	_ =	shalt  }

</sc_bundles>
